<compile_context>
chip_gen: v7x
topology: tpu7x:2x2x1
jax: 0.10.2.dev20260603
libtpu: 0.0.44.dev20260713+nightly
codegen_flags: <defaults>
</compile_context>

<pallas_src>
import functools

import jax
import jax.numpy as jnp
from jax import lax
from jax.experimental import pallas as pl
from jax.experimental.pallas import tpu as pltpu
from jax.experimental.pallas import tpu_sc as plsc

_B = 32
_H = 512
_W = 512
_C = 3
_ROWS = 32
_NCHUNK = _H // _ROWS
_NPAIR = _NCHUNK // 2

_MAGIC = 8388608.0


def _sc_lut_transform(img_t, tr_t):
    info = plsc.get_sparse_core_info()
    nc = info.num_cores

    mesh = plsc.VectorSubcoreMesh(core_axis_name="c", subcore_axis_name="s")

    @functools.partial(
        pl.kernel,
        mesh=mesh,
        out_type=jax.ShapeDtypeStruct((_B, _C, _H, _W), jnp.float32),
        compiler_params=pltpu.CompilerParams(needs_layout_passes=False),
        scratch_types=[
            pltpu.VMEM((1, 256), jnp.float32),
            pltpu.VMEM((1, 256), jnp.float32),
            pltpu.VMEM((1, 256), jnp.float32),
            pltpu.VMEM((_ROWS, _W), jnp.float32),
            pltpu.VMEM((_ROWS, _W), jnp.float32),
            pltpu.VMEM((_ROWS, _W), jnp.float32),
            pltpu.VMEM((_ROWS, _W), jnp.float32),
            pltpu.SemaphoreType.DMA,
            pltpu.SemaphoreType.DMA,
            pltpu.SemaphoreType.DMA,
            pltpu.SemaphoreType.DMA,
        ],
    )
    def k(img_hbm, tr_hbm, out_hbm, lut0_v, lut1_v, lut2_v,
          in_a, in_b, out_a, out_b, isem_a, isem_b, osem_a, osem_b):
        w = lax.axis_index("s") * nc + lax.axis_index("c")
        luts = (lut0_v, lut1_v, lut2_v)
        lut_dmas = [
            pltpu.make_async_copy(tr_hbm.at[c, pl.ds(w, 1)], luts[c], osem_a)
            for c in range(_C)
        ]
        for d in lut_dmas:
            d.start()

        def compute(in_v, out_v, lut_c):
            @plsc.parallel_loop(0, 4 * _ROWS, step=1)
            def _rows(r2):
                r = r2 >> 2
                base = (r2 & 3) << 7
                for kk in range(_W // 64):
                    sl = pl.ds(base + kk * 16, 16)
                    x = in_v[r, sl]
                    t = 255.0 * (0.5 * x + 0.5)
                    j = plsc.bitcast(t + _MAGIC, jnp.int32) & 255
                    out_v[r, sl] = plsc.load_gather(lut_c, [j])

        def in_dma(c, q, buf, sem):
            return pltpu.make_async_copy(
                img_hbm.at[w, c, pl.ds(q * _ROWS, _ROWS)], buf, sem)

        def out_dma(c, q, buf, sem):
            return pltpu.make_async_copy(
                buf, out_hbm.at[w, c, pl.ds(q * _ROWS, _ROWS)], sem)

        for c in range(_C):
            lut_c = luts[c].at[0]

            in_dma(c, 0, in_a, isem_a).start()
            in_dma(c, 1, in_b, isem_b).start()
            if c == 0:
                for d in lut_dmas:
                    d.wait()

            def do_pair(p, _, c=c, lut_c=lut_c):
                bufs = ((in_a, out_a, isem_a, osem_a),
                        (in_b, out_b, isem_b, osem_b))
                for x in range(2):
                    in_v, out_v, isem, osem = bufs[x]
                    q = p * 2 + x
                    in_dma(c, q, in_v, isem).wait()

                    @pl.when(p >= 1)
                    def _():
                        out_dma(c, q - 2, out_v, osem).wait()

                    compute(in_v, out_v, lut_c)
                    out_dma(c, q, out_v, osem).start()

                    @pl.when(p <= _NPAIR - 2)
                    def _():
                        in_dma(c, q + 2, in_v, isem).start()
                return _

            lax.fori_loop(0, _NPAIR, do_pair, None)

            out_dma(c, _NCHUNK - 2, out_a, osem_a).wait()
            out_dma(c, _NCHUNK - 1, out_b, osem_b).wait()

    return k(img_t, tr_t)


def kernel(images, transforms):
    img_t = jnp.transpose(images, (0, 3, 1, 2))
    tr_t = jnp.transpose(transforms, (2, 0, 1))
    out_t = _sc_lut_transform(img_t, tr_t)
    return jnp.transpose(out_t, (0, 2, 3, 1))

# --- scband reference (transcript-rebuilt; emitter-appended) ---
"""Pipeline reference for scband-intensitiy-transform-57097295233086 (READ-ONLY COPY).

The authoritative reference and input builder live on the scoring server;
editing this copy changes nothing except your own understanding.
"""

import jax, jax.numpy as jnp
import numpy as np

INTENSITIES = 256
CHANNELS = 3
SCALE = INTENSITIES - 1


def setup_inputs(seed: int = 0) -> dict:
    key = jax.random.key(seed)
    k1, k2 = jax.random.split(key)
    # images notionally in [-1, 1]; uniform [0,1) keeps LUT indices strictly in-range
    images = jax.random.uniform(k1, (32, 512, 512, CHANNELS), dtype=jnp.float32)
    transforms = jax.random.normal(k2, (32, INTENSITIES, CHANNELS), dtype=jnp.float32)
    return {"images": images, "transforms": transforms}


def reference(images, transforms):
    # Faithful port of IntensitiyTransform.intensity_transform, batched.
    # images: [B, H, W, C] float; transforms: [B, intensities, C] float LUTs.
    x = 0.5 * images + 0.5
    idx = jnp.round(SCALE * x).astype(jnp.int32)
    idx = jnp.clip(idx, 0, SCALE)  # [B, H, W, C] integer intensity bins
    B, H, W, C = images.shape
    b = jnp.arange(B).reshape(B, 1, 1, 1)
    c = jnp.arange(C).reshape(1, 1, 1, C)
    # out[b,h,w,c] = transforms[b, idx[b,h,w,c], c]  (per-channel gather / LUT lookup)
    out = transforms[b, idx, c]
    return out

if __name__ == "__main__":
    import jax
    _d = setup_inputs()
    print(jax.jit(kernel)(*tuple(_d.values())))

</pallas_src>

<mosaic_0001>
#map = affine_map<(d0, d1) -> (0, 0, 0, 0)>
#map1 = affine_map<(d0, d1) -> (0, 0, 0)>
module attributes {stable_mosaic.version = 14 : i64} {
  func.func @k(%arg0: i32, %arg1: i32, %arg2: memref<32x3x512x512xf32, #tpu.memory_space<hbm>>, %arg3: memref<3x32x256xf32, #tpu.memory_space<hbm>>, %arg4: memref<32x3x512x512xf32, #tpu.memory_space<hbm>>, %arg5: memref<1x256xf32, #tpu.memory_space<vmem>>, %arg6: memref<1x256xf32, #tpu.memory_space<vmem>>, %arg7: memref<1x256xf32, #tpu.memory_space<vmem>>, %arg8: memref<32x512xf32, #tpu.memory_space<vmem>>, %arg9: memref<32x512xf32, #tpu.memory_space<vmem>>, %arg10: memref<32x512xf32, #tpu.memory_space<vmem>>, %arg11: memref<32x512xf32, #tpu.memory_space<vmem>>, %arg12: memref<!tpu.dma_semaphore, #tpu.memory_space<semaphore_mem>>, %arg13: memref<!tpu.dma_semaphore, #tpu.memory_space<semaphore_mem>>, %arg14: memref<!tpu.dma_semaphore, #tpu.memory_space<semaphore_mem>>, %arg15: memref<!tpu.dma_semaphore, #tpu.memory_space<semaphore_mem>>) attributes {dimension_semantics = [#tpu.dimension_semantics<core_parallel>, #tpu.dimension_semantics<subcore_parallel>], iteration_bounds = array<i64: 2, 16>, scalar_prefetch = 0 : i64, scratch_operands = 11 : i64, tpu.core_type = #tpu.core_type<sc_vector_subcore>, window_params = [{transform_indices = #map}, {transform_indices = #map1}, {transform_indices = #map}]} {
    %mul3A = arith.constant 2 : i32
    %mul3A_0 = arith.muli %arg1, %mul3A : i32
    %add3A = arith.addi %mul3A_0, %arg0 : i32
    %dma_start3A = arith.constant 0 : i32
    %dma_start3A_1 = arith.constant 0 : i32
    %dma_start3A_2 = tpu.memref_slice %arg3[%dma_start3A, %add3A, %dma_start3A_1] : memref<3x32x256xf32, #tpu.memory_space<hbm>> -> memref<1x1x256xf32, #tpu.memory_space<hbm>>
    %dma_start3A_3 = tpu.memref_squeeze %dma_start3A_2 : memref<1x1x256xf32, #tpu.memory_space<hbm>> -> memref<1x256xf32, #tpu.memory_space<hbm>>
    %dma_start3A_4 = arith.constant 0 : i32
    %dma_start3A_5 = tpu.memref_slice %arg3[%dma_start3A, %add3A, %dma_start3A_4] : memref<3x32x256xf32, #tpu.memory_space<hbm>> -> memref<1x1x256xf32, #tpu.memory_space<hbm>>
    %dma_start3A_6 = tpu.memref_squeeze %dma_start3A_5 : memref<1x1x256xf32, #tpu.memory_space<hbm>> -> memref<1x256xf32, #tpu.memory_space<hbm>>
    tpu.enqueue_dma source(%dma_start3A_6 : memref<1x256xf32, #tpu.memory_space<hbm>>) target(%arg5 : memref<1x256xf32, #tpu.memory_space<vmem>>) target_semaphore(%arg14 : memref<!tpu.dma_semaphore, #tpu.memory_space<semaphore_mem>>)
    %dma_start3A_7 = arith.constant 1 : i32
    %dma_start3A_8 = arith.constant 0 : i32
    %dma_start3A_9 = tpu.memref_slice %arg3[%dma_start3A_7, %add3A, %dma_start3A_8] : memref<3x32x256xf32, #tpu.memory_space<hbm>> -> memref<1x1x256xf32, #tpu.memory_space<hbm>>
    %dma_start3A_10 = tpu.memref_squeeze %dma_start3A_9 : memref<1x1x256xf32, #tpu.memory_space<hbm>> -> memref<1x256xf32, #tpu.memory_space<hbm>>
    %dma_start3A_11 = arith.constant 0 : i32
    %dma_start3A_12 = tpu.memref_slice %arg3[%dma_start3A_7, %add3A, %dma_start3A_11] : memref<3x32x256xf32, #tpu.memory_space<hbm>> -> memref<1x1x256xf32, #tpu.memory_space<hbm>>
    %dma_start3A_13 = tpu.memref_squeeze %dma_start3A_12 : memref<1x1x256xf32, #tpu.memory_space<hbm>> -> memref<1x256xf32, #tpu.memory_space<hbm>>
    tpu.enqueue_dma source(%dma_start3A_13 : memref<1x256xf32, #tpu.memory_space<hbm>>) target(%arg6 : memref<1x256xf32, #tpu.memory_space<vmem>>) target_semaphore(%arg14 : memref<!tpu.dma_semaphore, #tpu.memory_space<semaphore_mem>>)
    %dma_start3A_14 = arith.constant 2 : i32
    %dma_start3A_15 = arith.constant 0 : i32
    %dma_start3A_16 = tpu.memref_slice %arg3[%dma_start3A_14, %add3A, %dma_start3A_15] : memref<3x32x256xf32, #tpu.memory_space<hbm>> -> memref<1x1x256xf32, #tpu.memory_space<hbm>>
    %dma_start3A_17 = tpu.memref_squeeze %dma_start3A_16 : memref<1x1x256xf32, #tpu.memory_space<hbm>> -> memref<1x256xf32, #tpu.memory_space<hbm>>
    %dma_start3A_18 = arith.constant 0 : i32
    %dma_start3A_19 = tpu.memref_slice %arg3[%dma_start3A_14, %add3A, %dma_start3A_18] : memref<3x32x256xf32, #tpu.memory_space<hbm>> -> memref<1x1x256xf32, #tpu.memory_space<hbm>>
    %dma_start3A_20 = tpu.memref_squeeze %dma_start3A_19 : memref<1x1x256xf32, #tpu.memory_space<hbm>> -> memref<1x256xf32, #tpu.memory_space<hbm>>
    tpu.enqueue_dma source(%dma_start3A_20 : memref<1x256xf32, #tpu.memory_space<hbm>>) target(%arg7 : memref<1x256xf32, #tpu.memory_space<vmem>>) target_semaphore(%arg14 : memref<!tpu.dma_semaphore, #tpu.memory_space<semaphore_mem>>)
    %dma_start3A_21 = arith.constant 0 : i32
    %dma_start3A_22 = arith.constant 0 : i32
    %dma_start3A_23 = arith.constant 0 : i32
    %dma_start3A_24 = tpu.memref_slice %arg2[%add3A, %dma_start3A_21, %dma_start3A_22, %dma_start3A_23] : memref<32x3x512x512xf32, #tpu.memory_space<hbm>> -> memref<1x1x32x512xf32, #tpu.memory_space<hbm>>
    %dma_start3A_25 = tpu.memref_squeeze %dma_start3A_24 : memref<1x1x32x512xf32, #tpu.memory_space<hbm>> -> memref<32x512xf32, #tpu.memory_space<hbm>>
    %dma_start3A_26 = arith.constant 0 : i32
    %dma_start3A_27 = arith.constant 0 : i32
    %dma_start3A_28 = tpu.memref_slice %arg2[%add3A, %dma_start3A_21, %dma_start3A_26, %dma_start3A_27] : memref<32x3x512x512xf32, #tpu.memory_space<hbm>> -> memref<1x1x32x512xf32, #tpu.memory_space<hbm>>
    %dma_start3A_29 = tpu.memref_squeeze %dma_start3A_28 : memref<1x1x32x512xf32, #tpu.memory_space<hbm>> -> memref<32x512xf32, #tpu.memory_space<hbm>>
    tpu.enqueue_dma source(%dma_start3A_29 : memref<32x512xf32, #tpu.memory_space<hbm>>) target(%arg8 : memref<32x512xf32, #tpu.memory_space<vmem>>) target_semaphore(%arg12 : memref<!tpu.dma_semaphore, #tpu.memory_space<semaphore_mem>>)
    %dma_start3A_30 = arith.constant 0 : i32
    %dma_start3A_31 = arith.constant 32 : i32
    %dma_start3A_32 = arith.constant 0 : i32
    %dma_start3A_33 = tpu.memref_slice %arg2[%add3A, %dma_start3A_30, %dma_start3A_31, %dma_start3A_32] : memref<32x3x512x512xf32, #tpu.memory_space<hbm>> -> memref<1x1x32x512xf32, #tpu.memory_space<hbm>>
    %dma_start3A_34 = tpu.memref_squeeze %dma_start3A_33 : memref<1x1x32x512xf32, #tpu.memory_space<hbm>> -> memref<32x512xf32, #tpu.memory_space<hbm>>
    %dma_start3A_35 = arith.constant 32 : i32
    %dma_start3A_36 = arith.constant 0 : i32
    %dma_start3A_37 = tpu.memref_slice %arg2[%add3A, %dma_start3A_30, %dma_start3A_35, %dma_start3A_36] : memref<32x3x512x512xf32, #tpu.memory_space<hbm>> -> memref<1x1x32x512xf32, #tpu.memory_space<hbm>>
    %dma_start3A_38 = tpu.memref_squeeze %dma_start3A_37 : memref<1x1x32x512xf32, #tpu.memory_space<hbm>> -> memref<32x512xf32, #tpu.memory_space<hbm>>
    tpu.enqueue_dma source(%dma_start3A_38 : memref<32x512xf32, #tpu.memory_space<hbm>>) target(%arg9 : memref<32x512xf32, #tpu.memory_space<vmem>>) target_semaphore(%arg13 : memref<!tpu.dma_semaphore, #tpu.memory_space<semaphore_mem>>)
    %dma_wait3A = arith.constant 0 : i32
    %dma_wait3A_39 = arith.constant 0 : i32
    %dma_wait3A_40 = tpu.memref_slice %arg3[%dma_wait3A, %add3A, %dma_wait3A_39] : memref<3x32x256xf32, #tpu.memory_space<hbm>> -> memref<1x1x256xf32, #tpu.memory_space<hbm>>
    %dma_wait3A_41 = tpu.memref_squeeze %dma_wait3A_40 : memref<1x1x256xf32, #tpu.memory_space<hbm>> -> memref<1x256xf32, #tpu.memory_space<hbm>>
    %dma_wait3A_42 = arith.constant 0 : i32
    %dma_wait3A_43 = tpu.memref_slice %arg3[%dma_wait3A, %add3A, %dma_wait3A_42] : memref<3x32x256xf32, #tpu.memory_space<hbm>> -> memref<1x1x256xf32, #tpu.memory_space<hbm>>
    %dma_wait3A_44 = tpu.memref_squeeze %dma_wait3A_43 : memref<1x1x256xf32, #tpu.memory_space<hbm>> -> memref<1x256xf32, #tpu.memory_space<hbm>>
    tpu.wait_dma2 semaphore(%arg14 : memref<!tpu.dma_semaphore, #tpu.memory_space<semaphore_mem>>) src(%dma_wait3A_44 : memref<1x256xf32, #tpu.memory_space<hbm>>) dst(%arg5 : memref<1x256xf32, #tpu.memory_space<vmem>>)
    %dma_wait3A_45 = arith.constant 1 : i32
    %dma_wait3A_46 = arith.constant 0 : i32
    %dma_wait3A_47 = tpu.memref_slice %arg3[%dma_wait3A_45, %add3A, %dma_wait3A_46] : memref<3x32x256xf32, #tpu.memory_space<hbm>> -> memref<1x1x256xf32, #tpu.memory_space<hbm>>
    %dma_wait3A_48 = tpu.memref_squeeze %dma_wait3A_47 : memref<1x1x256xf32, #tpu.memory_space<hbm>> -> memref<1x256xf32, #tpu.memory_space<hbm>>
    %dma_wait3A_49 = arith.constant 0 : i32
    %dma_wait3A_50 = tpu.memref_slice %arg3[%dma_wait3A_45, %add3A, %dma_wait3A_49] : memref<3x32x256xf32, #tpu.memory_space<hbm>> -> memref<1x1x256xf32, #tpu.memory_space<hbm>>
    %dma_wait3A_51 = tpu.memref_squeeze %dma_wait3A_50 : memref<1x1x256xf32, #tpu.memory_space<hbm>> -> memref<1x256xf32, #tpu.memory_space<hbm>>
    tpu.wait_dma2 semaphore(%arg14 : memref<!tpu.dma_semaphore, #tpu.memory_space<semaphore_mem>>) src(%dma_wait3A_51 : memref<1x256xf32, #tpu.memory_space<hbm>>) dst(%arg6 : memref<1x256xf32, #tpu.memory_space<vmem>>)
    %dma_wait3A_52 = arith.constant 2 : i32
    %dma_wait3A_53 = arith.constant 0 : i32
    %dma_wait3A_54 = tpu.memref_slice %arg3[%dma_wait3A_52, %add3A, %dma_wait3A_53] : memref<3x32x256xf32, #tpu.memory_space<hbm>> -> memref<1x1x256xf32, #tpu.memory_space<hbm>>
    %dma_wait3A_55 = tpu.memref_squeeze %dma_wait3A_54 : memref<1x1x256xf32, #tpu.memory_space<hbm>> -> memref<1x256xf32, #tpu.memory_space<hbm>>
    %dma_wait3A_56 = arith.constant 0 : i32
    %dma_wait3A_57 = tpu.memref_slice %arg3[%dma_wait3A_52, %add3A, %dma_wait3A_56] : memref<3x32x256xf32, #tpu.memory_space<hbm>> -> memref<1x1x256xf32, #tpu.memory_space<hbm>>
    %dma_wait3A_58 = tpu.memref_squeeze %dma_wait3A_57 : memref<1x1x256xf32, #tpu.memory_space<hbm>> -> memref<1x256xf32, #tpu.memory_space<hbm>>
    tpu.wait_dma2 semaphore(%arg14 : memref<!tpu.dma_semaphore, #tpu.memory_space<semaphore_mem>>) src(%dma_wait3A_58 : memref<1x256xf32, #tpu.memory_space<hbm>>) dst(%arg7 : memref<1x256xf32, #tpu.memory_space<vmem>>)
    %scan3A = arith.constant 0 : i32
    %scan3A_59 = arith.constant 0 : i32
    %scan3A_60 = arith.constant 8 : i32
    %scan3A_61 = arith.addi %scan3A_59, %scan3A_60 : i32
    %scan3A_62 = arith.constant 1 : i32
    scf.for %scan3A_166 = %scan3A_59 to %scan3A_61 step %scan3A_62  : i32 {
      %mul3A_167 = arith.constant 2 : i32
      %mul3A_168 = arith.muli %scan3A_166, %mul3A_167 : i32
      %add3A_169 = arith.constant 0 : i32
      %add3A_170 = arith.addi %mul3A_168, %add3A_169 : i32
      %mul3A_171 = arith.constant 32 : i32
      %mul3A_172 = arith.muli %add3A_170, %mul3A_171 : i32
      %dma_wait3A_173 = arith.constant 0 : i32
      %dma_wait3A_174 = arith.constant 0 : i32
      %dma_wait3A_175 = tpu.memref_slice %arg2[%add3A, %dma_wait3A_173, %mul3A_172, %dma_wait3A_174] : memref<32x3x512x512xf32, #tpu.memory_space<hbm>> -> memref<1x1x32x512xf32, #tpu.memory_space<hbm>>
      %dma_wait3A_176 = tpu.memref_squeeze %dma_wait3A_175 : memref<1x1x32x512xf32, #tpu.memory_space<hbm>> -> memref<32x512xf32, #tpu.memory_space<hbm>>
      %dma_wait3A_177 = arith.constant 0 : i32
      %dma_wait3A_178 = tpu.memref_slice %arg2[%add3A, %dma_wait3A_173, %mul3A_172, %dma_wait3A_177] : memref<32x3x512x512xf32, #tpu.memory_space<hbm>> -> memref<1x1x32x512xf32, #tpu.memory_space<hbm>>
      %dma_wait3A_179 = tpu.memref_squeeze %dma_wait3A_178 : memref<1x1x32x512xf32, #tpu.memory_space<hbm>> -> memref<32x512xf32, #tpu.memory_space<hbm>>
      tpu.wait_dma2 semaphore(%arg12 : memref<!tpu.dma_semaphore, #tpu.memory_space<semaphore_mem>>) src(%dma_wait3A_179 : memref<32x512xf32, #tpu.memory_space<hbm>>) dst(%arg8 : memref<32x512xf32, #tpu.memory_space<vmem>>)
      %ge3A = arith.constant 1 : i32
      %ge3A_180 = arith.cmpi sge, %scan3A_166, %ge3A : i32
      %convert_element_type3A = arith.extui %ge3A_180 : i1 to i32
      %cond3A = arith.constant 0 : i32
      %cond3A_181 = arith.cmpi ne, %convert_element_type3A, %cond3A : i32
      scf.if %cond3A_181 {
        %sub3A = arith.constant 2 : i32
        %sub3A_232 = arith.subi %add3A_170, %sub3A : i32
        %mul3A_233 = arith.constant 32 : i32
        %mul3A_234 = arith.muli %sub3A_232, %mul3A_233 : i32
        %dma_wait3A_235 = arith.constant 0 : i32
        %dma_wait3A_236 = arith.constant 0 : i32
        %dma_wait3A_237 = tpu.memref_slice %arg4[%add3A, %dma_wait3A_235, %mul3A_234, %dma_wait3A_236] : memref<32x3x512x512xf32, #tpu.memory_space<hbm>> -> memref<1x1x32x512xf32, #tpu.memory_space<hbm>>
        %dma_wait3A_238 = tpu.memref_squeeze %dma_wait3A_237 : memref<1x1x32x512xf32, #tpu.memory_space<hbm>> -> memref<32x512xf32, #tpu.memory_space<hbm>>
        %dma_wait3A_239 = arith.constant 0 : i32
        %dma_wait3A_240 = tpu.memref_slice %arg4[%add3A, %dma_wait3A_235, %mul3A_234, %dma_wait3A_239] : memref<32x3x512x512xf32, #tpu.memory_space<hbm>> -> memref<1x1x32x512xf32, #tpu.memory_space<hbm>>
        %dma_wait3A_241 = tpu.memref_squeeze %dma_wait3A_240 : memref<1x1x32x512xf32, #tpu.memory_space<hbm>> -> memref<32x512xf32, #tpu.memory_space<hbm>>
        tpu.wait_dma2 semaphore(%arg14 : memref<!tpu.dma_semaphore, #tpu.memory_space<semaphore_mem>>) src(%arg10 : memref<32x512xf32, #tpu.memory_space<vmem>>) dst(%dma_wait3A_241 : memref<32x512xf32, #tpu.memory_space<hbm>>)
      } else {
      }
      %parallel_loop3A = arith.constant 0 : i32
      %parallel_loop3A_182 = arith.constant 128 : i32
      %parallel_loop3A_183 = arith.constant 1 : i32
      scf.for %parallel_loop3A_232 = %parallel_loop3A to %parallel_loop3A_182 step %parallel_loop3A_183  : i32 {
        %parallel_loop3A_233 = arith.constant 2 : i32
        %parallel_loop3A_234 = arith.shrsi %parallel_loop3A_232, %parallel_loop3A_233 : i32
        %parallel_loop3A_235 = arith.constant 3 : i32
        %parallel_loop3A_236 = arith.andi %parallel_loop3A_232, %parallel_loop3A_235 : i32
        %parallel_loop3A_237 = arith.constant 7 : i32
        %parallel_loop3A_238 = arith.shli %parallel_loop3A_236, %parallel_loop3A_237 : i32
        %parallel_loop3A_239 = arith.constant 0 : i32
        %parallel_loop3A_240 = arith.addi %parallel_loop3A_238, %parallel_loop3A_239 : i32
        %parallel_loop3A_241 = arith.index_cast %parallel_loop3A_234 : i32 to index
        %parallel_loop3A_242 = arith.index_cast %parallel_loop3A_240 : i32 to index
        %parallel_loop3A_243 = tpu.vector_load %arg8[%parallel_loop3A_241, %parallel_loop3A_242] {strides = array<i32>} : memref<32x512xf32, #tpu.memory_space<vmem>>, vector<16xf32>,
        %parallel_loop3A_244 = arith.constant 5.000000e-01 : f32
        %parallel_loop3A_245 = vector.broadcast %parallel_loop3A_244 : f32 to vector<16xf32>
        %parallel_loop3A_246 = arith.mulf %parallel_loop3A_245, %parallel_loop3A_243 : vector<16xf32>
        %parallel_loop3A_247 = arith.constant 5.000000e-01 : f32
        %parallel_loop3A_248 = vector.broadcast %parallel_loop3A_247 : f32 to vector<16xf32>
        %parallel_loop3A_249 = arith.addf %parallel_loop3A_246, %parallel_loop3A_248 : vector<16xf32>
        %parallel_loop3A_250 = arith.constant 2.550000e+02 : f32
        %parallel_loop3A_251 = vector.broadcast %parallel_loop3A_250 : f32 to vector<16xf32>
        %parallel_loop3A_252 = arith.mulf %parallel_loop3A_251, %parallel_loop3A_249 : vector<16xf32>
        %parallel_loop3A_253 = arith.constant 0x4B000000 : f32
        %parallel_loop3A_254 = vector.broadcast %parallel_loop3A_253 : f32 to vector<16xf32>
        %parallel_loop3A_255 = arith.addf %parallel_loop3A_252, %parallel_loop3A_254 : vector<16xf32>
        %parallel_loop3A_256 = vector.bitcast %parallel_loop3A_255 : vector<16xf32> to vector<16xi32>
        %parallel_loop3A_257 = arith.constant 255 : i32
        %parallel_loop3A_258 = vector.broadcast %parallel_loop3A_257 : i32 to vector<16xi32>
        %parallel_loop3A_259 = arith.andi %parallel_loop3A_256, %parallel_loop3A_258 : vector<16xi32>
        %parallel_loop3A_260 = arith.constant 0 : i32
        %parallel_loop3A_261 = tpu.memref_slice %arg5[%scan3A, %parallel_loop3A_260] : memref<1x256xf32, #tpu.memory_space<vmem>> -> memref<1x256xf32, #tpu.memory_space<vmem>>
        %parallel_loop3A_262 = tpu.memref_squeeze %parallel_loop3A_261 : memref<1x256xf32, #tpu.memory_space<vmem>> -> memref<256xf32, #tpu.memory_space<vmem>>
        %parallel_loop3A_263 = tpu.vector_load_idx %parallel_loop3A_262[%parallel_loop3A_259] : memref<256xf32, #tpu.memory_space<vmem>>[vector<16xi32>], vector<16xf32>,
        %parallel_loop3A_264 = arith.index_cast %parallel_loop3A_234 : i32 to index
        %parallel_loop3A_265 = arith.index_cast %parallel_loop3A_240 : i32 to index
        %parallel_loop3A_266 = tpu.vector_load %arg10[%parallel_loop3A_264, %parallel_loop3A_265] {strides = array<i32>} : memref<32x512xf32, #tpu.memory_space<vmem>>, vector<16xf32>,
        tpu.vector_store %arg10[%parallel_loop3A_264, %parallel_loop3A_265], %parallel_loop3A_263 {strides = array<i32>} : memref<32x512xf32, #tpu.memory_space<vmem>>, vector<16xf32>,
        %parallel_loop3A_267 = arith.constant 16 : i32
        %parallel_loop3A_268 = arith.addi %parallel_loop3A_238, %parallel_loop3A_267 : i32
        %parallel_loop3A_269 = arith.index_cast %parallel_loop3A_234 : i32 to index
        %parallel_loop3A_270 = arith.index_cast %parallel_loop3A_268 : i32 to index
        %parallel_loop3A_271 = tpu.vector_load %arg8[%parallel_loop3A_269, %parallel_loop3A_270] {strides = array<i32>} : memref<32x512xf32, #tpu.memory_space<vmem>>, vector<16xf32>,
        %parallel_loop3A_272 = arith.constant 5.000000e-01 : f32
        %parallel_loop3A_273 = vector.broadcast %parallel_loop3A_272 : f32 to vector<16xf32>
        %parallel_loop3A_274 = arith.mulf %parallel_loop3A_273, %parallel_loop3A_271 : vector<16xf32>
        %parallel_loop3A_275 = arith.constant 5.000000e-01 : f32
        %parallel_loop3A_276 = vector.broadcast %parallel_loop3A_275 : f32 to vector<16xf32>
        %parallel_loop3A_277 = arith.addf %parallel_loop3A_274, %parallel_loop3A_276 : vector<16xf32>
        %parallel_loop3A_278 = arith.constant 2.550000e+02 : f32
        %parallel_loop3A_279 = vector.broadcast %parallel_loop3A_278 : f32 to vector<16xf32>
        %parallel_loop3A_280 = arith.mulf %parallel_loop3A_279, %parallel_loop3A_277 : vector<16xf32>
        %parallel_loop3A_281 = arith.constant 0x4B000000 : f32
        %parallel_loop3A_282 = vector.broadcast %parallel_loop3A_281 : f32 to vector<16xf32>
        %parallel_loop3A_283 = arith.addf %parallel_loop3A_280, %parallel_loop3A_282 : vector<16xf32>
        %parallel_loop3A_284 = vector.bitcast %parallel_loop3A_283 : vector<16xf32> to vector<16xi32>
        %parallel_loop3A_285 = arith.constant 255 : i32
        %parallel_loop3A_286 = vector.broadcast %parallel_loop3A_285 : i32 to vector<16xi32>
        %parallel_loop3A_287 = arith.andi %parallel_loop3A_284, %parallel_loop3A_286 : vector<16xi32>
        %parallel_loop3A_288 = arith.constant 0 : i32
        %parallel_loop3A_289 = tpu.memref_slice %arg5[%scan3A, %parallel_loop3A_288] : memref<1x256xf32, #tpu.memory_space<vmem>> -> memref<1x256xf32, #tpu.memory_space<vmem>>
        %parallel_loop3A_290 = tpu.memref_squeeze %parallel_loop3A_289 : memref<1x256xf32, #tpu.memory_space<vmem>> -> memref<256xf32, #tpu.memory_space<vmem>>
        %parallel_loop3A_291 = tpu.vector_load_idx %parallel_loop3A_290[%parallel_loop3A_287] : memref<256xf32, #tpu.memory_space<vmem>>[vector<16xi32>], vector<16xf32>,
        %parallel_loop3A_292 = arith.index_cast %parallel_loop3A_234 : i32 to index
        %parallel_loop3A_293 = arith.index_cast %parallel_loop3A_268 : i32 to index
        %parallel_loop3A_294 = tpu.vector_load %arg10[%parallel_loop3A_292, %parallel_loop3A_293] {strides = array<i32>} : memref<32x512xf32, #tpu.memory_space<vmem>>, vector<16xf32>,
        tpu.vector_store %arg10[%parallel_loop3A_292, %parallel_loop3A_293], %parallel_loop3A_291 {strides = array<i32>} : memref<32x512xf32, #tpu.memory_space<vmem>>, vector<16xf32>,
        %parallel_loop3A_295 = arith.constant 32 : i32
        %parallel_loop3A_296 = arith.addi %parallel_loop3A_238, %parallel_loop3A_295 : i32
        %parallel_loop3A_297 = arith.index_cast %parallel_loop3A_234 : i32 to index
        %parallel_loop3A_298 = arith.index_cast %parallel_loop3A_296 : i32 to index
        %parallel_loop3A_299 = tpu.vector_load %arg8[%parallel_loop3A_297, %parallel_loop3A_298] {strides = array<i32>} : memref<32x512xf32, #tpu.memory_space<vmem>>, vector<16xf32>,
        %parallel_loop3A_300 = arith.constant 5.000000e-01 : f32
        %parallel_loop3A_301 = vector.broadcast %parallel_loop3A_300 : f32 to vector<16xf32>
        %parallel_loop3A_302 = arith.mulf %parallel_loop3A_301, %parallel_loop3A_299 : vector<16xf32>
        %parallel_loop3A_303 = arith.constant 5.000000e-01 : f32
        %parallel_loop3A_304 = vector.broadcast %parallel_loop3A_303 : f32 to vector<16xf32>
        %parallel_loop3A_305 = arith.addf %parallel_loop3A_302, %parallel_loop3A_304 : vector<16xf32>
        %parallel_loop3A_306 = arith.constant 2.550000e+02 : f32
        %parallel_loop3A_307 = vector.broadcast %parallel_loop3A_306 : f32 to vector<16xf32>
        %parallel_loop3A_308 = arith.mulf %parallel_loop3A_307, %parallel_loop3A_305 : vector<16xf32>
        %parallel_loop3A_309 = arith.constant 0x4B000000 : f32
        %parallel_loop3A_310 = vector.broadcast %parallel_loop3A_309 : f32 to vector<16xf32>
        %parallel_loop3A_311 = arith.addf %parallel_loop3A_308, %parallel_loop3A_310 : vector<16xf32>
        %parallel_loop3A_312 = vector.bitcast %parallel_loop3A_311 : vector<16xf32> to vector<16xi32>
        %parallel_loop3A_313 = arith.constant 255 : i32
        %parallel_loop3A_314 = vector.broadcast %parallel_loop3A_313 : i32 to vector<16xi32>
        %parallel_loop3A_315 = arith.andi %parallel_loop3A_312, %parallel_loop3A_314 : vector<16xi32>
        %parallel_loop3A_316 = arith.constant 0 : i32
        %parallel_loop3A_317 = tpu.memref_slice %arg5[%scan3A, %parallel_loop3A_316] : memref<1x256xf32, #tpu.memory_space<vmem>> -> memref<1x256xf32, #tpu.memory_space<vmem>>
        %parallel_loop3A_318 = tpu.memref_squeeze %parallel_loop3A_317 : memref<1x256xf32, #tpu.memory_space<vmem>> -> memref<256xf32, #tpu.memory_space<vmem>>
        %parallel_loop3A_319 = tpu.vector_load_idx %parallel_loop3A_318[%parallel_loop3A_315] : memref<256xf32, #tpu.memory_space<vmem>>[vector<16xi32>], vector<16xf32>,
        %parallel_loop3A_320 = arith.index_cast %parallel_loop3A_234 : i32 to index
        %parallel_loop3A_321 = arith.index_cast %parallel_loop3A_296 : i32 to index
        %parallel_loop3A_322 = tpu.vector_load %arg10[%parallel_loop3A_320, %parallel_loop3A_321] {strides = array<i32>} : memref<32x512xf32, #tpu.memory_space<vmem>>, vector<16xf32>,
        tpu.vector_store %arg10[%parallel_loop3A_320, %parallel_loop3A_321], %parallel_loop3A_319 {strides = array<i32>} : memref<32x512xf32, #tpu.memory_space<vmem>>, vector<16xf32>,
        %parallel_loop3A_323 = arith.constant 48 : i32
        %parallel_loop3A_324 = arith.addi %parallel_loop3A_238, %parallel_loop3A_323 : i32
        %parallel_loop3A_325 = arith.index_cast %parallel_loop3A_234 : i32 to index
        %parallel_loop3A_326 = arith.index_cast %parallel_loop3A_324 : i32 to index
        %parallel_loop3A_327 = tpu.vector_load %arg8[%parallel_loop3A_325, %parallel_loop3A_326] {strides = array<i32>} : memref<32x512xf32, #tpu.memory_space<vmem>>, vector<16xf32>,
        %parallel_loop3A_328 = arith.constant 5.000000e-01 : f32
        %parallel_loop3A_329 = vector.broadcast %parallel_loop3A_328 : f32 to vector<16xf32>
        %parallel_loop3A_330 = arith.mulf %parallel_loop3A_329, %parallel_loop3A_327 : vector<16xf32>
        %parallel_loop3A_331 = arith.constant 5.000000e-01 : f32
        %parallel_loop3A_332 = vector.broadcast %parallel_loop3A_331 : f32 to vector<16xf32>
        %parallel_loop3A_333 = arith.addf %parallel_loop3A_330, %parallel_loop3A_332 : vector<16xf32>
        %parallel_loop3A_334 = arith.constant 2.550000e+02 : f32
        %parallel_loop3A_335 = vector.broadcast %parallel_loop3A_334 : f32 to vector<16xf32>
        %parallel_loop3A_336 = arith.mulf %parallel_loop3A_335, %parallel_loop3A_333 : vector<16xf32>
        %parallel_loop3A_337 = arith.constant 0x4B000000 : f32
        %parallel_loop3A_338 = vector.broadcast %parallel_loop3A_337 : f32 to vector<16xf32>
        %parallel_loop3A_339 = arith.addf %parallel_loop3A_336, %parallel_loop3A_338 : vector<16xf32>
        %parallel_loop3A_340 = vector.bitcast %parallel_loop3A_339 : vector<16xf32> to vector<16xi32>
        %parallel_loop3A_341 = arith.constant 255 : i32
        %parallel_loop3A_342 = vector.broadcast %parallel_loop3A_341 : i32 to vector<16xi32>
        %parallel_loop3A_343 = arith.andi %parallel_loop3A_340, %parallel_loop3A_342 : vector<16xi32>
        %parallel_loop3A_344 = arith.constant 0 : i32
        %parallel_loop3A_345 = tpu.memref_slice %arg5[%scan3A, %parallel_loop3A_344] : memref<1x256xf32, #tpu.memory_space<vmem>> -> memref<1x256xf32, #tpu.memory_space<vmem>>
        %parallel_loop3A_346 = tpu.memref_squeeze %parallel_loop3A_345 : memref<1x256xf32, #tpu.memory_space<vmem>> -> memref<256xf32, #tpu.memory_space<vmem>>
        %parallel_loop3A_347 = tpu.vector_load_idx %parallel_loop3A_346[%parallel_loop3A_343] : memref<256xf32, #tpu.memory_space<vmem>>[vector<16xi32>], vector<16xf32>,
        %parallel_loop3A_348 = arith.index_cast %parallel_loop3A_234 : i32 to index
        %parallel_loop3A_349 = arith.index_cast %parallel_loop3A_324 : i32 to index
        %parallel_loop3A_350 = tpu.vector_load %arg10[%parallel_loop3A_348, %parallel_loop3A_349] {strides = array<i32>} : memref<32x512xf32, #tpu.memory_space<vmem>>, vector<16xf32>,
        tpu.vector_store %arg10[%parallel_loop3A_348, %parallel_loop3A_349], %parallel_loop3A_347 {strides = array<i32>} : memref<32x512xf32, #tpu.memory_space<vmem>>, vector<16xf32>,
        %parallel_loop3A_351 = arith.constant 64 : i32
        %parallel_loop3A_352 = arith.addi %parallel_loop3A_238, %parallel_loop3A_351 : i32
        %parallel_loop3A_353 = arith.index_cast %parallel_loop3A_234 : i32 to index
        %parallel_loop3A_354 = arith.index_cast %parallel_loop3A_352 : i32 to index
        %parallel_loop3A_355 = tpu.vector_load %arg8[%parallel_loop3A_353, %parallel_loop3A_354] {strides = array<i32>} : memref<32x512xf32, #tpu.memory_space<vmem>>, vector<16xf32>,
        %parallel_loop3A_356 = arith.constant 5.000000e-01 : f32
        %parallel_loop3A_357 = vector.broadcast %parallel_loop3A_356 : f32 to vector<16xf32>
        %parallel_loop3A_358 = arith.mulf %parallel_loop3A_357, %parallel_loop3A_355 : vector<16xf32>
        %parallel_loop3A_359 = arith.constant 5.000000e-01 : f32
        %parallel_loop3A_360 = vector.broadcast %parallel_loop3A_359 : f32 to vector<16xf32>
        %parallel_loop3A_361 = arith.addf %parallel_loop3A_358, %parallel_loop3A_360 : vector<16xf32>
        %parallel_loop3A_362 = arith.constant 2.550000e+02 : f32
        %parallel_loop3A_363 = vector.broadcast %parallel_loop3A_362 : f32 to vector<16xf32>
        %parallel_loop3A_364 = arith.mulf %parallel_loop3A_363, %parallel_loop3A_361 : vector<16xf32>
        %parallel_loop3A_365 = arith.constant 0x4B000000 : f32
        %parallel_loop3A_366 = vector.broadcast %parallel_loop3A_365 : f32 to vector<16xf32>
        %parallel_loop3A_367 = arith.addf %parallel_loop3A_364, %parallel_loop3A_366 : vector<16xf32>
        %parallel_loop3A_368 = vector.bitcast %parallel_loop3A_367 : vector<16xf32> to vector<16xi32>
        %parallel_loop3A_369 = arith.constant 255 : i32
        %parallel_loop3A_370 = vector.broadcast %parallel_loop3A_369 : i32 to vector<16xi32>
        %parallel_loop3A_371 = arith.andi %parallel_loop3A_368, %parallel_loop3A_370 : vector<16xi32>
        %parallel_loop3A_372 = arith.constant 0 : i32
        %parallel_loop3A_373 = tpu.memref_slice %arg5[%scan3A, %parallel_loop3A_372] : memref<1x256xf32, #tpu.memory_space<vmem>> -> memref<1x256xf32, #tpu.memory_space<vmem>>
        %parallel_loop3A_374 = tpu.memref_squeeze %parallel_loop3A_373 : memref<1x256xf32, #tpu.memory_space<vmem>> -> memref<256xf32, #tpu.memory_space<vmem>>
        %parallel_loop3A_375 = tpu.vector_load_idx %parallel_loop3A_374[%parallel_loop3A_371] : memref<256xf32, #tpu.memory_space<vmem>>[vector<16xi32>], vector<16xf32>,
        %parallel_loop3A_376 = arith.index_cast %parallel_loop3A_234 : i32 to index
        %parallel_loop3A_377 = arith.index_cast %parallel_loop3A_352 : i32 to index
        %parallel_loop3A_378 = tpu.vector_load %arg10[%parallel_loop3A_376, %parallel_loop3A_377] {strides = array<i32>} : memref<32x512xf32, #tpu.memory_space<vmem>>, vector<16xf32>,
        tpu.vector_store %arg10[%parallel_loop3A_376, %parallel_loop3A_377], %parallel_loop3A_375 {strides = array<i32>} : memref<32x512xf32, #tpu.memory_space<vmem>>, vector<16xf32>,
        %parallel_loop3A_379 = arith.constant 80 : i32
        %parallel_loop3A_380 = arith.addi %parallel_loop3A_238, %parallel_loop3A_379 : i32
        %parallel_loop3A_381 = arith.index_cast %parallel_loop3A_234 : i32 to index
        %parallel_loop3A_382 = arith.index_cast %parallel_loop3A_380 : i32 to index
        %parallel_loop3A_383 = tpu.vector_load %arg8[%parallel_loop3A_381, %parallel_loop3A_382] {strides = array<i32>} : memref<32x512xf32, #tpu.memory_space<vmem>>, vector<16xf32>,
        %parallel_loop3A_384 = arith.constant 5.000000e-01 : f32
        %parallel_loop3A_385 = vector.broadcast %parallel_loop3A_384 : f32 to vector<16xf32>
        %parallel_loop3A_386 = arith.mulf %parallel_loop3A_385, %parallel_loop3A_383 : vector<16xf32>
        %parallel_loop3A_387 = arith.constant 5.000000e-01 : f32
        %parallel_loop3A_388 = vector.broadcast %parallel_loop3A_387 : f32 to vector<16xf32>
        %parallel_loop3A_389 = arith.addf %parallel_loop3A_386, %parallel_loop3A_388 : vector<16xf32>
        %parallel_loop3A_390 = arith.constant 2.550000e+02 : f32
        %parallel_loop3A_391 = vector.broadcast %parallel_loop3A_390 : f32 to vector<16xf32>
        %parallel_loop3A_392 = arith.mulf %parallel_loop3A_391, %parallel_loop3A_389 : vector<16xf32>
        %parallel_loop3A_393 = arith.constant 0x4B000000 : f32
        %parallel_loop3A_394 = vector.broadcast %parallel_loop3A_393 : f32 to vector<16xf32>
        %parallel_loop3A_395 = arith.addf %parallel_loop3A_392, %parallel_loop3A_394 : vector<16xf32>
        %parallel_loop3A_396 = vector.bitcast %parallel_loop3A_395 : vector<16xf32> to vector<16xi32>
        %parallel_loop3A_397 = arith.constant 255 : i32
        %parallel_loop3A_398 = vector.broadcast %parallel_loop3A_397 : i32 to vector<16xi32>
        %parallel_loop3A_399 = arith.andi %parallel_loop3A_396, %parallel_loop3A_398 : vector<16xi32>
        %parallel_loop3A_400 = arith.constant 0 : i32
        %parallel_loop3A_401 = tpu.memref_slice %arg5[%scan3A, %parallel_loop3A_400] : memref<1x256xf32, #tpu.memory_space<vmem>> -> memref<1x256xf32, #tpu.memory_space<vmem>>
        %parallel_loop3A_402 = tpu.memref_squeeze %parallel_loop3A_401 : memref<1x256xf32, #tpu.memory_space<vmem>> -> memref<256xf32, #tpu.memory_space<vmem>>
        %parallel_loop3A_403 = tpu.vector_load_idx %parallel_loop3A_402[%parallel_loop3A_399] : memref<256xf32, #tpu.memory_space<vmem>>[vector<16xi32>], vector<16xf32>,
        %parallel_loop3A_404 = arith.index_cast %parallel_loop3A_234 : i32 to index
        %parallel_loop3A_405 = arith.index_cast %parallel_loop3A_380 : i32 to index
        %parallel_loop3A_406 = tpu.vector_load %arg10[%parallel_loop3A_404, %parallel_loop3A_405] {strides = array<i32>} : memref<32x512xf32, #tpu.memory_space<vmem>>, vector<16xf32>,
        tpu.vector_store %arg10[%parallel_loop3A_404, %parallel_loop3A_405], %parallel_loop3A_403 {strides = array<i32>} : memref<32x512xf32, #tpu.memory_space<vmem>>, vector<16xf32>,
        %parallel_loop3A_407 = arith.constant 96 : i32
        %parallel_loop3A_408 = arith.addi %parallel_loop3A_238, %parallel_loop3A_407 : i32
        %parallel_loop3A_409 = arith.index_cast %parallel_loop3A_234 : i32 to index
        %parallel_loop3A_410 = arith.index_cast %parallel_loop3A_408 : i32 to index
        %parallel_loop3A_411 = tpu.vector_load %arg8[%parallel_loop3A_409, %parallel_loop3A_410] {strides = array<i32>} : memref<32x512xf32, #tpu.memory_space<vmem>>, vector<16xf32>,
        %parallel_loop3A_412 = arith.constant 5.000000e-01 : f32
        %parallel_loop3A_413 = vector.broadcast %parallel_loop3A_412 : f32 to vector<16xf32>
        %parallel_loop3A_414 = arith.mulf %parallel_loop3A_413, %parallel_loop3A_411 : vector<16xf32>
        %parallel_loop3A_415 = arith.constant 5.000000e-01 : f32
        %parallel_loop3A_416 = vector.broadcast %parallel_loop3A_415 : f32 to vector<16xf32>
        %parallel_loop3A_417 = arith.addf %parallel_loop3A_414, %parallel_loop3A_416 : vector<16xf32>
        %parallel_loop3A_418 = arith.constant 2.550000e+02 : f32
        %parallel_loop3A_419 = vector.broadcast %parallel_loop3A_418 : f32 to vector<16xf32>
        %parallel_loop3A_420 = arith.mulf %parallel_loop3A_419, %parallel_loop3A_417 : vector<16xf32>
        %parallel_loop3A_421 = arith.constant 0x4B000000 : f32
        %parallel_loop3A_422 = vector.broadcast %parallel_loop3A_421 : f32 to vector<16xf32>
        %parallel_loop3A_423 = arith.addf %parallel_loop3A_420, %parallel_loop3A_422 : vector<16xf32>
        %parallel_loop3A_424 = vector.bitcast %parallel_loop3A_423 : vector<16xf32> to vector<16xi32>
        %parallel_loop3A_425 = arith.constant 255 : i32
        %parallel_loop3A_426 = vector.broadcast %parallel_loop3A_425 : i32 to vector<16xi32>
        %parallel_loop3A_427 = arith.andi %parallel_loop3A_424, %parallel_loop3A_426 : vector<16xi32>
        %parallel_loop3A_428 = arith.constant 0 : i32
        %parallel_loop3A_429 = tpu.memref_slice %arg5[%scan3A, %parallel_loop3A_428] : memref<1x256xf32, #tpu.memory_space<vmem>> -> memref<1x256xf32, #tpu.memory_space<vmem>>
        %parallel_loop3A_430 = tpu.memref_squeeze %parallel_loop3A_429 : memref<1x256xf32, #tpu.memory_space<vmem>> -> memref<256xf32, #tpu.memory_space<vmem>>
        %parallel_loop3A_431 = tpu.vector_load_idx %parallel_loop3A_430[%parallel_loop3A_427] : memref<256xf32, #tpu.memory_space<vmem>>[vector<16xi32>], vector<16xf32>,
        %parallel_loop3A_432 = arith.index_cast %parallel_loop3A_234 : i32 to index
        %parallel_loop3A_433 = arith.index_cast %parallel_loop3A_408 : i32 to index
        %parallel_loop3A_434 = tpu.vector_load %arg10[%parallel_loop3A_432, %parallel_loop3A_433] {strides = array<i32>} : memref<32x512xf32, #tpu.memory_space<vmem>>, vector<16xf32>,
        tpu.vector_store %arg10[%parallel_loop3A_432, %parallel_loop3A_433], %parallel_loop3A_431 {strides = array<i32>} : memref<32x512xf32, #tpu.memory_space<vmem>>, vector<16xf32>,
        %parallel_loop3A_435 = arith.constant 112 : i32
        %parallel_loop3A_436 = arith.addi %parallel_loop3A_238, %parallel_loop3A_435 : i32
        %parallel_loop3A_437 = arith.index_cast %parallel_loop3A_234 : i32 to index
        %parallel_loop3A_438 = arith.index_cast %parallel_loop3A_436 : i32 to index
        %parallel_loop3A_439 = tpu.vector_load %arg8[%parallel_loop3A_437, %parallel_loop3A_438] {strides = array<i32>} : memref<32x512xf32, #tpu.memory_space<vmem>>, vector<16xf32>,
        %parallel_loop3A_440 = arith.constant 5.000000e-01 : f32
        %parallel_loop3A_441 = vector.broadcast %parallel_loop3A_440 : f32 to vector<16xf32>
        %parallel_loop3A_442 = arith.mulf %parallel_loop3A_441, %parallel_loop3A_439 : vector<16xf32>
        %parallel_loop3A_443 = arith.constant 5.000000e-01 : f32
        %parallel_loop3A_444 = vector.broadcast %parallel_loop3A_443 : f32 to vector<16xf32>
        %parallel_loop3A_445 = arith.addf %parallel_loop3A_442, %parallel_loop3A_444 : vector<16xf32>
        %parallel_loop3A_446 = arith.constant 2.550000e+02 : f32
        %parallel_loop3A_447 = vector.broadcast %parallel_loop3A_446 : f32 to vector<16xf32>
        %parallel_loop3A_448 = arith.mulf %parallel_loop3A_447, %parallel_loop3A_445 : vector<16xf32>
        %parallel_loop3A_449 = arith.constant 0x4B000000 : f32
        %parallel_loop3A_450 = vector.broadcast %parallel_loop3A_449 : f32 to vector<16xf32>
        %parallel_loop3A_451 = arith.addf %parallel_loop3A_448, %parallel_loop3A_450 : vector<16xf32>
        %parallel_loop3A_452 = vector.bitcast %parallel_loop3A_451 : vector<16xf32> to vector<16xi32>
        %parallel_loop3A_453 = arith.constant 255 : i32
        %parallel_loop3A_454 = vector.broadcast %parallel_loop3A_453 : i32 to vector<16xi32>
        %parallel_loop3A_455 = arith.andi %parallel_loop3A_452, %parallel_loop3A_454 : vector<16xi32>
        %parallel_loop3A_456 = arith.constant 0 : i32
        %parallel_loop3A_457 = tpu.memref_slice %arg5[%scan3A, %parallel_loop3A_456] : memref<1x256xf32, #tpu.memory_space<vmem>> -> memref<1x256xf32, #tpu.memory_space<vmem>>
        %parallel_loop3A_458 = tpu.memref_squeeze %parallel_loop3A_457 : memref<1x256xf32, #tpu.memory_space<vmem>> -> memref<256xf32, #tpu.memory_space<vmem>>
        %parallel_loop3A_459 = tpu.vector_load_idx %parallel_loop3A_458[%parallel_loop3A_455] : memref<256xf32, #tpu.memory_space<vmem>>[vector<16xi32>], vector<16xf32>,
        %parallel_loop3A_460 = arith.index_cast %parallel_loop3A_234 : i32 to index
        %parallel_loop3A_461 = arith.index_cast %parallel_loop3A_436 : i32 to index
        %parallel_loop3A_462 = tpu.vector_load %arg10[%parallel_loop3A_460, %parallel_loop3A_461] {strides = array<i32>} : memref<32x512xf32, #tpu.memory_space<vmem>>, vector<16xf32>,
        tpu.vector_store %arg10[%parallel_loop3A_460, %parallel_loop3A_461], %parallel_loop3A_459 {strides = array<i32>} : memref<32x512xf32, #tpu.memory_space<vmem>>, vector<16xf32>,
      } {sc.loop_unroll_factor = 1 : i64, sc.parallel_access}
      %mul3A_184 = arith.constant 32 : i32
      %mul3A_185 = arith.muli %add3A_170, %mul3A_184 : i32
      %dma_start3A_186 = arith.constant 0 : i32
      %dma_start3A_187 = arith.constant 0 : i32
      %dma_start3A_188 = tpu.memref_slice %arg4[%add3A, %dma_start3A_186, %mul3A_185, %dma_start3A_187] : memref<32x3x512x512xf32, #tpu.memory_space<hbm>> -> memref<1x1x32x512xf32, #tpu.memory_space<hbm>>
      %dma_start3A_189 = tpu.memref_squeeze %dma_start3A_188 : memref<1x1x32x512xf32, #tpu.memory_space<hbm>> -> memref<32x512xf32, #tpu.memory_space<hbm>>
      %dma_start3A_190 = arith.constant 0 : i32
      %dma_start3A_191 = tpu.memref_slice %arg4[%add3A, %dma_start3A_186, %mul3A_185, %dma_start3A_190] : memref<32x3x512x512xf32, #tpu.memory_space<hbm>> -> memref<1x1x32x512xf32, #tpu.memory_space<hbm>>
      %dma_start3A_192 = tpu.memref_squeeze %dma_start3A_191 : memref<1x1x32x512xf32, #tpu.memory_space<hbm>> -> memref<32x512xf32, #tpu.memory_space<hbm>>
      tpu.enqueue_dma source(%arg10 : memref<32x512xf32, #tpu.memory_space<vmem>>) target(%dma_start3A_192 : memref<32x512xf32, #tpu.memory_space<hbm>>) target_semaphore(%arg14 : memref<!tpu.dma_semaphore, #tpu.memory_space<semaphore_mem>>)
      %le3A = arith.constant 6 : i32
      %le3A_193 = arith.cmpi sle, %scan3A_166, %le3A : i32
      %convert_element_type3A_194 = arith.extui %le3A_193 : i1 to i32
      %cond3A_195 = arith.constant 0 : i32
      %cond3A_196 = arith.cmpi ne, %convert_element_type3A_194, %cond3A_195 : i32
      scf.if %cond3A_196 {
        %add3A_232 = arith.constant 2 : i32
        %add3A_233 = arith.addi %add3A_170, %add3A_232 : i32
        %mul3A_234 = arith.constant 32 : i32
        %mul3A_235 = arith.muli %add3A_233, %mul3A_234 : i32
        %dma_start3A_236 = arith.constant 0 : i32
        %dma_start3A_237 = arith.constant 0 : i32
        %dma_start3A_238 = tpu.memref_slice %arg2[%add3A, %dma_start3A_236, %mul3A_235, %dma_start3A_237] : memref<32x3x512x512xf32, #tpu.memory_space<hbm>> -> memref<1x1x32x512xf32, #tpu.memory_space<hbm>>
        %dma_start3A_239 = tpu.memref_squeeze %dma_start3A_238 : memref<1x1x32x512xf32, #tpu.memory_space<hbm>> -> memref<32x512xf32, #tpu.memory_space<hbm>>
        %dma_start3A_240 = arith.constant 0 : i32
        %dma_start3A_241 = tpu.memref_slice %arg2[%add3A, %dma_start3A_236, %mul3A_235, %dma_start3A_240] : memref<32x3x512x512xf32, #tpu.memory_space<hbm>> -> memref<1x1x32x512xf32, #tpu.memory_space<hbm>>
        %dma_start3A_242 = tpu.memref_squeeze %dma_start3A_241 : memref<1x1x32x512xf32, #tpu.memory_space<hbm>> -> memref<32x512xf32, #tpu.memory_space<hbm>>
        tpu.enqueue_dma source(%dma_start3A_242 : memref<32x512xf32, #tpu.memory_space<hbm>>) target(%arg8 : memref<32x512xf32, #tpu.memory_space<vmem>>) target_semaphore(%arg12 : memref<!tpu.dma_semaphore, #tpu.memory_space<semaphore_mem>>)
      } else {
      }
      %mul3A_197 = arith.constant 2 : i32
      %mul3A_198 = arith.muli %scan3A_166, %mul3A_197 : i32
      %add3A_199 = arith.constant 1 : i32
      %add3A_200 = arith.addi %mul3A_198, %add3A_199 : i32
      %mul3A_201 = arith.constant 32 : i32
      %mul3A_202 = arith.muli %add3A_200, %mul3A_201 : i32
      %dma_wait3A_203 = arith.constant 0 : i32
      %dma_wait3A_204 = arith.constant 0 : i32
      %dma_wait3A_205 = tpu.memref_slice %arg2[%add3A, %dma_wait3A_203, %mul3A_202, %dma_wait3A_204] : memref<32x3x512x512xf32, #tpu.memory_space<hbm>> -> memref<1x1x32x512xf32, #tpu.memory_space<hbm>>
      %dma_wait3A_206 = tpu.memref_squeeze %dma_wait3A_205 : memref<1x1x32x512xf32, #tpu.memory_space<hbm>> -> memref<32x512xf32, #tpu.memory_space<hbm>>
      %dma_wait3A_207 = arith.constant 0 : i32
      %dma_wait3A_208 = tpu.memref_slice %arg2[%add3A, %dma_wait3A_203, %mul3A_202, %dma_wait3A_207] : memref<32x3x512x512xf32, #tpu.memory_space<hbm>> -> memref<1x1x32x512xf32, #tpu.memory_space<hbm>>
      %dma_wait3A_209 = tpu.memref_squeeze %dma_wait3A_208 : memref<1x1x32x512xf32, #tpu.memory_space<hbm>> -> memref<32x512xf32, #tpu.memory_space<hbm>>
      tpu.wait_dma2 semaphore(%arg13 : memref<!tpu.dma_semaphore, #tpu.memory_space<semaphore_mem>>) src(%dma_wait3A_209 : memref<32x512xf32, #tpu.memory_space<hbm>>) dst(%arg9 : memref<32x512xf32, #tpu.memory_space<vmem>>)
      %ge3A_210 = arith.constant 1 : i32
      %ge3A_211 = arith.cmpi sge, %scan3A_166, %ge3A_210 : i32
      %convert_element_type3A_212 = arith.extui %ge3A_211 : i1 to i32
      %cond3A_213 = arith.constant 0 : i32
      %cond3A_214 = arith.cmpi ne, %convert_element_type3A_212, %cond3A_213 : i32
      scf.if %cond3A_214 {
        %sub3A = arith.constant 2 : i32
        %sub3A_232 = arith.subi %add3A_200, %sub3A : i32
        %mul3A_233 = arith.constant 32 : i32
        %mul3A_234 = arith.muli %sub3A_232, %mul3A_233 : i32
        %dma_wait3A_235 = arith.constant 0 : i32
        %dma_wait3A_236 = arith.constant 0 : i32
        %dma_wait3A_237 = tpu.memref_slice %arg4[%add3A, %dma_wait3A_235, %mul3A_234, %dma_wait3A_236] : memref<32x3x512x512xf32, #tpu.memory_space<hbm>> -> memref<1x1x32x512xf32, #tpu.memory_space<hbm>>
        %dma_wait3A_238 = tpu.memref_squeeze %dma_wait3A_237 : memref<1x1x32x512xf32, #tpu.memory_space<hbm>> -> memref<32x512xf32, #tpu.memory_space<hbm>>
        %dma_wait3A_239 = arith.constant 0 : i32
        %dma_wait3A_240 = tpu.memref_slice %arg4[%add3A, %dma_wait3A_235, %mul3A_234, %dma_wait3A_239] : memref<32x3x512x512xf32, #tpu.memory_space<hbm>> -> memref<1x1x32x512xf32, #tpu.memory_space<hbm>>
        %dma_wait3A_241 = tpu.memref_squeeze %dma_wait3A_240 : memref<1x1x32x512xf32, #tpu.memory_space<hbm>> -> memref<32x512xf32, #tpu.memory_space<hbm>>
        tpu.wait_dma2 semaphore(%arg15 : memref<!tpu.dma_semaphore, #tpu.memory_space<semaphore_mem>>) src(%arg11 : memref<32x512xf32, #tpu.memory_space<vmem>>) dst(%dma_wait3A_241 : memref<32x512xf32, #tpu.memory_space<hbm>>)
      } else {
      }
      %parallel_loop3A_215 = arith.constant 0 : i32
      %parallel_loop3A_216 = arith.constant 128 : i32
      %parallel_loop3A_217 = arith.constant 1 : i32
      scf.for %parallel_loop3A_232 = %parallel_loop3A_215 to %parallel_loop3A_216 step %parallel_loop3A_217  : i32 {
        %parallel_loop3A_233 = arith.constant 2 : i32
        %parallel_loop3A_234 = arith.shrsi %parallel_loop3A_232, %parallel_loop3A_233 : i32
        %parallel_loop3A_235 = arith.constant 3 : i32
        %parallel_loop3A_236 = arith.andi %parallel_loop3A_232, %parallel_loop3A_235 : i32
        %parallel_loop3A_237 = arith.constant 7 : i32
        %parallel_loop3A_238 = arith.shli %parallel_loop3A_236, %parallel_loop3A_237 : i32
        %parallel_loop3A_239 = arith.constant 0 : i32
        %parallel_loop3A_240 = arith.addi %parallel_loop3A_238, %parallel_loop3A_239 : i32
        %parallel_loop3A_241 = arith.index_cast %parallel_loop3A_234 : i32 to index
        %parallel_loop3A_242 = arith.index_cast %parallel_loop3A_240 : i32 to index
        %parallel_loop3A_243 = tpu.vector_load %arg9[%parallel_loop3A_241, %parallel_loop3A_242] {strides = array<i32>} : memref<32x512xf32, #tpu.memory_space<vmem>>, vector<16xf32>,
        %parallel_loop3A_244 = arith.constant 5.000000e-01 : f32
        %parallel_loop3A_245 = vector.broadcast %parallel_loop3A_244 : f32 to vector<16xf32>
        %parallel_loop3A_246 = arith.mulf %parallel_loop3A_245, %parallel_loop3A_243 : vector<16xf32>
        %parallel_loop3A_247 = arith.constant 5.000000e-01 : f32
        %parallel_loop3A_248 = vector.broadcast %parallel_loop3A_247 : f32 to vector<16xf32>
        %parallel_loop3A_249 = arith.addf %parallel_loop3A_246, %parallel_loop3A_248 : vector<16xf32>
        %parallel_loop3A_250 = arith.constant 2.550000e+02 : f32
        %parallel_loop3A_251 = vector.broadcast %parallel_loop3A_250 : f32 to vector<16xf32>
        %parallel_loop3A_252 = arith.mulf %parallel_loop3A_251, %parallel_loop3A_249 : vector<16xf32>
        %parallel_loop3A_253 = arith.constant 0x4B000000 : f32
        %parallel_loop3A_254 = vector.broadcast %parallel_loop3A_253 : f32 to vector<16xf32>
        %parallel_loop3A_255 = arith.addf %parallel_loop3A_252, %parallel_loop3A_254 : vector<16xf32>
        %parallel_loop3A_256 = vector.bitcast %parallel_loop3A_255 : vector<16xf32> to vector<16xi32>
        %parallel_loop3A_257 = arith.constant 255 : i32
        %parallel_loop3A_258 = vector.broadcast %parallel_loop3A_257 : i32 to vector<16xi32>
        %parallel_loop3A_259 = arith.andi %parallel_loop3A_256, %parallel_loop3A_258 : vector<16xi32>
        %parallel_loop3A_260 = arith.constant 0 : i32
        %parallel_loop3A_261 = tpu.memref_slice %arg5[%scan3A, %parallel_loop3A_260] : memref<1x256xf32, #tpu.memory_space<vmem>> -> memref<1x256xf32, #tpu.memory_space<vmem>>
        %parallel_loop3A_262 = tpu.memref_squeeze %parallel_loop3A_261 : memref<1x256xf32, #tpu.memory_space<vmem>> -> memref<256xf32, #tpu.memory_space<vmem>>
        %parallel_loop3A_263 = tpu.vector_load_idx %parallel_loop3A_262[%parallel_loop3A_259] : memref<256xf32, #tpu.memory_space<vmem>>[vector<16xi32>], vector<16xf32>,
        %parallel_loop3A_264 = arith.index_cast %parallel_loop3A_234 : i32 to index
        %parallel_loop3A_265 = arith.index_cast %parallel_loop3A_240 : i32 to index
        %parallel_loop3A_266 = tpu.vector_load %arg11[%parallel_loop3A_264, %parallel_loop3A_265] {strides = array<i32>} : memref<32x512xf32, #tpu.memory_space<vmem>>, vector<16xf32>,
        tpu.vector_store %arg11[%parallel_loop3A_264, %parallel_loop3A_265], %parallel_loop3A_263 {strides = array<i32>} : memref<32x512xf32, #tpu.memory_space<vmem>>, vector<16xf32>,
        %parallel_loop3A_267 = arith.constant 16 : i32
        %parallel_loop3A_268 = arith.addi %parallel_loop3A_238, %parallel_loop3A_267 : i32
        %parallel_loop3A_269 = arith.index_cast %parallel_loop3A_234 : i32 to index
        %parallel_loop3A_270 = arith.index_cast %parallel_loop3A_268 : i32 to index
        %parallel_loop3A_271 = tpu.vector_load %arg9[%parallel_loop3A_269, %parallel_loop3A_270] {strides = array<i32>} : memref<32x512xf32, #tpu.memory_space<vmem>>, vector<16xf32>,
        %parallel_loop3A_272 = arith.constant 5.000000e-01 : f32
        %parallel_loop3A_273 = vector.broadcast %parallel_loop3A_272 : f32 to vector<16xf32>
        %parallel_loop3A_274 = arith.mulf %parallel_loop3A_273, %parallel_loop3A_271 : vector<16xf32>
        %parallel_loop3A_275 = arith.constant 5.000000e-01 : f32
        %parallel_loop3A_276 = vector.broadcast %parallel_loop3A_275 : f32 to vector<16xf32>
        %parallel_loop3A_277 = arith.addf %parallel_loop3A_274, %parallel_loop3A_276 : vector<16xf32>
        %parallel_loop3A_278 = arith.constant 2.550000e+02 : f32
        %parallel_loop3A_279 = vector.broadcast %parallel_loop3A_278 : f32 to vector<16xf32>
        %parallel_loop3A_280 = arith.mulf %parallel_loop3A_279, %parallel_loop3A_277 : vector<16xf32>
        %parallel_loop3A_281 = arith.constant 0x4B000000 : f32
        %parallel_loop3A_282 = vector.broadcast %parallel_loop3A_281 : f32 to vector<16xf32>
        %parallel_loop3A_283 = arith.addf %parallel_loop3A_280, %parallel_loop3A_282 : vector<16xf32>
        %parallel_loop3A_284 = vector.bitcast %parallel_loop3A_283 : vector<16xf32> to vector<16xi32>
        %parallel_loop3A_285 = arith.constant 255 : i32
        %parallel_loop3A_286 = vector.broadcast %parallel_loop3A_285 : i32 to vector<16xi32>
        %parallel_loop3A_287 = arith.andi %parallel_loop3A_284, %parallel_loop3A_286 : vector<16xi32>
        %parallel_loop3A_288 = arith.constant 0 : i32
        %parallel_loop3A_289 = tpu.memref_slice %arg5[%scan3A, %parallel_loop3A_288] : memref<1x256xf32, #tpu.memory_space<vmem>> -> memref<1x256xf32, #tpu.memory_space<vmem>>
        %parallel_loop3A_290 = tpu.memref_squeeze %parallel_loop3A_289 : memref<1x256xf32, #tpu.memory_space<vmem>> -> memref<256xf32, #tpu.memory_space<vmem>>
        %parallel_loop3A_291 = tpu.vector_load_idx %parallel_loop3A_290[%parallel_loop3A_287] : memref<256xf32, #tpu.memory_space<vmem>>[vector<16xi32>], vector<16xf32>,
        %parallel_loop3A_292 = arith.index_cast %parallel_loop3A_234 : i32 to index
        %parallel_loop3A_293 = arith.index_cast %parallel_loop3A_268 : i32 to index
        %parallel_loop3A_294 = tpu.vector_load %arg11[%parallel_loop3A_292, %parallel_loop3A_293] {strides = array<i32>} : memref<32x512xf32, #tpu.memory_space<vmem>>, vector<16xf32>,
        tpu.vector_store %arg11[%parallel_loop3A_292, %parallel_loop3A_293], %parallel_loop3A_291 {strides = array<i32>} : memref<32x512xf32, #tpu.memory_space<vmem>>, vector<16xf32>,
        %parallel_loop3A_295 = arith.constant 32 : i32
        %parallel_loop3A_296 = arith.addi %parallel_loop3A_238, %parallel_loop3A_295 : i32
        %parallel_loop3A_297 = arith.index_cast %parallel_loop3A_234 : i32 to index
        %parallel_loop3A_298 = arith.index_cast %parallel_loop3A_296 : i32 to index
        %parallel_loop3A_299 = tpu.vector_load %arg9[%parallel_loop3A_297, %parallel_loop3A_298] {strides = array<i32>} : memref<32x512xf32, #tpu.memory_space<vmem>>, vector<16xf32>,
        %parallel_loop3A_300 = arith.constant 5.000000e-01 : f32
        %parallel_loop3A_301 = vector.broadcast %parallel_loop3A_300 : f32 to vector<16xf32>
        %parallel_loop3A_302 = arith.mulf %parallel_loop3A_301, %parallel_loop3A_299 : vector<16xf32>
        %parallel_loop3A_303 = arith.constant 5.000000e-01 : f32
        %parallel_loop3A_304 = vector.broadcast %parallel_loop3A_303 : f32 to vector<16xf32>
        %parallel_loop3A_305 = arith.addf %parallel_loop3A_302, %parallel_loop3A_304 : vector<16xf32>
        %parallel_loop3A_306 = arith.constant 2.550000e+02 : f32
        %parallel_loop3A_307 = vector.broadcast %parallel_loop3A_306 : f32 to vector<16xf32>
        %parallel_loop3A_308 = arith.mulf %parallel_loop3A_307, %parallel_loop3A_305 : vector<16xf32>
        %parallel_loop3A_309 = arith.constant 0x4B000000 : f32
        %parallel_loop3A_310 = vector.broadcast %parallel_loop3A_309 : f32 to vector<16xf32>
        %parallel_loop3A_311 = arith.addf %parallel_loop3A_308, %parallel_loop3A_310 : vector<16xf32>
        %parallel_loop3A_312 = vector.bitcast %parallel_loop3A_311 : vector<16xf32> to vector<16xi32>
        %parallel_loop3A_313 = arith.constant 255 : i32
        %parallel_loop3A_314 = vector.broadcast %parallel_loop3A_313 : i32 to vector<16xi32>
        %parallel_loop3A_315 = arith.andi %parallel_loop3A_312, %parallel_loop3A_314 : vector<16xi32>
        %parallel_loop3A_316 = arith.constant 0 : i32
        %parallel_loop3A_317 = tpu.memref_slice %arg5[%scan3A, %parallel_loop3A_316] : memref<1x256xf32, #tpu.memory_space<vmem>> -> memref<1x256xf32, #tpu.memory_space<vmem>>
        %parallel_loop3A_318 = tpu.memref_squeeze %parallel_loop3A_317 : memref<1x256xf32, #tpu.memory_space<vmem>> -> memref<256xf32, #tpu.memory_space<vmem>>
        %parallel_loop3A_319 = tpu.vector_load_idx %parallel_loop3A_318[%parallel_loop3A_315] : memref<256xf32, #tpu.memory_space<vmem>>[vector<16xi32>], vector<16xf32>,
        %parallel_loop3A_320 = arith.index_cast %parallel_loop3A_234 : i32 to index
        %parallel_loop3A_321 = arith.index_cast %parallel_loop3A_296 : i32 to index
        %parallel_loop3A_322 = tpu.vector_load %arg11[%parallel_loop3A_320, %parallel_loop3A_321] {strides = array<i32>} : memref<32x512xf32, #tpu.memory_space<vmem>>, vector<16xf32>,
        tpu.vector_store %arg11[%parallel_loop3A_320, %parallel_loop3A_321], %parallel_loop3A_319 {strides = array<i32>} : memref<32x512xf32, #tpu.memory_space<vmem>>, vector<16xf32>,
        %parallel_loop3A_323 = arith.constant 48 : i32
        %parallel_loop3A_324 = arith.addi %parallel_loop3A_238, %parallel_loop3A_323 : i32
        %parallel_loop3A_325 = arith.index_cast %parallel_loop3A_234 : i32 to index
        %parallel_loop3A_326 = arith.index_cast %parallel_loop3A_324 : i32 to index
        %parallel_loop3A_327 = tpu.vector_load %arg9[%parallel_loop3A_325, %parallel_loop3A_326] {strides = array<i32>} : memref<32x512xf32, #tpu.memory_space<vmem>>, vector<16xf32>,
        %parallel_loop3A_328 = arith.constant 5.000000e-01 : f32
        %parallel_loop3A_329 = vector.broadcast %parallel_loop3A_328 : f32 to vector<16xf32>
        %parallel_loop3A_330 = arith.mulf %parallel_loop3A_329, %parallel_loop3A_327 : vector<16xf32>
        %parallel_loop3A_331 = arith.constant 5.000000e-01 : f32
        %parallel_loop3A_332 = vector.broadcast %parallel_loop3A_331 : f32 to vector<16xf32>
        %parallel_loop3A_333 = arith.addf %parallel_loop3A_330, %parallel_loop3A_332 : vector<16xf32>
        %parallel_loop3A_334 = arith.constant 2.550000e+02 : f32
        %parallel_loop3A_335 = vector.broadcast %parallel_loop3A_334 : f32 to vector<16xf32>
        %parallel_loop3A_336 = arith.mulf %parallel_loop3A_335, %parallel_loop3A_333 : vector<16xf32>
        %parallel_loop3A_337 = arith.constant 0x4B000000 : f32
        %parallel_loop3A_338 = vector.broadcast %parallel_loop3A_337 : f32 to vector<16xf32>
        %parallel_loop3A_339 = arith.addf %parallel_loop3A_336, %parallel_loop3A_338 : vector<16xf32>
        %parallel_loop3A_340 = vector.bitcast %parallel_loop3A_339 : vector<16xf32> to vector<16xi32>
        %parallel_loop3A_341 = arith.constant 255 : i32
        %parallel_loop3A_342 = vector.broadcast %parallel_loop3A_341 : i32 to vector<16xi32>
        %parallel_loop3A_343 = arith.andi %parallel_loop3A_340, %parallel_loop3A_342 : vector<16xi32>
        %parallel_loop3A_344 = arith.constant 0 : i32
        %parallel_loop3A_345 = tpu.memref_slice %arg5[%scan3A, %parallel_loop3A_344] : memref<1x256xf32, #tpu.memory_space<vmem>> -> memref<1x256xf32, #tpu.memory_space<vmem>>
        %parallel_loop3A_346 = tpu.memref_squeeze %parallel_loop3A_345 : memref<1x256xf32, #tpu.memory_space<vmem>> -> memref<256xf32, #tpu.memory_space<vmem>>
        %parallel_loop3A_347 = tpu.vector_load_idx %parallel_loop3A_346[%parallel_loop3A_343] : memref<256xf32, #tpu.memory_space<vmem>>[vector<16xi32>], vector<16xf32>,
        %parallel_loop3A_348 = arith.index_cast %parallel_loop3A_234 : i32 to index
        %parallel_loop3A_349 = arith.index_cast %parallel_loop3A_324 : i32 to index
        %parallel_loop3A_350 = tpu.vector_load %arg11[%parallel_loop3A_348, %parallel_loop3A_349] {strides = array<i32>} : memref<32x512xf32, #tpu.memory_space<vmem>>, vector<16xf32>,
        tpu.vector_store %arg11[%parallel_loop3A_348, %parallel_loop3A_349], %parallel_loop3A_347 {strides = array<i32>} : memref<32x512xf32, #tpu.memory_space<vmem>>, vector<16xf32>,
        %parallel_loop3A_351 = arith.constant 64 : i32
        %parallel_loop3A_352 = arith.addi %parallel_loop3A_238, %parallel_loop3A_351 : i32
        %parallel_loop3A_353 = arith.index_cast %parallel_loop3A_234 : i32 to index
        %parallel_loop3A_354 = arith.index_cast %parallel_loop3A_352 : i32 to index
        %parallel_loop3A_355 = tpu.vector_load %arg9[%parallel_loop3A_353, %parallel_loop3A_354] {strides = array<i32>} : memref<32x512xf32, #tpu.memory_space<vmem>>, vector<16xf32>,
        %parallel_loop3A_356 = arith.constant 5.000000e-01 : f32
        %parallel_loop3A_357 = vector.broadcast %parallel_loop3A_356 : f32 to vector<16xf32>
        %parallel_loop3A_358 = arith.mulf %parallel_loop3A_357, %parallel_loop3A_355 : vector<16xf32>
        %parallel_loop3A_359 = arith.constant 5.000000e-01 : f32
        %parallel_loop3A_360 = vector.broadcast %parallel_loop3A_359 : f32 to vector<16xf32>
        %parallel_loop3A_361 = arith.addf %parallel_loop3A_358, %parallel_loop3A_360 : vector<16xf32>
        %parallel_loop3A_362 = arith.constant 2.550000e+02 : f32
        %parallel_loop3A_363 = vector.broadcast %parallel_loop3A_362 : f32 to vector<16xf32>
        %parallel_loop3A_364 = arith.mulf %parallel_loop3A_363, %parallel_loop3A_361 : vector<16xf32>
        %parallel_loop3A_365 = arith.constant 0x4B000000 : f32
        %parallel_loop3A_366 = vector.broadcast %parallel_loop3A_365 : f32 to vector<16xf32>
        %parallel_loop3A_367 = arith.addf %parallel_loop3A_364, %parallel_loop3A_366 : vector<16xf32>
        %parallel_loop3A_368 = vector.bitcast %parallel_loop3A_367 : vector<16xf32> to vector<16xi32>
        %parallel_loop3A_369 = arith.constant 255 : i32
        %parallel_loop3A_370 = vector.broadcast %parallel_loop3A_369 : i32 to vector<16xi32>
        %parallel_loop3A_371 = arith.andi %parallel_loop3A_368, %parallel_loop3A_370 : vector<16xi32>
        %parallel_loop3A_372 = arith.constant 0 : i32
        %parallel_loop3A_373 = tpu.memref_slice %arg5[%scan3A, %parallel_loop3A_372] : memref<1x256xf32, #tpu.memory_space<vmem>> -> memref<1x256xf32, #tpu.memory_space<vmem>>
        %parallel_loop3A_374 = tpu.memref_squeeze %parallel_loop3A_373 : memref<1x256xf32, #tpu.memory_space<vmem>> -> memref<256xf32, #tpu.memory_space<vmem>>
        %parallel_loop3A_375 = tpu.vector_load_idx %parallel_loop3A_374[%parallel_loop3A_371] : memref<256xf32, #tpu.memory_space<vmem>>[vector<16xi32>], vector<16xf32>,
        %parallel_loop3A_376 = arith.index_cast %parallel_loop3A_234 : i32 to index
        %parallel_loop3A_377 = arith.index_cast %parallel_loop3A_352 : i32 to index
        %parallel_loop3A_378 = tpu.vector_load %arg11[%parallel_loop3A_376, %parallel_loop3A_377] {strides = array<i32>} : memref<32x512xf32, #tpu.memory_space<vmem>>, vector<16xf32>,
        tpu.vector_store %arg11[%parallel_loop3A_376, %parallel_loop3A_377], %parallel_loop3A_375 {strides = array<i32>} : memref<32x512xf32, #tpu.memory_space<vmem>>, vector<16xf32>,
        %parallel_loop3A_379 = arith.constant 80 : i32
        %parallel_loop3A_380 = arith.addi %parallel_loop3A_238, %parallel_loop3A_379 : i32
        %parallel_loop3A_381 = arith.index_cast %parallel_loop3A_234 : i32 to index
        %parallel_loop3A_382 = arith.index_cast %parallel_loop3A_380 : i32 to index
        %parallel_loop3A_383 = tpu.vector_load %arg9[%parallel_loop3A_381, %parallel_loop3A_382] {strides = array<i32>} : memref<32x512xf32, #tpu.memory_space<vmem>>, vector<16xf32>,
        %parallel_loop3A_384 = arith.constant 5.000000e-01 : f32
        %parallel_loop3A_385 = vector.broadcast %parallel_loop3A_384 : f32 to vector<16xf32>
        %parallel_loop3A_386 = arith.mulf %parallel_loop3A_385, %parallel_loop3A_383 : vector<16xf32>
        %parallel_loop3A_387 = arith.constant 5.000000e-01 : f32
        %parallel_loop3A_388 = vector.broadcast %parallel_loop3A_387 : f32 to vector<16xf32>
        %parallel_loop3A_389 = arith.addf %parallel_loop3A_386, %parallel_loop3A_388 : vector<16xf32>
        %parallel_loop3A_390 = arith.constant 2.550000e+02 : f32
        %parallel_loop3A_391 = vector.broadcast %parallel_loop3A_390 : f32 to vector<16xf32>
        %parallel_loop3A_392 = arith.mulf %parallel_loop3A_391, %parallel_loop3A_389 : vector<16xf32>
        %parallel_loop3A_393 = arith.constant 0x4B000000 : f32
        %parallel_loop3A_394 = vector.broadcast %parallel_loop3A_393 : f32 to vector<16xf32>
        %parallel_loop3A_395 = arith.addf %parallel_loop3A_392, %parallel_loop3A_394 : vector<16xf32>
        %parallel_loop3A_396 = vector.bitcast %parallel_loop3A_395 : vector<16xf32> to vector<16xi32>
        %parallel_loop3A_397 = arith.constant 255 : i32
        %parallel_loop3A_398 = vector.broadcast %parallel_loop3A_397 : i32 to vector<16xi32>
        %parallel_loop3A_399 = arith.andi %parallel_loop3A_396, %parallel_loop3A_398 : vector<16xi32>
        %parallel_loop3A_400 = arith.constant 0 : i32
        %parallel_loop3A_401 = tpu.memref_slice %arg5[%scan3A, %parallel_loop3A_400] : memref<1x256xf32, #tpu.memory_space<vmem>> -> memref<1x256xf32, #tpu.memory_space<vmem>>
        %parallel_loop3A_402 = tpu.memref_squeeze %parallel_loop3A_401 : memref<1x256xf32, #tpu.memory_space<vmem>> -> memref<256xf32, #tpu.memory_space<vmem>>
        %parallel_loop3A_403 = tpu.vector_load_idx %parallel_loop3A_402[%parallel_loop3A_399] : memref<256xf32, #tpu.memory_space<vmem>>[vector<16xi32>], vector<16xf32>,
        %parallel_loop3A_404 = arith.index_cast %parallel_loop3A_234 : i32 to index
        %parallel_loop3A_405 = arith.index_cast %parallel_loop3A_380 : i32 to index
        %parallel_loop3A_406 = tpu.vector_load %arg11[%parallel_loop3A_404, %parallel_loop3A_405] {strides = array<i32>} : memref<32x512xf32, #tpu.memory_space<vmem>>, vector<16xf32>,
        tpu.vector_store %arg11[%parallel_loop3A_404, %parallel_loop3A_405], %parallel_loop3A_403 {strides = array<i32>} : memref<32x512xf32, #tpu.memory_space<vmem>>, vector<16xf32>,
        %parallel_loop3A_407 = arith.constant 96 : i32
        %parallel_loop3A_408 = arith.addi %parallel_loop3A_238, %parallel_loop3A_407 : i32
        %parallel_loop3A_409 = arith.index_cast %parallel_loop3A_234 : i32 to index
        %parallel_loop3A_410 = arith.index_cast %parallel_loop3A_408 : i32 to index
        %parallel_loop3A_411 = tpu.vector_load %arg9[%parallel_loop3A_409, %parallel_loop3A_410] {strides = array<i32>} : memref<32x512xf32, #tpu.memory_space<vmem>>, vector<16xf32>,
        %parallel_loop3A_412 = arith.constant 5.000000e-01 : f32
        %parallel_loop3A_413 = vector.broadcast %parallel_loop3A_412 : f32 to vector<16xf32>
        %parallel_loop3A_414 = arith.mulf %parallel_loop3A_413, %parallel_loop3A_411 : vector<16xf32>
        %parallel_loop3A_415 = arith.constant 5.000000e-01 : f32
        %parallel_loop3A_416 = vector.broadcast %parallel_loop3A_415 : f32 to vector<16xf32>
        %parallel_loop3A_417 = arith.addf %parallel_loop3A_414, %parallel_loop3A_416 : vector<16xf32>
        %parallel_loop3A_418 = arith.constant 2.550000e+02 : f32
        %parallel_loop3A_419 = vector.broadcast %parallel_loop3A_418 : f32 to vector<16xf32>
        %parallel_loop3A_420 = arith.mulf %parallel_loop3A_419, %parallel_loop3A_417 : vector<16xf32>
        %parallel_loop3A_421 = arith.constant 0x4B000000 : f32
        %parallel_loop3A_422 = vector.broadcast %parallel_loop3A_421 : f32 to vector<16xf32>
        %parallel_loop3A_423 = arith.addf %parallel_loop3A_420, %parallel_loop3A_422 : vector<16xf32>
        %parallel_loop3A_424 = vector.bitcast %parallel_loop3A_423 : vector<16xf32> to vector<16xi32>
        %parallel_loop3A_425 = arith.constant 255 : i32
        %parallel_loop3A_426 = vector.broadcast %parallel_loop3A_425 : i32 to vector<16xi32>
        %parallel_loop3A_427 = arith.andi %parallel_loop3A_424, %parallel_loop3A_426 : vector<16xi32>
        %parallel_loop3A_428 = arith.constant 0 : i32
        %parallel_loop3A_429 = tpu.memref_slice %arg5[%scan3A, %parallel_loop3A_428] : memref<1x256xf32, #tpu.memory_space<vmem>> -> memref<1x256xf32, #tpu.memory_space<vmem>>
        %parallel_loop3A_430 = tpu.memref_squeeze %parallel_loop3A_429 : memref<1x256xf32, #tpu.memory_space<vmem>> -> memref<256xf32, #tpu.memory_space<vmem>>
        %parallel_loop3A_431 = tpu.vector_load_idx %parallel_loop3A_430[%parallel_loop3A_427] : memref<256xf32, #tpu.memory_space<vmem>>[vector<16xi32>], vector<16xf32>,
        %parallel_loop3A_432 = arith.index_cast %parallel_loop3A_234 : i32 to index
        %parallel_loop3A_433 = arith.index_cast %parallel_loop3A_408 : i32 to index
        %parallel_loop3A_434 = tpu.vector_load %arg11[%parallel_loop3A_432, %parallel_loop3A_433] {strides = array<i32>} : memref<32x512xf32, #tpu.memory_space<vmem>>, vector<16xf32>,
        tpu.vector_store %arg11[%parallel_loop3A_432, %parallel_loop3A_433], %parallel_loop3A_431 {strides = array<i32>} : memref<32x512xf32, #tpu.memory_space<vmem>>, vector<16xf32>,
        %parallel_loop3A_435 = arith.constant 112 : i32
        %parallel_loop3A_436 = arith.addi %parallel_loop3A_238, %parallel_loop3A_435 : i32
        %parallel_loop3A_437 = arith.index_cast %parallel_loop3A_234 : i32 to index
        %parallel_loop3A_438 = arith.index_cast %parallel_loop3A_436 : i32 to index
        %parallel_loop3A_439 = tpu.vector_load %arg9[%parallel_loop3A_437, %parallel_loop3A_438] {strides = array<i32>} : memref<32x512xf32, #tpu.memory_space<vmem>>, vector<16xf32>,
        %parallel_loop3A_440 = arith.constant 5.000000e-01 : f32
        %parallel_loop3A_441 = vector.broadcast %parallel_loop3A_440 : f32 to vector<16xf32>
        %parallel_loop3A_442 = arith.mulf %parallel_loop3A_441, %parallel_loop3A_439 : vector<16xf32>
        %parallel_loop3A_443 = arith.constant 5.000000e-01 : f32
        %parallel_loop3A_444 = vector.broadcast %parallel_loop3A_443 : f32 to vector<16xf32>
        %parallel_loop3A_445 = arith.addf %parallel_loop3A_442, %parallel_loop3A_444 : vector<16xf32>
        %parallel_loop3A_446 = arith.constant 2.550000e+02 : f32
        %parallel_loop3A_447 = vector.broadcast %parallel_loop3A_446 : f32 to vector<16xf32>
        %parallel_loop3A_448 = arith.mulf %parallel_loop3A_447, %parallel_loop3A_445 : vector<16xf32>
        %parallel_loop3A_449 = arith.constant 0x4B000000 : f32
        %parallel_loop3A_450 = vector.broadcast %parallel_loop3A_449 : f32 to vector<16xf32>
        %parallel_loop3A_451 = arith.addf %parallel_loop3A_448, %parallel_loop3A_450 : vector<16xf32>
        %parallel_loop3A_452 = vector.bitcast %parallel_loop3A_451 : vector<16xf32> to vector<16xi32>
        %parallel_loop3A_453 = arith.constant 255 : i32
        %parallel_loop3A_454 = vector.broadcast %parallel_loop3A_453 : i32 to vector<16xi32>
        %parallel_loop3A_455 = arith.andi %parallel_loop3A_452, %parallel_loop3A_454 : vector<16xi32>
        %parallel_loop3A_456 = arith.constant 0 : i32
        %parallel_loop3A_457 = tpu.memref_slice %arg5[%scan3A, %parallel_loop3A_456] : memref<1x256xf32, #tpu.memory_space<vmem>> -> memref<1x256xf32, #tpu.memory_space<vmem>>
        %parallel_loop3A_458 = tpu.memref_squeeze %parallel_loop3A_457 : memref<1x256xf32, #tpu.memory_space<vmem>> -> memref<256xf32, #tpu.memory_space<vmem>>
        %parallel_loop3A_459 = tpu.vector_load_idx %parallel_loop3A_458[%parallel_loop3A_455] : memref<256xf32, #tpu.memory_space<vmem>>[vector<16xi32>], vector<16xf32>,
        %parallel_loop3A_460 = arith.index_cast %parallel_loop3A_234 : i32 to index
        %parallel_loop3A_461 = arith.index_cast %parallel_loop3A_436 : i32 to index
        %parallel_loop3A_462 = tpu.vector_load %arg11[%parallel_loop3A_460, %parallel_loop3A_461] {strides = array<i32>} : memref<32x512xf32, #tpu.memory_space<vmem>>, vector<16xf32>,
        tpu.vector_store %arg11[%parallel_loop3A_460, %parallel_loop3A_461], %parallel_loop3A_459 {strides = array<i32>} : memref<32x512xf32, #tpu.memory_space<vmem>>, vector<16xf32>,
      } {sc.loop_unroll_factor = 1 : i64, sc.parallel_access}
      %mul3A_218 = arith.constant 32 : i32
      %mul3A_219 = arith.muli %add3A_200, %mul3A_218 : i32
      %dma_start3A_220 = arith.constant 0 : i32
      %dma_start3A_221 = arith.constant 0 : i32
      %dma_start3A_222 = tpu.memref_slice %arg4[%add3A, %dma_start3A_220, %mul3A_219, %dma_start3A_221] : memref<32x3x512x512xf32, #tpu.memory_space<hbm>> -> memref<1x1x32x512xf32, #tpu.memory_space<hbm>>
      %dma_start3A_223 = tpu.memref_squeeze %dma_start3A_222 : memref<1x1x32x512xf32, #tpu.memory_space<hbm>> -> memref<32x512xf32, #tpu.memory_space<hbm>>
      %dma_start3A_224 = arith.constant 0 : i32
      %dma_start3A_225 = tpu.memref_slice %arg4[%add3A, %dma_start3A_220, %mul3A_219, %dma_start3A_224] : memref<32x3x512x512xf32, #tpu.memory_space<hbm>> -> memref<1x1x32x512xf32, #tpu.memory_space<hbm>>
      %dma_start3A_226 = tpu.memref_squeeze %dma_start3A_225 : memref<1x1x32x512xf32, #tpu.memory_space<hbm>> -> memref<32x512xf32, #tpu.memory_space<hbm>>
      tpu.enqueue_dma source(%arg11 : memref<32x512xf32, #tpu.memory_space<vmem>>) target(%dma_start3A_226 : memref<32x512xf32, #tpu.memory_space<hbm>>) target_semaphore(%arg15 : memref<!tpu.dma_semaphore, #tpu.memory_space<semaphore_mem>>)
      %le3A_227 = arith.constant 6 : i32
      %le3A_228 = arith.cmpi sle, %scan3A_166, %le3A_227 : i32
      %convert_element_type3A_229 = arith.extui %le3A_228 : i1 to i32
      %cond3A_230 = arith.constant 0 : i32
      %cond3A_231 = arith.cmpi ne, %convert_element_type3A_229, %cond3A_230 : i32
      scf.if %cond3A_231 {
        %add3A_232 = arith.constant 2 : i32
        %add3A_233 = arith.addi %add3A_200, %add3A_232 : i32
        %mul3A_234 = arith.constant 32 : i32
        %mul3A_235 = arith.muli %add3A_233, %mul3A_234 : i32
        %dma_start3A_236 = arith.constant 0 : i32
        %dma_start3A_237 = arith.constant 0 : i32
        %dma_start3A_238 = tpu.memref_slice %arg2[%add3A, %dma_start3A_236, %mul3A_235, %dma_start3A_237] : memref<32x3x512x512xf32, #tpu.memory_space<hbm>> -> memref<1x1x32x512xf32, #tpu.memory_space<hbm>>
        %dma_start3A_239 = tpu.memref_squeeze %dma_start3A_238 : memref<1x1x32x512xf32, #tpu.memory_space<hbm>> -> memref<32x512xf32, #tpu.memory_space<hbm>>
        %dma_start3A_240 = arith.constant 0 : i32
        %dma_start3A_241 = tpu.memref_slice %arg2[%add3A, %dma_start3A_236, %mul3A_235, %dma_start3A_240] : memref<32x3x512x512xf32, #tpu.memory_space<hbm>> -> memref<1x1x32x512xf32, #tpu.memory_space<hbm>>
        %dma_start3A_242 = tpu.memref_squeeze %dma_start3A_241 : memref<1x1x32x512xf32, #tpu.memory_space<hbm>> -> memref<32x512xf32, #tpu.memory_space<hbm>>
        tpu.enqueue_dma source(%dma_start3A_242 : memref<32x512xf32, #tpu.memory_space<hbm>>) target(%arg9 : memref<32x512xf32, #tpu.memory_space<vmem>>) target_semaphore(%arg13 : memref<!tpu.dma_semaphore, #tpu.memory_space<semaphore_mem>>)
      } else {
      }
    }
    %scan3A_63 = arith.constant 8 : i32
    %dma_wait3A_64 = arith.constant 0 : i32
    %dma_wait3A_65 = arith.constant 448 : i32
    %dma_wait3A_66 = arith.constant 0 : i32
    %dma_wait3A_67 = tpu.memref_slice %arg4[%add3A, %dma_wait3A_64, %dma_wait3A_65, %dma_wait3A_66] : memref<32x3x512x512xf32, #tpu.memory_space<hbm>> -> memref<1x1x32x512xf32, #tpu.memory_space<hbm>>
    %dma_wait3A_68 = tpu.memref_squeeze %dma_wait3A_67 : memref<1x1x32x512xf32, #tpu.memory_space<hbm>> -> memref<32x512xf32, #tpu.memory_space<hbm>>
    %dma_wait3A_69 = arith.constant 448 : i32
    %dma_wait3A_70 = arith.constant 0 : i32
    %dma_wait3A_71 = tpu.memref_slice %arg4[%add3A, %dma_wait3A_64, %dma_wait3A_69, %dma_wait3A_70] : memref<32x3x512x512xf32, #tpu.memory_space<hbm>> -> memref<1x1x32x512xf32, #tpu.memory_space<hbm>>
    %dma_wait3A_72 = tpu.memref_squeeze %dma_wait3A_71 : memref<1x1x32x512xf32, #tpu.memory_space<hbm>> -> memref<32x512xf32, #tpu.memory_space<hbm>>
    tpu.wait_dma2 semaphore(%arg14 : memref<!tpu.dma_semaphore, #tpu.memory_space<semaphore_mem>>) src(%arg10 : memref<32x512xf32, #tpu.memory_space<vmem>>) dst(%dma_wait3A_72 : memref<32x512xf32, #tpu.memory_space<hbm>>)
    %dma_wait3A_73 = arith.constant 0 : i32
    %dma_wait3A_74 = arith.constant 480 : i32
    %dma_wait3A_75 = arith.constant 0 : i32
    %dma_wait3A_76 = tpu.memref_slice %arg4[%add3A, %dma_wait3A_73, %dma_wait3A_74, %dma_wait3A_75] : memref<32x3x512x512xf32, #tpu.memory_space<hbm>> -> memref<1x1x32x512xf32, #tpu.memory_space<hbm>>
    %dma_wait3A_77 = tpu.memref_squeeze %dma_wait3A_76 : memref<1x1x32x512xf32, #tpu.memory_space<hbm>> -> memref<32x512xf32, #tpu.memory_space<hbm>>
    %dma_wait3A_78 = arith.constant 480 : i32
    %dma_wait3A_79 = arith.constant 0 : i32
    %dma_wait3A_80 = tpu.memref_slice %arg4[%add3A, %dma_wait3A_73, %dma_wait3A_78, %dma_wait3A_79] : memref<32x3x512x512xf32, #tpu.memory_space<hbm>> -> memref<1x1x32x512xf32, #tpu.memory_space<hbm>>
    %dma_wait3A_81 = tpu.memref_squeeze %dma_wait3A_80 : memref<1x1x32x512xf32, #tpu.memory_space<hbm>> -> memref<32x512xf32, #tpu.memory_space<hbm>>
    tpu.wait_dma2 semaphore(%arg15 : memref<!tpu.dma_semaphore, #tpu.memory_space<semaphore_mem>>) src(%arg11 : memref<32x512xf32, #tpu.memory_space<vmem>>) dst(%dma_wait3A_81 : memref<32x512xf32, #tpu.memory_space<hbm>>)
    %dma_start3A_82 = arith.constant 1 : i32
    %dma_start3A_83 = arith.constant 0 : i32
    %dma_start3A_84 = arith.constant 0 : i32
    %dma_start3A_85 = tpu.memref_slice %arg2[%add3A, %dma_start3A_82, %dma_start3A_83, %dma_start3A_84] : memref<32x3x512x512xf32, #tpu.memory_space<hbm>> -> memref<1x1x32x512xf32, #tpu.memory_space<hbm>>
    %dma_start3A_86 = tpu.memref_squeeze %dma_start3A_85 : memref<1x1x32x512xf32, #tpu.memory_space<hbm>> -> memref<32x512xf32, #tpu.memory_space<hbm>>
    %dma_start3A_87 = arith.constant 0 : i32
    %dma_start3A_88 = arith.constant 0 : i32
    %dma_start3A_89 = tpu.memref_slice %arg2[%add3A, %dma_start3A_82, %dma_start3A_87, %dma_start3A_88] : memref<32x3x512x512xf32, #tpu.memory_space<hbm>> -> memref<1x1x32x512xf32, #tpu.memory_space<hbm>>
    %dma_start3A_90 = tpu.memref_squeeze %dma_start3A_89 : memref<1x1x32x512xf32, #tpu.memory_space<hbm>> -> memref<32x512xf32, #tpu.memory_space<hbm>>
    tpu.enqueue_dma source(%dma_start3A_90 : memref<32x512xf32, #tpu.memory_space<hbm>>) target(%arg8 : memref<32x512xf32, #tpu.memory_space<vmem>>) target_semaphore(%arg12 : memref<!tpu.dma_semaphore, #tpu.memory_space<semaphore_mem>>)
    %dma_start3A_91 = arith.constant 1 : i32
    %dma_start3A_92 = arith.constant 32 : i32
    %dma_start3A_93 = arith.constant 0 : i32
    %dma_start3A_94 = tpu.memref_slice %arg2[%add3A, %dma_start3A_91, %dma_start3A_92, %dma_start3A_93] : memref<32x3x512x512xf32, #tpu.memory_space<hbm>> -> memref<1x1x32x512xf32, #tpu.memory_space<hbm>>
    %dma_start3A_95 = tpu.memref_squeeze %dma_start3A_94 : memref<1x1x32x512xf32, #tpu.memory_space<hbm>> -> memref<32x512xf32, #tpu.memory_space<hbm>>
    %dma_start3A_96 = arith.constant 32 : i32
    %dma_start3A_97 = arith.constant 0 : i32
    %dma_start3A_98 = tpu.memref_slice %arg2[%add3A, %dma_start3A_91, %dma_start3A_96, %dma_start3A_97] : memref<32x3x512x512xf32, #tpu.memory_space<hbm>> -> memref<1x1x32x512xf32, #tpu.memory_space<hbm>>
    %dma_start3A_99 = tpu.memref_squeeze %dma_start3A_98 : memref<1x1x32x512xf32, #tpu.memory_space<hbm>> -> memref<32x512xf32, #tpu.memory_space<hbm>>
    tpu.enqueue_dma source(%dma_start3A_99 : memref<32x512xf32, #tpu.memory_space<hbm>>) target(%arg9 : memref<32x512xf32, #tpu.memory_space<vmem>>) target_semaphore(%arg13 : memref<!tpu.dma_semaphore, #tpu.memory_space<semaphore_mem>>)
    %scan3A_100 = arith.constant 0 : i32
    %scan3A_101 = arith.constant 0 : i32
    %scan3A_102 = arith.constant 8 : i32
    %scan3A_103 = arith.addi %scan3A_101, %scan3A_102 : i32
    %scan3A_104 = arith.constant 1 : i32
    scf.for %scan3A_166 = %scan3A_101 to %scan3A_103 step %scan3A_104  : i32 {
      %mul3A_167 = arith.constant 2 : i32
      %mul3A_168 = arith.muli %scan3A_166, %mul3A_167 : i32
      %add3A_169 = arith.constant 0 : i32
      %add3A_170 = arith.addi %mul3A_168, %add3A_169 : i32
      %mul3A_171 = arith.constant 32 : i32
      %mul3A_172 = arith.muli %add3A_170, %mul3A_171 : i32
      %dma_wait3A_173 = arith.constant 1 : i32
      %dma_wait3A_174 = arith.constant 0 : i32
      %dma_wait3A_175 = tpu.memref_slice %arg2[%add3A, %dma_wait3A_173, %mul3A_172, %dma_wait3A_174] : memref<32x3x512x512xf32, #tpu.memory_space<hbm>> -> memref<1x1x32x512xf32, #tpu.memory_space<hbm>>
      %dma_wait3A_176 = tpu.memref_squeeze %dma_wait3A_175 : memref<1x1x32x512xf32, #tpu.memory_space<hbm>> -> memref<32x512xf32, #tpu.memory_space<hbm>>
      %dma_wait3A_177 = arith.constant 0 : i32
      %dma_wait3A_178 = tpu.memref_slice %arg2[%add3A, %dma_wait3A_173, %mul3A_172, %dma_wait3A_177] : memref<32x3x512x512xf32, #tpu.memory_space<hbm>> -> memref<1x1x32x512xf32, #tpu.memory_space<hbm>>
      %dma_wait3A_179 = tpu.memref_squeeze %dma_wait3A_178 : memref<1x1x32x512xf32, #tpu.memory_space<hbm>> -> memref<32x512xf32, #tpu.memory_space<hbm>>
      tpu.wait_dma2 semaphore(%arg12 : memref<!tpu.dma_semaphore, #tpu.memory_space<semaphore_mem>>) src(%dma_wait3A_179 : memref<32x512xf32, #tpu.memory_space<hbm>>) dst(%arg8 : memref<32x512xf32, #tpu.memory_space<vmem>>)
      %ge3A = arith.constant 1 : i32
      %ge3A_180 = arith.cmpi sge, %scan3A_166, %ge3A : i32
      %convert_element_type3A = arith.extui %ge3A_180 : i1 to i32
      %cond3A = arith.constant 0 : i32
      %cond3A_181 = arith.cmpi ne, %convert_element_type3A, %cond3A : i32
      scf.if %cond3A_181 {
        %sub3A = arith.constant 2 : i32
        %sub3A_232 = arith.subi %add3A_170, %sub3A : i32
        %mul3A_233 = arith.constant 32 : i32
        %mul3A_234 = arith.muli %sub3A_232, %mul3A_233 : i32
        %dma_wait3A_235 = arith.constant 1 : i32
        %dma_wait3A_236 = arith.constant 0 : i32
        %dma_wait3A_237 = tpu.memref_slice %arg4[%add3A, %dma_wait3A_235, %mul3A_234, %dma_wait3A_236] : memref<32x3x512x512xf32, #tpu.memory_space<hbm>> -> memref<1x1x32x512xf32, #tpu.memory_space<hbm>>
        %dma_wait3A_238 = tpu.memref_squeeze %dma_wait3A_237 : memref<1x1x32x512xf32, #tpu.memory_space<hbm>> -> memref<32x512xf32, #tpu.memory_space<hbm>>
        %dma_wait3A_239 = arith.constant 0 : i32
        %dma_wait3A_240 = tpu.memref_slice %arg4[%add3A, %dma_wait3A_235, %mul3A_234, %dma_wait3A_239] : memref<32x3x512x512xf32, #tpu.memory_space<hbm>> -> memref<1x1x32x512xf32, #tpu.memory_space<hbm>>
        %dma_wait3A_241 = tpu.memref_squeeze %dma_wait3A_240 : memref<1x1x32x512xf32, #tpu.memory_space<hbm>> -> memref<32x512xf32, #tpu.memory_space<hbm>>
        tpu.wait_dma2 semaphore(%arg14 : memref<!tpu.dma_semaphore, #tpu.memory_space<semaphore_mem>>) src(%arg10 : memref<32x512xf32, #tpu.memory_space<vmem>>) dst(%dma_wait3A_241 : memref<32x512xf32, #tpu.memory_space<hbm>>)
      } else {
      }
      %parallel_loop3A = arith.constant 0 : i32
      %parallel_loop3A_182 = arith.constant 128 : i32
      %parallel_loop3A_183 = arith.constant 1 : i32
      scf.for %parallel_loop3A_232 = %parallel_loop3A to %parallel_loop3A_182 step %parallel_loop3A_183  : i32 {
        %parallel_loop3A_233 = arith.constant 2 : i32
        %parallel_loop3A_234 = arith.shrsi %parallel_loop3A_232, %parallel_loop3A_233 : i32
        %parallel_loop3A_235 = arith.constant 3 : i32
        %parallel_loop3A_236 = arith.andi %parallel_loop3A_232, %parallel_loop3A_235 : i32
        %parallel_loop3A_237 = arith.constant 7 : i32
        %parallel_loop3A_238 = arith.shli %parallel_loop3A_236, %parallel_loop3A_237 : i32
        %parallel_loop3A_239 = arith.constant 0 : i32
        %parallel_loop3A_240 = arith.addi %parallel_loop3A_238, %parallel_loop3A_239 : i32
        %parallel_loop3A_241 = arith.index_cast %parallel_loop3A_234 : i32 to index
        %parallel_loop3A_242 = arith.index_cast %parallel_loop3A_240 : i32 to index
        %parallel_loop3A_243 = tpu.vector_load %arg8[%parallel_loop3A_241, %parallel_loop3A_242] {strides = array<i32>} : memref<32x512xf32, #tpu.memory_space<vmem>>, vector<16xf32>,
        %parallel_loop3A_244 = arith.constant 5.000000e-01 : f32
        %parallel_loop3A_245 = vector.broadcast %parallel_loop3A_244 : f32 to vector<16xf32>
        %parallel_loop3A_246 = arith.mulf %parallel_loop3A_245, %parallel_loop3A_243 : vector<16xf32>
        %parallel_loop3A_247 = arith.constant 5.000000e-01 : f32
        %parallel_loop3A_248 = vector.broadcast %parallel_loop3A_247 : f32 to vector<16xf32>
        %parallel_loop3A_249 = arith.addf %parallel_loop3A_246, %parallel_loop3A_248 : vector<16xf32>
        %parallel_loop3A_250 = arith.constant 2.550000e+02 : f32
        %parallel_loop3A_251 = vector.broadcast %parallel_loop3A_250 : f32 to vector<16xf32>
        %parallel_loop3A_252 = arith.mulf %parallel_loop3A_251, %parallel_loop3A_249 : vector<16xf32>
        %parallel_loop3A_253 = arith.constant 0x4B000000 : f32
        %parallel_loop3A_254 = vector.broadcast %parallel_loop3A_253 : f32 to vector<16xf32>
        %parallel_loop3A_255 = arith.addf %parallel_loop3A_252, %parallel_loop3A_254 : vector<16xf32>
        %parallel_loop3A_256 = vector.bitcast %parallel_loop3A_255 : vector<16xf32> to vector<16xi32>
        %parallel_loop3A_257 = arith.constant 255 : i32
        %parallel_loop3A_258 = vector.broadcast %parallel_loop3A_257 : i32 to vector<16xi32>
        %parallel_loop3A_259 = arith.andi %parallel_loop3A_256, %parallel_loop3A_258 : vector<16xi32>
        %parallel_loop3A_260 = arith.constant 0 : i32
        %parallel_loop3A_261 = tpu.memref_slice %arg6[%scan3A_100, %parallel_loop3A_260] : memref<1x256xf32, #tpu.memory_space<vmem>> -> memref<1x256xf32, #tpu.memory_space<vmem>>
        %parallel_loop3A_262 = tpu.memref_squeeze %parallel_loop3A_261 : memref<1x256xf32, #tpu.memory_space<vmem>> -> memref<256xf32, #tpu.memory_space<vmem>>
        %parallel_loop3A_263 = tpu.vector_load_idx %parallel_loop3A_262[%parallel_loop3A_259] : memref<256xf32, #tpu.memory_space<vmem>>[vector<16xi32>], vector<16xf32>,
        %parallel_loop3A_264 = arith.index_cast %parallel_loop3A_234 : i32 to index
        %parallel_loop3A_265 = arith.index_cast %parallel_loop3A_240 : i32 to index
        %parallel_loop3A_266 = tpu.vector_load %arg10[%parallel_loop3A_264, %parallel_loop3A_265] {strides = array<i32>} : memref<32x512xf32, #tpu.memory_space<vmem>>, vector<16xf32>,
        tpu.vector_store %arg10[%parallel_loop3A_264, %parallel_loop3A_265], %parallel_loop3A_263 {strides = array<i32>} : memref<32x512xf32, #tpu.memory_space<vmem>>, vector<16xf32>,
        %parallel_loop3A_267 = arith.constant 16 : i32
        %parallel_loop3A_268 = arith.addi %parallel_loop3A_238, %parallel_loop3A_267 : i32
        %parallel_loop3A_269 = arith.index_cast %parallel_loop3A_234 : i32 to index
        %parallel_loop3A_270 = arith.index_cast %parallel_loop3A_268 : i32 to index
        %parallel_loop3A_271 = tpu.vector_load %arg8[%parallel_loop3A_269, %parallel_loop3A_270] {strides = array<i32>} : memref<32x512xf32, #tpu.memory_space<vmem>>, vector<16xf32>,
        %parallel_loop3A_272 = arith.constant 5.000000e-01 : f32
        %parallel_loop3A_273 = vector.broadcast %parallel_loop3A_272 : f32 to vector<16xf32>
        %parallel_loop3A_274 = arith.mulf %parallel_loop3A_273, %parallel_loop3A_271 : vector<16xf32>
        %parallel_loop3A_275 = arith.constant 5.000000e-01 : f32
        %parallel_loop3A_276 = vector.broadcast %parallel_loop3A_275 : f32 to vector<16xf32>
        %parallel_loop3A_277 = arith.addf %parallel_loop3A_274, %parallel_loop3A_276 : vector<16xf32>
        %parallel_loop3A_278 = arith.constant 2.550000e+02 : f32
        %parallel_loop3A_279 = vector.broadcast %parallel_loop3A_278 : f32 to vector<16xf32>
        %parallel_loop3A_280 = arith.mulf %parallel_loop3A_279, %parallel_loop3A_277 : vector<16xf32>
        %parallel_loop3A_281 = arith.constant 0x4B000000 : f32
        %parallel_loop3A_282 = vector.broadcast %parallel_loop3A_281 : f32 to vector<16xf32>
        %parallel_loop3A_283 = arith.addf %parallel_loop3A_280, %parallel_loop3A_282 : vector<16xf32>
        %parallel_loop3A_284 = vector.bitcast %parallel_loop3A_283 : vector<16xf32> to vector<16xi32>
        %parallel_loop3A_285 = arith.constant 255 : i32
        %parallel_loop3A_286 = vector.broadcast %parallel_loop3A_285 : i32 to vector<16xi32>
        %parallel_loop3A_287 = arith.andi %parallel_loop3A_284, %parallel_loop3A_286 : vector<16xi32>
        %parallel_loop3A_288 = arith.constant 0 : i32
        %parallel_loop3A_289 = tpu.memref_slice %arg6[%scan3A_100, %parallel_loop3A_288] : memref<1x256xf32, #tpu.memory_space<vmem>> -> memref<1x256xf32, #tpu.memory_space<vmem>>
        %parallel_loop3A_290 = tpu.memref_squeeze %parallel_loop3A_289 : memref<1x256xf32, #tpu.memory_space<vmem>> -> memref<256xf32, #tpu.memory_space<vmem>>
        %parallel_loop3A_291 = tpu.vector_load_idx %parallel_loop3A_290[%parallel_loop3A_287] : memref<256xf32, #tpu.memory_space<vmem>>[vector<16xi32>], vector<16xf32>,
        %parallel_loop3A_292 = arith.index_cast %parallel_loop3A_234 : i32 to index
        %parallel_loop3A_293 = arith.index_cast %parallel_loop3A_268 : i32 to index
        %parallel_loop3A_294 = tpu.vector_load %arg10[%parallel_loop3A_292, %parallel_loop3A_293] {strides = array<i32>} : memref<32x512xf32, #tpu.memory_space<vmem>>, vector<16xf32>,
        tpu.vector_store %arg10[%parallel_loop3A_292, %parallel_loop3A_293], %parallel_loop3A_291 {strides = array<i32>} : memref<32x512xf32, #tpu.memory_space<vmem>>, vector<16xf32>,
        %parallel_loop3A_295 = arith.constant 32 : i32
        %parallel_loop3A_296 = arith.addi %parallel_loop3A_238, %parallel_loop3A_295 : i32
        %parallel_loop3A_297 = arith.index_cast %parallel_loop3A_234 : i32 to index
        %parallel_loop3A_298 = arith.index_cast %parallel_loop3A_296 : i32 to index
        %parallel_loop3A_299 = tpu.vector_load %arg8[%parallel_loop3A_297, %parallel_loop3A_298] {strides = array<i32>} : memref<32x512xf32, #tpu.memory_space<vmem>>, vector<16xf32>,
        %parallel_loop3A_300 = arith.constant 5.000000e-01 : f32
        %parallel_loop3A_301 = vector.broadcast %parallel_loop3A_300 : f32 to vector<16xf32>
        %parallel_loop3A_302 = arith.mulf %parallel_loop3A_301, %parallel_loop3A_299 : vector<16xf32>
        %parallel_loop3A_303 = arith.constant 5.000000e-01 : f32
        %parallel_loop3A_304 = vector.broadcast %parallel_loop3A_303 : f32 to vector<16xf32>
        %parallel_loop3A_305 = arith.addf %parallel_loop3A_302, %parallel_loop3A_304 : vector<16xf32>
        %parallel_loop3A_306 = arith.constant 2.550000e+02 : f32
        %parallel_loop3A_307 = vector.broadcast %parallel_loop3A_306 : f32 to vector<16xf32>
        %parallel_loop3A_308 = arith.mulf %parallel_loop3A_307, %parallel_loop3A_305 : vector<16xf32>
        %parallel_loop3A_309 = arith.constant 0x4B000000 : f32
        %parallel_loop3A_310 = vector.broadcast %parallel_loop3A_309 : f32 to vector<16xf32>
        %parallel_loop3A_311 = arith.addf %parallel_loop3A_308, %parallel_loop3A_310 : vector<16xf32>
        %parallel_loop3A_312 = vector.bitcast %parallel_loop3A_311 : vector<16xf32> to vector<16xi32>
        %parallel_loop3A_313 = arith.constant 255 : i32
        %parallel_loop3A_314 = vector.broadcast %parallel_loop3A_313 : i32 to vector<16xi32>
        %parallel_loop3A_315 = arith.andi %parallel_loop3A_312, %parallel_loop3A_314 : vector<16xi32>
        %parallel_loop3A_316 = arith.constant 0 : i32
        %parallel_loop3A_317 = tpu.memref_slice %arg6[%scan3A_100, %parallel_loop3A_316] : memref<1x256xf32, #tpu.memory_space<vmem>> -> memref<1x256xf32, #tpu.memory_space<vmem>>
        %parallel_loop3A_318 = tpu.memref_squeeze %parallel_loop3A_317 : memref<1x256xf32, #tpu.memory_space<vmem>> -> memref<256xf32, #tpu.memory_space<vmem>>
        %parallel_loop3A_319 = tpu.vector_load_idx %parallel_loop3A_318[%parallel_loop3A_315] : memref<256xf32, #tpu.memory_space<vmem>>[vector<16xi32>], vector<16xf32>,
        %parallel_loop3A_320 = arith.index_cast %parallel_loop3A_234 : i32 to index
        %parallel_loop3A_321 = arith.index_cast %parallel_loop3A_296 : i32 to index
        %parallel_loop3A_322 = tpu.vector_load %arg10[%parallel_loop3A_320, %parallel_loop3A_321] {strides = array<i32>} : memref<32x512xf32, #tpu.memory_space<vmem>>, vector<16xf32>,
        tpu.vector_store %arg10[%parallel_loop3A_320, %parallel_loop3A_321], %parallel_loop3A_319 {strides = array<i32>} : memref<32x512xf32, #tpu.memory_space<vmem>>, vector<16xf32>,
        %parallel_loop3A_323 = arith.constant 48 : i32
        %parallel_loop3A_324 = arith.addi %parallel_loop3A_238, %parallel_loop3A_323 : i32
        %parallel_loop3A_325 = arith.index_cast %parallel_loop3A_234 : i32 to index
        %parallel_loop3A_326 = arith.index_cast %parallel_loop3A_324 : i32 to index
        %parallel_loop3A_327 = tpu.vector_load %arg8[%parallel_loop3A_325, %parallel_loop3A_326] {strides = array<i32>} : memref<32x512xf32, #tpu.memory_space<vmem>>, vector<16xf32>,
        %parallel_loop3A_328 = arith.constant 5.000000e-01 : f32
        %parallel_loop3A_329 = vector.broadcast %parallel_loop3A_328 : f32 to vector<16xf32>
        %parallel_loop3A_330 = arith.mulf %parallel_loop3A_329, %parallel_loop3A_327 : vector<16xf32>
        %parallel_loop3A_331 = arith.constant 5.000000e-01 : f32
        %parallel_loop3A_332 = vector.broadcast %parallel_loop3A_331 : f32 to vector<16xf32>
        %parallel_loop3A_333 = arith.addf %parallel_loop3A_330, %parallel_loop3A_332 : vector<16xf32>
        %parallel_loop3A_334 = arith.constant 2.550000e+02 : f32
        %parallel_loop3A_335 = vector.broadcast %parallel_loop3A_334 : f32 to vector<16xf32>
        %parallel_loop3A_336 = arith.mulf %parallel_loop3A_335, %parallel_loop3A_333 : vector<16xf32>
        %parallel_loop3A_337 = arith.constant 0x4B000000 : f32
        %parallel_loop3A_338 = vector.broadcast %parallel_loop3A_337 : f32 to vector<16xf32>
        %parallel_loop3A_339 = arith.addf %parallel_loop3A_336, %parallel_loop3A_338 : vector<16xf32>
        %parallel_loop3A_340 = vector.bitcast %parallel_loop3A_339 : vector<16xf32> to vector<16xi32>
        %parallel_loop3A_341 = arith.constant 255 : i32
        %parallel_loop3A_342 = vector.broadcast %parallel_loop3A_341 : i32 to vector<16xi32>
        %parallel_loop3A_343 = arith.andi %parallel_loop3A_340, %parallel_loop3A_342 : vector<16xi32>
        %parallel_loop3A_344 = arith.constant 0 : i32
        %parallel_loop3A_345 = tpu.memref_slice %arg6[%scan3A_100, %parallel_loop3A_344] : memref<1x256xf32, #tpu.memory_space<vmem>> -> memref<1x256xf32, #tpu.memory_space<vmem>>
        %parallel_loop3A_346 = tpu.memref_squeeze %parallel_loop3A_345 : memref<1x256xf32, #tpu.memory_space<vmem>> -> memref<256xf32, #tpu.memory_space<vmem>>
        %parallel_loop3A_347 = tpu.vector_load_idx %parallel_loop3A_346[%parallel_loop3A_343] : memref<256xf32, #tpu.memory_space<vmem>>[vector<16xi32>], vector<16xf32>,
        %parallel_loop3A_348 = arith.index_cast %parallel_loop3A_234 : i32 to index
        %parallel_loop3A_349 = arith.index_cast %parallel_loop3A_324 : i32 to index
        %parallel_loop3A_350 = tpu.vector_load %arg10[%parallel_loop3A_348, %parallel_loop3A_349] {strides = array<i32>} : memref<32x512xf32, #tpu.memory_space<vmem>>, vector<16xf32>,
        tpu.vector_store %arg10[%parallel_loop3A_348, %parallel_loop3A_349], %parallel_loop3A_347 {strides = array<i32>} : memref<32x512xf32, #tpu.memory_space<vmem>>, vector<16xf32>,
        %parallel_loop3A_351 = arith.constant 64 : i32
        %parallel_loop3A_352 = arith.addi %parallel_loop3A_238, %parallel_loop3A_351 : i32
        %parallel_loop3A_353 = arith.index_cast %parallel_loop3A_234 : i32 to index
        %parallel_loop3A_354 = arith.index_cast %parallel_loop3A_352 : i32 to index
        %parallel_loop3A_355 = tpu.vector_load %arg8[%parallel_loop3A_353, %parallel_loop3A_354] {strides = array<i32>} : memref<32x512xf32, #tpu.memory_space<vmem>>, vector<16xf32>,
        %parallel_loop3A_356 = arith.constant 5.000000e-01 : f32
        %parallel_loop3A_357 = vector.broadcast %parallel_loop3A_356 : f32 to vector<16xf32>
        %parallel_loop3A_358 = arith.mulf %parallel_loop3A_357, %parallel_loop3A_355 : vector<16xf32>
        %parallel_loop3A_359 = arith.constant 5.000000e-01 : f32
        %parallel_loop3A_360 = vector.broadcast %parallel_loop3A_359 : f32 to vector<16xf32>
        %parallel_loop3A_361 = arith.addf %parallel_loop3A_358, %parallel_loop3A_360 : vector<16xf32>
        %parallel_loop3A_362 = arith.constant 2.550000e+02 : f32
        %parallel_loop3A_363 = vector.broadcast %parallel_loop3A_362 : f32 to vector<16xf32>
        %parallel_loop3A_364 = arith.mulf %parallel_loop3A_363, %parallel_loop3A_361 : vector<16xf32>
        %parallel_loop3A_365 = arith.constant 0x4B000000 : f32
        %parallel_loop3A_366 = vector.broadcast %parallel_loop3A_365 : f32 to vector<16xf32>
        %parallel_loop3A_367 = arith.addf %parallel_loop3A_364, %parallel_loop3A_366 : vector<16xf32>
        %parallel_loop3A_368 = vector.bitcast %parallel_loop3A_367 : vector<16xf32> to vector<16xi32>
        %parallel_loop3A_369 = arith.constant 255 : i32
        %parallel_loop3A_370 = vector.broadcast %parallel_loop3A_369 : i32 to vector<16xi32>
        %parallel_loop3A_371 = arith.andi %parallel_loop3A_368, %parallel_loop3A_370 : vector<16xi32>
        %parallel_loop3A_372 = arith.constant 0 : i32
        %parallel_loop3A_373 = tpu.memref_slice %arg6[%scan3A_100, %parallel_loop3A_372] : memref<1x256xf32, #tpu.memory_space<vmem>> -> memref<1x256xf32, #tpu.memory_space<vmem>>
        %parallel_loop3A_374 = tpu.memref_squeeze %parallel_loop3A_373 : memref<1x256xf32, #tpu.memory_space<vmem>> -> memref<256xf32, #tpu.memory_space<vmem>>
        %parallel_loop3A_375 = tpu.vector_load_idx %parallel_loop3A_374[%parallel_loop3A_371] : memref<256xf32, #tpu.memory_space<vmem>>[vector<16xi32>], vector<16xf32>,
        %parallel_loop3A_376 = arith.index_cast %parallel_loop3A_234 : i32 to index
        %parallel_loop3A_377 = arith.index_cast %parallel_loop3A_352 : i32 to index
        %parallel_loop3A_378 = tpu.vector_load %arg10[%parallel_loop3A_376, %parallel_loop3A_377] {strides = array<i32>} : memref<32x512xf32, #tpu.memory_space<vmem>>, vector<16xf32>,
        tpu.vector_store %arg10[%parallel_loop3A_376, %parallel_loop3A_377], %parallel_loop3A_375 {strides = array<i32>} : memref<32x512xf32, #tpu.memory_space<vmem>>, vector<16xf32>,
        %parallel_loop3A_379 = arith.constant 80 : i32
        %parallel_loop3A_380 = arith.addi %parallel_loop3A_238, %parallel_loop3A_379 : i32
        %parallel_loop3A_381 = arith.index_cast %parallel_loop3A_234 : i32 to index
        %parallel_loop3A_382 = arith.index_cast %parallel_loop3A_380 : i32 to index
        %parallel_loop3A_383 = tpu.vector_load %arg8[%parallel_loop3A_381, %parallel_loop3A_382] {strides = array<i32>} : memref<32x512xf32, #tpu.memory_space<vmem>>, vector<16xf32>,
        %parallel_loop3A_384 = arith.constant 5.000000e-01 : f32
        %parallel_loop3A_385 = vector.broadcast %parallel_loop3A_384 : f32 to vector<16xf32>
        %parallel_loop3A_386 = arith.mulf %parallel_loop3A_385, %parallel_loop3A_383 : vector<16xf32>
        %parallel_loop3A_387 = arith.constant 5.000000e-01 : f32
        %parallel_loop3A_388 = vector.broadcast %parallel_loop3A_387 : f32 to vector<16xf32>
        %parallel_loop3A_389 = arith.addf %parallel_loop3A_386, %parallel_loop3A_388 : vector<16xf32>
        %parallel_loop3A_390 = arith.constant 2.550000e+02 : f32
        %parallel_loop3A_391 = vector.broadcast %parallel_loop3A_390 : f32 to vector<16xf32>
        %parallel_loop3A_392 = arith.mulf %parallel_loop3A_391, %parallel_loop3A_389 : vector<16xf32>
        %parallel_loop3A_393 = arith.constant 0x4B000000 : f32
        %parallel_loop3A_394 = vector.broadcast %parallel_loop3A_393 : f32 to vector<16xf32>
        %parallel_loop3A_395 = arith.addf %parallel_loop3A_392, %parallel_loop3A_394 : vector<16xf32>
        %parallel_loop3A_396 = vector.bitcast %parallel_loop3A_395 : vector<16xf32> to vector<16xi32>
        %parallel_loop3A_397 = arith.constant 255 : i32
        %parallel_loop3A_398 = vector.broadcast %parallel_loop3A_397 : i32 to vector<16xi32>
        %parallel_loop3A_399 = arith.andi %parallel_loop3A_396, %parallel_loop3A_398 : vector<16xi32>
        %parallel_loop3A_400 = arith.constant 0 : i32
        %parallel_loop3A_401 = tpu.memref_slice %arg6[%scan3A_100, %parallel_loop3A_400] : memref<1x256xf32, #tpu.memory_space<vmem>> -> memref<1x256xf32, #tpu.memory_space<vmem>>
        %parallel_loop3A_402 = tpu.memref_squeeze %parallel_loop3A_401 : memref<1x256xf32, #tpu.memory_space<vmem>> -> memref<256xf32, #tpu.memory_space<vmem>>
        %parallel_loop3A_403 = tpu.vector_load_idx %parallel_loop3A_402[%parallel_loop3A_399] : memref<256xf32, #tpu.memory_space<vmem>>[vector<16xi32>], vector<16xf32>,
        %parallel_loop3A_404 = arith.index_cast %parallel_loop3A_234 : i32 to index
        %parallel_loop3A_405 = arith.index_cast %parallel_loop3A_380 : i32 to index
        %parallel_loop3A_406 = tpu.vector_load %arg10[%parallel_loop3A_404, %parallel_loop3A_405] {strides = array<i32>} : memref<32x512xf32, #tpu.memory_space<vmem>>, vector<16xf32>,
        tpu.vector_store %arg10[%parallel_loop3A_404, %parallel_loop3A_405], %parallel_loop3A_403 {strides = array<i32>} : memref<32x512xf32, #tpu.memory_space<vmem>>, vector<16xf32>,
        %parallel_loop3A_407 = arith.constant 96 : i32
        %parallel_loop3A_408 = arith.addi %parallel_loop3A_238, %parallel_loop3A_407 : i32
        %parallel_loop3A_409 = arith.index_cast %parallel_loop3A_234 : i32 to index
        %parallel_loop3A_410 = arith.index_cast %parallel_loop3A_408 : i32 to index
        %parallel_loop3A_411 = tpu.vector_load %arg8[%parallel_loop3A_409, %parallel_loop3A_410] {strides = array<i32>} : memref<32x512xf32, #tpu.memory_space<vmem>>, vector<16xf32>,
        %parallel_loop3A_412 = arith.constant 5.000000e-01 : f32
        %parallel_loop3A_413 = vector.broadcast %parallel_loop3A_412 : f32 to vector<16xf32>
        %parallel_loop3A_414 = arith.mulf %parallel_loop3A_413, %parallel_loop3A_411 : vector<16xf32>
        %parallel_loop3A_415 = arith.constant 5.000000e-01 : f32
        %parallel_loop3A_416 = vector.broadcast %parallel_loop3A_415 : f32 to vector<16xf32>
        %parallel_loop3A_417 = arith.addf %parallel_loop3A_414, %parallel_loop3A_416 : vector<16xf32>
        %parallel_loop3A_418 = arith.constant 2.550000e+02 : f32
        %parallel_loop3A_419 = vector.broadcast %parallel_loop3A_418 : f32 to vector<16xf32>
        %parallel_loop3A_420 = arith.mulf %parallel_loop3A_419, %parallel_loop3A_417 : vector<16xf32>
        %parallel_loop3A_421 = arith.constant 0x4B000000 : f32
        %parallel_loop3A_422 = vector.broadcast %parallel_loop3A_421 : f32 to vector<16xf32>
        %parallel_loop3A_423 = arith.addf %parallel_loop3A_420, %parallel_loop3A_422 : vector<16xf32>
        %parallel_loop3A_424 = vector.bitcast %parallel_loop3A_423 : vector<16xf32> to vector<16xi32>
        %parallel_loop3A_425 = arith.constant 255 : i32
        %parallel_loop3A_426 = vector.broadcast %parallel_loop3A_425 : i32 to vector<16xi32>
        %parallel_loop3A_427 = arith.andi %parallel_loop3A_424, %parallel_loop3A_426 : vector<16xi32>
        %parallel_loop3A_428 = arith.constant 0 : i32
        %parallel_loop3A_429 = tpu.memref_slice %arg6[%scan3A_100, %parallel_loop3A_428] : memref<1x256xf32, #tpu.memory_space<vmem>> -> memref<1x256xf32, #tpu.memory_space<vmem>>
        %parallel_loop3A_430 = tpu.memref_squeeze %parallel_loop3A_429 : memref<1x256xf32, #tpu.memory_space<vmem>> -> memref<256xf32, #tpu.memory_space<vmem>>
        %parallel_loop3A_431 = tpu.vector_load_idx %parallel_loop3A_430[%parallel_loop3A_427] : memref<256xf32, #tpu.memory_space<vmem>>[vector<16xi32>], vector<16xf32>,
        %parallel_loop3A_432 = arith.index_cast %parallel_loop3A_234 : i32 to index
        %parallel_loop3A_433 = arith.index_cast %parallel_loop3A_408 : i32 to index
        %parallel_loop3A_434 = tpu.vector_load %arg10[%parallel_loop3A_432, %parallel_loop3A_433] {strides = array<i32>} : memref<32x512xf32, #tpu.memory_space<vmem>>, vector<16xf32>,
        tpu.vector_store %arg10[%parallel_loop3A_432, %parallel_loop3A_433], %parallel_loop3A_431 {strides = array<i32>} : memref<32x512xf32, #tpu.memory_space<vmem>>, vector<16xf32>,
        %parallel_loop3A_435 = arith.constant 112 : i32
        %parallel_loop3A_436 = arith.addi %parallel_loop3A_238, %parallel_loop3A_435 : i32
        %parallel_loop3A_437 = arith.index_cast %parallel_loop3A_234 : i32 to index
        %parallel_loop3A_438 = arith.index_cast %parallel_loop3A_436 : i32 to index
        %parallel_loop3A_439 = tpu.vector_load %arg8[%parallel_loop3A_437, %parallel_loop3A_438] {strides = array<i32>} : memref<32x512xf32, #tpu.memory_space<vmem>>, vector<16xf32>,
        %parallel_loop3A_440 = arith.constant 5.000000e-01 : f32
        %parallel_loop3A_441 = vector.broadcast %parallel_loop3A_440 : f32 to vector<16xf32>
        %parallel_loop3A_442 = arith.mulf %parallel_loop3A_441, %parallel_loop3A_439 : vector<16xf32>
        %parallel_loop3A_443 = arith.constant 5.000000e-01 : f32
        %parallel_loop3A_444 = vector.broadcast %parallel_loop3A_443 : f32 to vector<16xf32>
        %parallel_loop3A_445 = arith.addf %parallel_loop3A_442, %parallel_loop3A_444 : vector<16xf32>
        %parallel_loop3A_446 = arith.constant 2.550000e+02 : f32
        %parallel_loop3A_447 = vector.broadcast %parallel_loop3A_446 : f32 to vector<16xf32>
        %parallel_loop3A_448 = arith.mulf %parallel_loop3A_447, %parallel_loop3A_445 : vector<16xf32>
        %parallel_loop3A_449 = arith.constant 0x4B000000 : f32
        %parallel_loop3A_450 = vector.broadcast %parallel_loop3A_449 : f32 to vector<16xf32>
        %parallel_loop3A_451 = arith.addf %parallel_loop3A_448, %parallel_loop3A_450 : vector<16xf32>
        %parallel_loop3A_452 = vector.bitcast %parallel_loop3A_451 : vector<16xf32> to vector<16xi32>
        %parallel_loop3A_453 = arith.constant 255 : i32
        %parallel_loop3A_454 = vector.broadcast %parallel_loop3A_453 : i32 to vector<16xi32>
        %parallel_loop3A_455 = arith.andi %parallel_loop3A_452, %parallel_loop3A_454 : vector<16xi32>
        %parallel_loop3A_456 = arith.constant 0 : i32
        %parallel_loop3A_457 = tpu.memref_slice %arg6[%scan3A_100, %parallel_loop3A_456] : memref<1x256xf32, #tpu.memory_space<vmem>> -> memref<1x256xf32, #tpu.memory_space<vmem>>
        %parallel_loop3A_458 = tpu.memref_squeeze %parallel_loop3A_457 : memref<1x256xf32, #tpu.memory_space<vmem>> -> memref<256xf32, #tpu.memory_space<vmem>>
        %parallel_loop3A_459 = tpu.vector_load_idx %parallel_loop3A_458[%parallel_loop3A_455] : memref<256xf32, #tpu.memory_space<vmem>>[vector<16xi32>], vector<16xf32>,
        %parallel_loop3A_460 = arith.index_cast %parallel_loop3A_234 : i32 to index
        %parallel_loop3A_461 = arith.index_cast %parallel_loop3A_436 : i32 to index
        %parallel_loop3A_462 = tpu.vector_load %arg10[%parallel_loop3A_460, %parallel_loop3A_461] {strides = array<i32>} : memref<32x512xf32, #tpu.memory_space<vmem>>, vector<16xf32>,
        tpu.vector_store %arg10[%parallel_loop3A_460, %parallel_loop3A_461], %parallel_loop3A_459 {strides = array<i32>} : memref<32x512xf32, #tpu.memory_space<vmem>>, vector<16xf32>,
      } {sc.loop_unroll_factor = 1 : i64, sc.parallel_access}
      %mul3A_184 = arith.constant 32 : i32
      %mul3A_185 = arith.muli %add3A_170, %mul3A_184 : i32
      %dma_start3A_186 = arith.constant 1 : i32
      %dma_start3A_187 = arith.constant 0 : i32
      %dma_start3A_188 = tpu.memref_slice %arg4[%add3A, %dma_start3A_186, %mul3A_185, %dma_start3A_187] : memref<32x3x512x512xf32, #tpu.memory_space<hbm>> -> memref<1x1x32x512xf32, #tpu.memory_space<hbm>>
      %dma_start3A_189 = tpu.memref_squeeze %dma_start3A_188 : memref<1x1x32x512xf32, #tpu.memory_space<hbm>> -> memref<32x512xf32, #tpu.memory_space<hbm>>
      %dma_start3A_190 = arith.constant 0 : i32
      %dma_start3A_191 = tpu.memref_slice %arg4[%add3A, %dma_start3A_186, %mul3A_185, %dma_start3A_190] : memref<32x3x512x512xf32, #tpu.memory_space<hbm>> -> memref<1x1x32x512xf32, #tpu.memory_space<hbm>>
      %dma_start3A_192 = tpu.memref_squeeze %dma_start3A_191 : memref<1x1x32x512xf32, #tpu.memory_space<hbm>> -> memref<32x512xf32, #tpu.memory_space<hbm>>
      tpu.enqueue_dma source(%arg10 : memref<32x512xf32, #tpu.memory_space<vmem>>) target(%dma_start3A_192 : memref<32x512xf32, #tpu.memory_space<hbm>>) target_semaphore(%arg14 : memref<!tpu.dma_semaphore, #tpu.memory_space<semaphore_mem>>)
      %le3A = arith.constant 6 : i32
      %le3A_193 = arith.cmpi sle, %scan3A_166, %le3A : i32
      %convert_element_type3A_194 = arith.extui %le3A_193 : i1 to i32
      %cond3A_195 = arith.constant 0 : i32
      %cond3A_196 = arith.cmpi ne, %convert_element_type3A_194, %cond3A_195 : i32
      scf.if %cond3A_196 {
        %add3A_232 = arith.constant 2 : i32
        %add3A_233 = arith.addi %add3A_170, %add3A_232 : i32
        %mul3A_234 = arith.constant 32 : i32
        %mul3A_235 = arith.muli %add3A_233, %mul3A_234 : i32
        %dma_start3A_236 = arith.constant 1 : i32
        %dma_start3A_237 = arith.constant 0 : i32
        %dma_start3A_238 = tpu.memref_slice %arg2[%add3A, %dma_start3A_236, %mul3A_235, %dma_start3A_237] : memref<32x3x512x512xf32, #tpu.memory_space<hbm>> -> memref<1x1x32x512xf32, #tpu.memory_space<hbm>>
        %dma_start3A_239 = tpu.memref_squeeze %dma_start3A_238 : memref<1x1x32x512xf32, #tpu.memory_space<hbm>> -> memref<32x512xf32, #tpu.memory_space<hbm>>
        %dma_start3A_240 = arith.constant 0 : i32
        %dma_start3A_241 = tpu.memref_slice %arg2[%add3A, %dma_start3A_236, %mul3A_235, %dma_start3A_240] : memref<32x3x512x512xf32, #tpu.memory_space<hbm>> -> memref<1x1x32x512xf32, #tpu.memory_space<hbm>>
        %dma_start3A_242 = tpu.memref_squeeze %dma_start3A_241 : memref<1x1x32x512xf32, #tpu.memory_space<hbm>> -> memref<32x512xf32, #tpu.memory_space<hbm>>
        tpu.enqueue_dma source(%dma_start3A_242 : memref<32x512xf32, #tpu.memory_space<hbm>>) target(%arg8 : memref<32x512xf32, #tpu.memory_space<vmem>>) target_semaphore(%arg12 : memref<!tpu.dma_semaphore, #tpu.memory_space<semaphore_mem>>)
      } else {
      }
      %mul3A_197 = arith.constant 2 : i32
      %mul3A_198 = arith.muli %scan3A_166, %mul3A_197 : i32
      %add3A_199 = arith.constant 1 : i32
      %add3A_200 = arith.addi %mul3A_198, %add3A_199 : i32
      %mul3A_201 = arith.constant 32 : i32
      %mul3A_202 = arith.muli %add3A_200, %mul3A_201 : i32
      %dma_wait3A_203 = arith.constant 1 : i32
      %dma_wait3A_204 = arith.constant 0 : i32
      %dma_wait3A_205 = tpu.memref_slice %arg2[%add3A, %dma_wait3A_203, %mul3A_202, %dma_wait3A_204] : memref<32x3x512x512xf32, #tpu.memory_space<hbm>> -> memref<1x1x32x512xf32, #tpu.memory_space<hbm>>
      %dma_wait3A_206 = tpu.memref_squeeze %dma_wait3A_205 : memref<1x1x32x512xf32, #tpu.memory_space<hbm>> -> memref<32x512xf32, #tpu.memory_space<hbm>>
      %dma_wait3A_207 = arith.constant 0 : i32
      %dma_wait3A_208 = tpu.memref_slice %arg2[%add3A, %dma_wait3A_203, %mul3A_202, %dma_wait3A_207] : memref<32x3x512x512xf32, #tpu.memory_space<hbm>> -> memref<1x1x32x512xf32, #tpu.memory_space<hbm>>
      %dma_wait3A_209 = tpu.memref_squeeze %dma_wait3A_208 : memref<1x1x32x512xf32, #tpu.memory_space<hbm>> -> memref<32x512xf32, #tpu.memory_space<hbm>>
      tpu.wait_dma2 semaphore(%arg13 : memref<!tpu.dma_semaphore, #tpu.memory_space<semaphore_mem>>) src(%dma_wait3A_209 : memref<32x512xf32, #tpu.memory_space<hbm>>) dst(%arg9 : memref<32x512xf32, #tpu.memory_space<vmem>>)
      %ge3A_210 = arith.constant 1 : i32
      %ge3A_211 = arith.cmpi sge, %scan3A_166, %ge3A_210 : i32
      %convert_element_type3A_212 = arith.extui %ge3A_211 : i1 to i32
      %cond3A_213 = arith.constant 0 : i32
      %cond3A_214 = arith.cmpi ne, %convert_element_type3A_212, %cond3A_213 : i32
      scf.if %cond3A_214 {
        %sub3A = arith.constant 2 : i32
        %sub3A_232 = arith.subi %add3A_200, %sub3A : i32
        %mul3A_233 = arith.constant 32 : i32
        %mul3A_234 = arith.muli %sub3A_232, %mul3A_233 : i32
        %dma_wait3A_235 = arith.constant 1 : i32
        %dma_wait3A_236 = arith.constant 0 : i32
        %dma_wait3A_237 = tpu.memref_slice %arg4[%add3A, %dma_wait3A_235, %mul3A_234, %dma_wait3A_236] : memref<32x3x512x512xf32, #tpu.memory_space<hbm>> -> memref<1x1x32x512xf32, #tpu.memory_space<hbm>>
        %dma_wait3A_238 = tpu.memref_squeeze %dma_wait3A_237 : memref<1x1x32x512xf32, #tpu.memory_space<hbm>> -> memref<32x512xf32, #tpu.memory_space<hbm>>
        %dma_wait3A_239 = arith.constant 0 : i32
        %dma_wait3A_240 = tpu.memref_slice %arg4[%add3A, %dma_wait3A_235, %mul3A_234, %dma_wait3A_239] : memref<32x3x512x512xf32, #tpu.memory_space<hbm>> -> memref<1x1x32x512xf32, #tpu.memory_space<hbm>>
        %dma_wait3A_241 = tpu.memref_squeeze %dma_wait3A_240 : memref<1x1x32x512xf32, #tpu.memory_space<hbm>> -> memref<32x512xf32, #tpu.memory_space<hbm>>
        tpu.wait_dma2 semaphore(%arg15 : memref<!tpu.dma_semaphore, #tpu.memory_space<semaphore_mem>>) src(%arg11 : memref<32x512xf32, #tpu.memory_space<vmem>>) dst(%dma_wait3A_241 : memref<32x512xf32, #tpu.memory_space<hbm>>)
      } else {
      }
      %parallel_loop3A_215 = arith.constant 0 : i32
      %parallel_loop3A_216 = arith.constant 128 : i32
      %parallel_loop3A_217 = arith.constant 1 : i32
      scf.for %parallel_loop3A_232 = %parallel_loop3A_215 to %parallel_loop3A_216 step %parallel_loop3A_217  : i32 {
        %parallel_loop3A_233 = arith.constant 2 : i32
        %parallel_loop3A_234 = arith.shrsi %parallel_loop3A_232, %parallel_loop3A_233 : i32
        %parallel_loop3A_235 = arith.constant 3 : i32
        %parallel_loop3A_236 = arith.andi %parallel_loop3A_232, %parallel_loop3A_235 : i32
        %parallel_loop3A_237 = arith.constant 7 : i32
        %parallel_loop3A_238 = arith.shli %parallel_loop3A_236, %parallel_loop3A_237 : i32
        %parallel_loop3A_239 = arith.constant 0 : i32
        %parallel_loop3A_240 = arith.addi %parallel_loop3A_238, %parallel_loop3A_239 : i32
        %parallel_loop3A_241 = arith.index_cast %parallel_loop3A_234 : i32 to index
        %parallel_loop3A_242 = arith.index_cast %parallel_loop3A_240 : i32 to index
        %parallel_loop3A_243 = tpu.vector_load %arg9[%parallel_loop3A_241, %parallel_loop3A_242] {strides = array<i32>} : memref<32x512xf32, #tpu.memory_space<vmem>>, vector<16xf32>,
        %parallel_loop3A_244 = arith.constant 5.000000e-01 : f32
        %parallel_loop3A_245 = vector.broadcast %parallel_loop3A_244 : f32 to vector<16xf32>
        %parallel_loop3A_246 = arith.mulf %parallel_loop3A_245, %parallel_loop3A_243 : vector<16xf32>
        %parallel_loop3A_247 = arith.constant 5.000000e-01 : f32
        %parallel_loop3A_248 = vector.broadcast %parallel_loop3A_247 : f32 to vector<16xf32>
        %parallel_loop3A_249 = arith.addf %parallel_loop3A_246, %parallel_loop3A_248 : vector<16xf32>
        %parallel_loop3A_250 = arith.constant 2.550000e+02 : f32
        %parallel_loop3A_251 = vector.broadcast %parallel_loop3A_250 : f32 to vector<16xf32>
        %parallel_loop3A_252 = arith.mulf %parallel_loop3A_251, %parallel_loop3A_249 : vector<16xf32>
        %parallel_loop3A_253 = arith.constant 0x4B000000 : f32
        %parallel_loop3A_254 = vector.broadcast %parallel_loop3A_253 : f32 to vector<16xf32>
        %parallel_loop3A_255 = arith.addf %parallel_loop3A_252, %parallel_loop3A_254 : vector<16xf32>
        %parallel_loop3A_256 = vector.bitcast %parallel_loop3A_255 : vector<16xf32> to vector<16xi32>
        %parallel_loop3A_257 = arith.constant 255 : i32
        %parallel_loop3A_258 = vector.broadcast %parallel_loop3A_257 : i32 to vector<16xi32>
        %parallel_loop3A_259 = arith.andi %parallel_loop3A_256, %parallel_loop3A_258 : vector<16xi32>
        %parallel_loop3A_260 = arith.constant 0 : i32
        %parallel_loop3A_261 = tpu.memref_slice %arg6[%scan3A_100, %parallel_loop3A_260] : memref<1x256xf32, #tpu.memory_space<vmem>> -> memref<1x256xf32, #tpu.memory_space<vmem>>
        %parallel_loop3A_262 = tpu.memref_squeeze %parallel_loop3A_261 : memref<1x256xf32, #tpu.memory_space<vmem>> -> memref<256xf32, #tpu.memory_space<vmem>>
        %parallel_loop3A_263 = tpu.vector_load_idx %parallel_loop3A_262[%parallel_loop3A_259] : memref<256xf32, #tpu.memory_space<vmem>>[vector<16xi32>], vector<16xf32>,
        %parallel_loop3A_264 = arith.index_cast %parallel_loop3A_234 : i32 to index
        %parallel_loop3A_265 = arith.index_cast %parallel_loop3A_240 : i32 to index
        %parallel_loop3A_266 = tpu.vector_load %arg11[%parallel_loop3A_264, %parallel_loop3A_265] {strides = array<i32>} : memref<32x512xf32, #tpu.memory_space<vmem>>, vector<16xf32>,
        tpu.vector_store %arg11[%parallel_loop3A_264, %parallel_loop3A_265], %parallel_loop3A_263 {strides = array<i32>} : memref<32x512xf32, #tpu.memory_space<vmem>>, vector<16xf32>,
        %parallel_loop3A_267 = arith.constant 16 : i32
        %parallel_loop3A_268 = arith.addi %parallel_loop3A_238, %parallel_loop3A_267 : i32
        %parallel_loop3A_269 = arith.index_cast %parallel_loop3A_234 : i32 to index
        %parallel_loop3A_270 = arith.index_cast %parallel_loop3A_268 : i32 to index
        %parallel_loop3A_271 = tpu.vector_load %arg9[%parallel_loop3A_269, %parallel_loop3A_270] {strides = array<i32>} : memref<32x512xf32, #tpu.memory_space<vmem>>, vector<16xf32>,
        %parallel_loop3A_272 = arith.constant 5.000000e-01 : f32
        %parallel_loop3A_273 = vector.broadcast %parallel_loop3A_272 : f32 to vector<16xf32>
        %parallel_loop3A_274 = arith.mulf %parallel_loop3A_273, %parallel_loop3A_271 : vector<16xf32>
        %parallel_loop3A_275 = arith.constant 5.000000e-01 : f32
        %parallel_loop3A_276 = vector.broadcast %parallel_loop3A_275 : f32 to vector<16xf32>
        %parallel_loop3A_277 = arith.addf %parallel_loop3A_274, %parallel_loop3A_276 : vector<16xf32>
        %parallel_loop3A_278 = arith.constant 2.550000e+02 : f32
        %parallel_loop3A_279 = vector.broadcast %parallel_loop3A_278 : f32 to vector<16xf32>
        %parallel_loop3A_280 = arith.mulf %parallel_loop3A_279, %parallel_loop3A_277 : vector<16xf32>
        %parallel_loop3A_281 = arith.constant 0x4B000000 : f32
        %parallel_loop3A_282 = vector.broadcast %parallel_loop3A_281 : f32 to vector<16xf32>
        %parallel_loop3A_283 = arith.addf %parallel_loop3A_280, %parallel_loop3A_282 : vector<16xf32>
        %parallel_loop3A_284 = vector.bitcast %parallel_loop3A_283 : vector<16xf32> to vector<16xi32>
        %parallel_loop3A_285 = arith.constant 255 : i32
        %parallel_loop3A_286 = vector.broadcast %parallel_loop3A_285 : i32 to vector<16xi32>
        %parallel_loop3A_287 = arith.andi %parallel_loop3A_284, %parallel_loop3A_286 : vector<16xi32>
        %parallel_loop3A_288 = arith.constant 0 : i32
        %parallel_loop3A_289 = tpu.memref_slice %arg6[%scan3A_100, %parallel_loop3A_288] : memref<1x256xf32, #tpu.memory_space<vmem>> -> memref<1x256xf32, #tpu.memory_space<vmem>>
        %parallel_loop3A_290 = tpu.memref_squeeze %parallel_loop3A_289 : memref<1x256xf32, #tpu.memory_space<vmem>> -> memref<256xf32, #tpu.memory_space<vmem>>
        %parallel_loop3A_291 = tpu.vector_load_idx %parallel_loop3A_290[%parallel_loop3A_287] : memref<256xf32, #tpu.memory_space<vmem>>[vector<16xi32>], vector<16xf32>,
        %parallel_loop3A_292 = arith.index_cast %parallel_loop3A_234 : i32 to index
        %parallel_loop3A_293 = arith.index_cast %parallel_loop3A_268 : i32 to index
        %parallel_loop3A_294 = tpu.vector_load %arg11[%parallel_loop3A_292, %parallel_loop3A_293] {strides = array<i32>} : memref<32x512xf32, #tpu.memory_space<vmem>>, vector<16xf32>,
        tpu.vector_store %arg11[%parallel_loop3A_292, %parallel_loop3A_293], %parallel_loop3A_291 {strides = array<i32>} : memref<32x512xf32, #tpu.memory_space<vmem>>, vector<16xf32>,
        %parallel_loop3A_295 = arith.constant 32 : i32
        %parallel_loop3A_296 = arith.addi %parallel_loop3A_238, %parallel_loop3A_295 : i32
        %parallel_loop3A_297 = arith.index_cast %parallel_loop3A_234 : i32 to index
        %parallel_loop3A_298 = arith.index_cast %parallel_loop3A_296 : i32 to index
        %parallel_loop3A_299 = tpu.vector_load %arg9[%parallel_loop3A_297, %parallel_loop3A_298] {strides = array<i32>} : memref<32x512xf32, #tpu.memory_space<vmem>>, vector<16xf32>,
        %parallel_loop3A_300 = arith.constant 5.000000e-01 : f32
        %parallel_loop3A_301 = vector.broadcast %parallel_loop3A_300 : f32 to vector<16xf32>
        %parallel_loop3A_302 = arith.mulf %parallel_loop3A_301, %parallel_loop3A_299 : vector<16xf32>
        %parallel_loop3A_303 = arith.constant 5.000000e-01 : f32
        %parallel_loop3A_304 = vector.broadcast %parallel_loop3A_303 : f32 to vector<16xf32>
        %parallel_loop3A_305 = arith.addf %parallel_loop3A_302, %parallel_loop3A_304 : vector<16xf32>
        %parallel_loop3A_306 = arith.constant 2.550000e+02 : f32
        %parallel_loop3A_307 = vector.broadcast %parallel_loop3A_306 : f32 to vector<16xf32>
        %parallel_loop3A_308 = arith.mulf %parallel_loop3A_307, %parallel_loop3A_305 : vector<16xf32>
        %parallel_loop3A_309 = arith.constant 0x4B000000 : f32
        %parallel_loop3A_310 = vector.broadcast %parallel_loop3A_309 : f32 to vector<16xf32>
        %parallel_loop3A_311 = arith.addf %parallel_loop3A_308, %parallel_loop3A_310 : vector<16xf32>
        %parallel_loop3A_312 = vector.bitcast %parallel_loop3A_311 : vector<16xf32> to vector<16xi32>
        %parallel_loop3A_313 = arith.constant 255 : i32
        %parallel_loop3A_314 = vector.broadcast %parallel_loop3A_313 : i32 to vector<16xi32>
        %parallel_loop3A_315 = arith.andi %parallel_loop3A_312, %parallel_loop3A_314 : vector<16xi32>
        %parallel_loop3A_316 = arith.constant 0 : i32
        %parallel_loop3A_317 = tpu.memref_slice %arg6[%scan3A_100, %parallel_loop3A_316] : memref<1x256xf32, #tpu.memory_space<vmem>> -> memref<1x256xf32, #tpu.memory_space<vmem>>
        %parallel_loop3A_318 = tpu.memref_squeeze %parallel_loop3A_317 : memref<1x256xf32, #tpu.memory_space<vmem>> -> memref<256xf32, #tpu.memory_space<vmem>>
        %parallel_loop3A_319 = tpu.vector_load_idx %parallel_loop3A_318[%parallel_loop3A_315] : memref<256xf32, #tpu.memory_space<vmem>>[vector<16xi32>], vector<16xf32>,
        %parallel_loop3A_320 = arith.index_cast %parallel_loop3A_234 : i32 to index
        %parallel_loop3A_321 = arith.index_cast %parallel_loop3A_296 : i32 to index
        %parallel_loop3A_322 = tpu.vector_load %arg11[%parallel_loop3A_320, %parallel_loop3A_321] {strides = array<i32>} : memref<32x512xf32, #tpu.memory_space<vmem>>, vector<16xf32>,
        tpu.vector_store %arg11[%parallel_loop3A_320, %parallel_loop3A_321], %parallel_loop3A_319 {strides = array<i32>} : memref<32x512xf32, #tpu.memory_space<vmem>>, vector<16xf32>,
        %parallel_loop3A_323 = arith.constant 48 : i32
        %parallel_loop3A_324 = arith.addi %parallel_loop3A_238, %parallel_loop3A_323 : i32
        %parallel_loop3A_325 = arith.index_cast %parallel_loop3A_234 : i32 to index
        %parallel_loop3A_326 = arith.index_cast %parallel_loop3A_324 : i32 to index
        %parallel_loop3A_327 = tpu.vector_load %arg9[%parallel_loop3A_325, %parallel_loop3A_326] {strides = array<i32>} : memref<32x512xf32, #tpu.memory_space<vmem>>, vector<16xf32>,
        %parallel_loop3A_328 = arith.constant 5.000000e-01 : f32
        %parallel_loop3A_329 = vector.broadcast %parallel_loop3A_328 : f32 to vector<16xf32>
        %parallel_loop3A_330 = arith.mulf %parallel_loop3A_329, %parallel_loop3A_327 : vector<16xf32>
        %parallel_loop3A_331 = arith.constant 5.000000e-01 : f32
        %parallel_loop3A_332 = vector.broadcast %parallel_loop3A_331 : f32 to vector<16xf32>
        %parallel_loop3A_333 = arith.addf %parallel_loop3A_330, %parallel_loop3A_332 : vector<16xf32>
        %parallel_loop3A_334 = arith.constant 2.550000e+02 : f32
        %parallel_loop3A_335 = vector.broadcast %parallel_loop3A_334 : f32 to vector<16xf32>
        %parallel_loop3A_336 = arith.mulf %parallel_loop3A_335, %parallel_loop3A_333 : vector<16xf32>
        %parallel_loop3A_337 = arith.constant 0x4B000000 : f32
        %parallel_loop3A_338 = vector.broadcast %parallel_loop3A_337 : f32 to vector<16xf32>
        %parallel_loop3A_339 = arith.addf %parallel_loop3A_336, %parallel_loop3A_338 : vector<16xf32>
        %parallel_loop3A_340 = vector.bitcast %parallel_loop3A_339 : vector<16xf32> to vector<16xi32>
        %parallel_loop3A_341 = arith.constant 255 : i32
        %parallel_loop3A_342 = vector.broadcast %parallel_loop3A_341 : i32 to vector<16xi32>
        %parallel_loop3A_343 = arith.andi %parallel_loop3A_340, %parallel_loop3A_342 : vector<16xi32>
        %parallel_loop3A_344 = arith.constant 0 : i32
        %parallel_loop3A_345 = tpu.memref_slice %arg6[%scan3A_100, %parallel_loop3A_344] : memref<1x256xf32, #tpu.memory_space<vmem>> -> memref<1x256xf32, #tpu.memory_space<vmem>>
        %parallel_loop3A_346 = tpu.memref_squeeze %parallel_loop3A_345 : memref<1x256xf32, #tpu.memory_space<vmem>> -> memref<256xf32, #tpu.memory_space<vmem>>
        %parallel_loop3A_347 = tpu.vector_load_idx %parallel_loop3A_346[%parallel_loop3A_343] : memref<256xf32, #tpu.memory_space<vmem>>[vector<16xi32>], vector<16xf32>,
        %parallel_loop3A_348 = arith.index_cast %parallel_loop3A_234 : i32 to index
        %parallel_loop3A_349 = arith.index_cast %parallel_loop3A_324 : i32 to index
        %parallel_loop3A_350 = tpu.vector_load %arg11[%parallel_loop3A_348, %parallel_loop3A_349] {strides = array<i32>} : memref<32x512xf32, #tpu.memory_space<vmem>>, vector<16xf32>,
        tpu.vector_store %arg11[%parallel_loop3A_348, %parallel_loop3A_349], %parallel_loop3A_347 {strides = array<i32>} : memref<32x512xf32, #tpu.memory_space<vmem>>, vector<16xf32>,
        %parallel_loop3A_351 = arith.constant 64 : i32
        %parallel_loop3A_352 = arith.addi %parallel_loop3A_238, %parallel_loop3A_351 : i32
        %parallel_loop3A_353 = arith.index_cast %parallel_loop3A_234 : i32 to index
        %parallel_loop3A_354 = arith.index_cast %parallel_loop3A_352 : i32 to index
        %parallel_loop3A_355 = tpu.vector_load %arg9[%parallel_loop3A_353, %parallel_loop3A_354] {strides = array<i32>} : memref<32x512xf32, #tpu.memory_space<vmem>>, vector<16xf32>,
        %parallel_loop3A_356 = arith.constant 5.000000e-01 : f32
        %parallel_loop3A_357 = vector.broadcast %parallel_loop3A_356 : f32 to vector<16xf32>
        %parallel_loop3A_358 = arith.mulf %parallel_loop3A_357, %parallel_loop3A_355 : vector<16xf32>
        %parallel_loop3A_359 = arith.constant 5.000000e-01 : f32
        %parallel_loop3A_360 = vector.broadcast %parallel_loop3A_359 : f32 to vector<16xf32>
        %parallel_loop3A_361 = arith.addf %parallel_loop3A_358, %parallel_loop3A_360 : vector<16xf32>
        %parallel_loop3A_362 = arith.constant 2.550000e+02 : f32
        %parallel_loop3A_363 = vector.broadcast %parallel_loop3A_362 : f32 to vector<16xf32>
        %parallel_loop3A_364 = arith.mulf %parallel_loop3A_363, %parallel_loop3A_361 : vector<16xf32>
        %parallel_loop3A_365 = arith.constant 0x4B000000 : f32
        %parallel_loop3A_366 = vector.broadcast %parallel_loop3A_365 : f32 to vector<16xf32>
        %parallel_loop3A_367 = arith.addf %parallel_loop3A_364, %parallel_loop3A_366 : vector<16xf32>
        %parallel_loop3A_368 = vector.bitcast %parallel_loop3A_367 : vector<16xf32> to vector<16xi32>
        %parallel_loop3A_369 = arith.constant 255 : i32
        %parallel_loop3A_370 = vector.broadcast %parallel_loop3A_369 : i32 to vector<16xi32>
        %parallel_loop3A_371 = arith.andi %parallel_loop3A_368, %parallel_loop3A_370 : vector<16xi32>
        %parallel_loop3A_372 = arith.constant 0 : i32
        %parallel_loop3A_373 = tpu.memref_slice %arg6[%scan3A_100, %parallel_loop3A_372] : memref<1x256xf32, #tpu.memory_space<vmem>> -> memref<1x256xf32, #tpu.memory_space<vmem>>
        %parallel_loop3A_374 = tpu.memref_squeeze %parallel_loop3A_373 : memref<1x256xf32, #tpu.memory_space<vmem>> -> memref<256xf32, #tpu.memory_space<vmem>>
        %parallel_loop3A_375 = tpu.vector_load_idx %parallel_loop3A_374[%parallel_loop3A_371] : memref<256xf32, #tpu.memory_space<vmem>>[vector<16xi32>], vector<16xf32>,
        %parallel_loop3A_376 = arith.index_cast %parallel_loop3A_234 : i32 to index
        %parallel_loop3A_377 = arith.index_cast %parallel_loop3A_352 : i32 to index
        %parallel_loop3A_378 = tpu.vector_load %arg11[%parallel_loop3A_376, %parallel_loop3A_377] {strides = array<i32>} : memref<32x512xf32, #tpu.memory_space<vmem>>, vector<16xf32>,
        tpu.vector_store %arg11[%parallel_loop3A_376, %parallel_loop3A_377], %parallel_loop3A_375 {strides = array<i32>} : memref<32x512xf32, #tpu.memory_space<vmem>>, vector<16xf32>,
        %parallel_loop3A_379 = arith.constant 80 : i32
        %parallel_loop3A_380 = arith.addi %parallel_loop3A_238, %parallel_loop3A_379 : i32
        %parallel_loop3A_381 = arith.index_cast %parallel_loop3A_234 : i32 to index
        %parallel_loop3A_382 = arith.index_cast %parallel_loop3A_380 : i32 to index
        %parallel_loop3A_383 = tpu.vector_load %arg9[%parallel_loop3A_381, %parallel_loop3A_382] {strides = array<i32>} : memref<32x512xf32, #tpu.memory_space<vmem>>, vector<16xf32>,
        %parallel_loop3A_384 = arith.constant 5.000000e-01 : f32
        %parallel_loop3A_385 = vector.broadcast %parallel_loop3A_384 : f32 to vector<16xf32>
        %parallel_loop3A_386 = arith.mulf %parallel_loop3A_385, %parallel_loop3A_383 : vector<16xf32>
        %parallel_loop3A_387 = arith.constant 5.000000e-01 : f32
        %parallel_loop3A_388 = vector.broadcast %parallel_loop3A_387 : f32 to vector<16xf32>
        %parallel_loop3A_389 = arith.addf %parallel_loop3A_386, %parallel_loop3A_388 : vector<16xf32>
        %parallel_loop3A_390 = arith.constant 2.550000e+02 : f32
        %parallel_loop3A_391 = vector.broadcast %parallel_loop3A_390 : f32 to vector<16xf32>
        %parallel_loop3A_392 = arith.mulf %parallel_loop3A_391, %parallel_loop3A_389 : vector<16xf32>
        %parallel_loop3A_393 = arith.constant 0x4B000000 : f32
        %parallel_loop3A_394 = vector.broadcast %parallel_loop3A_393 : f32 to vector<16xf32>
        %parallel_loop3A_395 = arith.addf %parallel_loop3A_392, %parallel_loop3A_394 : vector<16xf32>
        %parallel_loop3A_396 = vector.bitcast %parallel_loop3A_395 : vector<16xf32> to vector<16xi32>
        %parallel_loop3A_397 = arith.constant 255 : i32
        %parallel_loop3A_398 = vector.broadcast %parallel_loop3A_397 : i32 to vector<16xi32>
        %parallel_loop3A_399 = arith.andi %parallel_loop3A_396, %parallel_loop3A_398 : vector<16xi32>
        %parallel_loop3A_400 = arith.constant 0 : i32
        %parallel_loop3A_401 = tpu.memref_slice %arg6[%scan3A_100, %parallel_loop3A_400] : memref<1x256xf32, #tpu.memory_space<vmem>> -> memref<1x256xf32, #tpu.memory_space<vmem>>
        %parallel_loop3A_402 = tpu.memref_squeeze %parallel_loop3A_401 : memref<1x256xf32, #tpu.memory_space<vmem>> -> memref<256xf32, #tpu.memory_space<vmem>>
        %parallel_loop3A_403 = tpu.vector_load_idx %parallel_loop3A_402[%parallel_loop3A_399] : memref<256xf32, #tpu.memory_space<vmem>>[vector<16xi32>], vector<16xf32>,
        %parallel_loop3A_404 = arith.index_cast %parallel_loop3A_234 : i32 to index
        %parallel_loop3A_405 = arith.index_cast %parallel_loop3A_380 : i32 to index
        %parallel_loop3A_406 = tpu.vector_load %arg11[%parallel_loop3A_404, %parallel_loop3A_405] {strides = array<i32>} : memref<32x512xf32, #tpu.memory_space<vmem>>, vector<16xf32>,
        tpu.vector_store %arg11[%parallel_loop3A_404, %parallel_loop3A_405], %parallel_loop3A_403 {strides = array<i32>} : memref<32x512xf32, #tpu.memory_space<vmem>>, vector<16xf32>,
        %parallel_loop3A_407 = arith.constant 96 : i32
        %parallel_loop3A_408 = arith.addi %parallel_loop3A_238, %parallel_loop3A_407 : i32
        %parallel_loop3A_409 = arith.index_cast %parallel_loop3A_234 : i32 to index
        %parallel_loop3A_410 = arith.index_cast %parallel_loop3A_408 : i32 to index
        %parallel_loop3A_411 = tpu.vector_load %arg9[%parallel_loop3A_409, %parallel_loop3A_410] {strides = array<i32>} : memref<32x512xf32, #tpu.memory_space<vmem>>, vector<16xf32>,
        %parallel_loop3A_412 = arith.constant 5.000000e-01 : f32
        %parallel_loop3A_413 = vector.broadcast %parallel_loop3A_412 : f32 to vector<16xf32>
        %parallel_loop3A_414 = arith.mulf %parallel_loop3A_413, %parallel_loop3A_411 : vector<16xf32>
        %parallel_loop3A_415 = arith.constant 5.000000e-01 : f32
        %parallel_loop3A_416 = vector.broadcast %parallel_loop3A_415 : f32 to vector<16xf32>
        %parallel_loop3A_417 = arith.addf %parallel_loop3A_414, %parallel_loop3A_416 : vector<16xf32>
        %parallel_loop3A_418 = arith.constant 2.550000e+02 : f32
        %parallel_loop3A_419 = vector.broadcast %parallel_loop3A_418 : f32 to vector<16xf32>
        %parallel_loop3A_420 = arith.mulf %parallel_loop3A_419, %parallel_loop3A_417 : vector<16xf32>
        %parallel_loop3A_421 = arith.constant 0x4B000000 : f32
        %parallel_loop3A_422 = vector.broadcast %parallel_loop3A_421 : f32 to vector<16xf32>
        %parallel_loop3A_423 = arith.addf %parallel_loop3A_420, %parallel_loop3A_422 : vector<16xf32>
        %parallel_loop3A_424 = vector.bitcast %parallel_loop3A_423 : vector<16xf32> to vector<16xi32>
        %parallel_loop3A_425 = arith.constant 255 : i32
        %parallel_loop3A_426 = vector.broadcast %parallel_loop3A_425 : i32 to vector<16xi32>
        %parallel_loop3A_427 = arith.andi %parallel_loop3A_424, %parallel_loop3A_426 : vector<16xi32>
        %parallel_loop3A_428 = arith.constant 0 : i32
        %parallel_loop3A_429 = tpu.memref_slice %arg6[%scan3A_100, %parallel_loop3A_428] : memref<1x256xf32, #tpu.memory_space<vmem>> -> memref<1x256xf32, #tpu.memory_space<vmem>>
        %parallel_loop3A_430 = tpu.memref_squeeze %parallel_loop3A_429 : memref<1x256xf32, #tpu.memory_space<vmem>> -> memref<256xf32, #tpu.memory_space<vmem>>
        %parallel_loop3A_431 = tpu.vector_load_idx %parallel_loop3A_430[%parallel_loop3A_427] : memref<256xf32, #tpu.memory_space<vmem>>[vector<16xi32>], vector<16xf32>,
        %parallel_loop3A_432 = arith.index_cast %parallel_loop3A_234 : i32 to index
        %parallel_loop3A_433 = arith.index_cast %parallel_loop3A_408 : i32 to index
        %parallel_loop3A_434 = tpu.vector_load %arg11[%parallel_loop3A_432, %parallel_loop3A_433] {strides = array<i32>} : memref<32x512xf32, #tpu.memory_space<vmem>>, vector<16xf32>,
        tpu.vector_store %arg11[%parallel_loop3A_432, %parallel_loop3A_433], %parallel_loop3A_431 {strides = array<i32>} : memref<32x512xf32, #tpu.memory_space<vmem>>, vector<16xf32>,
        %parallel_loop3A_435 = arith.constant 112 : i32
        %parallel_loop3A_436 = arith.addi %parallel_loop3A_238, %parallel_loop3A_435 : i32
        %parallel_loop3A_437 = arith.index_cast %parallel_loop3A_234 : i32 to index
        %parallel_loop3A_438 = arith.index_cast %parallel_loop3A_436 : i32 to index
        %parallel_loop3A_439 = tpu.vector_load %arg9[%parallel_loop3A_437, %parallel_loop3A_438] {strides = array<i32>} : memref<32x512xf32, #tpu.memory_space<vmem>>, vector<16xf32>,
        %parallel_loop3A_440 = arith.constant 5.000000e-01 : f32
        %parallel_loop3A_441 = vector.broadcast %parallel_loop3A_440 : f32 to vector<16xf32>
        %parallel_loop3A_442 = arith.mulf %parallel_loop3A_441, %parallel_loop3A_439 : vector<16xf32>
        %parallel_loop3A_443 = arith.constant 5.000000e-01 : f32
        %parallel_loop3A_444 = vector.broadcast %parallel_loop3A_443 : f32 to vector<16xf32>
        %parallel_loop3A_445 = arith.addf %parallel_loop3A_442, %parallel_loop3A_444 : vector<16xf32>
        %parallel_loop3A_446 = arith.constant 2.550000e+02 : f32
        %parallel_loop3A_447 = vector.broadcast %parallel_loop3A_446 : f32 to vector<16xf32>
        %parallel_loop3A_448 = arith.mulf %parallel_loop3A_447, %parallel_loop3A_445 : vector<16xf32>
        %parallel_loop3A_449 = arith.constant 0x4B000000 : f32
        %parallel_loop3A_450 = vector.broadcast %parallel_loop3A_449 : f32 to vector<16xf32>
        %parallel_loop3A_451 = arith.addf %parallel_loop3A_448, %parallel_loop3A_450 : vector<16xf32>
        %parallel_loop3A_452 = vector.bitcast %parallel_loop3A_451 : vector<16xf32> to vector<16xi32>
        %parallel_loop3A_453 = arith.constant 255 : i32
        %parallel_loop3A_454 = vector.broadcast %parallel_loop3A_453 : i32 to vector<16xi32>
        %parallel_loop3A_455 = arith.andi %parallel_loop3A_452, %parallel_loop3A_454 : vector<16xi32>
        %parallel_loop3A_456 = arith.constant 0 : i32
        %parallel_loop3A_457 = tpu.memref_slice %arg6[%scan3A_100, %parallel_loop3A_456] : memref<1x256xf32, #tpu.memory_space<vmem>> -> memref<1x256xf32, #tpu.memory_space<vmem>>
        %parallel_loop3A_458 = tpu.memref_squeeze %parallel_loop3A_457 : memref<1x256xf32, #tpu.memory_space<vmem>> -> memref<256xf32, #tpu.memory_space<vmem>>
        %parallel_loop3A_459 = tpu.vector_load_idx %parallel_loop3A_458[%parallel_loop3A_455] : memref<256xf32, #tpu.memory_space<vmem>>[vector<16xi32>], vector<16xf32>,
        %parallel_loop3A_460 = arith.index_cast %parallel_loop3A_234 : i32 to index
        %parallel_loop3A_461 = arith.index_cast %parallel_loop3A_436 : i32 to index
        %parallel_loop3A_462 = tpu.vector_load %arg11[%parallel_loop3A_460, %parallel_loop3A_461] {strides = array<i32>} : memref<32x512xf32, #tpu.memory_space<vmem>>, vector<16xf32>,
        tpu.vector_store %arg11[%parallel_loop3A_460, %parallel_loop3A_461], %parallel_loop3A_459 {strides = array<i32>} : memref<32x512xf32, #tpu.memory_space<vmem>>, vector<16xf32>,
      } {sc.loop_unroll_factor = 1 : i64, sc.parallel_access}
      %mul3A_218 = arith.constant 32 : i32
      %mul3A_219 = arith.muli %add3A_200, %mul3A_218 : i32
      %dma_start3A_220 = arith.constant 1 : i32
      %dma_start3A_221 = arith.constant 0 : i32
      %dma_start3A_222 = tpu.memref_slice %arg4[%add3A, %dma_start3A_220, %mul3A_219, %dma_start3A_221] : memref<32x3x512x512xf32, #tpu.memory_space<hbm>> -> memref<1x1x32x512xf32, #tpu.memory_space<hbm>>
      %dma_start3A_223 = tpu.memref_squeeze %dma_start3A_222 : memref<1x1x32x512xf32, #tpu.memory_space<hbm>> -> memref<32x512xf32, #tpu.memory_space<hbm>>
      %dma_start3A_224 = arith.constant 0 : i32
      %dma_start3A_225 = tpu.memref_slice %arg4[%add3A, %dma_start3A_220, %mul3A_219, %dma_start3A_224] : memref<32x3x512x512xf32, #tpu.memory_space<hbm>> -> memref<1x1x32x512xf32, #tpu.memory_space<hbm>>
      %dma_start3A_226 = tpu.memref_squeeze %dma_start3A_225 : memref<1x1x32x512xf32, #tpu.memory_space<hbm>> -> memref<32x512xf32, #tpu.memory_space<hbm>>
      tpu.enqueue_dma source(%arg11 : memref<32x512xf32, #tpu.memory_space<vmem>>) target(%dma_start3A_226 : memref<32x512xf32, #tpu.memory_space<hbm>>) target_semaphore(%arg15 : memref<!tpu.dma_semaphore, #tpu.memory_space<semaphore_mem>>)
      %le3A_227 = arith.constant 6 : i32
      %le3A_228 = arith.cmpi sle, %scan3A_166, %le3A_227 : i32
      %convert_element_type3A_229 = arith.extui %le3A_228 : i1 to i32
      %cond3A_230 = arith.constant 0 : i32
      %cond3A_231 = arith.cmpi ne, %convert_element_type3A_229, %cond3A_230 : i32
      scf.if %cond3A_231 {
        %add3A_232 = arith.constant 2 : i32
        %add3A_233 = arith.addi %add3A_200, %add3A_232 : i32
        %mul3A_234 = arith.constant 32 : i32
        %mul3A_235 = arith.muli %add3A_233, %mul3A_234 : i32
        %dma_start3A_236 = arith.constant 1 : i32
        %dma_start3A_237 = arith.constant 0 : i32
        %dma_start3A_238 = tpu.memref_slice %arg2[%add3A, %dma_start3A_236, %mul3A_235, %dma_start3A_237] : memref<32x3x512x512xf32, #tpu.memory_space<hbm>> -> memref<1x1x32x512xf32, #tpu.memory_space<hbm>>
        %dma_start3A_239 = tpu.memref_squeeze %dma_start3A_238 : memref<1x1x32x512xf32, #tpu.memory_space<hbm>> -> memref<32x512xf32, #tpu.memory_space<hbm>>
        %dma_start3A_240 = arith.constant 0 : i32
        %dma_start3A_241 = tpu.memref_slice %arg2[%add3A, %dma_start3A_236, %mul3A_235, %dma_start3A_240] : memref<32x3x512x512xf32, #tpu.memory_space<hbm>> -> memref<1x1x32x512xf32, #tpu.memory_space<hbm>>
        %dma_start3A_242 = tpu.memref_squeeze %dma_start3A_241 : memref<1x1x32x512xf32, #tpu.memory_space<hbm>> -> memref<32x512xf32, #tpu.memory_space<hbm>>
        tpu.enqueue_dma source(%dma_start3A_242 : memref<32x512xf32, #tpu.memory_space<hbm>>) target(%arg9 : memref<32x512xf32, #tpu.memory_space<vmem>>) target_semaphore(%arg13 : memref<!tpu.dma_semaphore, #tpu.memory_space<semaphore_mem>>)
      } else {
      }
    }
    %scan3A_105 = arith.constant 8 : i32
    %dma_wait3A_106 = arith.constant 1 : i32
    %dma_wait3A_107 = arith.constant 448 : i32
    %dma_wait3A_108 = arith.constant 0 : i32
    %dma_wait3A_109 = tpu.memref_slice %arg4[%add3A, %dma_wait3A_106, %dma_wait3A_107, %dma_wait3A_108] : memref<32x3x512x512xf32, #tpu.memory_space<hbm>> -> memref<1x1x32x512xf32, #tpu.memory_space<hbm>>
    %dma_wait3A_110 = tpu.memref_squeeze %dma_wait3A_109 : memref<1x1x32x512xf32, #tpu.memory_space<hbm>> -> memref<32x512xf32, #tpu.memory_space<hbm>>
    %dma_wait3A_111 = arith.constant 448 : i32
    %dma_wait3A_112 = arith.constant 0 : i32
    %dma_wait3A_113 = tpu.memref_slice %arg4[%add3A, %dma_wait3A_106, %dma_wait3A_111, %dma_wait3A_112] : memref<32x3x512x512xf32, #tpu.memory_space<hbm>> -> memref<1x1x32x512xf32, #tpu.memory_space<hbm>>
    %dma_wait3A_114 = tpu.memref_squeeze %dma_wait3A_113 : memref<1x1x32x512xf32, #tpu.memory_space<hbm>> -> memref<32x512xf32, #tpu.memory_space<hbm>>
    tpu.wait_dma2 semaphore(%arg14 : memref<!tpu.dma_semaphore, #tpu.memory_space<semaphore_mem>>) src(%arg10 : memref<32x512xf32, #tpu.memory_space<vmem>>) dst(%dma_wait3A_114 : memref<32x512xf32, #tpu.memory_space<hbm>>)
    %dma_wait3A_115 = arith.constant 1 : i32
    %dma_wait3A_116 = arith.constant 480 : i32
    %dma_wait3A_117 = arith.constant 0 : i32
    %dma_wait3A_118 = tpu.memref_slice %arg4[%add3A, %dma_wait3A_115, %dma_wait3A_116, %dma_wait3A_117] : memref<32x3x512x512xf32, #tpu.memory_space<hbm>> -> memref<1x1x32x512xf32, #tpu.memory_space<hbm>>
    %dma_wait3A_119 = tpu.memref_squeeze %dma_wait3A_118 : memref<1x1x32x512xf32, #tpu.memory_space<hbm>> -> memref<32x512xf32, #tpu.memory_space<hbm>>
    %dma_wait3A_120 = arith.constant 480 : i32
    %dma_wait3A_121 = arith.constant 0 : i32
    %dma_wait3A_122 = tpu.memref_slice %arg4[%add3A, %dma_wait3A_115, %dma_wait3A_120, %dma_wait3A_121] : memref<32x3x512x512xf32, #tpu.memory_space<hbm>> -> memref<1x1x32x512xf32, #tpu.memory_space<hbm>>
    %dma_wait3A_123 = tpu.memref_squeeze %dma_wait3A_122 : memref<1x1x32x512xf32, #tpu.memory_space<hbm>> -> memref<32x512xf32, #tpu.memory_space<hbm>>
    tpu.wait_dma2 semaphore(%arg15 : memref<!tpu.dma_semaphore, #tpu.memory_space<semaphore_mem>>) src(%arg11 : memref<32x512xf32, #tpu.memory_space<vmem>>) dst(%dma_wait3A_123 : memref<32x512xf32, #tpu.memory_space<hbm>>)
    %dma_start3A_124 = arith.constant 2 : i32
    %dma_start3A_125 = arith.constant 0 : i32
    %dma_start3A_126 = arith.constant 0 : i32
    %dma_start3A_127 = tpu.memref_slice %arg2[%add3A, %dma_start3A_124, %dma_start3A_125, %dma_start3A_126] : memref<32x3x512x512xf32, #tpu.memory_space<hbm>> -> memref<1x1x32x512xf32, #tpu.memory_space<hbm>>
    %dma_start3A_128 = tpu.memref_squeeze %dma_start3A_127 : memref<1x1x32x512xf32, #tpu.memory_space<hbm>> -> memref<32x512xf32, #tpu.memory_space<hbm>>
    %dma_start3A_129 = arith.constant 0 : i32
    %dma_start3A_130 = arith.constant 0 : i32
    %dma_start3A_131 = tpu.memref_slice %arg2[%add3A, %dma_start3A_124, %dma_start3A_129, %dma_start3A_130] : memref<32x3x512x512xf32, #tpu.memory_space<hbm>> -> memref<1x1x32x512xf32, #tpu.memory_space<hbm>>
    %dma_start3A_132 = tpu.memref_squeeze %dma_start3A_131 : memref<1x1x32x512xf32, #tpu.memory_space<hbm>> -> memref<32x512xf32, #tpu.memory_space<hbm>>
    tpu.enqueue_dma source(%dma_start3A_132 : memref<32x512xf32, #tpu.memory_space<hbm>>) target(%arg8 : memref<32x512xf32, #tpu.memory_space<vmem>>) target_semaphore(%arg12 : memref<!tpu.dma_semaphore, #tpu.memory_space<semaphore_mem>>)
    %dma_start3A_133 = arith.constant 2 : i32
    %dma_start3A_134 = arith.constant 32 : i32
    %dma_start3A_135 = arith.constant 0 : i32
    %dma_start3A_136 = tpu.memref_slice %arg2[%add3A, %dma_start3A_133, %dma_start3A_134, %dma_start3A_135] : memref<32x3x512x512xf32, #tpu.memory_space<hbm>> -> memref<1x1x32x512xf32, #tpu.memory_space<hbm>>
    %dma_start3A_137 = tpu.memref_squeeze %dma_start3A_136 : memref<1x1x32x512xf32, #tpu.memory_space<hbm>> -> memref<32x512xf32, #tpu.memory_space<hbm>>
    %dma_start3A_138 = arith.constant 32 : i32
    %dma_start3A_139 = arith.constant 0 : i32
    %dma_start3A_140 = tpu.memref_slice %arg2[%add3A, %dma_start3A_133, %dma_start3A_138, %dma_start3A_139] : memref<32x3x512x512xf32, #tpu.memory_space<hbm>> -> memref<1x1x32x512xf32, #tpu.memory_space<hbm>>
    %dma_start3A_141 = tpu.memref_squeeze %dma_start3A_140 : memref<1x1x32x512xf32, #tpu.memory_space<hbm>> -> memref<32x512xf32, #tpu.memory_space<hbm>>
    tpu.enqueue_dma source(%dma_start3A_141 : memref<32x512xf32, #tpu.memory_space<hbm>>) target(%arg9 : memref<32x512xf32, #tpu.memory_space<vmem>>) target_semaphore(%arg13 : memref<!tpu.dma_semaphore, #tpu.memory_space<semaphore_mem>>)
    %scan3A_142 = arith.constant 0 : i32
    %scan3A_143 = arith.constant 0 : i32
    %scan3A_144 = arith.constant 8 : i32
    %scan3A_145 = arith.addi %scan3A_143, %scan3A_144 : i32
    %scan3A_146 = arith.constant 1 : i32
    scf.for %scan3A_166 = %scan3A_143 to %scan3A_145 step %scan3A_146  : i32 {
      %mul3A_167 = arith.constant 2 : i32
      %mul3A_168 = arith.muli %scan3A_166, %mul3A_167 : i32
      %add3A_169 = arith.constant 0 : i32
      %add3A_170 = arith.addi %mul3A_168, %add3A_169 : i32
      %mul3A_171 = arith.constant 32 : i32
      %mul3A_172 = arith.muli %add3A_170, %mul3A_171 : i32
      %dma_wait3A_173 = arith.constant 2 : i32
      %dma_wait3A_174 = arith.constant 0 : i32
      %dma_wait3A_175 = tpu.memref_slice %arg2[%add3A, %dma_wait3A_173, %mul3A_172, %dma_wait3A_174] : memref<32x3x512x512xf32, #tpu.memory_space<hbm>> -> memref<1x1x32x512xf32, #tpu.memory_space<hbm>>
      %dma_wait3A_176 = tpu.memref_squeeze %dma_wait3A_175 : memref<1x1x32x512xf32, #tpu.memory_space<hbm>> -> memref<32x512xf32, #tpu.memory_space<hbm>>
      %dma_wait3A_177 = arith.constant 0 : i32
      %dma_wait3A_178 = tpu.memref_slice %arg2[%add3A, %dma_wait3A_173, %mul3A_172, %dma_wait3A_177] : memref<32x3x512x512xf32, #tpu.memory_space<hbm>> -> memref<1x1x32x512xf32, #tpu.memory_space<hbm>>
      %dma_wait3A_179 = tpu.memref_squeeze %dma_wait3A_178 : memref<1x1x32x512xf32, #tpu.memory_space<hbm>> -> memref<32x512xf32, #tpu.memory_space<hbm>>
      tpu.wait_dma2 semaphore(%arg12 : memref<!tpu.dma_semaphore, #tpu.memory_space<semaphore_mem>>) src(%dma_wait3A_179 : memref<32x512xf32, #tpu.memory_space<hbm>>) dst(%arg8 : memref<32x512xf32, #tpu.memory_space<vmem>>)
      %ge3A = arith.constant 1 : i32
      %ge3A_180 = arith.cmpi sge, %scan3A_166, %ge3A : i32
      %convert_element_type3A = arith.extui %ge3A_180 : i1 to i32
      %cond3A = arith.constant 0 : i32
      %cond3A_181 = arith.cmpi ne, %convert_element_type3A, %cond3A : i32
      scf.if %cond3A_181 {
        %sub3A = arith.constant 2 : i32
        %sub3A_232 = arith.subi %add3A_170, %sub3A : i32
        %mul3A_233 = arith.constant 32 : i32
        %mul3A_234 = arith.muli %sub3A_232, %mul3A_233 : i32
        %dma_wait3A_235 = arith.constant 2 : i32
        %dma_wait3A_236 = arith.constant 0 : i32
        %dma_wait3A_237 = tpu.memref_slice %arg4[%add3A, %dma_wait3A_235, %mul3A_234, %dma_wait3A_236] : memref<32x3x512x512xf32, #tpu.memory_space<hbm>> -> memref<1x1x32x512xf32, #tpu.memory_space<hbm>>
        %dma_wait3A_238 = tpu.memref_squeeze %dma_wait3A_237 : memref<1x1x32x512xf32, #tpu.memory_space<hbm>> -> memref<32x512xf32, #tpu.memory_space<hbm>>
        %dma_wait3A_239 = arith.constant 0 : i32
        %dma_wait3A_240 = tpu.memref_slice %arg4[%add3A, %dma_wait3A_235, %mul3A_234, %dma_wait3A_239] : memref<32x3x512x512xf32, #tpu.memory_space<hbm>> -> memref<1x1x32x512xf32, #tpu.memory_space<hbm>>
        %dma_wait3A_241 = tpu.memref_squeeze %dma_wait3A_240 : memref<1x1x32x512xf32, #tpu.memory_space<hbm>> -> memref<32x512xf32, #tpu.memory_space<hbm>>
        tpu.wait_dma2 semaphore(%arg14 : memref<!tpu.dma_semaphore, #tpu.memory_space<semaphore_mem>>) src(%arg10 : memref<32x512xf32, #tpu.memory_space<vmem>>) dst(%dma_wait3A_241 : memref<32x512xf32, #tpu.memory_space<hbm>>)
      } else {
      }
      %parallel_loop3A = arith.constant 0 : i32
      %parallel_loop3A_182 = arith.constant 128 : i32
      %parallel_loop3A_183 = arith.constant 1 : i32
      scf.for %parallel_loop3A_232 = %parallel_loop3A to %parallel_loop3A_182 step %parallel_loop3A_183  : i32 {
        %parallel_loop3A_233 = arith.constant 2 : i32
        %parallel_loop3A_234 = arith.shrsi %parallel_loop3A_232, %parallel_loop3A_233 : i32
        %parallel_loop3A_235 = arith.constant 3 : i32
        %parallel_loop3A_236 = arith.andi %parallel_loop3A_232, %parallel_loop3A_235 : i32
        %parallel_loop3A_237 = arith.constant 7 : i32
        %parallel_loop3A_238 = arith.shli %parallel_loop3A_236, %parallel_loop3A_237 : i32
        %parallel_loop3A_239 = arith.constant 0 : i32
        %parallel_loop3A_240 = arith.addi %parallel_loop3A_238, %parallel_loop3A_239 : i32
        %parallel_loop3A_241 = arith.index_cast %parallel_loop3A_234 : i32 to index
        %parallel_loop3A_242 = arith.index_cast %parallel_loop3A_240 : i32 to index
        %parallel_loop3A_243 = tpu.vector_load %arg8[%parallel_loop3A_241, %parallel_loop3A_242] {strides = array<i32>} : memref<32x512xf32, #tpu.memory_space<vmem>>, vector<16xf32>,
        %parallel_loop3A_244 = arith.constant 5.000000e-01 : f32
        %parallel_loop3A_245 = vector.broadcast %parallel_loop3A_244 : f32 to vector<16xf32>
        %parallel_loop3A_246 = arith.mulf %parallel_loop3A_245, %parallel_loop3A_243 : vector<16xf32>
        %parallel_loop3A_247 = arith.constant 5.000000e-01 : f32
        %parallel_loop3A_248 = vector.broadcast %parallel_loop3A_247 : f32 to vector<16xf32>
        %parallel_loop3A_249 = arith.addf %parallel_loop3A_246, %parallel_loop3A_248 : vector<16xf32>
        %parallel_loop3A_250 = arith.constant 2.550000e+02 : f32
        %parallel_loop3A_251 = vector.broadcast %parallel_loop3A_250 : f32 to vector<16xf32>
        %parallel_loop3A_252 = arith.mulf %parallel_loop3A_251, %parallel_loop3A_249 : vector<16xf32>
        %parallel_loop3A_253 = arith.constant 0x4B000000 : f32
        %parallel_loop3A_254 = vector.broadcast %parallel_loop3A_253 : f32 to vector<16xf32>
        %parallel_loop3A_255 = arith.addf %parallel_loop3A_252, %parallel_loop3A_254 : vector<16xf32>
        %parallel_loop3A_256 = vector.bitcast %parallel_loop3A_255 : vector<16xf32> to vector<16xi32>
        %parallel_loop3A_257 = arith.constant 255 : i32
        %parallel_loop3A_258 = vector.broadcast %parallel_loop3A_257 : i32 to vector<16xi32>
        %parallel_loop3A_259 = arith.andi %parallel_loop3A_256, %parallel_loop3A_258 : vector<16xi32>
        %parallel_loop3A_260 = arith.constant 0 : i32
        %parallel_loop3A_261 = tpu.memref_slice %arg7[%scan3A_142, %parallel_loop3A_260] : memref<1x256xf32, #tpu.memory_space<vmem>> -> memref<1x256xf32, #tpu.memory_space<vmem>>
        %parallel_loop3A_262 = tpu.memref_squeeze %parallel_loop3A_261 : memref<1x256xf32, #tpu.memory_space<vmem>> -> memref<256xf32, #tpu.memory_space<vmem>>
        %parallel_loop3A_263 = tpu.vector_load_idx %parallel_loop3A_262[%parallel_loop3A_259] : memref<256xf32, #tpu.memory_space<vmem>>[vector<16xi32>], vector<16xf32>,
        %parallel_loop3A_264 = arith.index_cast %parallel_loop3A_234 : i32 to index
        %parallel_loop3A_265 = arith.index_cast %parallel_loop3A_240 : i32 to index
        %parallel_loop3A_266 = tpu.vector_load %arg10[%parallel_loop3A_264, %parallel_loop3A_265] {strides = array<i32>} : memref<32x512xf32, #tpu.memory_space<vmem>>, vector<16xf32>,
        tpu.vector_store %arg10[%parallel_loop3A_264, %parallel_loop3A_265], %parallel_loop3A_263 {strides = array<i32>} : memref<32x512xf32, #tpu.memory_space<vmem>>, vector<16xf32>,
        %parallel_loop3A_267 = arith.constant 16 : i32
        %parallel_loop3A_268 = arith.addi %parallel_loop3A_238, %parallel_loop3A_267 : i32
        %parallel_loop3A_269 = arith.index_cast %parallel_loop3A_234 : i32 to index
        %parallel_loop3A_270 = arith.index_cast %parallel_loop3A_268 : i32 to index
        %parallel_loop3A_271 = tpu.vector_load %arg8[%parallel_loop3A_269, %parallel_loop3A_270] {strides = array<i32>} : memref<32x512xf32, #tpu.memory_space<vmem>>, vector<16xf32>,
        %parallel_loop3A_272 = arith.constant 5.000000e-01 : f32
        %parallel_loop3A_273 = vector.broadcast %parallel_loop3A_272 : f32 to vector<16xf32>
        %parallel_loop3A_274 = arith.mulf %parallel_loop3A_273, %parallel_loop3A_271 : vector<16xf32>
        %parallel_loop3A_275 = arith.constant 5.000000e-01 : f32
        %parallel_loop3A_276 = vector.broadcast %parallel_loop3A_275 : f32 to vector<16xf32>
        %parallel_loop3A_277 = arith.addf %parallel_loop3A_274, %parallel_loop3A_276 : vector<16xf32>
        %parallel_loop3A_278 = arith.constant 2.550000e+02 : f32
        %parallel_loop3A_279 = vector.broadcast %parallel_loop3A_278 : f32 to vector<16xf32>
        %parallel_loop3A_280 = arith.mulf %parallel_loop3A_279, %parallel_loop3A_277 : vector<16xf32>
        %parallel_loop3A_281 = arith.constant 0x4B000000 : f32
        %parallel_loop3A_282 = vector.broadcast %parallel_loop3A_281 : f32 to vector<16xf32>
        %parallel_loop3A_283 = arith.addf %parallel_loop3A_280, %parallel_loop3A_282 : vector<16xf32>
        %parallel_loop3A_284 = vector.bitcast %parallel_loop3A_283 : vector<16xf32> to vector<16xi32>
        %parallel_loop3A_285 = arith.constant 255 : i32
        %parallel_loop3A_286 = vector.broadcast %parallel_loop3A_285 : i32 to vector<16xi32>
        %parallel_loop3A_287 = arith.andi %parallel_loop3A_284, %parallel_loop3A_286 : vector<16xi32>
        %parallel_loop3A_288 = arith.constant 0 : i32
        %parallel_loop3A_289 = tpu.memref_slice %arg7[%scan3A_142, %parallel_loop3A_288] : memref<1x256xf32, #tpu.memory_space<vmem>> -> memref<1x256xf32, #tpu.memory_space<vmem>>
        %parallel_loop3A_290 = tpu.memref_squeeze %parallel_loop3A_289 : memref<1x256xf32, #tpu.memory_space<vmem>> -> memref<256xf32, #tpu.memory_space<vmem>>
        %parallel_loop3A_291 = tpu.vector_load_idx %parallel_loop3A_290[%parallel_loop3A_287] : memref<256xf32, #tpu.memory_space<vmem>>[vector<16xi32>], vector<16xf32>,
        %parallel_loop3A_292 = arith.index_cast %parallel_loop3A_234 : i32 to index
        %parallel_loop3A_293 = arith.index_cast %parallel_loop3A_268 : i32 to index
        %parallel_loop3A_294 = tpu.vector_load %arg10[%parallel_loop3A_292, %parallel_loop3A_293] {strides = array<i32>} : memref<32x512xf32, #tpu.memory_space<vmem>>, vector<16xf32>,
        tpu.vector_store %arg10[%parallel_loop3A_292, %parallel_loop3A_293], %parallel_loop3A_291 {strides = array<i32>} : memref<32x512xf32, #tpu.memory_space<vmem>>, vector<16xf32>,
        %parallel_loop3A_295 = arith.constant 32 : i32
        %parallel_loop3A_296 = arith.addi %parallel_loop3A_238, %parallel_loop3A_295 : i32
        %parallel_loop3A_297 = arith.index_cast %parallel_loop3A_234 : i32 to index
        %parallel_loop3A_298 = arith.index_cast %parallel_loop3A_296 : i32 to index
        %parallel_loop3A_299 = tpu.vector_load %arg8[%parallel_loop3A_297, %parallel_loop3A_298] {strides = array<i32>} : memref<32x512xf32, #tpu.memory_space<vmem>>, vector<16xf32>,
        %parallel_loop3A_300 = arith.constant 5.000000e-01 : f32
        %parallel_loop3A_301 = vector.broadcast %parallel_loop3A_300 : f32 to vector<16xf32>
        %parallel_loop3A_302 = arith.mulf %parallel_loop3A_301, %parallel_loop3A_299 : vector<16xf32>
        %parallel_loop3A_303 = arith.constant 5.000000e-01 : f32
        %parallel_loop3A_304 = vector.broadcast %parallel_loop3A_303 : f32 to vector<16xf32>
        %parallel_loop3A_305 = arith.addf %parallel_loop3A_302, %parallel_loop3A_304 : vector<16xf32>
        %parallel_loop3A_306 = arith.constant 2.550000e+02 : f32
        %parallel_loop3A_307 = vector.broadcast %parallel_loop3A_306 : f32 to vector<16xf32>
        %parallel_loop3A_308 = arith.mulf %parallel_loop3A_307, %parallel_loop3A_305 : vector<16xf32>
        %parallel_loop3A_309 = arith.constant 0x4B000000 : f32
        %parallel_loop3A_310 = vector.broadcast %parallel_loop3A_309 : f32 to vector<16xf32>
        %parallel_loop3A_311 = arith.addf %parallel_loop3A_308, %parallel_loop3A_310 : vector<16xf32>
        %parallel_loop3A_312 = vector.bitcast %parallel_loop3A_311 : vector<16xf32> to vector<16xi32>
        %parallel_loop3A_313 = arith.constant 255 : i32
        %parallel_loop3A_314 = vector.broadcast %parallel_loop3A_313 : i32 to vector<16xi32>
        %parallel_loop3A_315 = arith.andi %parallel_loop3A_312, %parallel_loop3A_314 : vector<16xi32>
        %parallel_loop3A_316 = arith.constant 0 : i32
        %parallel_loop3A_317 = tpu.memref_slice %arg7[%scan3A_142, %parallel_loop3A_316] : memref<1x256xf32, #tpu.memory_space<vmem>> -> memref<1x256xf32, #tpu.memory_space<vmem>>
        %parallel_loop3A_318 = tpu.memref_squeeze %parallel_loop3A_317 : memref<1x256xf32, #tpu.memory_space<vmem>> -> memref<256xf32, #tpu.memory_space<vmem>>
        %parallel_loop3A_319 = tpu.vector_load_idx %parallel_loop3A_318[%parallel_loop3A_315] : memref<256xf32, #tpu.memory_space<vmem>>[vector<16xi32>], vector<16xf32>,
        %parallel_loop3A_320 = arith.index_cast %parallel_loop3A_234 : i32 to index
        %parallel_loop3A_321 = arith.index_cast %parallel_loop3A_296 : i32 to index
        %parallel_loop3A_322 = tpu.vector_load %arg10[%parallel_loop3A_320, %parallel_loop3A_321] {strides = array<i32>} : memref<32x512xf32, #tpu.memory_space<vmem>>, vector<16xf32>,
        tpu.vector_store %arg10[%parallel_loop3A_320, %parallel_loop3A_321], %parallel_loop3A_319 {strides = array<i32>} : memref<32x512xf32, #tpu.memory_space<vmem>>, vector<16xf32>,
        %parallel_loop3A_323 = arith.constant 48 : i32
        %parallel_loop3A_324 = arith.addi %parallel_loop3A_238, %parallel_loop3A_323 : i32
        %parallel_loop3A_325 = arith.index_cast %parallel_loop3A_234 : i32 to index
        %parallel_loop3A_326 = arith.index_cast %parallel_loop3A_324 : i32 to index
        %parallel_loop3A_327 = tpu.vector_load %arg8[%parallel_loop3A_325, %parallel_loop3A_326] {strides = array<i32>} : memref<32x512xf32, #tpu.memory_space<vmem>>, vector<16xf32>,
        %parallel_loop3A_328 = arith.constant 5.000000e-01 : f32
        %parallel_loop3A_329 = vector.broadcast %parallel_loop3A_328 : f32 to vector<16xf32>
        %parallel_loop3A_330 = arith.mulf %parallel_loop3A_329, %parallel_loop3A_327 : vector<16xf32>
        %parallel_loop3A_331 = arith.constant 5.000000e-01 : f32
        %parallel_loop3A_332 = vector.broadcast %parallel_loop3A_331 : f32 to vector<16xf32>
        %parallel_loop3A_333 = arith.addf %parallel_loop3A_330, %parallel_loop3A_332 : vector<16xf32>
        %parallel_loop3A_334 = arith.constant 2.550000e+02 : f32
        %parallel_loop3A_335 = vector.broadcast %parallel_loop3A_334 : f32 to vector<16xf32>
        %parallel_loop3A_336 = arith.mulf %parallel_loop3A_335, %parallel_loop3A_333 : vector<16xf32>
        %parallel_loop3A_337 = arith.constant 0x4B000000 : f32
        %parallel_loop3A_338 = vector.broadcast %parallel_loop3A_337 : f32 to vector<16xf32>
        %parallel_loop3A_339 = arith.addf %parallel_loop3A_336, %parallel_loop3A_338 : vector<16xf32>
        %parallel_loop3A_340 = vector.bitcast %parallel_loop3A_339 : vector<16xf32> to vector<16xi32>
        %parallel_loop3A_341 = arith.constant 255 : i32
        %parallel_loop3A_342 = vector.broadcast %parallel_loop3A_341 : i32 to vector<16xi32>
        %parallel_loop3A_343 = arith.andi %parallel_loop3A_340, %parallel_loop3A_342 : vector<16xi32>
        %parallel_loop3A_344 = arith.constant 0 : i32
        %parallel_loop3A_345 = tpu.memref_slice %arg7[%scan3A_142, %parallel_loop3A_344] : memref<1x256xf32, #tpu.memory_space<vmem>> -> memref<1x256xf32, #tpu.memory_space<vmem>>
        %parallel_loop3A_346 = tpu.memref_squeeze %parallel_loop3A_345 : memref<1x256xf32, #tpu.memory_space<vmem>> -> memref<256xf32, #tpu.memory_space<vmem>>
        %parallel_loop3A_347 = tpu.vector_load_idx %parallel_loop3A_346[%parallel_loop3A_343] : memref<256xf32, #tpu.memory_space<vmem>>[vector<16xi32>], vector<16xf32>,
        %parallel_loop3A_348 = arith.index_cast %parallel_loop3A_234 : i32 to index
        %parallel_loop3A_349 = arith.index_cast %parallel_loop3A_324 : i32 to index
        %parallel_loop3A_350 = tpu.vector_load %arg10[%parallel_loop3A_348, %parallel_loop3A_349] {strides = array<i32>} : memref<32x512xf32, #tpu.memory_space<vmem>>, vector<16xf32>,
        tpu.vector_store %arg10[%parallel_loop3A_348, %parallel_loop3A_349], %parallel_loop3A_347 {strides = array<i32>} : memref<32x512xf32, #tpu.memory_space<vmem>>, vector<16xf32>,
        %parallel_loop3A_351 = arith.constant 64 : i32
        %parallel_loop3A_352 = arith.addi %parallel_loop3A_238, %parallel_loop3A_351 : i32
        %parallel_loop3A_353 = arith.index_cast %parallel_loop3A_234 : i32 to index
        %parallel_loop3A_354 = arith.index_cast %parallel_loop3A_352 : i32 to index
        %parallel_loop3A_355 = tpu.vector_load %arg8[%parallel_loop3A_353, %parallel_loop3A_354] {strides = array<i32>} : memref<32x512xf32, #tpu.memory_space<vmem>>, vector<16xf32>,
        %parallel_loop3A_356 = arith.constant 5.000000e-01 : f32
        %parallel_loop3A_357 = vector.broadcast %parallel_loop3A_356 : f32 to vector<16xf32>
        %parallel_loop3A_358 = arith.mulf %parallel_loop3A_357, %parallel_loop3A_355 : vector<16xf32>
        %parallel_loop3A_359 = arith.constant 5.000000e-01 : f32
        %parallel_loop3A_360 = vector.broadcast %parallel_loop3A_359 : f32 to vector<16xf32>
        %parallel_loop3A_361 = arith.addf %parallel_loop3A_358, %parallel_loop3A_360 : vector<16xf32>
        %parallel_loop3A_362 = arith.constant 2.550000e+02 : f32
        %parallel_loop3A_363 = vector.broadcast %parallel_loop3A_362 : f32 to vector<16xf32>
        %parallel_loop3A_364 = arith.mulf %parallel_loop3A_363, %parallel_loop3A_361 : vector<16xf32>
        %parallel_loop3A_365 = arith.constant 0x4B000000 : f32
        %parallel_loop3A_366 = vector.broadcast %parallel_loop3A_365 : f32 to vector<16xf32>
        %parallel_loop3A_367 = arith.addf %parallel_loop3A_364, %parallel_loop3A_366 : vector<16xf32>
        %parallel_loop3A_368 = vector.bitcast %parallel_loop3A_367 : vector<16xf32> to vector<16xi32>
        %parallel_loop3A_369 = arith.constant 255 : i32
        %parallel_loop3A_370 = vector.broadcast %parallel_loop3A_369 : i32 to vector<16xi32>
        %parallel_loop3A_371 = arith.andi %parallel_loop3A_368, %parallel_loop3A_370 : vector<16xi32>
        %parallel_loop3A_372 = arith.constant 0 : i32
        %parallel_loop3A_373 = tpu.memref_slice %arg7[%scan3A_142, %parallel_loop3A_372] : memref<1x256xf32, #tpu.memory_space<vmem>> -> memref<1x256xf32, #tpu.memory_space<vmem>>
        %parallel_loop3A_374 = tpu.memref_squeeze %parallel_loop3A_373 : memref<1x256xf32, #tpu.memory_space<vmem>> -> memref<256xf32, #tpu.memory_space<vmem>>
        %parallel_loop3A_375 = tpu.vector_load_idx %parallel_loop3A_374[%parallel_loop3A_371] : memref<256xf32, #tpu.memory_space<vmem>>[vector<16xi32>], vector<16xf32>,
        %parallel_loop3A_376 = arith.index_cast %parallel_loop3A_234 : i32 to index
        %parallel_loop3A_377 = arith.index_cast %parallel_loop3A_352 : i32 to index
        %parallel_loop3A_378 = tpu.vector_load %arg10[%parallel_loop3A_376, %parallel_loop3A_377] {strides = array<i32>} : memref<32x512xf32, #tpu.memory_space<vmem>>, vector<16xf32>,
        tpu.vector_store %arg10[%parallel_loop3A_376, %parallel_loop3A_377], %parallel_loop3A_375 {strides = array<i32>} : memref<32x512xf32, #tpu.memory_space<vmem>>, vector<16xf32>,
        %parallel_loop3A_379 = arith.constant 80 : i32
        %parallel_loop3A_380 = arith.addi %parallel_loop3A_238, %parallel_loop3A_379 : i32
        %parallel_loop3A_381 = arith.index_cast %parallel_loop3A_234 : i32 to index
        %parallel_loop3A_382 = arith.index_cast %parallel_loop3A_380 : i32 to index
        %parallel_loop3A_383 = tpu.vector_load %arg8[%parallel_loop3A_381, %parallel_loop3A_382] {strides = array<i32>} : memref<32x512xf32, #tpu.memory_space<vmem>>, vector<16xf32>,
        %parallel_loop3A_384 = arith.constant 5.000000e-01 : f32
        %parallel_loop3A_385 = vector.broadcast %parallel_loop3A_384 : f32 to vector<16xf32>
        %parallel_loop3A_386 = arith.mulf %parallel_loop3A_385, %parallel_loop3A_383 : vector<16xf32>
        %parallel_loop3A_387 = arith.constant 5.000000e-01 : f32
        %parallel_loop3A_388 = vector.broadcast %parallel_loop3A_387 : f32 to vector<16xf32>
        %parallel_loop3A_389 = arith.addf %parallel_loop3A_386, %parallel_loop3A_388 : vector<16xf32>
        %parallel_loop3A_390 = arith.constant 2.550000e+02 : f32
        %parallel_loop3A_391 = vector.broadcast %parallel_loop3A_390 : f32 to vector<16xf32>
        %parallel_loop3A_392 = arith.mulf %parallel_loop3A_391, %parallel_loop3A_389 : vector<16xf32>
        %parallel_loop3A_393 = arith.constant 0x4B000000 : f32
        %parallel_loop3A_394 = vector.broadcast %parallel_loop3A_393 : f32 to vector<16xf32>
        %parallel_loop3A_395 = arith.addf %parallel_loop3A_392, %parallel_loop3A_394 : vector<16xf32>
        %parallel_loop3A_396 = vector.bitcast %parallel_loop3A_395 : vector<16xf32> to vector<16xi32>
        %parallel_loop3A_397 = arith.constant 255 : i32
        %parallel_loop3A_398 = vector.broadcast %parallel_loop3A_397 : i32 to vector<16xi32>
        %parallel_loop3A_399 = arith.andi %parallel_loop3A_396, %parallel_loop3A_398 : vector<16xi32>
        %parallel_loop3A_400 = arith.constant 0 : i32
        %parallel_loop3A_401 = tpu.memref_slice %arg7[%scan3A_142, %parallel_loop3A_400] : memref<1x256xf32, #tpu.memory_space<vmem>> -> memref<1x256xf32, #tpu.memory_space<vmem>>
        %parallel_loop3A_402 = tpu.memref_squeeze %parallel_loop3A_401 : memref<1x256xf32, #tpu.memory_space<vmem>> -> memref<256xf32, #tpu.memory_space<vmem>>
        %parallel_loop3A_403 = tpu.vector_load_idx %parallel_loop3A_402[%parallel_loop3A_399] : memref<256xf32, #tpu.memory_space<vmem>>[vector<16xi32>], vector<16xf32>,
        %parallel_loop3A_404 = arith.index_cast %parallel_loop3A_234 : i32 to index
        %parallel_loop3A_405 = arith.index_cast %parallel_loop3A_380 : i32 to index
        %parallel_loop3A_406 = tpu.vector_load %arg10[%parallel_loop3A_404, %parallel_loop3A_405] {strides = array<i32>} : memref<32x512xf32, #tpu.memory_space<vmem>>, vector<16xf32>,
        tpu.vector_store %arg10[%parallel_loop3A_404, %parallel_loop3A_405], %parallel_loop3A_403 {strides = array<i32>} : memref<32x512xf32, #tpu.memory_space<vmem>>, vector<16xf32>,
        %parallel_loop3A_407 = arith.constant 96 : i32
        %parallel_loop3A_408 = arith.addi %parallel_loop3A_238, %parallel_loop3A_407 : i32
        %parallel_loop3A_409 = arith.index_cast %parallel_loop3A_234 : i32 to index
        %parallel_loop3A_410 = arith.index_cast %parallel_loop3A_408 : i32 to index
        %parallel_loop3A_411 = tpu.vector_load %arg8[%parallel_loop3A_409, %parallel_loop3A_410] {strides = array<i32>} : memref<32x512xf32, #tpu.memory_space<vmem>>, vector<16xf32>,
        %parallel_loop3A_412 = arith.constant 5.000000e-01 : f32
        %parallel_loop3A_413 = vector.broadcast %parallel_loop3A_412 : f32 to vector<16xf32>
        %parallel_loop3A_414 = arith.mulf %parallel_loop3A_413, %parallel_loop3A_411 : vector<16xf32>
        %parallel_loop3A_415 = arith.constant 5.000000e-01 : f32
        %parallel_loop3A_416 = vector.broadcast %parallel_loop3A_415 : f32 to vector<16xf32>
        %parallel_loop3A_417 = arith.addf %parallel_loop3A_414, %parallel_loop3A_416 : vector<16xf32>
        %parallel_loop3A_418 = arith.constant 2.550000e+02 : f32
        %parallel_loop3A_419 = vector.broadcast %parallel_loop3A_418 : f32 to vector<16xf32>
        %parallel_loop3A_420 = arith.mulf %parallel_loop3A_419, %parallel_loop3A_417 : vector<16xf32>
        %parallel_loop3A_421 = arith.constant 0x4B000000 : f32
        %parallel_loop3A_422 = vector.broadcast %parallel_loop3A_421 : f32 to vector<16xf32>
        %parallel_loop3A_423 = arith.addf %parallel_loop3A_420, %parallel_loop3A_422 : vector<16xf32>
        %parallel_loop3A_424 = vector.bitcast %parallel_loop3A_423 : vector<16xf32> to vector<16xi32>
        %parallel_loop3A_425 = arith.constant 255 : i32
        %parallel_loop3A_426 = vector.broadcast %parallel_loop3A_425 : i32 to vector<16xi32>
        %parallel_loop3A_427 = arith.andi %parallel_loop3A_424, %parallel_loop3A_426 : vector<16xi32>
        %parallel_loop3A_428 = arith.constant 0 : i32
        %parallel_loop3A_429 = tpu.memref_slice %arg7[%scan3A_142, %parallel_loop3A_428] : memref<1x256xf32, #tpu.memory_space<vmem>> -> memref<1x256xf32, #tpu.memory_space<vmem>>
        %parallel_loop3A_430 = tpu.memref_squeeze %parallel_loop3A_429 : memref<1x256xf32, #tpu.memory_space<vmem>> -> memref<256xf32, #tpu.memory_space<vmem>>
        %parallel_loop3A_431 = tpu.vector_load_idx %parallel_loop3A_430[%parallel_loop3A_427] : memref<256xf32, #tpu.memory_space<vmem>>[vector<16xi32>], vector<16xf32>,
        %parallel_loop3A_432 = arith.index_cast %parallel_loop3A_234 : i32 to index
        %parallel_loop3A_433 = arith.index_cast %parallel_loop3A_408 : i32 to index
        %parallel_loop3A_434 = tpu.vector_load %arg10[%parallel_loop3A_432, %parallel_loop3A_433] {strides = array<i32>} : memref<32x512xf32, #tpu.memory_space<vmem>>, vector<16xf32>,
        tpu.vector_store %arg10[%parallel_loop3A_432, %parallel_loop3A_433], %parallel_loop3A_431 {strides = array<i32>} : memref<32x512xf32, #tpu.memory_space<vmem>>, vector<16xf32>,
        %parallel_loop3A_435 = arith.constant 112 : i32
        %parallel_loop3A_436 = arith.addi %parallel_loop3A_238, %parallel_loop3A_435 : i32
        %parallel_loop3A_437 = arith.index_cast %parallel_loop3A_234 : i32 to index
        %parallel_loop3A_438 = arith.index_cast %parallel_loop3A_436 : i32 to index
        %parallel_loop3A_439 = tpu.vector_load %arg8[%parallel_loop3A_437, %parallel_loop3A_438] {strides = array<i32>} : memref<32x512xf32, #tpu.memory_space<vmem>>, vector<16xf32>,
        %parallel_loop3A_440 = arith.constant 5.000000e-01 : f32
        %parallel_loop3A_441 = vector.broadcast %parallel_loop3A_440 : f32 to vector<16xf32>
        %parallel_loop3A_442 = arith.mulf %parallel_loop3A_441, %parallel_loop3A_439 : vector<16xf32>
        %parallel_loop3A_443 = arith.constant 5.000000e-01 : f32
        %parallel_loop3A_444 = vector.broadcast %parallel_loop3A_443 : f32 to vector<16xf32>
        %parallel_loop3A_445 = arith.addf %parallel_loop3A_442, %parallel_loop3A_444 : vector<16xf32>
        %parallel_loop3A_446 = arith.constant 2.550000e+02 : f32
        %parallel_loop3A_447 = vector.broadcast %parallel_loop3A_446 : f32 to vector<16xf32>
        %parallel_loop3A_448 = arith.mulf %parallel_loop3A_447, %parallel_loop3A_445 : vector<16xf32>
        %parallel_loop3A_449 = arith.constant 0x4B000000 : f32
        %parallel_loop3A_450 = vector.broadcast %parallel_loop3A_449 : f32 to vector<16xf32>
        %parallel_loop3A_451 = arith.addf %parallel_loop3A_448, %parallel_loop3A_450 : vector<16xf32>
        %parallel_loop3A_452 = vector.bitcast %parallel_loop3A_451 : vector<16xf32> to vector<16xi32>
        %parallel_loop3A_453 = arith.constant 255 : i32
        %parallel_loop3A_454 = vector.broadcast %parallel_loop3A_453 : i32 to vector<16xi32>
        %parallel_loop3A_455 = arith.andi %parallel_loop3A_452, %parallel_loop3A_454 : vector<16xi32>
        %parallel_loop3A_456 = arith.constant 0 : i32
        %parallel_loop3A_457 = tpu.memref_slice %arg7[%scan3A_142, %parallel_loop3A_456] : memref<1x256xf32, #tpu.memory_space<vmem>> -> memref<1x256xf32, #tpu.memory_space<vmem>>
        %parallel_loop3A_458 = tpu.memref_squeeze %parallel_loop3A_457 : memref<1x256xf32, #tpu.memory_space<vmem>> -> memref<256xf32, #tpu.memory_space<vmem>>
        %parallel_loop3A_459 = tpu.vector_load_idx %parallel_loop3A_458[%parallel_loop3A_455] : memref<256xf32, #tpu.memory_space<vmem>>[vector<16xi32>], vector<16xf32>,
        %parallel_loop3A_460 = arith.index_cast %parallel_loop3A_234 : i32 to index
        %parallel_loop3A_461 = arith.index_cast %parallel_loop3A_436 : i32 to index
        %parallel_loop3A_462 = tpu.vector_load %arg10[%parallel_loop3A_460, %parallel_loop3A_461] {strides = array<i32>} : memref<32x512xf32, #tpu.memory_space<vmem>>, vector<16xf32>,
        tpu.vector_store %arg10[%parallel_loop3A_460, %parallel_loop3A_461], %parallel_loop3A_459 {strides = array<i32>} : memref<32x512xf32, #tpu.memory_space<vmem>>, vector<16xf32>,
      } {sc.loop_unroll_factor = 1 : i64, sc.parallel_access}
      %mul3A_184 = arith.constant 32 : i32
      %mul3A_185 = arith.muli %add3A_170, %mul3A_184 : i32
      %dma_start3A_186 = arith.constant 2 : i32
      %dma_start3A_187 = arith.constant 0 : i32
      %dma_start3A_188 = tpu.memref_slice %arg4[%add3A, %dma_start3A_186, %mul3A_185, %dma_start3A_187] : memref<32x3x512x512xf32, #tpu.memory_space<hbm>> -> memref<1x1x32x512xf32, #tpu.memory_space<hbm>>
      %dma_start3A_189 = tpu.memref_squeeze %dma_start3A_188 : memref<1x1x32x512xf32, #tpu.memory_space<hbm>> -> memref<32x512xf32, #tpu.memory_space<hbm>>
      %dma_start3A_190 = arith.constant 0 : i32
      %dma_start3A_191 = tpu.memref_slice %arg4[%add3A, %dma_start3A_186, %mul3A_185, %dma_start3A_190] : memref<32x3x512x512xf32, #tpu.memory_space<hbm>> -> memref<1x1x32x512xf32, #tpu.memory_space<hbm>>
      %dma_start3A_192 = tpu.memref_squeeze %dma_start3A_191 : memref<1x1x32x512xf32, #tpu.memory_space<hbm>> -> memref<32x512xf32, #tpu.memory_space<hbm>>
      tpu.enqueue_dma source(%arg10 : memref<32x512xf32, #tpu.memory_space<vmem>>) target(%dma_start3A_192 : memref<32x512xf32, #tpu.memory_space<hbm>>) target_semaphore(%arg14 : memref<!tpu.dma_semaphore, #tpu.memory_space<semaphore_mem>>)
      %le3A = arith.constant 6 : i32
      %le3A_193 = arith.cmpi sle, %scan3A_166, %le3A : i32
      %convert_element_type3A_194 = arith.extui %le3A_193 : i1 to i32
      %cond3A_195 = arith.constant 0 : i32
      %cond3A_196 = arith.cmpi ne, %convert_element_type3A_194, %cond3A_195 : i32
      scf.if %cond3A_196 {
        %add3A_232 = arith.constant 2 : i32
        %add3A_233 = arith.addi %add3A_170, %add3A_232 : i32
        %mul3A_234 = arith.constant 32 : i32
        %mul3A_235 = arith.muli %add3A_233, %mul3A_234 : i32
        %dma_start3A_236 = arith.constant 2 : i32
        %dma_start3A_237 = arith.constant 0 : i32
        %dma_start3A_238 = tpu.memref_slice %arg2[%add3A, %dma_start3A_236, %mul3A_235, %dma_start3A_237] : memref<32x3x512x512xf32, #tpu.memory_space<hbm>> -> memref<1x1x32x512xf32, #tpu.memory_space<hbm>>
        %dma_start3A_239 = tpu.memref_squeeze %dma_start3A_238 : memref<1x1x32x512xf32, #tpu.memory_space<hbm>> -> memref<32x512xf32, #tpu.memory_space<hbm>>
        %dma_start3A_240 = arith.constant 0 : i32
        %dma_start3A_241 = tpu.memref_slice %arg2[%add3A, %dma_start3A_236, %mul3A_235, %dma_start3A_240] : memref<32x3x512x512xf32, #tpu.memory_space<hbm>> -> memref<1x1x32x512xf32, #tpu.memory_space<hbm>>
        %dma_start3A_242 = tpu.memref_squeeze %dma_start3A_241 : memref<1x1x32x512xf32, #tpu.memory_space<hbm>> -> memref<32x512xf32, #tpu.memory_space<hbm>>
        tpu.enqueue_dma source(%dma_start3A_242 : memref<32x512xf32, #tpu.memory_space<hbm>>) target(%arg8 : memref<32x512xf32, #tpu.memory_space<vmem>>) target_semaphore(%arg12 : memref<!tpu.dma_semaphore, #tpu.memory_space<semaphore_mem>>)
      } else {
      }
      %mul3A_197 = arith.constant 2 : i32
      %mul3A_198 = arith.muli %scan3A_166, %mul3A_197 : i32
      %add3A_199 = arith.constant 1 : i32
      %add3A_200 = arith.addi %mul3A_198, %add3A_199 : i32
      %mul3A_201 = arith.constant 32 : i32
      %mul3A_202 = arith.muli %add3A_200, %mul3A_201 : i32
      %dma_wait3A_203 = arith.constant 2 : i32
      %dma_wait3A_204 = arith.constant 0 : i32
      %dma_wait3A_205 = tpu.memref_slice %arg2[%add3A, %dma_wait3A_203, %mul3A_202, %dma_wait3A_204] : memref<32x3x512x512xf32, #tpu.memory_space<hbm>> -> memref<1x1x32x512xf32, #tpu.memory_space<hbm>>
      %dma_wait3A_206 = tpu.memref_squeeze %dma_wait3A_205 : memref<1x1x32x512xf32, #tpu.memory_space<hbm>> -> memref<32x512xf32, #tpu.memory_space<hbm>>
      %dma_wait3A_207 = arith.constant 0 : i32
      %dma_wait3A_208 = tpu.memref_slice %arg2[%add3A, %dma_wait3A_203, %mul3A_202, %dma_wait3A_207] : memref<32x3x512x512xf32, #tpu.memory_space<hbm>> -> memref<1x1x32x512xf32, #tpu.memory_space<hbm>>
      %dma_wait3A_209 = tpu.memref_squeeze %dma_wait3A_208 : memref<1x1x32x512xf32, #tpu.memory_space<hbm>> -> memref<32x512xf32, #tpu.memory_space<hbm>>
      tpu.wait_dma2 semaphore(%arg13 : memref<!tpu.dma_semaphore, #tpu.memory_space<semaphore_mem>>) src(%dma_wait3A_209 : memref<32x512xf32, #tpu.memory_space<hbm>>) dst(%arg9 : memref<32x512xf32, #tpu.memory_space<vmem>>)
      %ge3A_210 = arith.constant 1 : i32
      %ge3A_211 = arith.cmpi sge, %scan3A_166, %ge3A_210 : i32
      %convert_element_type3A_212 = arith.extui %ge3A_211 : i1 to i32
      %cond3A_213 = arith.constant 0 : i32
      %cond3A_214 = arith.cmpi ne, %convert_element_type3A_212, %cond3A_213 : i32
      scf.if %cond3A_214 {
        %sub3A = arith.constant 2 : i32
        %sub3A_232 = arith.subi %add3A_200, %sub3A : i32
        %mul3A_233 = arith.constant 32 : i32
        %mul3A_234 = arith.muli %sub3A_232, %mul3A_233 : i32
        %dma_wait3A_235 = arith.constant 2 : i32
        %dma_wait3A_236 = arith.constant 0 : i32
        %dma_wait3A_237 = tpu.memref_slice %arg4[%add3A, %dma_wait3A_235, %mul3A_234, %dma_wait3A_236] : memref<32x3x512x512xf32, #tpu.memory_space<hbm>> -> memref<1x1x32x512xf32, #tpu.memory_space<hbm>>
        %dma_wait3A_238 = tpu.memref_squeeze %dma_wait3A_237 : memref<1x1x32x512xf32, #tpu.memory_space<hbm>> -> memref<32x512xf32, #tpu.memory_space<hbm>>
        %dma_wait3A_239 = arith.constant 0 : i32
        %dma_wait3A_240 = tpu.memref_slice %arg4[%add3A, %dma_wait3A_235, %mul3A_234, %dma_wait3A_239] : memref<32x3x512x512xf32, #tpu.memory_space<hbm>> -> memref<1x1x32x512xf32, #tpu.memory_space<hbm>>
        %dma_wait3A_241 = tpu.memref_squeeze %dma_wait3A_240 : memref<1x1x32x512xf32, #tpu.memory_space<hbm>> -> memref<32x512xf32, #tpu.memory_space<hbm>>
        tpu.wait_dma2 semaphore(%arg15 : memref<!tpu.dma_semaphore, #tpu.memory_space<semaphore_mem>>) src(%arg11 : memref<32x512xf32, #tpu.memory_space<vmem>>) dst(%dma_wait3A_241 : memref<32x512xf32, #tpu.memory_space<hbm>>)
      } else {
      }
      %parallel_loop3A_215 = arith.constant 0 : i32
      %parallel_loop3A_216 = arith.constant 128 : i32
      %parallel_loop3A_217 = arith.constant 1 : i32
      scf.for %parallel_loop3A_232 = %parallel_loop3A_215 to %parallel_loop3A_216 step %parallel_loop3A_217  : i32 {
        %parallel_loop3A_233 = arith.constant 2 : i32
        %parallel_loop3A_234 = arith.shrsi %parallel_loop3A_232, %parallel_loop3A_233 : i32
        %parallel_loop3A_235 = arith.constant 3 : i32
        %parallel_loop3A_236 = arith.andi %parallel_loop3A_232, %parallel_loop3A_235 : i32
        %parallel_loop3A_237 = arith.constant 7 : i32
        %parallel_loop3A_238 = arith.shli %parallel_loop3A_236, %parallel_loop3A_237 : i32
        %parallel_loop3A_239 = arith.constant 0 : i32
        %parallel_loop3A_240 = arith.addi %parallel_loop3A_238, %parallel_loop3A_239 : i32
        %parallel_loop3A_241 = arith.index_cast %parallel_loop3A_234 : i32 to index
        %parallel_loop3A_242 = arith.index_cast %parallel_loop3A_240 : i32 to index
        %parallel_loop3A_243 = tpu.vector_load %arg9[%parallel_loop3A_241, %parallel_loop3A_242] {strides = array<i32>} : memref<32x512xf32, #tpu.memory_space<vmem>>, vector<16xf32>,
        %parallel_loop3A_244 = arith.constant 5.000000e-01 : f32
        %parallel_loop3A_245 = vector.broadcast %parallel_loop3A_244 : f32 to vector<16xf32>
        %parallel_loop3A_246 = arith.mulf %parallel_loop3A_245, %parallel_loop3A_243 : vector<16xf32>
        %parallel_loop3A_247 = arith.constant 5.000000e-01 : f32
        %parallel_loop3A_248 = vector.broadcast %parallel_loop3A_247 : f32 to vector<16xf32>
        %parallel_loop3A_249 = arith.addf %parallel_loop3A_246, %parallel_loop3A_248 : vector<16xf32>
        %parallel_loop3A_250 = arith.constant 2.550000e+02 : f32
        %parallel_loop3A_251 = vector.broadcast %parallel_loop3A_250 : f32 to vector<16xf32>
        %parallel_loop3A_252 = arith.mulf %parallel_loop3A_251, %parallel_loop3A_249 : vector<16xf32>
        %parallel_loop3A_253 = arith.constant 0x4B000000 : f32
        %parallel_loop3A_254 = vector.broadcast %parallel_loop3A_253 : f32 to vector<16xf32>
        %parallel_loop3A_255 = arith.addf %parallel_loop3A_252, %parallel_loop3A_254 : vector<16xf32>
        %parallel_loop3A_256 = vector.bitcast %parallel_loop3A_255 : vector<16xf32> to vector<16xi32>
        %parallel_loop3A_257 = arith.constant 255 : i32
        %parallel_loop3A_258 = vector.broadcast %parallel_loop3A_257 : i32 to vector<16xi32>
        %parallel_loop3A_259 = arith.andi %parallel_loop3A_256, %parallel_loop3A_258 : vector<16xi32>
        %parallel_loop3A_260 = arith.constant 0 : i32
        %parallel_loop3A_261 = tpu.memref_slice %arg7[%scan3A_142, %parallel_loop3A_260] : memref<1x256xf32, #tpu.memory_space<vmem>> -> memref<1x256xf32, #tpu.memory_space<vmem>>
        %parallel_loop3A_262 = tpu.memref_squeeze %parallel_loop3A_261 : memref<1x256xf32, #tpu.memory_space<vmem>> -> memref<256xf32, #tpu.memory_space<vmem>>
        %parallel_loop3A_263 = tpu.vector_load_idx %parallel_loop3A_262[%parallel_loop3A_259] : memref<256xf32, #tpu.memory_space<vmem>>[vector<16xi32>], vector<16xf32>,
        %parallel_loop3A_264 = arith.index_cast %parallel_loop3A_234 : i32 to index
        %parallel_loop3A_265 = arith.index_cast %parallel_loop3A_240 : i32 to index
        %parallel_loop3A_266 = tpu.vector_load %arg11[%parallel_loop3A_264, %parallel_loop3A_265] {strides = array<i32>} : memref<32x512xf32, #tpu.memory_space<vmem>>, vector<16xf32>,
        tpu.vector_store %arg11[%parallel_loop3A_264, %parallel_loop3A_265], %parallel_loop3A_263 {strides = array<i32>} : memref<32x512xf32, #tpu.memory_space<vmem>>, vector<16xf32>,
        %parallel_loop3A_267 = arith.constant 16 : i32
        %parallel_loop3A_268 = arith.addi %parallel_loop3A_238, %parallel_loop3A_267 : i32
        %parallel_loop3A_269 = arith.index_cast %parallel_loop3A_234 : i32 to index
        %parallel_loop3A_270 = arith.index_cast %parallel_loop3A_268 : i32 to index
        %parallel_loop3A_271 = tpu.vector_load %arg9[%parallel_loop3A_269, %parallel_loop3A_270] {strides = array<i32>} : memref<32x512xf32, #tpu.memory_space<vmem>>, vector<16xf32>,
        %parallel_loop3A_272 = arith.constant 5.000000e-01 : f32
        %parallel_loop3A_273 = vector.broadcast %parallel_loop3A_272 : f32 to vector<16xf32>
        %parallel_loop3A_274 = arith.mulf %parallel_loop3A_273, %parallel_loop3A_271 : vector<16xf32>
        %parallel_loop3A_275 = arith.constant 5.000000e-01 : f32
        %parallel_loop3A_276 = vector.broadcast %parallel_loop3A_275 : f32 to vector<16xf32>
        %parallel_loop3A_277 = arith.addf %parallel_loop3A_274, %parallel_loop3A_276 : vector<16xf32>
        %parallel_loop3A_278 = arith.constant 2.550000e+02 : f32
        %parallel_loop3A_279 = vector.broadcast %parallel_loop3A_278 : f32 to vector<16xf32>
        %parallel_loop3A_280 = arith.mulf %parallel_loop3A_279, %parallel_loop3A_277 : vector<16xf32>
        %parallel_loop3A_281 = arith.constant 0x4B000000 : f32
        %parallel_loop3A_282 = vector.broadcast %parallel_loop3A_281 : f32 to vector<16xf32>
        %parallel_loop3A_283 = arith.addf %parallel_loop3A_280, %parallel_loop3A_282 : vector<16xf32>
        %parallel_loop3A_284 = vector.bitcast %parallel_loop3A_283 : vector<16xf32> to vector<16xi32>
        %parallel_loop3A_285 = arith.constant 255 : i32
        %parallel_loop3A_286 = vector.broadcast %parallel_loop3A_285 : i32 to vector<16xi32>
        %parallel_loop3A_287 = arith.andi %parallel_loop3A_284, %parallel_loop3A_286 : vector<16xi32>
        %parallel_loop3A_288 = arith.constant 0 : i32
        %parallel_loop3A_289 = tpu.memref_slice %arg7[%scan3A_142, %parallel_loop3A_288] : memref<1x256xf32, #tpu.memory_space<vmem>> -> memref<1x256xf32, #tpu.memory_space<vmem>>
        %parallel_loop3A_290 = tpu.memref_squeeze %parallel_loop3A_289 : memref<1x256xf32, #tpu.memory_space<vmem>> -> memref<256xf32, #tpu.memory_space<vmem>>
        %parallel_loop3A_291 = tpu.vector_load_idx %parallel_loop3A_290[%parallel_loop3A_287] : memref<256xf32, #tpu.memory_space<vmem>>[vector<16xi32>], vector<16xf32>,
        %parallel_loop3A_292 = arith.index_cast %parallel_loop3A_234 : i32 to index
        %parallel_loop3A_293 = arith.index_cast %parallel_loop3A_268 : i32 to index
        %parallel_loop3A_294 = tpu.vector_load %arg11[%parallel_loop3A_292, %parallel_loop3A_293] {strides = array<i32>} : memref<32x512xf32, #tpu.memory_space<vmem>>, vector<16xf32>,
        tpu.vector_store %arg11[%parallel_loop3A_292, %parallel_loop3A_293], %parallel_loop3A_291 {strides = array<i32>} : memref<32x512xf32, #tpu.memory_space<vmem>>, vector<16xf32>,
        %parallel_loop3A_295 = arith.constant 32 : i32
        %parallel_loop3A_296 = arith.addi %parallel_loop3A_238, %parallel_loop3A_295 : i32
        %parallel_loop3A_297 = arith.index_cast %parallel_loop3A_234 : i32 to index
        %parallel_loop3A_298 = arith.index_cast %parallel_loop3A_296 : i32 to index
        %parallel_loop3A_299 = tpu.vector_load %arg9[%parallel_loop3A_297, %parallel_loop3A_298] {strides = array<i32>} : memref<32x512xf32, #tpu.memory_space<vmem>>, vector<16xf32>,
        %parallel_loop3A_300 = arith.constant 5.000000e-01 : f32
        %parallel_loop3A_301 = vector.broadcast %parallel_loop3A_300 : f32 to vector<16xf32>
        %parallel_loop3A_302 = arith.mulf %parallel_loop3A_301, %parallel_loop3A_299 : vector<16xf32>
        %parallel_loop3A_303 = arith.constant 5.000000e-01 : f32
        %parallel_loop3A_304 = vector.broadcast %parallel_loop3A_303 : f32 to vector<16xf32>
        %parallel_loop3A_305 = arith.addf %parallel_loop3A_302, %parallel_loop3A_304 : vector<16xf32>
        %parallel_loop3A_306 = arith.constant 2.550000e+02 : f32
        %parallel_loop3A_307 = vector.broadcast %parallel_loop3A_306 : f32 to vector<16xf32>
        %parallel_loop3A_308 = arith.mulf %parallel_loop3A_307, %parallel_loop3A_305 : vector<16xf32>
        %parallel_loop3A_309 = arith.constant 0x4B000000 : f32
        %parallel_loop3A_310 = vector.broadcast %parallel_loop3A_309 : f32 to vector<16xf32>
        %parallel_loop3A_311 = arith.addf %parallel_loop3A_308, %parallel_loop3A_310 : vector<16xf32>
        %parallel_loop3A_312 = vector.bitcast %parallel_loop3A_311 : vector<16xf32> to vector<16xi32>
        %parallel_loop3A_313 = arith.constant 255 : i32
        %parallel_loop3A_314 = vector.broadcast %parallel_loop3A_313 : i32 to vector<16xi32>
        %parallel_loop3A_315 = arith.andi %parallel_loop3A_312, %parallel_loop3A_314 : vector<16xi32>
        %parallel_loop3A_316 = arith.constant 0 : i32
        %parallel_loop3A_317 = tpu.memref_slice %arg7[%scan3A_142, %parallel_loop3A_316] : memref<1x256xf32, #tpu.memory_space<vmem>> -> memref<1x256xf32, #tpu.memory_space<vmem>>
        %parallel_loop3A_318 = tpu.memref_squeeze %parallel_loop3A_317 : memref<1x256xf32, #tpu.memory_space<vmem>> -> memref<256xf32, #tpu.memory_space<vmem>>
        %parallel_loop3A_319 = tpu.vector_load_idx %parallel_loop3A_318[%parallel_loop3A_315] : memref<256xf32, #tpu.memory_space<vmem>>[vector<16xi32>], vector<16xf32>,
        %parallel_loop3A_320 = arith.index_cast %parallel_loop3A_234 : i32 to index
        %parallel_loop3A_321 = arith.index_cast %parallel_loop3A_296 : i32 to index
        %parallel_loop3A_322 = tpu.vector_load %arg11[%parallel_loop3A_320, %parallel_loop3A_321] {strides = array<i32>} : memref<32x512xf32, #tpu.memory_space<vmem>>, vector<16xf32>,
        tpu.vector_store %arg11[%parallel_loop3A_320, %parallel_loop3A_321], %parallel_loop3A_319 {strides = array<i32>} : memref<32x512xf32, #tpu.memory_space<vmem>>, vector<16xf32>,
        %parallel_loop3A_323 = arith.constant 48 : i32
        %parallel_loop3A_324 = arith.addi %parallel_loop3A_238, %parallel_loop3A_323 : i32
        %parallel_loop3A_325 = arith.index_cast %parallel_loop3A_234 : i32 to index
        %parallel_loop3A_326 = arith.index_cast %parallel_loop3A_324 : i32 to index
        %parallel_loop3A_327 = tpu.vector_load %arg9[%parallel_loop3A_325, %parallel_loop3A_326] {strides = array<i32>} : memref<32x512xf32, #tpu.memory_space<vmem>>, vector<16xf32>,
        %parallel_loop3A_328 = arith.constant 5.000000e-01 : f32
        %parallel_loop3A_329 = vector.broadcast %parallel_loop3A_328 : f32 to vector<16xf32>
        %parallel_loop3A_330 = arith.mulf %parallel_loop3A_329, %parallel_loop3A_327 : vector<16xf32>
        %parallel_loop3A_331 = arith.constant 5.000000e-01 : f32
        %parallel_loop3A_332 = vector.broadcast %parallel_loop3A_331 : f32 to vector<16xf32>
        %parallel_loop3A_333 = arith.addf %parallel_loop3A_330, %parallel_loop3A_332 : vector<16xf32>
        %parallel_loop3A_334 = arith.constant 2.550000e+02 : f32
        %parallel_loop3A_335 = vector.broadcast %parallel_loop3A_334 : f32 to vector<16xf32>
        %parallel_loop3A_336 = arith.mulf %parallel_loop3A_335, %parallel_loop3A_333 : vector<16xf32>
        %parallel_loop3A_337 = arith.constant 0x4B000000 : f32
        %parallel_loop3A_338 = vector.broadcast %parallel_loop3A_337 : f32 to vector<16xf32>
        %parallel_loop3A_339 = arith.addf %parallel_loop3A_336, %parallel_loop3A_338 : vector<16xf32>
        %parallel_loop3A_340 = vector.bitcast %parallel_loop3A_339 : vector<16xf32> to vector<16xi32>
        %parallel_loop3A_341 = arith.constant 255 : i32
        %parallel_loop3A_342 = vector.broadcast %parallel_loop3A_341 : i32 to vector<16xi32>
        %parallel_loop3A_343 = arith.andi %parallel_loop3A_340, %parallel_loop3A_342 : vector<16xi32>
        %parallel_loop3A_344 = arith.constant 0 : i32
        %parallel_loop3A_345 = tpu.memref_slice %arg7[%scan3A_142, %parallel_loop3A_344] : memref<1x256xf32, #tpu.memory_space<vmem>> -> memref<1x256xf32, #tpu.memory_space<vmem>>
        %parallel_loop3A_346 = tpu.memref_squeeze %parallel_loop3A_345 : memref<1x256xf32, #tpu.memory_space<vmem>> -> memref<256xf32, #tpu.memory_space<vmem>>
        %parallel_loop3A_347 = tpu.vector_load_idx %parallel_loop3A_346[%parallel_loop3A_343] : memref<256xf32, #tpu.memory_space<vmem>>[vector<16xi32>], vector<16xf32>,
        %parallel_loop3A_348 = arith.index_cast %parallel_loop3A_234 : i32 to index
        %parallel_loop3A_349 = arith.index_cast %parallel_loop3A_324 : i32 to index
        %parallel_loop3A_350 = tpu.vector_load %arg11[%parallel_loop3A_348, %parallel_loop3A_349] {strides = array<i32>} : memref<32x512xf32, #tpu.memory_space<vmem>>, vector<16xf32>,
        tpu.vector_store %arg11[%parallel_loop3A_348, %parallel_loop3A_349], %parallel_loop3A_347 {strides = array<i32>} : memref<32x512xf32, #tpu.memory_space<vmem>>, vector<16xf32>,
        %parallel_loop3A_351 = arith.constant 64 : i32
        %parallel_loop3A_352 = arith.addi %parallel_loop3A_238, %parallel_loop3A_351 : i32
        %parallel_loop3A_353 = arith.index_cast %parallel_loop3A_234 : i32 to index
        %parallel_loop3A_354 = arith.index_cast %parallel_loop3A_352 : i32 to index
        %parallel_loop3A_355 = tpu.vector_load %arg9[%parallel_loop3A_353, %parallel_loop3A_354] {strides = array<i32>} : memref<32x512xf32, #tpu.memory_space<vmem>>, vector<16xf32>,
        %parallel_loop3A_356 = arith.constant 5.000000e-01 : f32
        %parallel_loop3A_357 = vector.broadcast %parallel_loop3A_356 : f32 to vector<16xf32>
        %parallel_loop3A_358 = arith.mulf %parallel_loop3A_357, %parallel_loop3A_355 : vector<16xf32>
        %parallel_loop3A_359 = arith.constant 5.000000e-01 : f32
        %parallel_loop3A_360 = vector.broadcast %parallel_loop3A_359 : f32 to vector<16xf32>
        %parallel_loop3A_361 = arith.addf %parallel_loop3A_358, %parallel_loop3A_360 : vector<16xf32>
        %parallel_loop3A_362 = arith.constant 2.550000e+02 : f32
        %parallel_loop3A_363 = vector.broadcast %parallel_loop3A_362 : f32 to vector<16xf32>
        %parallel_loop3A_364 = arith.mulf %parallel_loop3A_363, %parallel_loop3A_361 : vector<16xf32>
        %parallel_loop3A_365 = arith.constant 0x4B000000 : f32
        %parallel_loop3A_366 = vector.broadcast %parallel_loop3A_365 : f32 to vector<16xf32>
        %parallel_loop3A_367 = arith.addf %parallel_loop3A_364, %parallel_loop3A_366 : vector<16xf32>
        %parallel_loop3A_368 = vector.bitcast %parallel_loop3A_367 : vector<16xf32> to vector<16xi32>
        %parallel_loop3A_369 = arith.constant 255 : i32
        %parallel_loop3A_370 = vector.broadcast %parallel_loop3A_369 : i32 to vector<16xi32>
        %parallel_loop3A_371 = arith.andi %parallel_loop3A_368, %parallel_loop3A_370 : vector<16xi32>
        %parallel_loop3A_372 = arith.constant 0 : i32
        %parallel_loop3A_373 = tpu.memref_slice %arg7[%scan3A_142, %parallel_loop3A_372] : memref<1x256xf32, #tpu.memory_space<vmem>> -> memref<1x256xf32, #tpu.memory_space<vmem>>
        %parallel_loop3A_374 = tpu.memref_squeeze %parallel_loop3A_373 : memref<1x256xf32, #tpu.memory_space<vmem>> -> memref<256xf32, #tpu.memory_space<vmem>>
        %parallel_loop3A_375 = tpu.vector_load_idx %parallel_loop3A_374[%parallel_loop3A_371] : memref<256xf32, #tpu.memory_space<vmem>>[vector<16xi32>], vector<16xf32>,
        %parallel_loop3A_376 = arith.index_cast %parallel_loop3A_234 : i32 to index
        %parallel_loop3A_377 = arith.index_cast %parallel_loop3A_352 : i32 to index
        %parallel_loop3A_378 = tpu.vector_load %arg11[%parallel_loop3A_376, %parallel_loop3A_377] {strides = array<i32>} : memref<32x512xf32, #tpu.memory_space<vmem>>, vector<16xf32>,
        tpu.vector_store %arg11[%parallel_loop3A_376, %parallel_loop3A_377], %parallel_loop3A_375 {strides = array<i32>} : memref<32x512xf32, #tpu.memory_space<vmem>>, vector<16xf32>,
        %parallel_loop3A_379 = arith.constant 80 : i32
        %parallel_loop3A_380 = arith.addi %parallel_loop3A_238, %parallel_loop3A_379 : i32
        %parallel_loop3A_381 = arith.index_cast %parallel_loop3A_234 : i32 to index
        %parallel_loop3A_382 = arith.index_cast %parallel_loop3A_380 : i32 to index
        %parallel_loop3A_383 = tpu.vector_load %arg9[%parallel_loop3A_381, %parallel_loop3A_382] {strides = array<i32>} : memref<32x512xf32, #tpu.memory_space<vmem>>, vector<16xf32>,
        %parallel_loop3A_384 = arith.constant 5.000000e-01 : f32
        %parallel_loop3A_385 = vector.broadcast %parallel_loop3A_384 : f32 to vector<16xf32>
        %parallel_loop3A_386 = arith.mulf %parallel_loop3A_385, %parallel_loop3A_383 : vector<16xf32>
        %parallel_loop3A_387 = arith.constant 5.000000e-01 : f32
        %parallel_loop3A_388 = vector.broadcast %parallel_loop3A_387 : f32 to vector<16xf32>
        %parallel_loop3A_389 = arith.addf %parallel_loop3A_386, %parallel_loop3A_388 : vector<16xf32>
        %parallel_loop3A_390 = arith.constant 2.550000e+02 : f32
        %parallel_loop3A_391 = vector.broadcast %parallel_loop3A_390 : f32 to vector<16xf32>
        %parallel_loop3A_392 = arith.mulf %parallel_loop3A_391, %parallel_loop3A_389 : vector<16xf32>
        %parallel_loop3A_393 = arith.constant 0x4B000000 : f32
        %parallel_loop3A_394 = vector.broadcast %parallel_loop3A_393 : f32 to vector<16xf32>
        %parallel_loop3A_395 = arith.addf %parallel_loop3A_392, %parallel_loop3A_394 : vector<16xf32>
        %parallel_loop3A_396 = vector.bitcast %parallel_loop3A_395 : vector<16xf32> to vector<16xi32>
        %parallel_loop3A_397 = arith.constant 255 : i32
        %parallel_loop3A_398 = vector.broadcast %parallel_loop3A_397 : i32 to vector<16xi32>
        %parallel_loop3A_399 = arith.andi %parallel_loop3A_396, %parallel_loop3A_398 : vector<16xi32>
        %parallel_loop3A_400 = arith.constant 0 : i32
        %parallel_loop3A_401 = tpu.memref_slice %arg7[%scan3A_142, %parallel_loop3A_400] : memref<1x256xf32, #tpu.memory_space<vmem>> -> memref<1x256xf32, #tpu.memory_space<vmem>>
        %parallel_loop3A_402 = tpu.memref_squeeze %parallel_loop3A_401 : memref<1x256xf32, #tpu.memory_space<vmem>> -> memref<256xf32, #tpu.memory_space<vmem>>
        %parallel_loop3A_403 = tpu.vector_load_idx %parallel_loop3A_402[%parallel_loop3A_399] : memref<256xf32, #tpu.memory_space<vmem>>[vector<16xi32>], vector<16xf32>,
        %parallel_loop3A_404 = arith.index_cast %parallel_loop3A_234 : i32 to index
        %parallel_loop3A_405 = arith.index_cast %parallel_loop3A_380 : i32 to index
        %parallel_loop3A_406 = tpu.vector_load %arg11[%parallel_loop3A_404, %parallel_loop3A_405] {strides = array<i32>} : memref<32x512xf32, #tpu.memory_space<vmem>>, vector<16xf32>,
        tpu.vector_store %arg11[%parallel_loop3A_404, %parallel_loop3A_405], %parallel_loop3A_403 {strides = array<i32>} : memref<32x512xf32, #tpu.memory_space<vmem>>, vector<16xf32>,
        %parallel_loop3A_407 = arith.constant 96 : i32
        %parallel_loop3A_408 = arith.addi %parallel_loop3A_238, %parallel_loop3A_407 : i32
        %parallel_loop3A_409 = arith.index_cast %parallel_loop3A_234 : i32 to index
        %parallel_loop3A_410 = arith.index_cast %parallel_loop3A_408 : i32 to index
        %parallel_loop3A_411 = tpu.vector_load %arg9[%parallel_loop3A_409, %parallel_loop3A_410] {strides = array<i32>} : memref<32x512xf32, #tpu.memory_space<vmem>>, vector<16xf32>,
        %parallel_loop3A_412 = arith.constant 5.000000e-01 : f32
        %parallel_loop3A_413 = vector.broadcast %parallel_loop3A_412 : f32 to vector<16xf32>
        %parallel_loop3A_414 = arith.mulf %parallel_loop3A_413, %parallel_loop3A_411 : vector<16xf32>
        %parallel_loop3A_415 = arith.constant 5.000000e-01 : f32
        %parallel_loop3A_416 = vector.broadcast %parallel_loop3A_415 : f32 to vector<16xf32>
        %parallel_loop3A_417 = arith.addf %parallel_loop3A_414, %parallel_loop3A_416 : vector<16xf32>
        %parallel_loop3A_418 = arith.constant 2.550000e+02 : f32
        %parallel_loop3A_419 = vector.broadcast %parallel_loop3A_418 : f32 to vector<16xf32>
        %parallel_loop3A_420 = arith.mulf %parallel_loop3A_419, %parallel_loop3A_417 : vector<16xf32>
        %parallel_loop3A_421 = arith.constant 0x4B000000 : f32
        %parallel_loop3A_422 = vector.broadcast %parallel_loop3A_421 : f32 to vector<16xf32>
        %parallel_loop3A_423 = arith.addf %parallel_loop3A_420, %parallel_loop3A_422 : vector<16xf32>
        %parallel_loop3A_424 = vector.bitcast %parallel_loop3A_423 : vector<16xf32> to vector<16xi32>
        %parallel_loop3A_425 = arith.constant 255 : i32
        %parallel_loop3A_426 = vector.broadcast %parallel_loop3A_425 : i32 to vector<16xi32>
        %parallel_loop3A_427 = arith.andi %parallel_loop3A_424, %parallel_loop3A_426 : vector<16xi32>
        %parallel_loop3A_428 = arith.constant 0 : i32
        %parallel_loop3A_429 = tpu.memref_slice %arg7[%scan3A_142, %parallel_loop3A_428] : memref<1x256xf32, #tpu.memory_space<vmem>> -> memref<1x256xf32, #tpu.memory_space<vmem>>
        %parallel_loop3A_430 = tpu.memref_squeeze %parallel_loop3A_429 : memref<1x256xf32, #tpu.memory_space<vmem>> -> memref<256xf32, #tpu.memory_space<vmem>>
        %parallel_loop3A_431 = tpu.vector_load_idx %parallel_loop3A_430[%parallel_loop3A_427] : memref<256xf32, #tpu.memory_space<vmem>>[vector<16xi32>], vector<16xf32>,
        %parallel_loop3A_432 = arith.index_cast %parallel_loop3A_234 : i32 to index
        %parallel_loop3A_433 = arith.index_cast %parallel_loop3A_408 : i32 to index
        %parallel_loop3A_434 = tpu.vector_load %arg11[%parallel_loop3A_432, %parallel_loop3A_433] {strides = array<i32>} : memref<32x512xf32, #tpu.memory_space<vmem>>, vector<16xf32>,
        tpu.vector_store %arg11[%parallel_loop3A_432, %parallel_loop3A_433], %parallel_loop3A_431 {strides = array<i32>} : memref<32x512xf32, #tpu.memory_space<vmem>>, vector<16xf32>,
        %parallel_loop3A_435 = arith.constant 112 : i32
        %parallel_loop3A_436 = arith.addi %parallel_loop3A_238, %parallel_loop3A_435 : i32
        %parallel_loop3A_437 = arith.index_cast %parallel_loop3A_234 : i32 to index
        %parallel_loop3A_438 = arith.index_cast %parallel_loop3A_436 : i32 to index
        %parallel_loop3A_439 = tpu.vector_load %arg9[%parallel_loop3A_437, %parallel_loop3A_438] {strides = array<i32>} : memref<32x512xf32, #tpu.memory_space<vmem>>, vector<16xf32>,
        %parallel_loop3A_440 = arith.constant 5.000000e-01 : f32
        %parallel_loop3A_441 = vector.broadcast %parallel_loop3A_440 : f32 to vector<16xf32>
        %parallel_loop3A_442 = arith.mulf %parallel_loop3A_441, %parallel_loop3A_439 : vector<16xf32>
        %parallel_loop3A_443 = arith.constant 5.000000e-01 : f32
        %parallel_loop3A_444 = vector.broadcast %parallel_loop3A_443 : f32 to vector<16xf32>
        %parallel_loop3A_445 = arith.addf %parallel_loop3A_442, %parallel_loop3A_444 : vector<16xf32>
        %parallel_loop3A_446 = arith.constant 2.550000e+02 : f32
        %parallel_loop3A_447 = vector.broadcast %parallel_loop3A_446 : f32 to vector<16xf32>
        %parallel_loop3A_448 = arith.mulf %parallel_loop3A_447, %parallel_loop3A_445 : vector<16xf32>
        %parallel_loop3A_449 = arith.constant 0x4B000000 : f32
        %parallel_loop3A_450 = vector.broadcast %parallel_loop3A_449 : f32 to vector<16xf32>
        %parallel_loop3A_451 = arith.addf %parallel_loop3A_448, %parallel_loop3A_450 : vector<16xf32>
        %parallel_loop3A_452 = vector.bitcast %parallel_loop3A_451 : vector<16xf32> to vector<16xi32>
        %parallel_loop3A_453 = arith.constant 255 : i32
        %parallel_loop3A_454 = vector.broadcast %parallel_loop3A_453 : i32 to vector<16xi32>
        %parallel_loop3A_455 = arith.andi %parallel_loop3A_452, %parallel_loop3A_454 : vector<16xi32>
        %parallel_loop3A_456 = arith.constant 0 : i32
        %parallel_loop3A_457 = tpu.memref_slice %arg7[%scan3A_142, %parallel_loop3A_456] : memref<1x256xf32, #tpu.memory_space<vmem>> -> memref<1x256xf32, #tpu.memory_space<vmem>>
        %parallel_loop3A_458 = tpu.memref_squeeze %parallel_loop3A_457 : memref<1x256xf32, #tpu.memory_space<vmem>> -> memref<256xf32, #tpu.memory_space<vmem>>
        %parallel_loop3A_459 = tpu.vector_load_idx %parallel_loop3A_458[%parallel_loop3A_455] : memref<256xf32, #tpu.memory_space<vmem>>[vector<16xi32>], vector<16xf32>,
        %parallel_loop3A_460 = arith.index_cast %parallel_loop3A_234 : i32 to index
        %parallel_loop3A_461 = arith.index_cast %parallel_loop3A_436 : i32 to index
        %parallel_loop3A_462 = tpu.vector_load %arg11[%parallel_loop3A_460, %parallel_loop3A_461] {strides = array<i32>} : memref<32x512xf32, #tpu.memory_space<vmem>>, vector<16xf32>,
        tpu.vector_store %arg11[%parallel_loop3A_460, %parallel_loop3A_461], %parallel_loop3A_459 {strides = array<i32>} : memref<32x512xf32, #tpu.memory_space<vmem>>, vector<16xf32>,
      } {sc.loop_unroll_factor = 1 : i64, sc.parallel_access}
      %mul3A_218 = arith.constant 32 : i32
      %mul3A_219 = arith.muli %add3A_200, %mul3A_218 : i32
      %dma_start3A_220 = arith.constant 2 : i32
      %dma_start3A_221 = arith.constant 0 : i32
      %dma_start3A_222 = tpu.memref_slice %arg4[%add3A, %dma_start3A_220, %mul3A_219, %dma_start3A_221] : memref<32x3x512x512xf32, #tpu.memory_space<hbm>> -> memref<1x1x32x512xf32, #tpu.memory_space<hbm>>
      %dma_start3A_223 = tpu.memref_squeeze %dma_start3A_222 : memref<1x1x32x512xf32, #tpu.memory_space<hbm>> -> memref<32x512xf32, #tpu.memory_space<hbm>>
      %dma_start3A_224 = arith.constant 0 : i32
      %dma_start3A_225 = tpu.memref_slice %arg4[%add3A, %dma_start3A_220, %mul3A_219, %dma_start3A_224] : memref<32x3x512x512xf32, #tpu.memory_space<hbm>> -> memref<1x1x32x512xf32, #tpu.memory_space<hbm>>
      %dma_start3A_226 = tpu.memref_squeeze %dma_start3A_225 : memref<1x1x32x512xf32, #tpu.memory_space<hbm>> -> memref<32x512xf32, #tpu.memory_space<hbm>>
      tpu.enqueue_dma source(%arg11 : memref<32x512xf32, #tpu.memory_space<vmem>>) target(%dma_start3A_226 : memref<32x512xf32, #tpu.memory_space<hbm>>) target_semaphore(%arg15 : memref<!tpu.dma_semaphore, #tpu.memory_space<semaphore_mem>>)
      %le3A_227 = arith.constant 6 : i32
      %le3A_228 = arith.cmpi sle, %scan3A_166, %le3A_227 : i32
      %convert_element_type3A_229 = arith.extui %le3A_228 : i1 to i32
      %cond3A_230 = arith.constant 0 : i32
      %cond3A_231 = arith.cmpi ne, %convert_element_type3A_229, %cond3A_230 : i32
      scf.if %cond3A_231 {
        %add3A_232 = arith.constant 2 : i32
        %add3A_233 = arith.addi %add3A_200, %add3A_232 : i32
        %mul3A_234 = arith.constant 32 : i32
        %mul3A_235 = arith.muli %add3A_233, %mul3A_234 : i32
        %dma_start3A_236 = arith.constant 2 : i32
        %dma_start3A_237 = arith.constant 0 : i32
        %dma_start3A_238 = tpu.memref_slice %arg2[%add3A, %dma_start3A_236, %mul3A_235, %dma_start3A_237] : memref<32x3x512x512xf32, #tpu.memory_space<hbm>> -> memref<1x1x32x512xf32, #tpu.memory_space<hbm>>
        %dma_start3A_239 = tpu.memref_squeeze %dma_start3A_238 : memref<1x1x32x512xf32, #tpu.memory_space<hbm>> -> memref<32x512xf32, #tpu.memory_space<hbm>>
        %dma_start3A_240 = arith.constant 0 : i32
        %dma_start3A_241 = tpu.memref_slice %arg2[%add3A, %dma_start3A_236, %mul3A_235, %dma_start3A_240] : memref<32x3x512x512xf32, #tpu.memory_space<hbm>> -> memref<1x1x32x512xf32, #tpu.memory_space<hbm>>
        %dma_start3A_242 = tpu.memref_squeeze %dma_start3A_241 : memref<1x1x32x512xf32, #tpu.memory_space<hbm>> -> memref<32x512xf32, #tpu.memory_space<hbm>>
        tpu.enqueue_dma source(%dma_start3A_242 : memref<32x512xf32, #tpu.memory_space<hbm>>) target(%arg9 : memref<32x512xf32, #tpu.memory_space<vmem>>) target_semaphore(%arg13 : memref<!tpu.dma_semaphore, #tpu.memory_space<semaphore_mem>>)
      } else {
      }
    }
    %scan3A_147 = arith.constant 8 : i32
    %dma_wait3A_148 = arith.constant 2 : i32
    %dma_wait3A_149 = arith.constant 448 : i32
    %dma_wait3A_150 = arith.constant 0 : i32
    %dma_wait3A_151 = tpu.memref_slice %arg4[%add3A, %dma_wait3A_148, %dma_wait3A_149, %dma_wait3A_150] : memref<32x3x512x512xf32, #tpu.memory_space<hbm>> -> memref<1x1x32x512xf32, #tpu.memory_space<hbm>>
    %dma_wait3A_152 = tpu.memref_squeeze %dma_wait3A_151 : memref<1x1x32x512xf32, #tpu.memory_space<hbm>> -> memref<32x512xf32, #tpu.memory_space<hbm>>
    %dma_wait3A_153 = arith.constant 448 : i32
    %dma_wait3A_154 = arith.constant 0 : i32
    %dma_wait3A_155 = tpu.memref_slice %arg4[%add3A, %dma_wait3A_148, %dma_wait3A_153, %dma_wait3A_154] : memref<32x3x512x512xf32, #tpu.memory_space<hbm>> -> memref<1x1x32x512xf32, #tpu.memory_space<hbm>>
    %dma_wait3A_156 = tpu.memref_squeeze %dma_wait3A_155 : memref<1x1x32x512xf32, #tpu.memory_space<hbm>> -> memref<32x512xf32, #tpu.memory_space<hbm>>
    tpu.wait_dma2 semaphore(%arg14 : memref<!tpu.dma_semaphore, #tpu.memory_space<semaphore_mem>>) src(%arg10 : memref<32x512xf32, #tpu.memory_space<vmem>>) dst(%dma_wait3A_156 : memref<32x512xf32, #tpu.memory_space<hbm>>)
    %dma_wait3A_157 = arith.constant 2 : i32
    %dma_wait3A_158 = arith.constant 480 : i32
    %dma_wait3A_159 = arith.constant 0 : i32
    %dma_wait3A_160 = tpu.memref_slice %arg4[%add3A, %dma_wait3A_157, %dma_wait3A_158, %dma_wait3A_159] : memref<32x3x512x512xf32, #tpu.memory_space<hbm>> -> memref<1x1x32x512xf32, #tpu.memory_space<hbm>>
    %dma_wait3A_161 = tpu.memref_squeeze %dma_wait3A_160 : memref<1x1x32x512xf32, #tpu.memory_space<hbm>> -> memref<32x512xf32, #tpu.memory_space<hbm>>
    %dma_wait3A_162 = arith.constant 480 : i32
    %dma_wait3A_163 = arith.constant 0 : i32
    %dma_wait3A_164 = tpu.memref_slice %arg4[%add3A, %dma_wait3A_157, %dma_wait3A_162, %dma_wait3A_163] : memref<32x3x512x512xf32, #tpu.memory_space<hbm>> -> memref<1x1x32x512xf32, #tpu.memory_space<hbm>>
    %dma_wait3A_165 = tpu.memref_squeeze %dma_wait3A_164 : memref<1x1x32x512xf32, #tpu.memory_space<hbm>> -> memref<32x512xf32, #tpu.memory_space<hbm>>
    tpu.wait_dma2 semaphore(%arg15 : memref<!tpu.dma_semaphore, #tpu.memory_space<semaphore_mem>>) src(%arg11 : memref<32x512xf32, #tpu.memory_space<vmem>>) dst(%dma_wait3A_165 : memref<32x512xf32, #tpu.memory_space<hbm>>)
    return
  }
}

</mosaic_0001>

<sc_bundles>
// kernel: kernel.3.cloned.1.call-start
scs
__scs_entry_jumppad:
0x0: {  	(pc) =	sbr.rel $0x88, $3  }
0x1: {  	(tag) =	ssettag $0x0;
	lr =	simm.s32 $0x1  }
0x2: {  	[smem:$0x3F9F] =	sst lr;
	_ =	strace $0xD0000000  }
0x3: {  	_ = 	snop  }
0x4: {  	_ = 	snop  }
0x5: {  	_ = 	snop  }
0x6: {  	_ = 	snop  }
0x7: {  	_ = 	snop  }
__scs_overlays_trampoline_lowered:
0x8: {  	[smem:$0x3FAE] =	sst s0  }
0x9: {  	[smem:$0x3FAF] =	sst s1  }
0xa: {  	[smem:$0x3FB0] =	sst s2  }
0xb: {  	[smem:$0x3FB1] =	sst s3  }
0xc: {  	[smem:$0x3FB2] =	sst s4  }
0xd: {  	[smem:$0x3FB3] =	sst s5  }
0xe: {  	[smem:$0x3FB4] =	sst s6  }
0xf: {  	[smem:$0x3FB5] =	sst s7  }
0x10: {  	[smem:$0x3FB6] =	sst s8  }
0x11: {  	[smem:$0x3FB7] =	sst s9;
	s0 =	simm.s32 @!p0 $0x0  }
0x12: {  	s1 =	sld [smem:$0x3F9D];
	s0 =	simm.s32 @p0 $0x1  }
0x13: {  	[smem:$0x3FB8] =	sst s0;
	s0 =	simm.s32 @!p1 $0x0  }
0x14: {  	s2 =	sld [smem:$0x3F9C];
	s0 =	simm.s32 @p1 $0x1  }
0x15: {  	[smem:$0x3FB9] =	sst s0;
	s0 =	simm.s32 @!p2 $0x0  }
0x16: {  	s3 =	sld [smem:$0x3FDB];
	s0 =	simm.s32 @p2 $0x1  }
0x17: {  	s4 =	simm.s32 $0x1BF5;
	[smem:$0x3FBB] =	sst s0  }
0x18: {  	s0 =	sld [smem:$0x3F9E];
	_ =	swait.ge [sflag:s4], $0x0  }
0x19: {  	s7 =	sld [smem:$0x3F9F]  }
0x1a: {  	s8 =	sadd.s32 $0xFFFFE003, lr  }
0x1b: {  	s9 =	sadd.s32 $0xFFFFFEF7, lr;
	s5 =	simm.s32 $0xFFFFFFFF;
	p2 =	slt.u32 s8, $0xFFFFF086  }
0x1c: {  	p1 =	slt.u32 s9, $0xF7A;
	s5 =	simm.s32 @!p2 $0x0  }
0x1d: {  	s5 =	simm.s32 @p1 $0x1;
	p0 =	seq.s32 s7, s2  }
0x1e: {  	s7 =	smul.u32 @!p0 $0xF7A, s2;
	p2 =	seq.s32 @!p0 s5, $0x0  }
0x1f: {  	s9 =	smul.u32 $0xF7A, s1;
	s8 =	simm.s32 @!p0 $0x1BF5;
	p2 =	por !p2, p0  }
0x20: {  	[sflag:s8] =	ssyncset.s32 @!p0 $0xFFFFF086;
	s6 =	sadd.s32 @!p0 s3, s7;
	s7 =	simm.s32 @!p0 $0x108  }
0x21: {  	s3 =	sadd.s32 s3, s9;
	s6 =	sadd.s32 @!p0 $0x88, s6;
	s7 =	simm.s32 @p2 $0x1082  }
0x22: {  	[simem:s7], [sflag:s8] =	dma.local @!p0 [hbm:s6], $0xF7A  }
0x23: {  	s9 =	sor.u32 $0xD0000000, s2;
	s6 =	simm.s32 $0x108;
	_ =	swait.ge @!p0 [sflag:s8], $0x0  }
0x24: {  	s3 =	sadd.s32 $0x88, s3;
	s6 =	simm.s32 @!p1 $0x1082;
	[sflag:s4] =	ssyncset.s32 $0xFFFFF086  }
0x25: {  	[simem:s6], [sflag:s4] =	dma.local [hbm:s3], $0xF7A  }
0x26: {  	[smem:$0x3F9F] =	sst s1;
	(tag) =	ssettag s2;
	_ =	strace s9  }
0x27: {  	s1 =	sld [smem:$0x3FAF]  }
0x28: {  	s2 =	sld [smem:$0x3FB0]  }
0x29: {  	s4 =	sld [smem:$0x3FB2]  }
0x2a: {  	p0 =	seq.s32 s5, $0x0;
	s5 =	sld [smem:$0x3FB3]  }
0x2b: {  	s6 =	sld [smem:$0x3FB4]  }
0x2c: {  	s7 =	sld [smem:$0x3FB5]  }
0x2d: {  	s3 =	simm.s32 $0x108;
	s8 =	sld [smem:$0x3FB6]  }
0x2e: {  	s3 =	simm.s32 @!p0 $0x1082;
	s9 =	sld [smem:$0x3FB7]  }
0x2f: {  	lr =	sadd.s32 s0, s3;
	s0 =	sld [smem:$0x3FAE]  }
0x30: {  	s3 =	sld [smem:$0x3FB1]  }
0x31: {  	[smem:$0x3FBA] =	sst s10  }
0x32: {  	s10 =	sld [smem:$0x3FB8];
	_ =	sdelay $0x3  }
0x33: {  	p0 =	seq.s32 s10, $0x1;
	s10 =	sld [smem:$0x3FBA];
	_ =	sdelay $0x3  }
0x34: {  	[smem:$0x3FBA] =	sst s10  }
0x35: {  	s10 =	sld [smem:$0x3FB9];
	_ =	sdelay $0x3  }
0x36: {  	p1 =	seq.s32 s10, $0x1;
	s10 =	sld [smem:$0x3FBA];
	_ =	sdelay $0x3  }
0x37: {  	[smem:$0x3FBA] =	sst s10  }
0x38: {  	s10 =	sld [smem:$0x3FBB]  }
0x39: {  	_ = 	snop;
	(pc) =	sbr.ind lr, $3  }
0x3a: {  	_ = 	snop  }
0x3b: {  	_ = 	snop  }
0x3c: {  	p2 =	seq.s32 s10, $0x1;
	s10 =	sld [smem:$0x3FBA]  }
0x3d: {  	_ =	shalt  }
0x3e: {  	_ =	shalt  }
0x3f: {  	_ =	shalt  }
0x40: {  	_ =	shalt  }
0x41: {  	_ =	shalt  }
0x42: {  	_ =	shalt  }
0x43: {  	_ =	shalt  }
0x44: {  	_ =	shalt  }
0x45: {  	_ =	shalt  }
0x46: {  	_ =	shalt  }
0x47: {  	_ =	shalt  }
0x48: {  	_ =	shalt  }
0x49: {  	_ =	shalt  }
0x4a: {  	_ =	shalt  }
0x4b: {  	_ =	shalt  }
0x4c: {  	_ =	shalt  }
0x4d: {  	_ =	shalt  }
0x4e: {  	_ =	shalt  }
0x4f: {  	_ =	shalt  }
0x50: {  	_ =	shalt  }
0x51: {  	_ =	shalt  }
0x52: {  	_ =	shalt  }
0x53: {  	_ =	shalt  }
0x54: {  	_ =	shalt  }
0x55: {  	_ =	shalt  }
0x56: {  	_ =	shalt  }
0x57: {  	_ =	shalt  }
0x58: {  	_ =	shalt  }
0x59: {  	_ =	shalt  }
0x5a: {  	_ =	shalt  }
0x5b: {  	_ =	shalt  }
0x5c: {  	_ =	shalt  }
0x5d: {  	_ =	shalt  }
0x5e: {  	_ =	shalt  }
0x5f: {  	_ =	shalt  }
0x60: {  	_ =	shalt  }
0x61: {  	_ =	shalt  }
0x62: {  	_ =	shalt  }
0x63: {  	_ =	shalt  }
0x64: {  	_ =	shalt  }
0x65: {  	_ =	shalt  }
0x66: {  	_ =	shalt  }
0x67: {  	_ =	shalt  }
0x68: {  	_ =	shalt  }
0x69: {  	_ =	shalt  }
0x6a: {  	_ =	shalt  }
0x6b: {  	_ =	shalt  }
0x6c: {  	_ =	shalt  }
0x6d: {  	_ =	shalt  }
0x6e: {  	_ =	shalt  }
0x6f: {  	_ =	shalt  }
0x70: {  	_ =	shalt  }
0x71: {  	_ =	shalt  }
0x72: {  	_ =	shalt  }
0x73: {  	_ =	shalt  }
0x74: {  	_ =	shalt  }
0x75: {  	_ =	shalt  }
0x76: {  	_ =	shalt  }
0x77: {  	_ =	shalt  }
0x78: {  	_ =	shalt  }
0x79: {  	_ =	shalt  }
0x7a: {  	_ =	shalt  }
0x7b: {  	_ =	shalt  }
0x7c: {  	_ =	shalt  }
0x7d: {  	_ =	shalt  }
0x7e: {  	_ =	shalt  }
0x7f: {  	_ =	shalt  }
0x80: {  	_ =	shalt  }
0x81: {  	_ =	shalt  }
0x82: {  	_ =	shalt  }
0x83: {  	_ =	shalt  }
0x84: {  	_ =	shalt  }
0x85: {  	_ =	shalt  }
0x86: {  	_ =	shalt  }
0x87: {  	_ =	shalt  }
.Lfunc_end0:
.L_simem_size_0:
called_computation_lowered:
.L_overlay_start_0:
0x88: {  	s2 =	sld [smem:$0x3FD9]  }
0x89: {  	s3 =	sld [smem:$0x3FFE];
	_ =	sdelay $0x1  }
0x8a: {  	s1 =	srdreg.scid  }
0x8b: {  	s0 =	sand.u32 $0x1, s1  }
0x8c: {  	s18 =	sshll.u32 s0, $0xA;
	s2 =	sadd.s32 s3, s2  }
0x8d: {  	s2 =	sadd.s32 s2, s18  }
0x8e: {  	[smem:$0x3FC6] =	sst s2  }
0x8f: {  	_ = 	snop  }
0x90: {  	s2 =	sld [smem:$0x3FC9]  }
0x91: {  	s19 =	sld [smem:$0x3FC8]  }
0x92: {  	s4 =	sld [smem:$0x3FD0];
	(tm) =	ssettm $0x1  }
0x93: {  	s5 =	sld [smem:$0x3FFB];
	_ =	sdelay $0x3  }
0x94: {  	_ =	strace s5  }
0x95: {  	s5 =	sld [smem:$0x3FFC];
	_ =	sdelay $0x3  }
0x96: {  	_ =	strace s5  }
0x97: {  	s5 =	sld [smem:$0x3FFD];
	_ =	sdelay $0x3  }
0x98: {  	_ =	strace s5  }
0x99: {  	_ =	strace $0x8FFFFFFF  }
0x9a: {  	s20 =	sld [smem:$0x3FDB];
	_ =	sdelay $0x1  }
0x9b: {  	s6 =	simm.s32 $_scs_section_size  }
0x9c: {  	s7 =	simm.s32 $_size__tile_overlayer_lowered;
	s8 =	simm.s32 $_tile_overlayer_lowered  }
0x9d: {  	s23 =	simm.s32 $0x1BFF;
	s22 =	sshll.u32 s8, $0x1;
	s5 =	sadd.s32 s6, s20  }
0x9e: {  	s9 =	simm.s32 $0x0;
	s21 =	sshll.u32 s7, $0x1;
	s7 =	sadd.s32 s22, s5  }
0x9f: {  	[timem:s9], [sflag:s23] =	dma.local [hbm:s7], s21  }
0xa0: {  	_ =	swait.ge [sflag:s23], s21  }
0xa1: {  	s6 =	ssub.s32 $0x0, s21;
	[sflag:s23] =	ssyncset.done $0x0  }
0xa2: {  	[sflag:s23] =	ssyncadd.s32 s6;
	_ =	sdelay $0x1  }
0xa3: {  	s24 =	simm.s32 $0x1B8B  }
0xa4: {  	_ =	swait.ge [sflag:s24], $0x1  }
0xa5: {  	[sflag:s24] =	ssyncset.done $0x0  }
0xa6: {  	s25 =	simm.s32 $0x1B8E;
	[sflag:s24] =	ssyncadd.s32 $0xFFFFFFFF  }
0xa7: {  	s26 =	simm.s32 $execute0_lowered;
	[smem:$0x3FD2] =	sst s25  }
0xa8: {  	s6 =	sshll.u32 s26, $0x1;
	_ =	strace $0x80000046;
	[dreg:$0x1] =	wrdreg $0xFFFFFFFF  }
0xa9: {  	s28 =	simm.s32 $_size_execute0_lowered;
	s5 =	sadd.s32 s5, s6;
	[dreg:$0x0] =	wrdreg $0x0  }
0xaa: {  	s6 =	sshll.u32 s28, $0x1;
	[dreg:$0x2] =	wrdreg s5  }
0xab: {  	[dreg:$0x3] =	wrdreg s6  }
0xac: {  	[dreg:$0x4] =	wrdreg $0xC0  }
0xad: {  	_ =	task [dreg:s9], $0x5FFFF  }
0xae: {  	[dreg:$0x1] =	wrdreg $0xFFFFFFFF  }
0xaf: {  	[dreg:$0x0] =	wrdreg $0x60  }
0xb0: {  	[dreg:$0x2] =	wrdreg s2  }
0xb1: {  	[dreg:$0x3] =	wrdreg s19  }
0xb2: {  	[dreg:$0x4] =	wrdreg s4  }
0xb3: {  	[dreg:$0x5] =	wrdreg $0x9  }
0xb4: {  	_ =	task.clear_ibuf [dreg:s9], $0x6FFFF;
	_ =	strace $0x90000046  }
0xb5: {  	s29 =	simm.s32 $0x9;
	_ =	strace $0x80000048  }
0xb6: {  	_ =	swait.ge [sflag:s29], $0x1  }
0xb7: {  	[sflag:s29] =	ssyncadd.s32 $0xFFFFFFFF  }
0xb8: {  	_ =	strace $0x90000048  }
0xb9: {  	_ =	sfence  }
0xba: {  	s30 =	sld [smem:$0x0];
	_ =	sdelay $0x2  }
0xbb: {  	s31 =	sshll.u32 s1, $0xD;
	s1 =	sshrl.u32 s1, $0x2  }
0xbc: {  	s3 =	sand.u32 $0x4000, s31;
	s1 =	sadd.s32 s1, s30  }
0xbd: {  	s0 =	sor.u32 s3, s0;
	s1 =	sshll.u32 s1, $0x11  }
0xbe: {  	s0 =	sor.u32 s1, s0  }
0xbf: {  	s0 =	sadd.s32 $0x8F2B, s0  }
0xc0: {  	[sflag:s0] =	ssyncadd.remote.s32 $0x1  }
0xc1: {  	_ =	sfence.sel $0xFFFF  }
0xc2: {  	[dreg:$0x0] =	wrdreg $0xFFFFFFFF;
	(pc) =	sbr.abs _section_cstart, $3  }
0xc3: {  	[dreg:$0x1] =	wrdreg $0xFFFFFFFF  }
0xc4: {  	_ =	task.clear_ibuf [dreg:s9], $0x2FFFF;
	_ =	strace $0x9FFFFFFF  }
0xc5: {  	(tm) =	ssettm $0x7FFFFFFF  }
tec
execute0_lowered:
.L_overlay_start_1:
0x0: {  	(tag) =	ssettag $0x1  }
0x1: {  	s1 =	rddreg [dreg:$0x0]  }
0x2: {  	s0 =	rddreg [dreg:$0x1];
	s2 =	srdreg.scid  }
0x3: {  	s6 =	stileid.u32;
	s3 =	rddreg [dreg:$0x2];
	s4 =	simm.s32 $0x0  }
0x4: {  	s28 =	simm.s32 $0x200;
	s29 =	simm.s32 $0x300;
	s30 =	simm.s32 $0x4300  }
0x5: {  	s9 =	simm.s32 $0x4;
	s10 =	simm.s32 $0xC300;
	s8 =	simm.s32 $0x0  }
0x6: {  	s2 =	sand.u32 $0x1, s2;
	s5 =	sshll.u32 s6, $0x1;
	s6 =	sshll.u32 s6, $0x6  }
0x7: {  	[smem:$0x7FF] =	sst s4;
	s5 =	sor.u32 s2, s5;
	s6 =	sand.u32 $0x300, s6  }
0x8: {  	s2 =	ssub.s32 $0x2, s2;
	s7 =	sshll.u32 s5, $0x4;
	s5 =	smul.u32 $0xC0000, s5  }
0x9: {  	_ =	strace $0x80000047;
	s14 =	sshrl.u32 s2, $0x1;
	s7 =	sand.u32 $0x70, s7  }
0xa: {  	s2 =	ssub.s32 s2, s14;
	s14 =	simm.s32 $0x3;
	s20 =	sor.u32 $0x8000, s5  }
0xb: {  	s6 =	sor.u32 s6, s7;
	s23 =	sadd.s32 $0x48000, s5;
	[dreg:$0x9] =	wrdreg s20  }
0xc: {  	s15 =	sshrl.u32 s5, $0x3;
	s26 =	sadd.s32 $0x88000, s5;
	[dreg:$0xc] =	wrdreg s23  }
0xd: {  	s11 =	sadd.s32 $0x40000, s5;
	s31 =	smax.u32 s2, $0x1;
	[dreg:$0xf] =	wrdreg s26  }
0xe: {  	s13 =	sor.u32 $0xC000, s5;
	s6 =	sadd.s32 s0, s6;
	[dreg:$0x10] =	wrdreg s31  }
0xf: {  	s2 =	simm.s32 $0x1;
	s17 =	sadd.s32 s1, s15;
	[dreg:$0x4] =	wrdreg s6  }
0x10: {  	s7 =	simm.s32 $0x2;
	s16 =	sadd.s32 $0x400, s6;
	[dreg:$0x6] =	wrdreg s17  }
0x11: {  	s21 =	sshrl.u32 s11, $0x3;
	s18 =	sadd.s32 $0x800, s6;
	[dreg:$0x5] =	wrdreg s16  }
0x12: {  	s26 =	simm.s32 $0x100;
	s19 =	sadd.s32 $0x800, s17;
	[dreg:$0x7] =	wrdreg s18  }
.Ltmp0:
0x13: {  	s0 =	sadd.s32 s1, s21;
	[dreg:$0x8] =	wrdreg s19;
	(pc) =	sbr.rel .LBB2_1-.Ltmp0, $4  }
0x14: {  	s22 =	sadd.s32 $0x8800, s17;
	[dreg:$0xa] =	wrdreg s0;
	s16 =	sadd.s32 $0x80000, s5  }
0x15: {  	s25 =	sadd.s32 $0x10800, s17;
	[dreg:$0xb] =	wrdreg s22;
	s24 =	sshrl.u32 s16, $0x3  }
0x16: {  	s18 =	sadd.s32 $0x4C000, s5;
	[dreg:$0xe] =	wrdreg s25;
	s0 =	sadd.s32 s1, s24  }
0x17: {  	s22 =	sadd.s32 $0x8C000, s5;
	[dreg:$0xd] =	wrdreg s0;
	s0 =	simm.s32 $0x8300  }
.LBB2_34:
0x18: {  	s14 =	simm.s32 $0x3  }
0x19: {  	_ =	swait.ge [sflag:s14], $0x4000  }
0x1a: {  	[sflag:s14] =	ssyncset.done $0x0  }
0x1b: {  	[sflag:s14] =	ssyncadd.s32 $0xFFFFC000  }
0x1c: {  	_ =	swait.ge [sflag:s9], $0x4000  }
0x1d: {  	s8 =	rddreg [dreg:$0x11]  }
0x1e: {  	s6 =	rddreg [dreg:$0x10];
	s8 =	sadd.s32 $0x1, s8  }
0x1f: {  	p0 =	sne.s32 s8, s6  }
.Ltmp1:
0x20: {  	_ = 	snop;
	(pc) =	sbr.rel @!p0 .LBB2_35-.Ltmp1, $3  }
0x21: {  	_ =	sdelay $0x1  }
0x22: {  	[sflag:s9] =	ssyncset.done $0x0  }
0x23: {  	[sflag:s9] =	ssyncadd.s32 $0xFFFFC000  }
.LBB2_1:
0x24: {  	[dreg:$0x11] =	wrdreg s8  }
0x25: {  	s6 =	rddreg [dreg:$0x4];
	s21 =	simm.s32 $0x80;
	s12 =	simm.s32 $0x400  }
0x26: {  	[tilespmem:s4], [sflag:$0x3] =	stream.strided.gather [hbm4b:s6+s21], $0x100, s12, s21, $0x38;
	[tilespmem:$0x10300] =	vst v63  }
0x27: {  	s23 =	rddreg [dreg:$0x5]  }
0x28: {  	[tilespmem:s26], [sflag:$0x3] =	stream.strided.gather [hbm4b:s23+s21], $0x100, s12, s21, $0x38;
	[tilespmem:$0x10300] =	vst v63  }
0x29: {  	s24 =	rddreg [dreg:$0x7]  }
0x2a: {  	[tilespmem:s28], [sflag:$0x3] =	stream.strided.gather [hbm4b:s24+s21], $0x100, s12, s21, $0x38;
	[tilespmem:$0x10300] =	vst v63  }
0x2b: {  	s25 =	rddreg [dreg:$0x6]  }
0x2c: {  	[tilespmem:s29], [sflag:$0x1] =	stream.linear.gather [hbm4b:s25+s4], $0x4000, $0x38;
	[tilespmem:$0x10300] =	vst v63  }
0x2d: {  	s31 =	rddreg [dreg:$0x8]  }
0x2e: {  	[tilespmem:s30], [sflag:$0x2] =	stream.linear.gather [hbm4b:s31+s4], $0x4000, $0x38;
	[tilespmem:$0x10300] =	vst v63  }
0x2f: {  	_ =	swait.ge [sflag:s14], $0x100  }
0x30: {  	[sflag:s14] =	ssyncset.done $0x0  }
0x31: {  	[sflag:s14] =	ssyncadd.s32 $0xFFFFFF00  }
0x32: {  	_ =	swait.ge [sflag:s14], $0x100  }
0x33: {  	[sflag:s14] =	ssyncset.done $0x0  }
0x34: {  	[sflag:s14] =	ssyncadd.s32 $0xFFFFFF00  }
0x35: {  	_ =	swait.ge [sflag:s14], $0x100  }
0x36: {  	[sflag:s14] =	ssyncset.done $0x0  }
0x37: {  	s15 =	simm.s32 $0x0;
	[sflag:s14] =	ssyncadd.s32 $0xFFFFFF00  }
.LBB2_2:
0x38: {  	_ =	swait.ge [sflag:s2], $0x4000;
	p0 =	seq.s32 s15, $0x0  }
0x39: {  	s8 =	simm.s32 $0x0;
	s12 =	simm.s32 $0x0;
	[sflag:s2] =	ssyncset.done $0x0  }
0x3a: {  	s14 =	simm.s32 $0x0;
	s6 =	simm.s32 @!p0 $0x3;
	[sflag:s2] =	ssyncadd.s32 $0xFFFFC000  }
0x3b: {  	s8 =	sand.u32 $0xC00, s8;
	s12 =	sand.u32 $0x3000, s12;
	_ =	swait.ge @!p0 [sflag:s6], $0x4000  }
0x3c: {  	s23 =	sand.u32 $0x380, s14;
	s8 =	sor.u32 s8, s12;
	[sflag:s6] =	ssyncset.done @!p0 $0x0  }
0x3d: {  	s20 =	sor.u32 s23, s8;
	[sflag:s6] =	ssyncadd.s32 @!p0 $0xFFFFC000  }
0x3e: {  	v0 =	vld [tilespmem:s20+$0x300];
	_ =	sdelay $0x4  }
0x3f: {  	v0 =	vmul.f32 $5.000000000e-01, v0  }
0x40: {  	v1 =	vld [tilespmem:s20+$0x310]  }
0x41: {  	v0 =	vadd.f32 $5.000000000e-01, v0;
	_ =	sdelay $0x1  }
0x42: {  	v0 =	vmul.f32 $2.550000000e+02, v0  }
0x43: {  	s24 =	simm.s32 $0x80;
	s25 =	simm.s32 $0x400  }
0x44: {  	s31 =	simm.s32 $0x20;
	s8 =	sand.u32 $0xC00, s25;
	s6 =	sand.u32 $0x3000, s24;
	v1 =	vmul.f32 $5.000000000e-01, v1;
	v0 =	vadd.f32 $8.388608000e+06, v0  }
0x45: {  	s12 =	sand.u32 $0x380, s31;
	s6 =	sor.u32 s8, s6;
	v2 =	vld [tilespmem:s20+$0x320]  }
0x46: {  	s6 =	sor.u32 s12, s6;
	v1 =	vadd.f32 $5.000000000e-01, v1;
	v0 =	vand.u32 $0xFF, v0  }
0x47: {  	v3 =	vld [tilespmem:s6+$0x300]  }
0x48: {  	v1 =	vmul.f32 $2.550000000e+02, v1;
	_ =	sdelay $0x1  }
0x49: {  	v4 =	vld [tilespmem:s20+$0x330];
	v2 =	vmul.f32 $5.000000000e-01, v2;
	v1 =	vadd.f32 $8.388608000e+06, v1  }
0x4a: {  	v0 =	vld.idx.msk [tilespmem:v0+s4+$0x0], $0xffff  }
0x4b: {  	v5 =	vld [tilespmem:s6+$0x310];
	v3 =	vmul.f32 $5.000000000e-01, v3;
	v2 =	vadd.f32 $5.000000000e-01, v2;
	v1 =	vand.u32 $0xFF, v1;
	_ =	sdelay $0x1  }
0x4c: {  	v3 =	vadd.f32 $5.000000000e-01, v3;
	v2 =	vmul.f32 $2.550000000e+02, v2;
	_ =	sdelay $0x1  }
0x4d: {  	s17 =	simm.s32 $0x800;
	s14 =	simm.s32 $0x100;
	v2 =	vadd.f32 $8.388608000e+06, v2;
	[tilespmem:s20+$0x8300] =	vst v0;
	v0 =	vmul.f32 $2.550000000e+02, v3;
	v3 =	vmul.f32 $5.000000000e-01, v4;
	v4 =	vld [tilespmem:s20+$0x340]  }
0x4e: {  	s19 =	simm.s32 $0x40;
	s8 =	sand.u32 $0x3000, s14;
	s12 =	sand.u32 $0xC00, s17;
	v5 =	vmul.f32 $5.000000000e-01, v5;
	v1 =	vld.idx.msk [tilespmem:v1+s4+$0x0], $0xffff  }
0x4f: {  	s21 =	sand.u32 $0x380, s19;
	s8 =	sor.u32 s12, s8;
	v6 =	vld [tilespmem:s6+$0x320];
	v2 =	vand.u32 $0xFF, v2;
	v0 =	vadd.f32 $8.388608000e+06, v0;
	v3 =	vadd.f32 $5.000000000e-01, v3  }
0x50: {  	s8 =	sor.u32 s21, s8  }
0x51: {  	v7 =	vld [tilespmem:s8+$0x300];
	v5 =	vadd.f32 $5.000000000e-01, v5;
	v0 =	vand.u32 $0xFF, v0;
	v3 =	vmul.f32 $2.550000000e+02, v3;
	_ =	sdelay $0x1  }
0x52: {  	[tilespmem:s20+$0x8310] =	vst v1;
	v1 =	vadd.f32 $8.388608000e+06, v3;
	v3 =	vmul.f32 $5.000000000e-01, v4;
	v4 =	vmul.f32 $2.550000000e+02, v5;
	v5 =	vld [tilespmem:s20+$0x350]  }
0x53: {  	v6 =	vmul.f32 $5.000000000e-01, v6;
	v2 =	vld.idx.msk [tilespmem:v2+s4+$0x0], $0xffff  }
0x54: {  	v8 =	vld [tilespmem:s6+$0x330];
	v1 =	vand.u32 $0xFF, v1;
	v3 =	vadd.f32 $5.000000000e-01, v3;
	v4 =	vadd.f32 $8.388608000e+06, v4  }
0x55: {  	v7 =	vmul.f32 $5.000000000e-01, v7;
	v0 =	vld.idx.msk [tilespmem:v0+s4+$0x0], $0xffff  }
0x56: {  	v9 =	vld [tilespmem:s8+$0x310];
	v6 =	vadd.f32 $5.000000000e-01, v6;
	v3 =	vmul.f32 $2.550000000e+02, v3;
	v4 =	vand.u32 $0xFF, v4  }
0x57: {  	v7 =	vadd.f32 $5.000000000e-01, v7;
	v5 =	vmul.f32 $5.000000000e-01, v5  }
0x58: {  	[tilespmem:s20+$0x8320] =	vst v2;
	v2 =	vadd.f32 $8.388608000e+06, v3;
	v3 =	vmul.f32 $2.550000000e+02, v6  }
0x59: {  	v7 =	vmul.f32 $2.550000000e+02, v7;
	v1 =	vld.idx.msk [tilespmem:v1+s4+$0x0], $0xffff;
	v5 =	vadd.f32 $5.000000000e-01, v5  }
0x5a: {  	s23 =	simm.s32 $0x180;
	s24 =	simm.s32 $0xC00;
	v2 =	vand.u32 $0xFF, v2;
	[tilespmem:s6+$0x8300] =	vst v0;
	v0 =	vadd.f32 $8.388608000e+06, v3;
	v3 =	vmul.f32 $5.000000000e-01, v8;
	v8 =	vld [tilespmem:s20+$0x360]  }
0x5b: {  	s14 =	sand.u32 $0xC00, s24;
	s17 =	simm.s32 $0x60;
	s12 =	sand.u32 $0x3000, s23;
	v9 =	vmul.f32 $5.000000000e-01, v9;
	v7 =	vadd.f32 $8.388608000e+06, v7;
	v4 =	vld.idx.msk [tilespmem:v4+s4+$0x0], $0xffff  }
0x5c: {  	v10 =	vld [tilespmem:s6+$0x340];
	s25 =	sand.u32 $0x380, s17;
	s12 =	sor.u32 s14, s12;
	v5 =	vmul.f32 $2.550000000e+02, v5;
	v0 =	vand.u32 $0xFF, v0;
	v3 =	vadd.f32 $5.000000000e-01, v3  }
0x5d: {  	v11 =	vld [tilespmem:s8+$0x320];
	s23 =	sor.u32 s25, s12;
	v7 =	vand.u32 $0xFF, v7  }
0x5e: {  	v5 =	vadd.f32 $8.388608000e+06, v5;
	[tilespmem:s20+$0x8330] =	vst v1;
	v1 =	vadd.f32 $5.000000000e-01, v9;
	v3 =	vmul.f32 $2.550000000e+02, v3;
	v9 =	vld [tilespmem:s23+$0x300]  }
0x5f: {  	v2 =	vld.idx.msk [tilespmem:v2+s4+$0x0], $0xffff;
	v8 =	vmul.f32 $5.000000000e-01, v8  }
0x60: {  	v6 =	vld [tilespmem:s20+$0x370];
	[tilespmem:s6+$0x8310] =	vst v4;
	v1 =	vmul.f32 $2.550000000e+02, v1;
	v3 =	vadd.f32 $8.388608000e+06, v3;
	v4 =	vand.u32 $0xFF, v5  }
0x61: {  	v5 =	vmul.f32 $5.000000000e-01, v10;
	v0 =	vld.idx.msk [tilespmem:v0+s4+$0x0], $0xffff;
	v8 =	vadd.f32 $5.000000000e-01, v8  }
0x62: {  	v7 =	vld.idx.msk [tilespmem:v7+s4+$0x0], $0xffff;
	v1 =	vadd.f32 $8.388608000e+06, v1;
	v3 =	vand.u32 $0xFF, v3  }
0x63: {  	v11 =	vmul.f32 $5.000000000e-01, v11;
	v10 =	vld [tilespmem:s6+$0x350];
	v5 =	vadd.f32 $5.000000000e-01, v5;
	v8 =	vmul.f32 $2.550000000e+02, v8  }
0x64: {  	v12 =	vld [tilespmem:s8+$0x330];
	v9 =	vmul.f32 $5.000000000e-01, v9;
	v1 =	vand.u32 $0xFF, v1;
	[tilespmem:s20+$0x8340] =	vst v2  }
0x65: {  	v2 =	vadd.f32 $5.000000000e-01, v11;
	v5 =	vmul.f32 $2.550000000e+02, v5;
	v13 =	vld.idx.msk [tilespmem:v4+s4+$0x0], $0xffff;
	v4 =	vadd.f32 $8.388608000e+06, v8  }
0x66: {  	v11 =	vmul.f32 $5.000000000e-01, v6;
	v8 =	vadd.f32 $5.000000000e-01, v9;
	v9 =	vld [tilespmem:s23+$0x310];
	[tilespmem:s6+$0x8320] =	vst v0  }
0x67: {  	v2 =	vmul.f32 $2.550000000e+02, v2;
	v6 =	vld.idx.msk [tilespmem:v3+s4+$0x0], $0xffff;
	v3 =	vadd.f32 $8.388608000e+06, v5;
	v14 =	vand.u32 $0xFF, v4  }
0x68: {  	[tilespmem:s8+$0x8300] =	vst v7;
	v0 =	vld [tilespmem:s6+$0x370];
	v7 =	vadd.f32 $5.000000000e-01, v11;
	v5 =	vmul.f32 $5.000000000e-01, v10  }
0x69: {  	v10 =	vmul.f32 $2.550000000e+02, v8;
	v4 =	vld.idx.msk [tilespmem:v1+s4+$0x0], $0xffff;
	v1 =	vadd.f32 $8.388608000e+06, v2;
	v8 =	vand.u32 $0xFF, v3  }
0x6a: {  	s19 =	sshll.u32 s15, $0xF;
	v15 =	vmul.f32 $2.550000000e+02, v7;
	v2 =	vmul.f32 $5.000000000e-01, v12;
	v5 =	vadd.f32 $5.000000000e-01, v5;
	v3 =	vld [tilespmem:s6+$0x360]  }
0x6b: {  	s31 =	simm.s32 $0x200;
	s24 =	simm.s32 $0x5;
	s14 =	simm.s32 $0x1000;
	v7 =	vld [tilespmem:s8+$0x340];
	v12 =	vadd.f32 $8.388608000e+06, v10;
	v11 =	vmul.f32 $5.000000000e-01, v9;
	[tilespmem:s20+$0x8350] =	vst v13;
	v9 =	vand.u32 $0xFF, v1  }
0x6c: {  	s17 =	sand.u32 $0x3000, s31;
	s12 =	simm.s32 $0x80;
	s25 =	sand.u32 $0xC00, s14;
	v10 =	vadd.f32 $5.000000000e-01, v2;
	v5 =	vmul.f32 $2.550000000e+02, v5;
	v2 =	vadd.f32 $8.388608000e+06, v15;
	v1 =	vld.idx.msk [tilespmem:v14+s4+$0x0], $0xffff  }
.LBB2_3:
0x6d: {  	p1 =	sne.s32 s24, $0x7F;
	s17 =	sor.u32 s25, s17;
	s12 =	sand.u32 $0x380, s12;
	v12 =	vand.u32 $0xFF, v12;
	v11 =	vadd.f32 $5.000000000e-01, v11;
	v13 =	vld [tilespmem:s23+$0x320];
	[tilespmem:s6+$0x8330] =	vst v6  }
0x6e: {  	s25 =	sor.u32 s12, s17;
	v6 =	vmul.f32 $2.550000000e+02, v10;
	v8 =	vld.idx.msk [tilespmem:v8+s4+$0x0], $0xffff;
	v5 =	vadd.f32 $8.388608000e+06, v5;
	v2 =	vand.u32 $0xFF, v2  }
0x6f: {  	v10 =	vld [tilespmem:s25+$0x300];
	[tilespmem:s8+$0x8310] =	vst v4;
	v3 =	vmul.f32 $5.000000000e-01, v3  }
0x70: {  	v4 =	vmul.f32 $2.550000000e+02, v11;
	v9 =	vld.idx.msk [tilespmem:v9+s4+$0x0], $0xffff;
	v6 =	vadd.f32 $8.388608000e+06, v6;
	v5 =	vand.u32 $0xFF, v5  }
0x71: {  	v7 =	vmul.f32 $5.000000000e-01, v7;
	v11 =	vld [tilespmem:s8+$0x350];
	v3 =	vadd.f32 $5.000000000e-01, v3  }
0x72: {  	v4 =	vadd.f32 $8.388608000e+06, v4;
	v12 =	vld.idx.msk [tilespmem:v12+s4+$0x0], $0xffff;
	v6 =	vand.u32 $0xFF, v6;
	[tilespmem:s20+$0x8360] =	vst v1  }
0x73: {  	v1 =	vmul.f32 $5.000000000e-01, v13;
	v7 =	vadd.f32 $5.000000000e-01, v7;
	v3 =	vmul.f32 $2.550000000e+02, v3;
	v2 =	vld.idx.msk [tilespmem:v2+s4+$0x0], $0xffff  }
0x74: {  	v4 =	vand.u32 $0xFF, v4;
	v10 =	vmul.f32 $5.000000000e-01, v10;
	v13 =	vld [tilespmem:s23+$0x330];
	[tilespmem:s6+$0x8340] =	vst v8  }
0x75: {  	v1 =	vadd.f32 $5.000000000e-01, v1;
	v7 =	vmul.f32 $2.550000000e+02, v7;
	v5 =	vld.idx.msk [tilespmem:v5+s4+$0x0], $0xffff;
	v3 =	vadd.f32 $8.388608000e+06, v3  }
0x76: {  	v8 =	vadd.f32 $5.000000000e-01, v10;
	v10 =	vld [tilespmem:s25+$0x310];
	[tilespmem:s8+$0x8320] =	vst v9;
	v9 =	vmul.f32 $5.000000000e-01, v0  }
0x77: {  	v1 =	vmul.f32 $2.550000000e+02, v1;
	v7 =	vadd.f32 $8.388608000e+06, v7;
	v6 =	vld.idx.msk [tilespmem:v6+s4+$0x0], $0xffff;
	v14 =	vand.u32 $0xFF, v3  }
.Ltmp2:
0x78: {  	v3 =	vmul.f32 $5.000000000e-01, v11;
	[tilespmem:s23+$0x8300] =	vst v12;
	v0 =	vld [tilespmem:s8+$0x370];
	v9 =	vadd.f32 $5.000000000e-01, v9;
	(pc) =	sbr.rel @p1 .LBB2_3-.Ltmp2, $4  }
0x79: {  	v11 =	vmul.f32 $2.550000000e+02, v8;
	v1 =	vadd.f32 $8.388608000e+06, v1;
	v8 =	vand.u32 $0xFF, v7;
	v4 =	vld.idx.msk [tilespmem:v4+s4+$0x0], $0xffff;
	[tilespmem:s20+$0x8370] =	vst v2;
	s20 =	smov.u32 s6;
	s6 =	smov.u32 s8;
	s8 =	smov.u32 s23  }
0x7a: {  	v2 =	vmul.f32 $5.000000000e-01, v13;
	v13 =	vadd.f32 $5.000000000e-01, v3;
	s23 =	smov.u32 s25;
	v3 =	vld [tilespmem:s6+$0x360];
	v15 =	vmul.f32 $2.550000000e+02, v9  }
0x7b: {  	s14 =	sadd.s32 $0x400, s14;
	s17 =	sshll.u32 s24, $0x7;
	s12 =	sshll.u32 s24, $0x5;
	v12 =	vadd.f32 $8.388608000e+06, v11;
	v9 =	vand.u32 $0xFF, v1;
	v11 =	vmul.f32 $5.000000000e-01, v10;
	v7 =	vld [tilespmem:s8+$0x340];
	[tilespmem:s20+$0x8350] =	vst v5  }
0x7c: {  	s24 =	sadd.s32 $0x1, s24;
	s17 =	sand.u32 $0x3000, s17;
	s25 =	sand.u32 $0xC00, s14;
	v10 =	vadd.f32 $5.000000000e-01, v2;
	v5 =	vmul.f32 $2.550000000e+02, v13;
	v1 =	vld.idx.msk [tilespmem:v14+s4+$0x0], $0xffff;
	v2 =	vadd.f32 $8.388608000e+06, v15  }
0x7d: {  	s14 =	sor.u32 s25, s17;
	s12 =	sand.u32 $0x380, s12  }
0x7e: {  	s24 =	sor.u32 s12, s14  }
0x7f: {  	v13 =	vld [tilespmem:s24+$0x300];
	_ =	sdelay $0x4  }
0x80: {  	v13 =	vmul.f32 $5.000000000e-01, v13  }
0x81: {  	v14 =	vld [tilespmem:s24+$0x310]  }
0x82: {  	v13 =	vadd.f32 $5.000000000e-01, v13;
	_ =	sdelay $0x1  }
0x83: {  	v13 =	vmul.f32 $2.550000000e+02, v13;
	_ =	sdelay $0x1  }
0x84: {  	v15 =	vld [tilespmem:s23+$0x320];
	v14 =	vmul.f32 $5.000000000e-01, v14;
	v13 =	vadd.f32 $8.388608000e+06, v13  }
0x85: {  	v12 =	vand.u32 $0xFF, v12;
	v11 =	vadd.f32 $5.000000000e-01, v11;
	v16 =	vld [tilespmem:s24+$0x320]  }
0x86: {  	v14 =	vadd.f32 $5.000000000e-01, v14;
	v13 =	vand.u32 $0xFF, v13  }
0x87: {  	v11 =	vmul.f32 $2.550000000e+02, v11  }
0x88: {  	v17 =	vld [tilespmem:s23+$0x330];
	v14 =	vmul.f32 $2.550000000e+02, v14  }
0x89: {  	v18 =	vld [tilespmem:s24+$0x330];
	v11 =	vadd.f32 $8.388608000e+06, v11;
	v15 =	vmul.f32 $5.000000000e-01, v15  }
0x8a: {  	v12 =	vld.idx.msk [tilespmem:v12+s4+$0x0], $0xffff;
	v16 =	vmul.f32 $5.000000000e-01, v16;
	v14 =	vadd.f32 $8.388608000e+06, v14  }
0x8b: {  	v11 =	vand.u32 $0xFF, v11;
	v15 =	vadd.f32 $5.000000000e-01, v15;
	v13 =	vld.idx.msk [tilespmem:v13+s4+$0x0], $0xffff  }
0x8c: {  	v16 =	vadd.f32 $5.000000000e-01, v16;
	v14 =	vand.u32 $0xFF, v14  }
0x8d: {  	v21 =	vld [tilespmem:s23+$0x340];
	v15 =	vmul.f32 $2.550000000e+02, v15  }
0x8e: {  	v27 =	vld [tilespmem:s8+$0x350];
	v20 =	vmul.f32 $2.550000000e+02, v16  }
0x8f: {  	v26 =	vld [tilespmem:s24+$0x340];
	v63 =	vmul.f32 $5.000000000e-01, v17;
	[tilespmem:s23+$0x8300] =	vst v12;
	v62 =	vadd.f32 $8.388608000e+06, v15  }
0x90: {  	v23 =	vmul.f32 $5.000000000e-01, v18;
	v11 =	vld.idx.msk [tilespmem:v11+s4+$0x0], $0xffff;
	v22 =	vadd.f32 $8.388608000e+06, v20;
	[tilespmem:s24+$0x8300] =	vst v13  }
0x91: {  	[tilespmem:s6+$0x8330] =	vst v6;
	v10 =	vmul.f32 $2.550000000e+02, v10;
	v12 =	vadd.f32 $5.000000000e-01, v63;
	v6 =	vand.u32 $0xFF, v62;
	v14 =	vld.idx.msk [tilespmem:v14+s4+$0x0], $0xffff  }
0x92: {  	v30 =	vld [tilespmem:s23+$0x350];
	v15 =	vadd.f32 $5.000000000e-01, v23;
	v25 =	vand.u32 $0xFF, v22  }
0x93: {  	v34 =	vld [tilespmem:s8+$0x360];
	[tilespmem:s8+$0x8310] =	vst v4;
	v10 =	vadd.f32 $8.388608000e+06, v10;
	v24 =	vmul.f32 $2.550000000e+02, v12  }
0x94: {  	v9 =	vld.idx.msk [tilespmem:v9+s4+$0x0], $0xffff;
	v7 =	vmul.f32 $5.000000000e-01, v7;
	v28 =	vmul.f32 $2.550000000e+02, v15  }
0x95: {  	v32 =	vld [tilespmem:s24+$0x350];
	v10 =	vand.u32 $0xFF, v10;
	v29 =	vmul.f32 $5.000000000e-01, v21;
	v4 =	vadd.f32 $8.388608000e+06, v24;
	[tilespmem:s23+$0x8310] =	vst v11  }
0x96: {  	v7 =	vadd.f32 $5.000000000e-01, v7;
	v11 =	vadd.f32 $8.388608000e+06, v28;
	v6 =	vld.idx.msk [tilespmem:v6+s4+$0x0], $0xffff;
	v13 =	vmul.f32 $5.000000000e-01, v26;
	[tilespmem:s24+$0x8310] =	vst v14  }
0x97: {  	v0 =	vmul.f32 $5.000000000e-01, v0;
	v31 =	vadd.f32 $5.000000000e-01, v29;
	v4 =	vand.u32 $0xFF, v4;
	v12 =	vld.idx.msk [tilespmem:v25+s4+$0x0], $0xffff  }
0x98: {  	v38 =	vld [tilespmem:s23+$0x360];
	v7 =	vmul.f32 $2.550000000e+02, v7;
	v11 =	vand.u32 $0xFF, v11;
	v13 =	vadd.f32 $5.000000000e-01, v13  }
0x99: {  	v42 =	vld [tilespmem:s8+$0x370];
	v5 =	vadd.f32 $8.388608000e+06, v5;
	v3 =	vmul.f32 $5.000000000e-01, v3;
	v14 =	vmul.f32 $2.550000000e+02, v31  }
0x9a: {  	v41 =	vld [tilespmem:s24+$0x360];
	v33 =	vmul.f32 $5.000000000e-01, v27;
	[tilespmem:s8+$0x8320] =	vst v9;
	v7 =	vadd.f32 $8.388608000e+06, v7;
	v13 =	vmul.f32 $2.550000000e+02, v13  }
0x9b: {  	v37 =	vmul.f32 $5.000000000e-01, v30;
	v9 =	vmul.f32 $5.000000000e-01, v32;
	v10 =	vld.idx.msk [tilespmem:v10+s4+$0x0], $0xffff;
	[tilespmem:s23+$0x8320] =	vst v6;
	v35 =	vadd.f32 $8.388608000e+06, v14  }
0x9c: {  	v36 =	vadd.f32 $5.000000000e-01, v33;
	v7 =	vand.u32 $0xFF, v7;
	v4 =	vld.idx.msk [tilespmem:v4+s4+$0x0], $0xffff;
	v39 =	vadd.f32 $8.388608000e+06, v13;
	[tilespmem:s24+$0x8320] =	vst v12  }
0x9d: {  	v40 =	vadd.f32 $5.000000000e-01, v37;
	v9 =	vadd.f32 $5.000000000e-01, v9;
	v6 =	vand.u32 $0xFF, v35;
	v11 =	vld.idx.msk [tilespmem:v11+s4+$0x0], $0xffff  }
0x9e: {  	v44 =	vld [tilespmem:s23+$0x370];
	v0 =	vadd.f32 $5.000000000e-01, v0;
	v14 =	vmul.f32 $2.550000000e+02, v36;
	v12 =	vand.u32 $0xFF, v39  }
0x9f: {  	v8 =	vld.idx.msk [tilespmem:v8+s4+$0x0], $0xffff;
	v5 =	vand.u32 $0xFF, v5;
	v9 =	vmul.f32 $2.550000000e+02, v9;
	v13 =	vmul.f32 $2.550000000e+02, v40  }
0xa0: {  	v48 =	vld [tilespmem:s24+$0x370];
	v3 =	vadd.f32 $5.000000000e-01, v3;
	v43 =	vmul.f32 $5.000000000e-01, v34;
	[tilespmem:s8+$0x8330] =	vst v10;
	v46 =	vadd.f32 $8.388608000e+06, v14  }
0xa1: {  	v47 =	vmul.f32 $5.000000000e-01, v38;
	v9 =	vadd.f32 $8.388608000e+06, v9;
	v45 =	vld.idx.msk [tilespmem:v7+s4+$0x0], $0xffff;
	[tilespmem:s23+$0x8330] =	vst v4;
	v13 =	vadd.f32 $8.388608000e+06, v13  }
0xa2: {  	v15 =	vmul.f32 $5.000000000e-01, v41;
	v10 =	vadd.f32 $5.000000000e-01, v43;
	v7 =	vand.u32 $0xFF, v46;
	v6 =	vld.idx.msk [tilespmem:v6+s4+$0x0], $0xffff;
	[tilespmem:s24+$0x8330] =	vst v11  }
0xa3: {  	v3 =	vmul.f32 $2.550000000e+02, v3;
	v13 =	vand.u32 $0xFF, v13;
	v14 =	vadd.f32 $5.000000000e-01, v47;
	v12 =	vld.idx.msk [tilespmem:v12+s4+$0x0], $0xffff  }
0xa4: {  	v9 =	vand.u32 $0xFF, v9;
	v15 =	vadd.f32 $5.000000000e-01, v15;
	v10 =	vmul.f32 $2.550000000e+02, v10  }
0xa5: {  	v52 =	vmul.f32 $5.000000000e-01, v42;
	[tilespmem:s6+$0x8340] =	vst v8;
	v3 =	vadd.f32 $8.388608000e+06, v3;
	v50 =	vmul.f32 $2.550000000e+02, v14  }
0xa6: {  	v57 =	vmul.f32 $5.000000000e-01, v44;
	v51 =	vld.idx.msk [tilespmem:v5+s4+$0x0], $0xffff;
	v53 =	vmul.f32 $2.550000000e+02, v15;
	v49 =	vadd.f32 $8.388608000e+06, v10;
	[tilespmem:s8+$0x8340] =	vst v45  }
0xa7: {  	v5 =	vadd.f32 $5.000000000e-01, v52;
	v3 =	vand.u32 $0xFF, v3;
	v56 =	vadd.f32 $8.388608000e+06, v50;
	v54 =	vld.idx.msk [tilespmem:v7+s4+$0x0], $0xffff;
	[tilespmem:s23+$0x8340] =	vst v6  }
0xa8: {  	v59 =	vadd.f32 $8.388608000e+06, v53;
	v55 =	vand.u32 $0xFF, v49;
	v11 =	vmul.f32 $5.000000000e-01, v48;
	v58 =	vld.idx.msk [tilespmem:v13+s4+$0x0], $0xffff;
	[tilespmem:s24+$0x8340] =	vst v12  }
0xa9: {  	v0 =	vmul.f32 $2.550000000e+02, v0;
	v10 =	vadd.f32 $5.000000000e-01, v57;
	v8 =	vand.u32 $0xFF, v56;
	v9 =	vld.idx.msk [tilespmem:v9+s4+$0x0], $0xffff  }
0xaa: {  	v5 =	vmul.f32 $2.550000000e+02, v5;
	v11 =	vadd.f32 $5.000000000e-01, v11;
	v13 =	vand.u32 $0xFF, v59  }
0xab: {  	v0 =	vadd.f32 $8.388608000e+06, v0;
	[tilespmem:s6+$0x8350] =	vst v51;
	v60 =	vmul.f32 $2.550000000e+02, v10  }
0xac: {  	v2 =	vand.u32 $0xFF, v2;
	v5 =	vadd.f32 $8.388608000e+06, v5;
	v3 =	vld.idx.msk [tilespmem:v3+s4+$0x0], $0xffff;
	[tilespmem:s8+$0x8350] =	vst v54;
	v61 =	vmul.f32 $2.550000000e+02, v11  }
0xad: {  	v0 =	vand.u32 $0xFF, v0;
	v4 =	vadd.f32 $8.388608000e+06, v60;
	v7 =	vld.idx.msk [tilespmem:v55+s4+$0x0], $0xffff;
	[tilespmem:s23+$0x8350] =	vst v58  }
0xae: {  	v5 =	vand.u32 $0xFF, v5;
	v6 =	vadd.f32 $8.388608000e+06, v61;
	v8 =	vld.idx.msk [tilespmem:v8+s4+$0x0], $0xffff;
	[tilespmem:s24+$0x8350] =	vst v9  }
0xaf: {  	v4 =	vand.u32 $0xFF, v4;
	v9 =	vld.idx.msk [tilespmem:v13+s4+$0x0], $0xffff  }
0xb0: {  	[tilespmem:s20+$0x8360] =	vst v1;
	v62 =	vand.u32 $0xFF, v6  }
0xb1: {  	v2 =	vld.idx.msk [tilespmem:v2+s4+$0x0], $0xffff;
	[tilespmem:s6+$0x8360] =	vst v3  }
0xb2: {  	v0 =	vld.idx.msk [tilespmem:v0+s4+$0x0], $0xffff;
	[tilespmem:s8+$0x8360] =	vst v7  }
0xb3: {  	v63 =	vld.idx.msk [tilespmem:v5+s4+$0x0], $0xffff;
	[tilespmem:s23+$0x8360] =	vst v8  }
0xb4: {  	v4 =	vld.idx.msk [tilespmem:v4+s4+$0x0], $0xffff;
	[tilespmem:s24+$0x8360] =	vst v9  }
0xb5: {  	v1 =	vld.idx.msk [tilespmem:v62+s4+$0x0], $0xffff  }
0xb6: {  	p1 =	sne.s32 s15, $0x7;
	[tilespmem:s20+$0x8370] =	vst v2  }
.Ltmp3:
0xb7: {  	[tilespmem:s6+$0x8370] =	vst v0;
	(pc) =	sbr.rel @p1 .LBB2_6-.Ltmp3, $4  }
0xb8: {  	s31 =	sor.u32 s5, s19;
	[tilespmem:s8+$0x8370] =	vst v63  }
0xb9: {  	s20 =	sshrl.u32 s31, $0x3;
	[tilespmem:s23+$0x8370] =	vst v4  }
0xba: {  	s6 =	sadd.s32 s3, s20;
	[tilespmem:s24+$0x8370] =	vst v1  }
0xbb: {  	[hbm4b:s6+s4] =	stream.linear.scatter [tilespmem:s0], [sflag:$0x3], $0x4000, $0x38;
	[tilespmem:$0x10300] =	vst v63  }
.Ltmp4:
0xbc: {  	(pc) =	sbr.rel .LBB2_7-.Ltmp4, $4  }
0xbd: {  	_ = 	snop  }
0xbe: {  	_ =	swait.ge [sflag:s7], $0x4000  }
0xbf: {  	[sflag:s7] =	ssyncset.done $0x0  }
0xc0: {  	[sflag:s7] =	ssyncadd.s32 $0xFFFFC000  }
.LBB2_6:
0xc1: {  	s6 =	rddreg [dreg:$0x9]  }
0xc2: {  	s6 =	sadd.s32 s19, s6  }
0xc3: {  	s6 =	sshrl.u32 s6, $0x3  }
.Ltmp5:
0xc4: {  	s6 =	sadd.s32 s1, s6;
	(pc) =	sbr.rel @p0 .LBB2_8-.Ltmp5, $4  }
0xc5: {  	[tilespmem:s29], [sflag:$0x1] =	stream.linear.gather [hbm4b:s6+s4], $0x4000, $0x38;
	[tilespmem:$0x10300] =	vst v63  }
0xc6: {  	_ =	swait.ge [sflag:s7], $0x4000  }
0xc7: {  	[sflag:s7] =	ssyncset.done $0x0  }
0xc8: {  	[sflag:s7] =	ssyncadd.s32 $0xFFFFC000  }
.LBB2_7:
0xc9: {  	_ =	swait.ge [sflag:s9], $0x4000  }
0xca: {  	[sflag:s9] =	ssyncset.done $0x0  }
0xcb: {  	[sflag:s9] =	ssyncadd.s32 $0xFFFFC000  }
.LBB2_8:
0xcc: {  	s6 =	simm.s32 $0x0;
	s8 =	simm.s32 $0x0  }
0xcd: {  	s12 =	simm.s32 $0x0;
	s6 =	sand.u32 $0xC00, s6;
	s8 =	sand.u32 $0x3000, s8  }
0xce: {  	s17 =	sand.u32 $0x380, s12;
	s6 =	sor.u32 s6, s8  }
0xcf: {  	s23 =	sor.u32 s17, s6  }
0xd0: {  	v0 =	vld [tilespmem:s23+$0x4300];
	_ =	sdelay $0x4  }
0xd1: {  	v0 =	vmul.f32 $5.000000000e-01, v0  }
0xd2: {  	v1 =	vld [tilespmem:s23+$0x4310]  }
0xd3: {  	v0 =	vadd.f32 $5.000000000e-01, v0;
	_ =	sdelay $0x1  }
0xd4: {  	v0 =	vmul.f32 $2.550000000e+02, v0  }
0xd5: {  	s21 =	simm.s32 $0x80;
	s24 =	simm.s32 $0x400  }
0xd6: {  	s25 =	simm.s32 $0x20;
	s8 =	sand.u32 $0xC00, s24;
	s6 =	sand.u32 $0x3000, s21;
	v1 =	vmul.f32 $5.000000000e-01, v1;
	v0 =	vadd.f32 $8.388608000e+06, v0  }
0xd7: {  	s14 =	sand.u32 $0x380, s25;
	s6 =	sor.u32 s8, s6;
	v2 =	vld [tilespmem:s23+$0x4320]  }
0xd8: {  	s6 =	sor.u32 s14, s6;
	v1 =	vadd.f32 $5.000000000e-01, v1;
	v0 =	vand.u32 $0xFF, v0  }
0xd9: {  	v3 =	vld [tilespmem:s6+$0x4300]  }
0xda: {  	v1 =	vmul.f32 $2.550000000e+02, v1;
	_ =	sdelay $0x1  }
0xdb: {  	v4 =	vld [tilespmem:s23+$0x4330];
	v2 =	vmul.f32 $5.000000000e-01, v2;
	v1 =	vadd.f32 $8.388608000e+06, v1  }
0xdc: {  	v0 =	vld.idx.msk [tilespmem:v0+s4+$0x0], $0xffff  }
0xdd: {  	v5 =	vld [tilespmem:s6+$0x4310];
	v3 =	vmul.f32 $5.000000000e-01, v3;
	v2 =	vadd.f32 $5.000000000e-01, v2;
	v1 =	vand.u32 $0xFF, v1;
	_ =	sdelay $0x1  }
0xde: {  	v3 =	vadd.f32 $5.000000000e-01, v3;
	v2 =	vmul.f32 $2.550000000e+02, v2;
	_ =	sdelay $0x1  }
0xdf: {  	s17 =	simm.s32 $0x100;
	s21 =	simm.s32 $0x800;
	v2 =	vadd.f32 $8.388608000e+06, v2;
	[tilespmem:s23+$0xC300] =	vst v0;
	v0 =	vmul.f32 $2.550000000e+02, v3;
	v3 =	vmul.f32 $5.000000000e-01, v4;
	v4 =	vld [tilespmem:s23+$0x4340]  }
0xe0: {  	s12 =	sand.u32 $0xC00, s21;
	s8 =	sand.u32 $0x3000, s17;
	s14 =	simm.s32 $0x40;
	v5 =	vmul.f32 $5.000000000e-01, v5;
	v1 =	vld.idx.msk [tilespmem:v1+s4+$0x0], $0xffff  }
0xe1: {  	s8 =	sor.u32 s12, s8;
	s24 =	sand.u32 $0x380, s14;
	v6 =	vld [tilespmem:s6+$0x4320];
	v2 =	vand.u32 $0xFF, v2;
	v0 =	vadd.f32 $8.388608000e+06, v0;
	v3 =	vadd.f32 $5.000000000e-01, v3  }
0xe2: {  	s8 =	sor.u32 s24, s8  }
0xe3: {  	v7 =	vld [tilespmem:s8+$0x4300];
	v5 =	vadd.f32 $5.000000000e-01, v5;
	v0 =	vand.u32 $0xFF, v0;
	v3 =	vmul.f32 $2.550000000e+02, v3;
	_ =	sdelay $0x1  }
0xe4: {  	[tilespmem:s23+$0xC310] =	vst v1;
	v1 =	vadd.f32 $8.388608000e+06, v3;
	v3 =	vmul.f32 $5.000000000e-01, v4;
	v4 =	vmul.f32 $2.550000000e+02, v5;
	v5 =	vld [tilespmem:s23+$0x4350]  }
0xe5: {  	v6 =	vmul.f32 $5.000000000e-01, v6;
	v2 =	vld.idx.msk [tilespmem:v2+s4+$0x0], $0xffff  }
0xe6: {  	v8 =	vld [tilespmem:s6+$0x4330];
	v1 =	vand.u32 $0xFF, v1;
	v3 =	vadd.f32 $5.000000000e-01, v3;
	v4 =	vadd.f32 $8.388608000e+06, v4  }
0xe7: {  	v7 =	vmul.f32 $5.000000000e-01, v7;
	v0 =	vld.idx.msk [tilespmem:v0+s4+$0x0], $0xffff  }
0xe8: {  	v9 =	vld [tilespmem:s8+$0x4310];
	v6 =	vadd.f32 $5.000000000e-01, v6;
	v3 =	vmul.f32 $2.550000000e+02, v3;
	v4 =	vand.u32 $0xFF, v4  }
0xe9: {  	v7 =	vadd.f32 $5.000000000e-01, v7;
	v5 =	vmul.f32 $5.000000000e-01, v5  }
0xea: {  	[tilespmem:s23+$0xC320] =	vst v2;
	v2 =	vadd.f32 $8.388608000e+06, v3;
	v3 =	vmul.f32 $2.550000000e+02, v6  }
0xeb: {  	v7 =	vmul.f32 $2.550000000e+02, v7;
	v1 =	vld.idx.msk [tilespmem:v1+s4+$0x0], $0xffff;
	v5 =	vadd.f32 $5.000000000e-01, v5  }
0xec: {  	s25 =	simm.s32 $0x180;
	s21 =	simm.s32 $0xC00;
	v2 =	vand.u32 $0xFF, v2;
	[tilespmem:s6+$0xC300] =	vst v0;
	v0 =	vadd.f32 $8.388608000e+06, v3;
	v3 =	vmul.f32 $5.000000000e-01, v8;
	v8 =	vld [tilespmem:s23+$0x4360]  }
0xed: {  	s17 =	simm.s32 $0x60;
	s12 =	sand.u32 $0x3000, s25;
	s14 =	sand.u32 $0xC00, s21;
	v9 =	vmul.f32 $5.000000000e-01, v9;
	v7 =	vadd.f32 $8.388608000e+06, v7;
	v4 =	vld.idx.msk [tilespmem:v4+s4+$0x0], $0xffff  }
0xee: {  	v10 =	vld [tilespmem:s6+$0x4340];
	s12 =	sor.u32 s14, s12;
	s24 =	sand.u32 $0x380, s17;
	v5 =	vmul.f32 $2.550000000e+02, v5;
	v0 =	vand.u32 $0xFF, v0;
	v3 =	vadd.f32 $5.000000000e-01, v3  }
0xef: {  	v11 =	vld [tilespmem:s8+$0x4320];
	s24 =	sor.u32 s24, s12;
	v7 =	vand.u32 $0xFF, v7  }
0xf0: {  	v5 =	vadd.f32 $8.388608000e+06, v5;
	[tilespmem:s23+$0xC330] =	vst v1;
	v1 =	vadd.f32 $5.000000000e-01, v9;
	v3 =	vmul.f32 $2.550000000e+02, v3;
	v9 =	vld [tilespmem:s24+$0x4300]  }
0xf1: {  	v2 =	vld.idx.msk [tilespmem:v2+s4+$0x0], $0xffff;
	v8 =	vmul.f32 $5.000000000e-01, v8  }
0xf2: {  	v6 =	vld [tilespmem:s23+$0x4370];
	[tilespmem:s6+$0xC310] =	vst v4;
	v1 =	vmul.f32 $2.550000000e+02, v1;
	v3 =	vadd.f32 $8.388608000e+06, v3;
	v4 =	vand.u32 $0xFF, v5  }
0xf3: {  	v5 =	vmul.f32 $5.000000000e-01, v10;
	v0 =	vld.idx.msk [tilespmem:v0+s4+$0x0], $0xffff;
	v8 =	vadd.f32 $5.000000000e-01, v8  }
0xf4: {  	v7 =	vld.idx.msk [tilespmem:v7+s4+$0x0], $0xffff;
	v1 =	vadd.f32 $8.388608000e+06, v1;
	v3 =	vand.u32 $0xFF, v3  }
0xf5: {  	v11 =	vmul.f32 $5.000000000e-01, v11;
	v10 =	vld [tilespmem:s6+$0x4350];
	v5 =	vadd.f32 $5.000000000e-01, v5;
	v8 =	vmul.f32 $2.550000000e+02, v8  }
0xf6: {  	v12 =	vld [tilespmem:s8+$0x4330];
	v9 =	vmul.f32 $5.000000000e-01, v9;
	v1 =	vand.u32 $0xFF, v1;
	[tilespmem:s23+$0xC340] =	vst v2  }
0xf7: {  	v2 =	vadd.f32 $5.000000000e-01, v11;
	v5 =	vmul.f32 $2.550000000e+02, v5;
	v13 =	vld.idx.msk [tilespmem:v4+s4+$0x0], $0xffff;
	v4 =	vadd.f32 $8.388608000e+06, v8  }
0xf8: {  	v11 =	vld [tilespmem:s24+$0x4310];
	v8 =	vadd.f32 $5.000000000e-01, v9;
	v9 =	vmul.f32 $5.000000000e-01, v6;
	[tilespmem:s6+$0xC320] =	vst v0  }
0xf9: {  	v2 =	vmul.f32 $2.550000000e+02, v2;
	v6 =	vld.idx.msk [tilespmem:v3+s4+$0x0], $0xffff;
	v3 =	vadd.f32 $8.388608000e+06, v5;
	v14 =	vand.u32 $0xFF, v4  }
0xfa: {  	[tilespmem:s8+$0xC300] =	vst v7;
	v0 =	vld [tilespmem:s6+$0x4370];
	v5 =	vmul.f32 $5.000000000e-01, v10;
	v7 =	vadd.f32 $5.000000000e-01, v9  }
0xfb: {  	v8 =	vmul.f32 $2.550000000e+02, v8;
	v4 =	vld.idx.msk [tilespmem:v1+s4+$0x0], $0xffff;
	v1 =	vadd.f32 $8.388608000e+06, v2;
	v9 =	vand.u32 $0xFF, v3  }
0xfc: {  	s25 =	simm.s32 $0x200;
	v2 =	vmul.f32 $5.000000000e-01, v12;
	v5 =	vadd.f32 $5.000000000e-01, v5;
	v3 =	vld [tilespmem:s6+$0x4360];
	v15 =	vmul.f32 $2.550000000e+02, v7  }
0xfd: {  	s14 =	simm.s32 $0x1000;
	s17 =	sand.u32 $0x3000, s25;
	v12 =	vadd.f32 $8.388608000e+06, v8;
	v11 =	vmul.f32 $5.000000000e-01, v11;
	v7 =	vld [tilespmem:s8+$0x4340];
	[tilespmem:s23+$0xC350] =	vst v13;
	v8 =	vand.u32 $0xFF, v1  }
0xfe: {  	s25 =	simm.s32 $0x5;
	s12 =	simm.s32 $0x80;
	s31 =	sand.u32 $0xC00, s14;
	v10 =	vadd.f32 $5.000000000e-01, v2;
	v5 =	vmul.f32 $2.550000000e+02, v5;
	v2 =	vadd.f32 $8.388608000e+06, v15;
	v1 =	vld.idx.msk [tilespmem:v14+s4+$0x0], $0xffff  }
.LBB2_9:
0xff: {  	p0 =	sne.s32 s25, $0x7F;
	s17 =	sor.u32 s31, s17;
	s12 =	sand.u32 $0x380, s12;
	v12 =	vand.u32 $0xFF, v12;
	v11 =	vadd.f32 $5.000000000e-01, v11;
	v13 =	vld [tilespmem:s24+$0x4320];
	[tilespmem:s6+$0xC330] =	vst v6  }
0x100: {  	s31 =	sor.u32 s12, s17;
	v6 =	vmul.f32 $2.550000000e+02, v10;
	v9 =	vld.idx.msk [tilespmem:v9+s4+$0x0], $0xffff;
	v5 =	vadd.f32 $8.388608000e+06, v5;
	v2 =	vand.u32 $0xFF, v2  }
0x101: {  	v10 =	vld [tilespmem:s31+$0x4300];
	[tilespmem:s8+$0xC310] =	vst v4;
	v3 =	vmul.f32 $5.000000000e-01, v3  }
0x102: {  	v4 =	vmul.f32 $2.550000000e+02, v11;
	v8 =	vld.idx.msk [tilespmem:v8+s4+$0x0], $0xffff;
	v6 =	vadd.f32 $8.388608000e+06, v6;
	v5 =	vand.u32 $0xFF, v5  }
0x103: {  	v7 =	vmul.f32 $5.000000000e-01, v7;
	v11 =	vld [tilespmem:s8+$0x4350];
	v3 =	vadd.f32 $5.000000000e-01, v3  }
0x104: {  	v4 =	vadd.f32 $8.388608000e+06, v4;
	v12 =	vld.idx.msk [tilespmem:v12+s4+$0x0], $0xffff;
	v6 =	vand.u32 $0xFF, v6;
	[tilespmem:s23+$0xC360] =	vst v1  }
0x105: {  	v1 =	vmul.f32 $5.000000000e-01, v13;
	v7 =	vadd.f32 $5.000000000e-01, v7;
	v3 =	vmul.f32 $2.550000000e+02, v3;
	v2 =	vld.idx.msk [tilespmem:v2+s4+$0x0], $0xffff  }
0x106: {  	v4 =	vand.u32 $0xFF, v4;
	v10 =	vmul.f32 $5.000000000e-01, v10;
	v13 =	vld [tilespmem:s24+$0x4330];
	[tilespmem:s6+$0xC340] =	vst v9  }
0x107: {  	v1 =	vadd.f32 $5.000000000e-01, v1;
	v7 =	vmul.f32 $2.550000000e+02, v7;
	v5 =	vld.idx.msk [tilespmem:v5+s4+$0x0], $0xffff;
	v3 =	vadd.f32 $8.388608000e+06, v3  }
0x108: {  	v9 =	vadd.f32 $5.000000000e-01, v10;
	v10 =	vld [tilespmem:s31+$0x4310];
	[tilespmem:s8+$0xC320] =	vst v8;
	v8 =	vmul.f32 $5.000000000e-01, v0  }
0x109: {  	v1 =	vmul.f32 $2.550000000e+02, v1;
	v7 =	vadd.f32 $8.388608000e+06, v7;
	v6 =	vld.idx.msk [tilespmem:v6+s4+$0x0], $0xffff;
	v14 =	vand.u32 $0xFF, v3  }
.Ltmp6:
0x10a: {  	v3 =	vmul.f32 $5.000000000e-01, v11;
	[tilespmem:s24+$0xC300] =	vst v12;
	v0 =	vld [tilespmem:s8+$0x4370];
	v8 =	vadd.f32 $5.000000000e-01, v8;
	(pc) =	sbr.rel @p0 .LBB2_9-.Ltmp6, $4  }
0x10b: {  	v11 =	vmul.f32 $2.550000000e+02, v9;
	v1 =	vadd.f32 $8.388608000e+06, v1;
	v9 =	vand.u32 $0xFF, v7;
	v4 =	vld.idx.msk [tilespmem:v4+s4+$0x0], $0xffff;
	[tilespmem:s23+$0xC370] =	vst v2;
	s23 =	smov.u32 s6;
	s6 =	smov.u32 s8;
	s8 =	smov.u32 s24  }
0x10c: {  	v2 =	vmul.f32 $5.000000000e-01, v13;
	v13 =	vadd.f32 $5.000000000e-01, v3;
	s24 =	smov.u32 s31;
	v3 =	vld [tilespmem:s6+$0x4360];
	v15 =	vmul.f32 $2.550000000e+02, v8  }
0x10d: {  	s14 =	sadd.s32 $0x400, s14;
	s17 =	sshll.u32 s25, $0x7;
	s12 =	sshll.u32 s25, $0x5;
	v12 =	vadd.f32 $8.388608000e+06, v11;
	v8 =	vand.u32 $0xFF, v1;
	v11 =	vmul.f32 $5.000000000e-01, v10;
	v7 =	vld [tilespmem:s8+$0x4340];
	[tilespmem:s23+$0xC350] =	vst v5  }
0x10e: {  	s25 =	sadd.s32 $0x1, s25;
	s17 =	sand.u32 $0x3000, s17;
	s31 =	sand.u32 $0xC00, s14;
	v10 =	vadd.f32 $5.000000000e-01, v2;
	v5 =	vmul.f32 $2.550000000e+02, v13;
	v1 =	vld.idx.msk [tilespmem:v14+s4+$0x0], $0xffff;
	v2 =	vadd.f32 $8.388608000e+06, v15  }
0x10f: {  	s14 =	sor.u32 s31, s17;
	s12 =	sand.u32 $0x380, s12  }
0x110: {  	s14 =	sor.u32 s12, s14  }
0x111: {  	v13 =	vld [tilespmem:s14+$0x4300];
	_ =	sdelay $0x4  }
0x112: {  	v13 =	vmul.f32 $5.000000000e-01, v13  }
0x113: {  	v14 =	vld [tilespmem:s14+$0x4310]  }
0x114: {  	v13 =	vadd.f32 $5.000000000e-01, v13;
	_ =	sdelay $0x1  }
0x115: {  	v13 =	vmul.f32 $2.550000000e+02, v13;
	_ =	sdelay $0x1  }
0x116: {  	v15 =	vld [tilespmem:s24+$0x4320];
	v14 =	vmul.f32 $5.000000000e-01, v14;
	v13 =	vadd.f32 $8.388608000e+06, v13  }
0x117: {  	v12 =	vand.u32 $0xFF, v12;
	v11 =	vadd.f32 $5.000000000e-01, v11;
	v16 =	vld [tilespmem:s14+$0x4320]  }
0x118: {  	v14 =	vadd.f32 $5.000000000e-01, v14;
	v13 =	vand.u32 $0xFF, v13  }
0x119: {  	v11 =	vmul.f32 $2.550000000e+02, v11  }
0x11a: {  	v17 =	vld [tilespmem:s24+$0x4330];
	v14 =	vmul.f32 $2.550000000e+02, v14  }
0x11b: {  	v18 =	vld [tilespmem:s14+$0x4330];
	v11 =	vadd.f32 $8.388608000e+06, v11;
	v15 =	vmul.f32 $5.000000000e-01, v15  }
0x11c: {  	v12 =	vld.idx.msk [tilespmem:v12+s4+$0x0], $0xffff;
	v16 =	vmul.f32 $5.000000000e-01, v16;
	v14 =	vadd.f32 $8.388608000e+06, v14  }
0x11d: {  	v11 =	vand.u32 $0xFF, v11;
	v15 =	vadd.f32 $5.000000000e-01, v15;
	v13 =	vld.idx.msk [tilespmem:v13+s4+$0x0], $0xffff  }
0x11e: {  	v16 =	vadd.f32 $5.000000000e-01, v16;
	v14 =	vand.u32 $0xFF, v14  }
0x11f: {  	v21 =	vld [tilespmem:s24+$0x4340];
	v15 =	vmul.f32 $2.550000000e+02, v15  }
0x120: {  	v27 =	vld [tilespmem:s8+$0x4350];
	v20 =	vmul.f32 $2.550000000e+02, v16  }
0x121: {  	v26 =	vld [tilespmem:s14+$0x4340];
	v63 =	vmul.f32 $5.000000000e-01, v17;
	[tilespmem:s24+$0xC300] =	vst v12;
	v62 =	vadd.f32 $8.388608000e+06, v15  }
0x122: {  	v23 =	vmul.f32 $5.000000000e-01, v18;
	v11 =	vld.idx.msk [tilespmem:v11+s4+$0x0], $0xffff;
	v22 =	vadd.f32 $8.388608000e+06, v20;
	[tilespmem:s14+$0xC300] =	vst v13  }
0x123: {  	[tilespmem:s6+$0xC330] =	vst v6;
	v10 =	vmul.f32 $2.550000000e+02, v10;
	v12 =	vadd.f32 $5.000000000e-01, v63;
	v6 =	vand.u32 $0xFF, v62;
	v14 =	vld.idx.msk [tilespmem:v14+s4+$0x0], $0xffff  }
0x124: {  	v30 =	vld [tilespmem:s24+$0x4350];
	v15 =	vadd.f32 $5.000000000e-01, v23;
	v25 =	vand.u32 $0xFF, v22  }
0x125: {  	v34 =	vld [tilespmem:s8+$0x4360];
	[tilespmem:s8+$0xC310] =	vst v4;
	v10 =	vadd.f32 $8.388608000e+06, v10;
	v24 =	vmul.f32 $2.550000000e+02, v12  }
0x126: {  	v8 =	vld.idx.msk [tilespmem:v8+s4+$0x0], $0xffff;
	v7 =	vmul.f32 $5.000000000e-01, v7;
	v28 =	vmul.f32 $2.550000000e+02, v15  }
0x127: {  	v32 =	vld [tilespmem:s14+$0x4350];
	v10 =	vand.u32 $0xFF, v10;
	v29 =	vmul.f32 $5.000000000e-01, v21;
	v4 =	vadd.f32 $8.388608000e+06, v24;
	[tilespmem:s24+$0xC310] =	vst v11  }
0x128: {  	v7 =	vadd.f32 $5.000000000e-01, v7;
	v11 =	vadd.f32 $8.388608000e+06, v28;
	v6 =	vld.idx.msk [tilespmem:v6+s4+$0x0], $0xffff;
	v13 =	vmul.f32 $5.000000000e-01, v26;
	[tilespmem:s14+$0xC310] =	vst v14  }
0x129: {  	v0 =	vmul.f32 $5.000000000e-01, v0;
	v31 =	vadd.f32 $5.000000000e-01, v29;
	v4 =	vand.u32 $0xFF, v4;
	v12 =	vld.idx.msk [tilespmem:v25+s4+$0x0], $0xffff  }
0x12a: {  	v38 =	vld [tilespmem:s24+$0x4360];
	v7 =	vmul.f32 $2.550000000e+02, v7;
	v11 =	vand.u32 $0xFF, v11;
	v13 =	vadd.f32 $5.000000000e-01, v13  }
0x12b: {  	v42 =	vld [tilespmem:s8+$0x4370];
	v5 =	vadd.f32 $8.388608000e+06, v5;
	v3 =	vmul.f32 $5.000000000e-01, v3;
	v14 =	vmul.f32 $2.550000000e+02, v31  }
0x12c: {  	v41 =	vld [tilespmem:s14+$0x4360];
	v33 =	vmul.f32 $5.000000000e-01, v27;
	[tilespmem:s8+$0xC320] =	vst v8;
	v7 =	vadd.f32 $8.388608000e+06, v7;
	v13 =	vmul.f32 $2.550000000e+02, v13  }
0x12d: {  	v37 =	vmul.f32 $5.000000000e-01, v30;
	v8 =	vmul.f32 $5.000000000e-01, v32;
	v10 =	vld.idx.msk [tilespmem:v10+s4+$0x0], $0xffff;
	[tilespmem:s24+$0xC320] =	vst v6;
	v35 =	vadd.f32 $8.388608000e+06, v14  }
0x12e: {  	v36 =	vadd.f32 $5.000000000e-01, v33;
	v7 =	vand.u32 $0xFF, v7;
	v4 =	vld.idx.msk [tilespmem:v4+s4+$0x0], $0xffff;
	v39 =	vadd.f32 $8.388608000e+06, v13;
	[tilespmem:s14+$0xC320] =	vst v12  }
0x12f: {  	v40 =	vadd.f32 $5.000000000e-01, v37;
	v8 =	vadd.f32 $5.000000000e-01, v8;
	v6 =	vand.u32 $0xFF, v35;
	v11 =	vld.idx.msk [tilespmem:v11+s4+$0x0], $0xffff  }
0x130: {  	v44 =	vld [tilespmem:s24+$0x4370];
	v0 =	vadd.f32 $5.000000000e-01, v0;
	v14 =	vmul.f32 $2.550000000e+02, v36;
	v12 =	vand.u32 $0xFF, v39  }
0x131: {  	v9 =	vld.idx.msk [tilespmem:v9+s4+$0x0], $0xffff;
	v5 =	vand.u32 $0xFF, v5;
	v8 =	vmul.f32 $2.550000000e+02, v8;
	v13 =	vmul.f32 $2.550000000e+02, v40  }
0x132: {  	v48 =	vld [tilespmem:s14+$0x4370];
	v3 =	vadd.f32 $5.000000000e-01, v3;
	v43 =	vmul.f32 $5.000000000e-01, v34;
	[tilespmem:s8+$0xC330] =	vst v10;
	v46 =	vadd.f32 $8.388608000e+06, v14  }
0x133: {  	v47 =	vmul.f32 $5.000000000e-01, v38;
	v8 =	vadd.f32 $8.388608000e+06, v8;
	v45 =	vld.idx.msk [tilespmem:v7+s4+$0x0], $0xffff;
	[tilespmem:s24+$0xC330] =	vst v4;
	v13 =	vadd.f32 $8.388608000e+06, v13  }
0x134: {  	v15 =	vmul.f32 $5.000000000e-01, v41;
	v10 =	vadd.f32 $5.000000000e-01, v43;
	v7 =	vand.u32 $0xFF, v46;
	v6 =	vld.idx.msk [tilespmem:v6+s4+$0x0], $0xffff;
	[tilespmem:s14+$0xC330] =	vst v11  }
0x135: {  	v3 =	vmul.f32 $2.550000000e+02, v3;
	v13 =	vand.u32 $0xFF, v13;
	v14 =	vadd.f32 $5.000000000e-01, v47;
	v12 =	vld.idx.msk [tilespmem:v12+s4+$0x0], $0xffff  }
0x136: {  	v8 =	vand.u32 $0xFF, v8;
	v15 =	vadd.f32 $5.000000000e-01, v15;
	v10 =	vmul.f32 $2.550000000e+02, v10  }
0x137: {  	v52 =	vmul.f32 $5.000000000e-01, v42;
	[tilespmem:s6+$0xC340] =	vst v9;
	v3 =	vadd.f32 $8.388608000e+06, v3;
	v50 =	vmul.f32 $2.550000000e+02, v14  }
0x138: {  	v57 =	vmul.f32 $5.000000000e-01, v44;
	v51 =	vld.idx.msk [tilespmem:v5+s4+$0x0], $0xffff;
	v53 =	vmul.f32 $2.550000000e+02, v15;
	v49 =	vadd.f32 $8.388608000e+06, v10;
	[tilespmem:s8+$0xC340] =	vst v45  }
0x139: {  	v5 =	vadd.f32 $5.000000000e-01, v52;
	v3 =	vand.u32 $0xFF, v3;
	v56 =	vadd.f32 $8.388608000e+06, v50;
	v54 =	vld.idx.msk [tilespmem:v7+s4+$0x0], $0xffff;
	[tilespmem:s24+$0xC340] =	vst v6  }
0x13a: {  	v59 =	vadd.f32 $8.388608000e+06, v53;
	v55 =	vand.u32 $0xFF, v49;
	v11 =	vmul.f32 $5.000000000e-01, v48;
	v58 =	vld.idx.msk [tilespmem:v13+s4+$0x0], $0xffff;
	[tilespmem:s14+$0xC340] =	vst v12  }
0x13b: {  	v0 =	vmul.f32 $2.550000000e+02, v0;
	v10 =	vadd.f32 $5.000000000e-01, v57;
	v9 =	vand.u32 $0xFF, v56;
	v8 =	vld.idx.msk [tilespmem:v8+s4+$0x0], $0xffff  }
0x13c: {  	v5 =	vmul.f32 $2.550000000e+02, v5;
	v11 =	vadd.f32 $5.000000000e-01, v11;
	v13 =	vand.u32 $0xFF, v59  }
0x13d: {  	v0 =	vadd.f32 $8.388608000e+06, v0;
	[tilespmem:s6+$0xC350] =	vst v51;
	v60 =	vmul.f32 $2.550000000e+02, v10  }
0x13e: {  	v2 =	vand.u32 $0xFF, v2;
	v5 =	vadd.f32 $8.388608000e+06, v5;
	v3 =	vld.idx.msk [tilespmem:v3+s4+$0x0], $0xffff;
	[tilespmem:s8+$0xC350] =	vst v54;
	v61 =	vmul.f32 $2.550000000e+02, v11  }
0x13f: {  	v0 =	vand.u32 $0xFF, v0;
	v4 =	vadd.f32 $8.388608000e+06, v60;
	v7 =	vld.idx.msk [tilespmem:v55+s4+$0x0], $0xffff;
	[tilespmem:s24+$0xC350] =	vst v58  }
0x140: {  	v5 =	vand.u32 $0xFF, v5;
	v6 =	vadd.f32 $8.388608000e+06, v61;
	v9 =	vld.idx.msk [tilespmem:v9+s4+$0x0], $0xffff;
	[tilespmem:s14+$0xC350] =	vst v8  }
0x141: {  	v4 =	vand.u32 $0xFF, v4;
	v8 =	vld.idx.msk [tilespmem:v13+s4+$0x0], $0xffff  }
0x142: {  	[tilespmem:s23+$0xC360] =	vst v1;
	v62 =	vand.u32 $0xFF, v6  }
0x143: {  	v2 =	vld.idx.msk [tilespmem:v2+s4+$0x0], $0xffff;
	[tilespmem:s6+$0xC360] =	vst v3  }
0x144: {  	v0 =	vld.idx.msk [tilespmem:v0+s4+$0x0], $0xffff;
	[tilespmem:s8+$0xC360] =	vst v7  }
0x145: {  	v63 =	vld.idx.msk [tilespmem:v5+s4+$0x0], $0xffff;
	[tilespmem:s24+$0xC360] =	vst v9  }
0x146: {  	v4 =	vld.idx.msk [tilespmem:v4+s4+$0x0], $0xffff;
	[tilespmem:s14+$0xC360] =	vst v8  }
0x147: {  	v1 =	vld.idx.msk [tilespmem:v62+s4+$0x0], $0xffff  }
0x148: {  	p0 =	seq.s32 s15, $0x7;
	[tilespmem:s23+$0xC370] =	vst v2  }
.Ltmp7:
0x149: {  	[tilespmem:s6+$0xC370] =	vst v0;
	(pc) =	sbr.rel @p0 .LBB2_12-.Ltmp7, $4  }
0x14a: {  	[tilespmem:s8+$0xC370] =	vst v63  }
0x14b: {  	s31 =	sadd.s32 s20, s3;
	[tilespmem:s24+$0xC370] =	vst v4  }
0x14c: {  	s6 =	sadd.s32 $0x800, s31;
	[tilespmem:s14+$0xC370] =	vst v1  }
0x14d: {  	[hbm4b:s6+s4] =	stream.linear.scatter [tilespmem:s10], [sflag:$0x4], $0x4000, $0x38;
	[tilespmem:$0x10300] =	vst v63  }
.Ltmp8:
0x14e: {  	(pc) =	sbr.rel .LBB2_2-.Ltmp8, $4  }
0x14f: {  	s6 =	sadd.s32 s19, s13  }
0x150: {  	s6 =	sshrl.u32 s6, $0x3  }
0x151: {  	s15 =	sadd.s32 $0x1, s15;
	s6 =	sadd.s32 s1, s6  }
0x152: {  	[tilespmem:s30], [sflag:$0x2] =	stream.linear.gather [hbm4b:s6+s4], $0x4000, $0x38;
	[tilespmem:$0x10300] =	vst v63  }
.LBB2_12:
0x153: {  	s6 =	simm.s32 $0x3  }
0x154: {  	_ =	swait.ge [sflag:s6], $0x4000  }
0x155: {  	[sflag:s6] =	ssyncset.done $0x0  }
0x156: {  	[sflag:s6] =	ssyncadd.s32 $0xFFFFC000  }
0x157: {  	_ =	swait.ge [sflag:s9], $0x4000  }
0x158: {  	[sflag:s9] =	ssyncset.done $0x0  }
0x159: {  	s15 =	simm.s32 $0x0;
	s25 =	rddreg [dreg:$0xa];
	[sflag:s9] =	ssyncadd.s32 $0xFFFFC000  }
0x15a: {  	[tilespmem:s29], [sflag:$0x1] =	stream.linear.gather [hbm4b:s25+s15], $0x4000, $0x38;
	[tilespmem:$0x10300] =	vst v63  }
0x15b: {  	s19 =	simm.s32 $0x0;
	s31 =	rddreg [dreg:$0xb]  }
0x15c: {  	[tilespmem:s30], [sflag:$0x2] =	stream.linear.gather [hbm4b:s31+s15], $0x4000, $0x38;
	[tilespmem:$0x10300] =	vst v63  }
.LBB2_13:
0x15d: {  	_ =	swait.ge [sflag:s2], $0x4000  }
0x15e: {  	p0 =	seq.s32 s19, $0x0;
	s8 =	simm.s32 $0x0;
	[sflag:s2] =	ssyncset.done $0x0  }
0x15f: {  	s12 =	simm.s32 $0x0;
	s6 =	simm.s32 @!p0 $0x3;
	[sflag:s2] =	ssyncadd.s32 $0xFFFFC000  }
0x160: {  	s14 =	sand.u32 $0xC00, s15;
	s8 =	sand.u32 $0x3000, s8;
	_ =	swait.ge @!p0 [sflag:s6], $0x4000  }
0x161: {  	s12 =	sand.u32 $0x380, s12;
	s8 =	sor.u32 s14, s8;
	[sflag:s6] =	ssyncset.done @!p0 $0x0  }
0x162: {  	s23 =	sor.u32 s12, s8;
	[sflag:s6] =	ssyncadd.s32 @!p0 $0xFFFFC000  }
0x163: {  	v0 =	vld [tilespmem:s23+$0x300];
	_ =	sdelay $0x4  }
0x164: {  	v0 =	vmul.f32 $5.000000000e-01, v0  }
0x165: {  	v1 =	vld [tilespmem:s23+$0x310]  }
0x166: {  	v0 =	vadd.f32 $5.000000000e-01, v0;
	_ =	sdelay $0x1  }
0x167: {  	v0 =	vmul.f32 $2.550000000e+02, v0  }
0x168: {  	s14 =	simm.s32 $0x400;
	s12 =	simm.s32 $0x80  }
0x169: {  	s17 =	simm.s32 $0x20;
	s8 =	sand.u32 $0xC00, s14;
	s6 =	sand.u32 $0x3000, s12;
	v1 =	vmul.f32 $5.000000000e-01, v1;
	v0 =	vadd.f32 $8.388608000e+06, v0  }
0x16a: {  	s20 =	sand.u32 $0x380, s17;
	s6 =	sor.u32 s8, s6;
	v2 =	vld [tilespmem:s23+$0x320]  }
0x16b: {  	s6 =	sor.u32 s20, s6;
	v1 =	vadd.f32 $5.000000000e-01, v1;
	v0 =	vand.u32 $0xFF, v0  }
0x16c: {  	v3 =	vld [tilespmem:s6+$0x300]  }
0x16d: {  	v1 =	vmul.f32 $2.550000000e+02, v1;
	_ =	sdelay $0x1  }
0x16e: {  	v4 =	vld [tilespmem:s23+$0x330];
	v2 =	vmul.f32 $5.000000000e-01, v2;
	v1 =	vadd.f32 $8.388608000e+06, v1  }
0x16f: {  	v0 =	vld.idx.msk [tilespmem:v0+s26+$0x0], $0xffff  }
0x170: {  	v5 =	vld [tilespmem:s6+$0x310];
	v3 =	vmul.f32 $5.000000000e-01, v3;
	v2 =	vadd.f32 $5.000000000e-01, v2;
	v1 =	vand.u32 $0xFF, v1;
	_ =	sdelay $0x1  }
0x171: {  	v3 =	vadd.f32 $5.000000000e-01, v3;
	v2 =	vmul.f32 $2.550000000e+02, v2;
	_ =	sdelay $0x1  }
0x172: {  	s21 =	simm.s32 $0x100;
	s24 =	simm.s32 $0x800;
	v2 =	vadd.f32 $8.388608000e+06, v2;
	[tilespmem:s23+$0x8300] =	vst v0;
	v0 =	vmul.f32 $2.550000000e+02, v3;
	v3 =	vmul.f32 $5.000000000e-01, v4;
	v4 =	vld [tilespmem:s23+$0x340]  }
0x173: {  	s25 =	simm.s32 $0x40;
	s12 =	sand.u32 $0xC00, s24;
	s8 =	sand.u32 $0x3000, s21;
	v5 =	vmul.f32 $5.000000000e-01, v5;
	v1 =	vld.idx.msk [tilespmem:v1+s26+$0x0], $0xffff  }
0x174: {  	s17 =	sand.u32 $0x380, s25;
	s8 =	sor.u32 s12, s8;
	v6 =	vld [tilespmem:s6+$0x320];
	v2 =	vand.u32 $0xFF, v2;
	v0 =	vadd.f32 $8.388608000e+06, v0;
	v3 =	vadd.f32 $5.000000000e-01, v3  }
0x175: {  	s8 =	sor.u32 s17, s8  }
0x176: {  	v7 =	vld [tilespmem:s8+$0x300];
	v5 =	vadd.f32 $5.000000000e-01, v5;
	v0 =	vand.u32 $0xFF, v0;
	v3 =	vmul.f32 $2.550000000e+02, v3;
	_ =	sdelay $0x1  }
0x177: {  	[tilespmem:s23+$0x8310] =	vst v1;
	v1 =	vadd.f32 $8.388608000e+06, v3;
	v3 =	vmul.f32 $5.000000000e-01, v4;
	v4 =	vmul.f32 $2.550000000e+02, v5;
	v5 =	vld [tilespmem:s23+$0x350]  }
0x178: {  	v6 =	vmul.f32 $5.000000000e-01, v6;
	v2 =	vld.idx.msk [tilespmem:v2+s26+$0x0], $0xffff  }
0x179: {  	v8 =	vld [tilespmem:s6+$0x330];
	v1 =	vand.u32 $0xFF, v1;
	v3 =	vadd.f32 $5.000000000e-01, v3;
	v4 =	vadd.f32 $8.388608000e+06, v4  }
0x17a: {  	v7 =	vmul.f32 $5.000000000e-01, v7;
	v0 =	vld.idx.msk [tilespmem:v0+s26+$0x0], $0xffff  }
0x17b: {  	v9 =	vld [tilespmem:s8+$0x310];
	v6 =	vadd.f32 $5.000000000e-01, v6;
	v3 =	vmul.f32 $2.550000000e+02, v3;
	v4 =	vand.u32 $0xFF, v4  }
0x17c: {  	v7 =	vadd.f32 $5.000000000e-01, v7;
	v5 =	vmul.f32 $5.000000000e-01, v5  }
0x17d: {  	[tilespmem:s23+$0x8320] =	vst v2;
	v2 =	vadd.f32 $8.388608000e+06, v3;
	v3 =	vmul.f32 $2.550000000e+02, v6  }
0x17e: {  	v7 =	vmul.f32 $2.550000000e+02, v7;
	v1 =	vld.idx.msk [tilespmem:v1+s26+$0x0], $0xffff;
	v5 =	vadd.f32 $5.000000000e-01, v5  }
0x17f: {  	s21 =	simm.s32 $0xC00;
	s20 =	simm.s32 $0x180;
	v2 =	vand.u32 $0xFF, v2;
	[tilespmem:s6+$0x8300] =	vst v0;
	v0 =	vadd.f32 $8.388608000e+06, v3;
	v3 =	vmul.f32 $5.000000000e-01, v8;
	v8 =	vld [tilespmem:s23+$0x360]  }
0x180: {  	s14 =	sand.u32 $0xC00, s21;
	s17 =	simm.s32 $0x60;
	s12 =	sand.u32 $0x3000, s20;
	v9 =	vmul.f32 $5.000000000e-01, v9;
	v7 =	vadd.f32 $8.388608000e+06, v7;
	v4 =	vld.idx.msk [tilespmem:v4+s26+$0x0], $0xffff  }
0x181: {  	v10 =	vld [tilespmem:s6+$0x340];
	s12 =	sor.u32 s14, s12;
	s24 =	sand.u32 $0x380, s17;
	v5 =	vmul.f32 $2.550000000e+02, v5;
	v0 =	vand.u32 $0xFF, v0;
	v3 =	vadd.f32 $5.000000000e-01, v3  }
0x182: {  	v11 =	vld [tilespmem:s8+$0x320];
	s24 =	sor.u32 s24, s12;
	v7 =	vand.u32 $0xFF, v7  }
0x183: {  	v5 =	vadd.f32 $8.388608000e+06, v5;
	[tilespmem:s23+$0x8330] =	vst v1;
	v1 =	vadd.f32 $5.000000000e-01, v9;
	v3 =	vmul.f32 $2.550000000e+02, v3;
	v9 =	vld [tilespmem:s24+$0x300]  }
0x184: {  	v2 =	vld.idx.msk [tilespmem:v2+s26+$0x0], $0xffff;
	v8 =	vmul.f32 $5.000000000e-01, v8  }
0x185: {  	v6 =	vld [tilespmem:s23+$0x370];
	[tilespmem:s6+$0x8310] =	vst v4;
	v1 =	vmul.f32 $2.550000000e+02, v1;
	v3 =	vadd.f32 $8.388608000e+06, v3;
	v4 =	vand.u32 $0xFF, v5  }
0x186: {  	v5 =	vmul.f32 $5.000000000e-01, v10;
	v0 =	vld.idx.msk [tilespmem:v0+s26+$0x0], $0xffff;
	v8 =	vadd.f32 $5.000000000e-01, v8  }
0x187: {  	v7 =	vld.idx.msk [tilespmem:v7+s26+$0x0], $0xffff;
	v1 =	vadd.f32 $8.388608000e+06, v1;
	v3 =	vand.u32 $0xFF, v3  }
0x188: {  	v11 =	vmul.f32 $5.000000000e-01, v11;
	v10 =	vld [tilespmem:s6+$0x350];
	v5 =	vadd.f32 $5.000000000e-01, v5;
	v8 =	vmul.f32 $2.550000000e+02, v8  }
0x189: {  	v12 =	vld [tilespmem:s8+$0x330];
	v9 =	vmul.f32 $5.000000000e-01, v9;
	v1 =	vand.u32 $0xFF, v1;
	[tilespmem:s23+$0x8340] =	vst v2  }
0x18a: {  	v2 =	vadd.f32 $5.000000000e-01, v11;
	v5 =	vmul.f32 $2.550000000e+02, v5;
	v13 =	vld.idx.msk [tilespmem:v4+s26+$0x0], $0xffff;
	v4 =	vadd.f32 $8.388608000e+06, v8  }
0x18b: {  	v11 =	vmul.f32 $5.000000000e-01, v6;
	v8 =	vadd.f32 $5.000000000e-01, v9;
	v9 =	vld [tilespmem:s24+$0x310];
	[tilespmem:s6+$0x8320] =	vst v0  }
0x18c: {  	v2 =	vmul.f32 $2.550000000e+02, v2;
	v6 =	vld.idx.msk [tilespmem:v3+s26+$0x0], $0xffff;
	v3 =	vadd.f32 $8.388608000e+06, v5;
	v14 =	vand.u32 $0xFF, v4  }
0x18d: {  	[tilespmem:s8+$0x8300] =	vst v7;
	v0 =	vld [tilespmem:s6+$0x370];
	v7 =	vadd.f32 $5.000000000e-01, v11;
	v5 =	vmul.f32 $5.000000000e-01, v10  }
0x18e: {  	v10 =	vmul.f32 $2.550000000e+02, v8;
	v4 =	vld.idx.msk [tilespmem:v1+s26+$0x0], $0xffff;
	v1 =	vadd.f32 $8.388608000e+06, v2;
	v8 =	vand.u32 $0xFF, v3  }
0x18f: {  	s25 =	simm.s32 $0x200;
	s20 =	sshll.u32 s19, $0xF;
	v15 =	vmul.f32 $2.550000000e+02, v7;
	v2 =	vmul.f32 $5.000000000e-01, v12;
	v5 =	vadd.f32 $5.000000000e-01, v5;
	v3 =	vld [tilespmem:s6+$0x360]  }
0x190: {  	s14 =	simm.s32 $0x1000;
	s17 =	sand.u32 $0x3000, s25;
	v7 =	vld [tilespmem:s8+$0x340];
	v12 =	vadd.f32 $8.388608000e+06, v10;
	v11 =	vmul.f32 $5.000000000e-01, v9;
	[tilespmem:s23+$0x8350] =	vst v13;
	v9 =	vand.u32 $0xFF, v1  }
0x191: {  	s25 =	simm.s32 $0x5;
	s12 =	simm.s32 $0x80;
	s31 =	sand.u32 $0xC00, s14;
	v10 =	vadd.f32 $5.000000000e-01, v2;
	v5 =	vmul.f32 $2.550000000e+02, v5;
	v2 =	vadd.f32 $8.388608000e+06, v15;
	v1 =	vld.idx.msk [tilespmem:v14+s26+$0x0], $0xffff  }
.LBB2_14:
0x192: {  	p1 =	sne.s32 s25, $0x7F;
	s17 =	sor.u32 s31, s17;
	s12 =	sand.u32 $0x380, s12;
	v12 =	vand.u32 $0xFF, v12;
	v11 =	vadd.f32 $5.000000000e-01, v11;
	v13 =	vld [tilespmem:s24+$0x320];
	[tilespmem:s6+$0x8330] =	vst v6  }
0x193: {  	s31 =	sor.u32 s12, s17;
	v6 =	vmul.f32 $2.550000000e+02, v10;
	v8 =	vld.idx.msk [tilespmem:v8+s26+$0x0], $0xffff;
	v5 =	vadd.f32 $8.388608000e+06, v5;
	v2 =	vand.u32 $0xFF, v2  }
0x194: {  	v10 =	vld [tilespmem:s31+$0x300];
	[tilespmem:s8+$0x8310] =	vst v4;
	v3 =	vmul.f32 $5.000000000e-01, v3  }
0x195: {  	v4 =	vmul.f32 $2.550000000e+02, v11;
	v9 =	vld.idx.msk [tilespmem:v9+s26+$0x0], $0xffff;
	v6 =	vadd.f32 $8.388608000e+06, v6;
	v5 =	vand.u32 $0xFF, v5  }
0x196: {  	v7 =	vmul.f32 $5.000000000e-01, v7;
	v11 =	vld [tilespmem:s8+$0x350];
	v3 =	vadd.f32 $5.000000000e-01, v3  }
0x197: {  	v4 =	vadd.f32 $8.388608000e+06, v4;
	v12 =	vld.idx.msk [tilespmem:v12+s26+$0x0], $0xffff;
	v6 =	vand.u32 $0xFF, v6;
	[tilespmem:s23+$0x8360] =	vst v1  }
0x198: {  	v1 =	vmul.f32 $5.000000000e-01, v13;
	v7 =	vadd.f32 $5.000000000e-01, v7;
	v3 =	vmul.f32 $2.550000000e+02, v3;
	v2 =	vld.idx.msk [tilespmem:v2+s26+$0x0], $0xffff  }
0x199: {  	v4 =	vand.u32 $0xFF, v4;
	v10 =	vmul.f32 $5.000000000e-01, v10;
	v13 =	vld [tilespmem:s24+$0x330];
	[tilespmem:s6+$0x8340] =	vst v8  }
0x19a: {  	v1 =	vadd.f32 $5.000000000e-01, v1;
	v7 =	vmul.f32 $2.550000000e+02, v7;
	v5 =	vld.idx.msk [tilespmem:v5+s26+$0x0], $0xffff;
	v3 =	vadd.f32 $8.388608000e+06, v3  }
0x19b: {  	v8 =	vadd.f32 $5.000000000e-01, v10;
	v10 =	vld [tilespmem:s31+$0x310];
	[tilespmem:s8+$0x8320] =	vst v9;
	v9 =	vmul.f32 $5.000000000e-01, v0  }
0x19c: {  	v1 =	vmul.f32 $2.550000000e+02, v1;
	v7 =	vadd.f32 $8.388608000e+06, v7;
	v6 =	vld.idx.msk [tilespmem:v6+s26+$0x0], $0xffff;
	v14 =	vand.u32 $0xFF, v3  }
.Ltmp9:
0x19d: {  	v3 =	vmul.f32 $5.000000000e-01, v11;
	[tilespmem:s24+$0x8300] =	vst v12;
	v0 =	vld [tilespmem:s8+$0x370];
	v9 =	vadd.f32 $5.000000000e-01, v9;
	(pc) =	sbr.rel @p1 .LBB2_14-.Ltmp9, $4  }
0x19e: {  	v11 =	vmul.f32 $2.550000000e+02, v8;
	v1 =	vadd.f32 $8.388608000e+06, v1;
	v8 =	vand.u32 $0xFF, v7;
	v4 =	vld.idx.msk [tilespmem:v4+s26+$0x0], $0xffff;
	[tilespmem:s23+$0x8370] =	vst v2;
	s23 =	smov.u32 s6;
	s6 =	smov.u32 s8;
	s8 =	smov.u32 s24  }
0x19f: {  	v2 =	vmul.f32 $5.000000000e-01, v13;
	v13 =	vadd.f32 $5.000000000e-01, v3;
	s24 =	smov.u32 s31;
	v3 =	vld [tilespmem:s6+$0x360];
	v15 =	vmul.f32 $2.550000000e+02, v9  }
0x1a0: {  	s14 =	sadd.s32 $0x400, s14;
	s17 =	sshll.u32 s25, $0x7;
	s12 =	sshll.u32 s25, $0x5;
	v12 =	vadd.f32 $8.388608000e+06, v11;
	v9 =	vand.u32 $0xFF, v1;
	v11 =	vmul.f32 $5.000000000e-01, v10;
	v7 =	vld [tilespmem:s8+$0x340];
	[tilespmem:s23+$0x8350] =	vst v5  }
0x1a1: {  	s25 =	sadd.s32 $0x1, s25;
	s17 =	sand.u32 $0x3000, s17;
	s31 =	sand.u32 $0xC00, s14;
	v10 =	vadd.f32 $5.000000000e-01, v2;
	v5 =	vmul.f32 $2.550000000e+02, v13;
	v1 =	vld.idx.msk [tilespmem:v14+s26+$0x0], $0xffff;
	v2 =	vadd.f32 $8.388608000e+06, v15  }
0x1a2: {  	s14 =	sor.u32 s31, s17;
	s12 =	sand.u32 $0x380, s12  }
0x1a3: {  	s25 =	sor.u32 s12, s14  }
0x1a4: {  	v13 =	vld [tilespmem:s25+$0x300];
	_ =	sdelay $0x4  }
0x1a5: {  	v13 =	vmul.f32 $5.000000000e-01, v13  }
0x1a6: {  	v14 =	vld [tilespmem:s25+$0x310]  }
0x1a7: {  	v13 =	vadd.f32 $5.000000000e-01, v13;
	_ =	sdelay $0x1  }
0x1a8: {  	v13 =	vmul.f32 $2.550000000e+02, v13;
	_ =	sdelay $0x1  }
0x1a9: {  	v15 =	vld [tilespmem:s24+$0x320];
	v14 =	vmul.f32 $5.000000000e-01, v14;
	v13 =	vadd.f32 $8.388608000e+06, v13  }
0x1aa: {  	v12 =	vand.u32 $0xFF, v12;
	v11 =	vadd.f32 $5.000000000e-01, v11;
	v16 =	vld [tilespmem:s25+$0x320]  }
0x1ab: {  	v14 =	vadd.f32 $5.000000000e-01, v14;
	v13 =	vand.u32 $0xFF, v13  }
0x1ac: {  	v11 =	vmul.f32 $2.550000000e+02, v11  }
0x1ad: {  	v17 =	vld [tilespmem:s24+$0x330];
	v14 =	vmul.f32 $2.550000000e+02, v14  }
0x1ae: {  	v18 =	vld [tilespmem:s25+$0x330];
	v11 =	vadd.f32 $8.388608000e+06, v11;
	v15 =	vmul.f32 $5.000000000e-01, v15  }
0x1af: {  	v12 =	vld.idx.msk [tilespmem:v12+s26+$0x0], $0xffff;
	v16 =	vmul.f32 $5.000000000e-01, v16;
	v14 =	vadd.f32 $8.388608000e+06, v14  }
0x1b0: {  	v11 =	vand.u32 $0xFF, v11;
	v15 =	vadd.f32 $5.000000000e-01, v15;
	v13 =	vld.idx.msk [tilespmem:v13+s26+$0x0], $0xffff  }
0x1b1: {  	v16 =	vadd.f32 $5.000000000e-01, v16;
	v14 =	vand.u32 $0xFF, v14  }
0x1b2: {  	v21 =	vld [tilespmem:s24+$0x340];
	v15 =	vmul.f32 $2.550000000e+02, v15  }
0x1b3: {  	v27 =	vld [tilespmem:s8+$0x350];
	v20 =	vmul.f32 $2.550000000e+02, v16  }
0x1b4: {  	v26 =	vld [tilespmem:s25+$0x340];
	v63 =	vmul.f32 $5.000000000e-01, v17;
	[tilespmem:s24+$0x8300] =	vst v12;
	v62 =	vadd.f32 $8.388608000e+06, v15  }
0x1b5: {  	v23 =	vmul.f32 $5.000000000e-01, v18;
	v11 =	vld.idx.msk [tilespmem:v11+s26+$0x0], $0xffff;
	v22 =	vadd.f32 $8.388608000e+06, v20;
	[tilespmem:s25+$0x8300] =	vst v13  }
0x1b6: {  	[tilespmem:s6+$0x8330] =	vst v6;
	v10 =	vmul.f32 $2.550000000e+02, v10;
	v12 =	vadd.f32 $5.000000000e-01, v63;
	v6 =	vand.u32 $0xFF, v62;
	v14 =	vld.idx.msk [tilespmem:v14+s26+$0x0], $0xffff  }
0x1b7: {  	v30 =	vld [tilespmem:s24+$0x350];
	v15 =	vadd.f32 $5.000000000e-01, v23;
	v25 =	vand.u32 $0xFF, v22  }
0x1b8: {  	v34 =	vld [tilespmem:s8+$0x360];
	[tilespmem:s8+$0x8310] =	vst v4;
	v10 =	vadd.f32 $8.388608000e+06, v10;
	v24 =	vmul.f32 $2.550000000e+02, v12  }
0x1b9: {  	v9 =	vld.idx.msk [tilespmem:v9+s26+$0x0], $0xffff;
	v7 =	vmul.f32 $5.000000000e-01, v7;
	v28 =	vmul.f32 $2.550000000e+02, v15  }
0x1ba: {  	v32 =	vld [tilespmem:s25+$0x350];
	v10 =	vand.u32 $0xFF, v10;
	v29 =	vmul.f32 $5.000000000e-01, v21;
	v4 =	vadd.f32 $8.388608000e+06, v24;
	[tilespmem:s24+$0x8310] =	vst v11  }
0x1bb: {  	v7 =	vadd.f32 $5.000000000e-01, v7;
	v11 =	vadd.f32 $8.388608000e+06, v28;
	v6 =	vld.idx.msk [tilespmem:v6+s26+$0x0], $0xffff;
	v13 =	vmul.f32 $5.000000000e-01, v26;
	[tilespmem:s25+$0x8310] =	vst v14  }
0x1bc: {  	v0 =	vmul.f32 $5.000000000e-01, v0;
	v31 =	vadd.f32 $5.000000000e-01, v29;
	v4 =	vand.u32 $0xFF, v4;
	v12 =	vld.idx.msk [tilespmem:v25+s26+$0x0], $0xffff  }
0x1bd: {  	v38 =	vld [tilespmem:s24+$0x360];
	v7 =	vmul.f32 $2.550000000e+02, v7;
	v11 =	vand.u32 $0xFF, v11;
	v13 =	vadd.f32 $5.000000000e-01, v13  }
0x1be: {  	v42 =	vld [tilespmem:s8+$0x370];
	v5 =	vadd.f32 $8.388608000e+06, v5;
	v3 =	vmul.f32 $5.000000000e-01, v3;
	v14 =	vmul.f32 $2.550000000e+02, v31  }
0x1bf: {  	v41 =	vld [tilespmem:s25+$0x360];
	v33 =	vmul.f32 $5.000000000e-01, v27;
	[tilespmem:s8+$0x8320] =	vst v9;
	v7 =	vadd.f32 $8.388608000e+06, v7;
	v13 =	vmul.f32 $2.550000000e+02, v13  }
0x1c0: {  	v37 =	vmul.f32 $5.000000000e-01, v30;
	v9 =	vmul.f32 $5.000000000e-01, v32;
	v10 =	vld.idx.msk [tilespmem:v10+s26+$0x0], $0xffff;
	[tilespmem:s24+$0x8320] =	vst v6;
	v35 =	vadd.f32 $8.388608000e+06, v14  }
0x1c1: {  	v36 =	vadd.f32 $5.000000000e-01, v33;
	v7 =	vand.u32 $0xFF, v7;
	v4 =	vld.idx.msk [tilespmem:v4+s26+$0x0], $0xffff;
	v39 =	vadd.f32 $8.388608000e+06, v13;
	[tilespmem:s25+$0x8320] =	vst v12  }
0x1c2: {  	v40 =	vadd.f32 $5.000000000e-01, v37;
	v9 =	vadd.f32 $5.000000000e-01, v9;
	v6 =	vand.u32 $0xFF, v35;
	v11 =	vld.idx.msk [tilespmem:v11+s26+$0x0], $0xffff  }
0x1c3: {  	v44 =	vld [tilespmem:s24+$0x370];
	v0 =	vadd.f32 $5.000000000e-01, v0;
	v14 =	vmul.f32 $2.550000000e+02, v36;
	v12 =	vand.u32 $0xFF, v39  }
0x1c4: {  	v8 =	vld.idx.msk [tilespmem:v8+s26+$0x0], $0xffff;
	v5 =	vand.u32 $0xFF, v5;
	v9 =	vmul.f32 $2.550000000e+02, v9;
	v13 =	vmul.f32 $2.550000000e+02, v40  }
0x1c5: {  	v48 =	vld [tilespmem:s25+$0x370];
	v3 =	vadd.f32 $5.000000000e-01, v3;
	v43 =	vmul.f32 $5.000000000e-01, v34;
	[tilespmem:s8+$0x8330] =	vst v10;
	v46 =	vadd.f32 $8.388608000e+06, v14  }
0x1c6: {  	v47 =	vmul.f32 $5.000000000e-01, v38;
	v9 =	vadd.f32 $8.388608000e+06, v9;
	v45 =	vld.idx.msk [tilespmem:v7+s26+$0x0], $0xffff;
	[tilespmem:s24+$0x8330] =	vst v4;
	v13 =	vadd.f32 $8.388608000e+06, v13  }
0x1c7: {  	v15 =	vmul.f32 $5.000000000e-01, v41;
	v10 =	vadd.f32 $5.000000000e-01, v43;
	v7 =	vand.u32 $0xFF, v46;
	v6 =	vld.idx.msk [tilespmem:v6+s26+$0x0], $0xffff;
	[tilespmem:s25+$0x8330] =	vst v11  }
0x1c8: {  	v3 =	vmul.f32 $2.550000000e+02, v3;
	v13 =	vand.u32 $0xFF, v13;
	v14 =	vadd.f32 $5.000000000e-01, v47;
	v12 =	vld.idx.msk [tilespmem:v12+s26+$0x0], $0xffff  }
0x1c9: {  	v9 =	vand.u32 $0xFF, v9;
	v15 =	vadd.f32 $5.000000000e-01, v15;
	v10 =	vmul.f32 $2.550000000e+02, v10  }
0x1ca: {  	v52 =	vmul.f32 $5.000000000e-01, v42;
	[tilespmem:s6+$0x8340] =	vst v8;
	v3 =	vadd.f32 $8.388608000e+06, v3;
	v50 =	vmul.f32 $2.550000000e+02, v14  }
0x1cb: {  	v57 =	vmul.f32 $5.000000000e-01, v44;
	v51 =	vld.idx.msk [tilespmem:v5+s26+$0x0], $0xffff;
	v53 =	vmul.f32 $2.550000000e+02, v15;
	v49 =	vadd.f32 $8.388608000e+06, v10;
	[tilespmem:s8+$0x8340] =	vst v45  }
0x1cc: {  	v5 =	vadd.f32 $5.000000000e-01, v52;
	v3 =	vand.u32 $0xFF, v3;
	v56 =	vadd.f32 $8.388608000e+06, v50;
	v54 =	vld.idx.msk [tilespmem:v7+s26+$0x0], $0xffff;
	[tilespmem:s24+$0x8340] =	vst v6  }
0x1cd: {  	v59 =	vadd.f32 $8.388608000e+06, v53;
	v55 =	vand.u32 $0xFF, v49;
	v11 =	vmul.f32 $5.000000000e-01, v48;
	v58 =	vld.idx.msk [tilespmem:v13+s26+$0x0], $0xffff;
	[tilespmem:s25+$0x8340] =	vst v12  }
0x1ce: {  	v0 =	vmul.f32 $2.550000000e+02, v0;
	v10 =	vadd.f32 $5.000000000e-01, v57;
	v8 =	vand.u32 $0xFF, v56;
	v9 =	vld.idx.msk [tilespmem:v9+s26+$0x0], $0xffff  }
0x1cf: {  	v5 =	vmul.f32 $2.550000000e+02, v5;
	v11 =	vadd.f32 $5.000000000e-01, v11;
	v13 =	vand.u32 $0xFF, v59  }
0x1d0: {  	v0 =	vadd.f32 $8.388608000e+06, v0;
	[tilespmem:s6+$0x8350] =	vst v51;
	v60 =	vmul.f32 $2.550000000e+02, v10  }
0x1d1: {  	v2 =	vand.u32 $0xFF, v2;
	v5 =	vadd.f32 $8.388608000e+06, v5;
	v3 =	vld.idx.msk [tilespmem:v3+s26+$0x0], $0xffff;
	[tilespmem:s8+$0x8350] =	vst v54;
	v61 =	vmul.f32 $2.550000000e+02, v11  }
0x1d2: {  	v0 =	vand.u32 $0xFF, v0;
	v4 =	vadd.f32 $8.388608000e+06, v60;
	v7 =	vld.idx.msk [tilespmem:v55+s26+$0x0], $0xffff;
	[tilespmem:s24+$0x8350] =	vst v58  }
0x1d3: {  	v5 =	vand.u32 $0xFF, v5;
	v6 =	vadd.f32 $8.388608000e+06, v61;
	v8 =	vld.idx.msk [tilespmem:v8+s26+$0x0], $0xffff;
	[tilespmem:s25+$0x8350] =	vst v9  }
0x1d4: {  	v4 =	vand.u32 $0xFF, v4;
	v9 =	vld.idx.msk [tilespmem:v13+s26+$0x0], $0xffff  }
0x1d5: {  	[tilespmem:s23+$0x8360] =	vst v1;
	v62 =	vand.u32 $0xFF, v6  }
0x1d6: {  	v2 =	vld.idx.msk [tilespmem:v2+s26+$0x0], $0xffff;
	[tilespmem:s6+$0x8360] =	vst v3  }
0x1d7: {  	v0 =	vld.idx.msk [tilespmem:v0+s26+$0x0], $0xffff;
	[tilespmem:s8+$0x8360] =	vst v7  }
0x1d8: {  	v63 =	vld.idx.msk [tilespmem:v5+s26+$0x0], $0xffff;
	[tilespmem:s24+$0x8360] =	vst v8  }
0x1d9: {  	v4 =	vld.idx.msk [tilespmem:v4+s26+$0x0], $0xffff;
	[tilespmem:s25+$0x8360] =	vst v9  }
0x1da: {  	v1 =	vld.idx.msk [tilespmem:v62+s26+$0x0], $0xffff  }
0x1db: {  	p1 =	sne.s32 s19, $0x7;
	[tilespmem:s23+$0x8370] =	vst v2  }
.Ltmp10:
0x1dc: {  	[tilespmem:s6+$0x8370] =	vst v0;
	(pc) =	sbr.rel @p1 .LBB2_17-.Ltmp10, $4  }
0x1dd: {  	s23 =	sadd.s32 s20, s11;
	[tilespmem:s8+$0x8370] =	vst v63  }
0x1de: {  	s31 =	sshrl.u32 s23, $0x3;
	[tilespmem:s24+$0x8370] =	vst v4  }
0x1df: {  	s6 =	sadd.s32 s3, s31;
	[tilespmem:s25+$0x8370] =	vst v1  }
0x1e0: {  	[hbm4b:s6+s4] =	stream.linear.scatter [tilespmem:s0], [sflag:$0x3], $0x4000, $0x38;
	[tilespmem:$0x10300] =	vst v63  }
.Ltmp11:
0x1e1: {  	(pc) =	sbr.rel .LBB2_18-.Ltmp11, $4  }
0x1e2: {  	_ = 	snop  }
0x1e3: {  	_ =	swait.ge [sflag:s7], $0x4000  }
0x1e4: {  	[sflag:s7] =	ssyncset.done $0x0  }
0x1e5: {  	[sflag:s7] =	ssyncadd.s32 $0xFFFFC000  }
.LBB2_17:
0x1e6: {  	s6 =	rddreg [dreg:$0xc]  }
0x1e7: {  	s6 =	sadd.s32 s20, s6  }
0x1e8: {  	s6 =	sshrl.u32 s6, $0x3  }
.Ltmp12:
0x1e9: {  	s6 =	sadd.s32 s1, s6;
	(pc) =	sbr.rel @p0 .LBB2_19-.Ltmp12, $4  }
0x1ea: {  	[tilespmem:s29], [sflag:$0x1] =	stream.linear.gather [hbm4b:s6+s4], $0x4000, $0x38;
	[tilespmem:$0x10300] =	vst v63  }
0x1eb: {  	_ =	swait.ge [sflag:s7], $0x4000  }
0x1ec: {  	[sflag:s7] =	ssyncset.done $0x0  }
0x1ed: {  	[sflag:s7] =	ssyncadd.s32 $0xFFFFC000  }
.LBB2_18:
0x1ee: {  	_ =	swait.ge [sflag:s9], $0x4000  }
0x1ef: {  	[sflag:s9] =	ssyncset.done $0x0  }
0x1f0: {  	[sflag:s9] =	ssyncadd.s32 $0xFFFFC000  }
.LBB2_19:
0x1f1: {  	s6 =	simm.s32 $0x0;
	s8 =	simm.s32 $0x0  }
0x1f2: {  	s12 =	simm.s32 $0x0;
	s6 =	sand.u32 $0xC00, s6;
	s8 =	sand.u32 $0x3000, s8  }
0x1f3: {  	s14 =	sand.u32 $0x380, s12;
	s6 =	sor.u32 s6, s8  }
0x1f4: {  	s6 =	sor.u32 s14, s6  }
0x1f5: {  	v0 =	vld [tilespmem:s6+$0x4300];
	_ =	sdelay $0x4  }
0x1f6: {  	v0 =	vmul.f32 $5.000000000e-01, v0  }
0x1f7: {  	v1 =	vld [tilespmem:s6+$0x4310]  }
0x1f8: {  	v0 =	vadd.f32 $5.000000000e-01, v0;
	_ =	sdelay $0x1  }
0x1f9: {  	v0 =	vmul.f32 $2.550000000e+02, v0  }
0x1fa: {  	s17 =	simm.s32 $0x80;
	s21 =	simm.s32 $0x400  }
0x1fb: {  	s12 =	sand.u32 $0xC00, s21;
	s8 =	sand.u32 $0x3000, s17;
	s14 =	simm.s32 $0x20;
	v1 =	vmul.f32 $5.000000000e-01, v1;
	v0 =	vadd.f32 $8.388608000e+06, v0  }
0x1fc: {  	s8 =	sor.u32 s12, s8;
	s24 =	sand.u32 $0x380, s14;
	v2 =	vld [tilespmem:s6+$0x4320]  }
0x1fd: {  	s8 =	sor.u32 s24, s8;
	v1 =	vadd.f32 $5.000000000e-01, v1;
	v0 =	vand.u32 $0xFF, v0  }
0x1fe: {  	v3 =	vld [tilespmem:s8+$0x4300]  }
0x1ff: {  	v1 =	vmul.f32 $2.550000000e+02, v1;
	_ =	sdelay $0x1  }
0x200: {  	v4 =	vld [tilespmem:s6+$0x4330];
	v2 =	vmul.f32 $5.000000000e-01, v2;
	v1 =	vadd.f32 $8.388608000e+06, v1  }
0x201: {  	v0 =	vld.idx.msk [tilespmem:v0+s26+$0x0], $0xffff  }
0x202: {  	v5 =	vld [tilespmem:s8+$0x4310];
	v3 =	vmul.f32 $5.000000000e-01, v3;
	v2 =	vadd.f32 $5.000000000e-01, v2;
	v1 =	vand.u32 $0xFF, v1;
	_ =	sdelay $0x1  }
0x203: {  	v3 =	vadd.f32 $5.000000000e-01, v3;
	v2 =	vmul.f32 $2.550000000e+02, v2;
	_ =	sdelay $0x1  }
0x204: {  	s25 =	simm.s32 $0x100;
	s21 =	simm.s32 $0x800;
	v2 =	vadd.f32 $8.388608000e+06, v2;
	[tilespmem:s6+$0xC300] =	vst v0;
	v0 =	vmul.f32 $2.550000000e+02, v3;
	v3 =	vmul.f32 $5.000000000e-01, v4;
	v4 =	vld [tilespmem:s6+$0x4340]  }
0x205: {  	s17 =	simm.s32 $0x40;
	s12 =	sand.u32 $0x3000, s25;
	s14 =	sand.u32 $0xC00, s21;
	v5 =	vmul.f32 $5.000000000e-01, v5;
	v1 =	vld.idx.msk [tilespmem:v1+s26+$0x0], $0xffff  }
0x206: {  	s12 =	sor.u32 s14, s12;
	s24 =	sand.u32 $0x380, s17;
	v6 =	vld [tilespmem:s8+$0x4320];
	v2 =	vand.u32 $0xFF, v2;
	v0 =	vadd.f32 $8.388608000e+06, v0;
	v3 =	vadd.f32 $5.000000000e-01, v3  }
0x207: {  	s24 =	sor.u32 s24, s12  }
0x208: {  	v7 =	vld [tilespmem:s24+$0x4300];
	v5 =	vadd.f32 $5.000000000e-01, v5;
	v0 =	vand.u32 $0xFF, v0;
	v3 =	vmul.f32 $2.550000000e+02, v3;
	_ =	sdelay $0x1  }
0x209: {  	[tilespmem:s6+$0xC310] =	vst v1;
	v1 =	vadd.f32 $8.388608000e+06, v3;
	v3 =	vmul.f32 $5.000000000e-01, v4;
	v4 =	vmul.f32 $2.550000000e+02, v5;
	v5 =	vld [tilespmem:s6+$0x4350]  }
0x20a: {  	v6 =	vmul.f32 $5.000000000e-01, v6;
	v2 =	vld.idx.msk [tilespmem:v2+s26+$0x0], $0xffff  }
0x20b: {  	v8 =	vld [tilespmem:s8+$0x4330];
	v1 =	vand.u32 $0xFF, v1;
	v3 =	vadd.f32 $5.000000000e-01, v3;
	v4 =	vadd.f32 $8.388608000e+06, v4  }
0x20c: {  	v7 =	vmul.f32 $5.000000000e-01, v7;
	v0 =	vld.idx.msk [tilespmem:v0+s26+$0x0], $0xffff  }
0x20d: {  	v9 =	vld [tilespmem:s24+$0x4310];
	v6 =	vadd.f32 $5.000000000e-01, v6;
	v3 =	vmul.f32 $2.550000000e+02, v3;
	v4 =	vand.u32 $0xFF, v4  }
0x20e: {  	v7 =	vadd.f32 $5.000000000e-01, v7;
	v5 =	vmul.f32 $5.000000000e-01, v5  }
0x20f: {  	[tilespmem:s6+$0xC320] =	vst v2;
	v2 =	vadd.f32 $8.388608000e+06, v3;
	v3 =	vmul.f32 $2.550000000e+02, v6  }
0x210: {  	v7 =	vmul.f32 $2.550000000e+02, v7;
	v1 =	vld.idx.msk [tilespmem:v1+s26+$0x0], $0xffff;
	v5 =	vadd.f32 $5.000000000e-01, v5  }
0x211: {  	s25 =	simm.s32 $0x180;
	s17 =	simm.s32 $0xC00;
	v2 =	vand.u32 $0xFF, v2;
	[tilespmem:s8+$0xC300] =	vst v0;
	v0 =	vadd.f32 $8.388608000e+06, v3;
	v3 =	vmul.f32 $5.000000000e-01, v8;
	v8 =	vld [tilespmem:s6+$0x4360]  }
0x212: {  	s21 =	simm.s32 $0x60;
	s14 =	sand.u32 $0xC00, s17;
	s12 =	sand.u32 $0x3000, s25;
	v9 =	vmul.f32 $5.000000000e-01, v9;
	v7 =	vadd.f32 $8.388608000e+06, v7;
	v4 =	vld.idx.msk [tilespmem:v4+s26+$0x0], $0xffff  }
0x213: {  	v10 =	vld [tilespmem:s8+$0x4340];
	s25 =	sand.u32 $0x380, s21;
	s12 =	sor.u32 s14, s12;
	v5 =	vmul.f32 $2.550000000e+02, v5;
	v0 =	vand.u32 $0xFF, v0;
	v3 =	vadd.f32 $5.000000000e-01, v3  }
0x214: {  	v11 =	vld [tilespmem:s24+$0x4320];
	s25 =	sor.u32 s25, s12;
	v7 =	vand.u32 $0xFF, v7  }
0x215: {  	v5 =	vadd.f32 $8.388608000e+06, v5;
	[tilespmem:s6+$0xC330] =	vst v1;
	v1 =	vadd.f32 $5.000000000e-01, v9;
	v3 =	vmul.f32 $2.550000000e+02, v3;
	v9 =	vld [tilespmem:s25+$0x4300]  }
0x216: {  	v2 =	vld.idx.msk [tilespmem:v2+s26+$0x0], $0xffff;
	v8 =	vmul.f32 $5.000000000e-01, v8  }
0x217: {  	v6 =	vld [tilespmem:s6+$0x4370];
	[tilespmem:s8+$0xC310] =	vst v4;
	v1 =	vmul.f32 $2.550000000e+02, v1;
	v3 =	vadd.f32 $8.388608000e+06, v3;
	v4 =	vand.u32 $0xFF, v5  }
0x218: {  	v5 =	vmul.f32 $5.000000000e-01, v10;
	v0 =	vld.idx.msk [tilespmem:v0+s26+$0x0], $0xffff;
	v8 =	vadd.f32 $5.000000000e-01, v8  }
0x219: {  	v7 =	vld.idx.msk [tilespmem:v7+s26+$0x0], $0xffff;
	v1 =	vadd.f32 $8.388608000e+06, v1;
	v3 =	vand.u32 $0xFF, v3  }
0x21a: {  	v11 =	vmul.f32 $5.000000000e-01, v11;
	v10 =	vld [tilespmem:s8+$0x4350];
	v5 =	vadd.f32 $5.000000000e-01, v5;
	v8 =	vmul.f32 $2.550000000e+02, v8  }
0x21b: {  	v12 =	vld [tilespmem:s24+$0x4330];
	v9 =	vmul.f32 $5.000000000e-01, v9;
	v1 =	vand.u32 $0xFF, v1;
	[tilespmem:s6+$0xC340] =	vst v2  }
0x21c: {  	v2 =	vadd.f32 $5.000000000e-01, v11;
	v5 =	vmul.f32 $2.550000000e+02, v5;
	v13 =	vld.idx.msk [tilespmem:v4+s26+$0x0], $0xffff;
	v4 =	vadd.f32 $8.388608000e+06, v8  }
0x21d: {  	v11 =	vld [tilespmem:s25+$0x4310];
	v8 =	vadd.f32 $5.000000000e-01, v9;
	v9 =	vmul.f32 $5.000000000e-01, v6;
	[tilespmem:s8+$0xC320] =	vst v0  }
0x21e: {  	v2 =	vmul.f32 $2.550000000e+02, v2;
	v6 =	vld.idx.msk [tilespmem:v3+s26+$0x0], $0xffff;
	v3 =	vadd.f32 $8.388608000e+06, v5;
	v14 =	vand.u32 $0xFF, v4  }
0x21f: {  	[tilespmem:s24+$0xC300] =	vst v7;
	v0 =	vld [tilespmem:s8+$0x4370];
	v5 =	vmul.f32 $5.000000000e-01, v10;
	v7 =	vadd.f32 $5.000000000e-01, v9  }
0x220: {  	v8 =	vmul.f32 $2.550000000e+02, v8;
	v4 =	vld.idx.msk [tilespmem:v1+s26+$0x0], $0xffff;
	v1 =	vadd.f32 $8.388608000e+06, v2;
	v9 =	vand.u32 $0xFF, v3  }
0x221: {  	v2 =	vmul.f32 $5.000000000e-01, v12;
	v5 =	vadd.f32 $5.000000000e-01, v5;
	v3 =	vld [tilespmem:s8+$0x4360];
	v15 =	vmul.f32 $2.550000000e+02, v7  }
0x222: {  	s31 =	simm.s32 $0x5;
	s21 =	simm.s32 $0x200;
	s14 =	simm.s32 $0x1000;
	v12 =	vadd.f32 $8.388608000e+06, v8;
	v11 =	vmul.f32 $5.000000000e-01, v11;
	v7 =	vld [tilespmem:s24+$0x4340];
	[tilespmem:s6+$0xC350] =	vst v13;
	v8 =	vand.u32 $0xFF, v1  }
0x223: {  	s21 =	sand.u32 $0x3000, s21;
	s12 =	simm.s32 $0x80;
	s17 =	sand.u32 $0xC00, s14;
	v10 =	vadd.f32 $5.000000000e-01, v2;
	v5 =	vmul.f32 $2.550000000e+02, v5;
	v2 =	vadd.f32 $8.388608000e+06, v15;
	v1 =	vld.idx.msk [tilespmem:v14+s26+$0x0], $0xffff  }
.LBB2_20:
0x224: {  	p0 =	sne.s32 s31, $0x7F;
	s17 =	sor.u32 s17, s21;
	s12 =	sand.u32 $0x380, s12;
	v12 =	vand.u32 $0xFF, v12;
	v11 =	vadd.f32 $5.000000000e-01, v11;
	v13 =	vld [tilespmem:s25+$0x4320];
	[tilespmem:s8+$0xC330] =	vst v6  }
0x225: {  	s12 =	sor.u32 s12, s17;
	v6 =	vmul.f32 $2.550000000e+02, v10;
	v9 =	vld.idx.msk [tilespmem:v9+s26+$0x0], $0xffff;
	v5 =	vadd.f32 $8.388608000e+06, v5;
	v2 =	vand.u32 $0xFF, v2  }
0x226: {  	v10 =	vld [tilespmem:s12+$0x4300];
	[tilespmem:s24+$0xC310] =	vst v4;
	v3 =	vmul.f32 $5.000000000e-01, v3  }
0x227: {  	v4 =	vmul.f32 $2.550000000e+02, v11;
	v8 =	vld.idx.msk [tilespmem:v8+s26+$0x0], $0xffff;
	v6 =	vadd.f32 $8.388608000e+06, v6;
	v5 =	vand.u32 $0xFF, v5  }
0x228: {  	v7 =	vmul.f32 $5.000000000e-01, v7;
	v11 =	vld [tilespmem:s24+$0x4350];
	v3 =	vadd.f32 $5.000000000e-01, v3  }
0x229: {  	v4 =	vadd.f32 $8.388608000e+06, v4;
	v12 =	vld.idx.msk [tilespmem:v12+s26+$0x0], $0xffff;
	v6 =	vand.u32 $0xFF, v6;
	[tilespmem:s6+$0xC360] =	vst v1  }
0x22a: {  	v1 =	vmul.f32 $5.000000000e-01, v13;
	v7 =	vadd.f32 $5.000000000e-01, v7;
	v3 =	vmul.f32 $2.550000000e+02, v3;
	v2 =	vld.idx.msk [tilespmem:v2+s26+$0x0], $0xffff  }
0x22b: {  	v4 =	vand.u32 $0xFF, v4;
	v10 =	vmul.f32 $5.000000000e-01, v10;
	v13 =	vld [tilespmem:s25+$0x4330];
	[tilespmem:s8+$0xC340] =	vst v9  }
0x22c: {  	v1 =	vadd.f32 $5.000000000e-01, v1;
	v7 =	vmul.f32 $2.550000000e+02, v7;
	v5 =	vld.idx.msk [tilespmem:v5+s26+$0x0], $0xffff;
	v3 =	vadd.f32 $8.388608000e+06, v3  }
0x22d: {  	v9 =	vadd.f32 $5.000000000e-01, v10;
	v10 =	vld [tilespmem:s12+$0x4310];
	[tilespmem:s24+$0xC320] =	vst v8;
	v8 =	vmul.f32 $5.000000000e-01, v0  }
0x22e: {  	v1 =	vmul.f32 $2.550000000e+02, v1;
	v7 =	vadd.f32 $8.388608000e+06, v7;
	v6 =	vld.idx.msk [tilespmem:v6+s26+$0x0], $0xffff;
	v14 =	vand.u32 $0xFF, v3  }
.Ltmp13:
0x22f: {  	v3 =	vmul.f32 $5.000000000e-01, v11;
	[tilespmem:s25+$0xC300] =	vst v12;
	v0 =	vld [tilespmem:s24+$0x4370];
	v8 =	vadd.f32 $5.000000000e-01, v8;
	(pc) =	sbr.rel @p0 .LBB2_20-.Ltmp13, $4  }
0x230: {  	v11 =	vmul.f32 $2.550000000e+02, v9;
	v1 =	vadd.f32 $8.388608000e+06, v1;
	v9 =	vand.u32 $0xFF, v7;
	v4 =	vld.idx.msk [tilespmem:v4+s26+$0x0], $0xffff;
	[tilespmem:s6+$0xC370] =	vst v2;
	s6 =	smov.u32 s8;
	s8 =	smov.u32 s24;
	s24 =	smov.u32 s25  }
0x231: {  	v2 =	vmul.f32 $5.000000000e-01, v13;
	v13 =	vadd.f32 $5.000000000e-01, v3;
	s25 =	smov.u32 s12;
	v3 =	vld [tilespmem:s8+$0x4360];
	v15 =	vmul.f32 $2.550000000e+02, v8  }
0x232: {  	s21 =	sshll.u32 s31, $0x7;
	s14 =	sadd.s32 $0x400, s14;
	s12 =	sshll.u32 s31, $0x5;
	v12 =	vadd.f32 $8.388608000e+06, v11;
	v8 =	vand.u32 $0xFF, v1;
	v11 =	vmul.f32 $5.000000000e-01, v10;
	v7 =	vld [tilespmem:s24+$0x4340];
	[tilespmem:s6+$0xC350] =	vst v5  }
0x233: {  	s17 =	sand.u32 $0xC00, s14;
	s21 =	sand.u32 $0x3000, s21;
	s31 =	sadd.s32 $0x1, s31;
	v10 =	vadd.f32 $5.000000000e-01, v2;
	v5 =	vmul.f32 $2.550000000e+02, v13;
	v1 =	vld.idx.msk [tilespmem:v14+s26+$0x0], $0xffff;
	v2 =	vadd.f32 $8.388608000e+06, v15  }
0x234: {  	s14 =	sor.u32 s17, s21;
	s12 =	sand.u32 $0x380, s12  }
0x235: {  	s14 =	sor.u32 s12, s14  }
0x236: {  	v13 =	vld [tilespmem:s14+$0x4300];
	_ =	sdelay $0x4  }
0x237: {  	v13 =	vmul.f32 $5.000000000e-01, v13  }
0x238: {  	v14 =	vld [tilespmem:s14+$0x4310]  }
0x239: {  	v13 =	vadd.f32 $5.000000000e-01, v13;
	_ =	sdelay $0x1  }
0x23a: {  	v13 =	vmul.f32 $2.550000000e+02, v13;
	_ =	sdelay $0x1  }
0x23b: {  	v15 =	vld [tilespmem:s25+$0x4320];
	v14 =	vmul.f32 $5.000000000e-01, v14;
	v13 =	vadd.f32 $8.388608000e+06, v13  }
0x23c: {  	v12 =	vand.u32 $0xFF, v12;
	v11 =	vadd.f32 $5.000000000e-01, v11;
	v16 =	vld [tilespmem:s14+$0x4320]  }
0x23d: {  	v14 =	vadd.f32 $5.000000000e-01, v14;
	v13 =	vand.u32 $0xFF, v13  }
0x23e: {  	v11 =	vmul.f32 $2.550000000e+02, v11  }
0x23f: {  	v17 =	vld [tilespmem:s25+$0x4330];
	v14 =	vmul.f32 $2.550000000e+02, v14  }
0x240: {  	v18 =	vld [tilespmem:s14+$0x4330];
	v11 =	vadd.f32 $8.388608000e+06, v11;
	v15 =	vmul.f32 $5.000000000e-01, v15  }
0x241: {  	v12 =	vld.idx.msk [tilespmem:v12+s26+$0x0], $0xffff;
	v16 =	vmul.f32 $5.000000000e-01, v16;
	v14 =	vadd.f32 $8.388608000e+06, v14  }
0x242: {  	v11 =	vand.u32 $0xFF, v11;
	v15 =	vadd.f32 $5.000000000e-01, v15;
	v13 =	vld.idx.msk [tilespmem:v13+s26+$0x0], $0xffff  }
0x243: {  	v16 =	vadd.f32 $5.000000000e-01, v16;
	v14 =	vand.u32 $0xFF, v14  }
0x244: {  	v21 =	vld [tilespmem:s25+$0x4340];
	v15 =	vmul.f32 $2.550000000e+02, v15  }
0x245: {  	v27 =	vld [tilespmem:s24+$0x4350];
	v20 =	vmul.f32 $2.550000000e+02, v16  }
0x246: {  	v26 =	vld [tilespmem:s14+$0x4340];
	v63 =	vmul.f32 $5.000000000e-01, v17;
	[tilespmem:s25+$0xC300] =	vst v12;
	v62 =	vadd.f32 $8.388608000e+06, v15  }
0x247: {  	v23 =	vmul.f32 $5.000000000e-01, v18;
	v11 =	vld.idx.msk [tilespmem:v11+s26+$0x0], $0xffff;
	v22 =	vadd.f32 $8.388608000e+06, v20;
	[tilespmem:s14+$0xC300] =	vst v13  }
0x248: {  	[tilespmem:s8+$0xC330] =	vst v6;
	v10 =	vmul.f32 $2.550000000e+02, v10;
	v12 =	vadd.f32 $5.000000000e-01, v63;
	v6 =	vand.u32 $0xFF, v62;
	v14 =	vld.idx.msk [tilespmem:v14+s26+$0x0], $0xffff  }
0x249: {  	v30 =	vld [tilespmem:s25+$0x4350];
	v15 =	vadd.f32 $5.000000000e-01, v23;
	v25 =	vand.u32 $0xFF, v22  }
0x24a: {  	v34 =	vld [tilespmem:s24+$0x4360];
	[tilespmem:s24+$0xC310] =	vst v4;
	v10 =	vadd.f32 $8.388608000e+06, v10;
	v24 =	vmul.f32 $2.550000000e+02, v12  }
0x24b: {  	v8 =	vld.idx.msk [tilespmem:v8+s26+$0x0], $0xffff;
	v7 =	vmul.f32 $5.000000000e-01, v7;
	v28 =	vmul.f32 $2.550000000e+02, v15  }
0x24c: {  	v32 =	vld [tilespmem:s14+$0x4350];
	v10 =	vand.u32 $0xFF, v10;
	v29 =	vmul.f32 $5.000000000e-01, v21;
	v4 =	vadd.f32 $8.388608000e+06, v24;
	[tilespmem:s25+$0xC310] =	vst v11  }
0x24d: {  	v7 =	vadd.f32 $5.000000000e-01, v7;
	v11 =	vadd.f32 $8.388608000e+06, v28;
	v6 =	vld.idx.msk [tilespmem:v6+s26+$0x0], $0xffff;
	v13 =	vmul.f32 $5.000000000e-01, v26;
	[tilespmem:s14+$0xC310] =	vst v14  }
0x24e: {  	v0 =	vmul.f32 $5.000000000e-01, v0;
	v31 =	vadd.f32 $5.000000000e-01, v29;
	v4 =	vand.u32 $0xFF, v4;
	v12 =	vld.idx.msk [tilespmem:v25+s26+$0x0], $0xffff  }
0x24f: {  	v38 =	vld [tilespmem:s25+$0x4360];
	v7 =	vmul.f32 $2.550000000e+02, v7;
	v11 =	vand.u32 $0xFF, v11;
	v13 =	vadd.f32 $5.000000000e-01, v13  }
0x250: {  	v42 =	vld [tilespmem:s24+$0x4370];
	v5 =	vadd.f32 $8.388608000e+06, v5;
	v3 =	vmul.f32 $5.000000000e-01, v3;
	v14 =	vmul.f32 $2.550000000e+02, v31  }
0x251: {  	v41 =	vld [tilespmem:s14+$0x4360];
	v33 =	vmul.f32 $5.000000000e-01, v27;
	[tilespmem:s24+$0xC320] =	vst v8;
	v7 =	vadd.f32 $8.388608000e+06, v7;
	v13 =	vmul.f32 $2.550000000e+02, v13  }
0x252: {  	v37 =	vmul.f32 $5.000000000e-01, v30;
	v8 =	vmul.f32 $5.000000000e-01, v32;
	v10 =	vld.idx.msk [tilespmem:v10+s26+$0x0], $0xffff;
	[tilespmem:s25+$0xC320] =	vst v6;
	v35 =	vadd.f32 $8.388608000e+06, v14  }
0x253: {  	v36 =	vadd.f32 $5.000000000e-01, v33;
	v7 =	vand.u32 $0xFF, v7;
	v4 =	vld.idx.msk [tilespmem:v4+s26+$0x0], $0xffff;
	v39 =	vadd.f32 $8.388608000e+06, v13;
	[tilespmem:s14+$0xC320] =	vst v12  }
0x254: {  	v40 =	vadd.f32 $5.000000000e-01, v37;
	v8 =	vadd.f32 $5.000000000e-01, v8;
	v6 =	vand.u32 $0xFF, v35;
	v11 =	vld.idx.msk [tilespmem:v11+s26+$0x0], $0xffff  }
0x255: {  	v44 =	vld [tilespmem:s25+$0x4370];
	v0 =	vadd.f32 $5.000000000e-01, v0;
	v14 =	vmul.f32 $2.550000000e+02, v36;
	v12 =	vand.u32 $0xFF, v39  }
0x256: {  	v9 =	vld.idx.msk [tilespmem:v9+s26+$0x0], $0xffff;
	v5 =	vand.u32 $0xFF, v5;
	v8 =	vmul.f32 $2.550000000e+02, v8;
	v13 =	vmul.f32 $2.550000000e+02, v40  }
0x257: {  	v48 =	vld [tilespmem:s14+$0x4370];
	v3 =	vadd.f32 $5.000000000e-01, v3;
	v43 =	vmul.f32 $5.000000000e-01, v34;
	[tilespmem:s24+$0xC330] =	vst v10;
	v46 =	vadd.f32 $8.388608000e+06, v14  }
0x258: {  	v47 =	vmul.f32 $5.000000000e-01, v38;
	v8 =	vadd.f32 $8.388608000e+06, v8;
	v45 =	vld.idx.msk [tilespmem:v7+s26+$0x0], $0xffff;
	[tilespmem:s25+$0xC330] =	vst v4;
	v13 =	vadd.f32 $8.388608000e+06, v13  }
0x259: {  	v15 =	vmul.f32 $5.000000000e-01, v41;
	v10 =	vadd.f32 $5.000000000e-01, v43;
	v7 =	vand.u32 $0xFF, v46;
	v6 =	vld.idx.msk [tilespmem:v6+s26+$0x0], $0xffff;
	[tilespmem:s14+$0xC330] =	vst v11  }
0x25a: {  	v3 =	vmul.f32 $2.550000000e+02, v3;
	v13 =	vand.u32 $0xFF, v13;
	v14 =	vadd.f32 $5.000000000e-01, v47;
	v12 =	vld.idx.msk [tilespmem:v12+s26+$0x0], $0xffff  }
0x25b: {  	v8 =	vand.u32 $0xFF, v8;
	v15 =	vadd.f32 $5.000000000e-01, v15;
	v10 =	vmul.f32 $2.550000000e+02, v10  }
0x25c: {  	v52 =	vmul.f32 $5.000000000e-01, v42;
	[tilespmem:s8+$0xC340] =	vst v9;
	v3 =	vadd.f32 $8.388608000e+06, v3;
	v50 =	vmul.f32 $2.550000000e+02, v14  }
0x25d: {  	v57 =	vmul.f32 $5.000000000e-01, v44;
	v51 =	vld.idx.msk [tilespmem:v5+s26+$0x0], $0xffff;
	v53 =	vmul.f32 $2.550000000e+02, v15;
	v49 =	vadd.f32 $8.388608000e+06, v10;
	[tilespmem:s24+$0xC340] =	vst v45  }
0x25e: {  	v5 =	vadd.f32 $5.000000000e-01, v52;
	v3 =	vand.u32 $0xFF, v3;
	v56 =	vadd.f32 $8.388608000e+06, v50;
	v54 =	vld.idx.msk [tilespmem:v7+s26+$0x0], $0xffff;
	[tilespmem:s25+$0xC340] =	vst v6  }
0x25f: {  	v59 =	vadd.f32 $8.388608000e+06, v53;
	v55 =	vand.u32 $0xFF, v49;
	v11 =	vmul.f32 $5.000000000e-01, v48;
	v58 =	vld.idx.msk [tilespmem:v13+s26+$0x0], $0xffff;
	[tilespmem:s14+$0xC340] =	vst v12  }
0x260: {  	v0 =	vmul.f32 $2.550000000e+02, v0;
	v10 =	vadd.f32 $5.000000000e-01, v57;
	v9 =	vand.u32 $0xFF, v56;
	v8 =	vld.idx.msk [tilespmem:v8+s26+$0x0], $0xffff  }
0x261: {  	v5 =	vmul.f32 $2.550000000e+02, v5;
	v11 =	vadd.f32 $5.000000000e-01, v11;
	v13 =	vand.u32 $0xFF, v59  }
0x262: {  	v0 =	vadd.f32 $8.388608000e+06, v0;
	[tilespmem:s8+$0xC350] =	vst v51;
	v60 =	vmul.f32 $2.550000000e+02, v10  }
0x263: {  	v2 =	vand.u32 $0xFF, v2;
	v5 =	vadd.f32 $8.388608000e+06, v5;
	v3 =	vld.idx.msk [tilespmem:v3+s26+$0x0], $0xffff;
	[tilespmem:s24+$0xC350] =	vst v54;
	v61 =	vmul.f32 $2.550000000e+02, v11  }
0x264: {  	v0 =	vand.u32 $0xFF, v0;
	v4 =	vadd.f32 $8.388608000e+06, v60;
	v7 =	vld.idx.msk [tilespmem:v55+s26+$0x0], $0xffff;
	[tilespmem:s25+$0xC350] =	vst v58  }
0x265: {  	v5 =	vand.u32 $0xFF, v5;
	v6 =	vadd.f32 $8.388608000e+06, v61;
	v9 =	vld.idx.msk [tilespmem:v9+s26+$0x0], $0xffff;
	[tilespmem:s14+$0xC350] =	vst v8  }
0x266: {  	v4 =	vand.u32 $0xFF, v4;
	v8 =	vld.idx.msk [tilespmem:v13+s26+$0x0], $0xffff  }
0x267: {  	[tilespmem:s6+$0xC360] =	vst v1;
	v62 =	vand.u32 $0xFF, v6  }
0x268: {  	v2 =	vld.idx.msk [tilespmem:v2+s26+$0x0], $0xffff;
	[tilespmem:s8+$0xC360] =	vst v3  }
0x269: {  	v0 =	vld.idx.msk [tilespmem:v0+s26+$0x0], $0xffff;
	[tilespmem:s24+$0xC360] =	vst v7  }
0x26a: {  	v63 =	vld.idx.msk [tilespmem:v5+s26+$0x0], $0xffff;
	[tilespmem:s25+$0xC360] =	vst v9  }
0x26b: {  	v4 =	vld.idx.msk [tilespmem:v4+s26+$0x0], $0xffff;
	[tilespmem:s14+$0xC360] =	vst v8  }
0x26c: {  	v1 =	vld.idx.msk [tilespmem:v62+s26+$0x0], $0xffff  }
0x26d: {  	p0 =	seq.s32 s19, $0x7;
	[tilespmem:s6+$0xC370] =	vst v2  }
.Ltmp14:
0x26e: {  	[tilespmem:s8+$0xC370] =	vst v0;
	(pc) =	sbr.rel @p0 .LBB2_23-.Ltmp14, $4  }
0x26f: {  	s31 =	sadd.s32 $0x4000, s23;
	[tilespmem:s24+$0xC370] =	vst v63  }
0x270: {  	s6 =	sshrl.u32 s31, $0x3;
	[tilespmem:s25+$0xC370] =	vst v4  }
0x271: {  	s6 =	sadd.s32 s3, s6;
	[tilespmem:s14+$0xC370] =	vst v1  }
0x272: {  	[hbm4b:s6+s4] =	stream.linear.scatter [tilespmem:s10], [sflag:$0x4], $0x4000, $0x38;
	[tilespmem:$0x10300] =	vst v63  }
.Ltmp15:
0x273: {  	(pc) =	sbr.rel .LBB2_13-.Ltmp15, $4  }
0x274: {  	s6 =	sadd.s32 s20, s18  }
0x275: {  	s6 =	sshrl.u32 s6, $0x3  }
0x276: {  	s19 =	sadd.s32 $0x1, s19;
	s6 =	sadd.s32 s1, s6  }
0x277: {  	[tilespmem:s30], [sflag:$0x2] =	stream.linear.gather [hbm4b:s6+s4], $0x4000, $0x38;
	[tilespmem:$0x10300] =	vst v63  }
.LBB2_23:
0x278: {  	s6 =	simm.s32 $0x3  }
0x279: {  	_ =	swait.ge [sflag:s6], $0x4000  }
0x27a: {  	[sflag:s6] =	ssyncset.done $0x0  }
0x27b: {  	[sflag:s6] =	ssyncadd.s32 $0xFFFFC000  }
0x27c: {  	_ =	swait.ge [sflag:s9], $0x4000  }
0x27d: {  	[sflag:s9] =	ssyncset.done $0x0  }
0x27e: {  	s15 =	simm.s32 $0x0;
	s25 =	rddreg [dreg:$0xd];
	[sflag:s9] =	ssyncadd.s32 $0xFFFFC000  }
0x27f: {  	[tilespmem:s29], [sflag:$0x1] =	stream.linear.gather [hbm4b:s25+s15], $0x4000, $0x38;
	[tilespmem:$0x10300] =	vst v63  }
0x280: {  	s19 =	simm.s32 $0x0;
	s31 =	rddreg [dreg:$0xe]  }
0x281: {  	[tilespmem:s30], [sflag:$0x2] =	stream.linear.gather [hbm4b:s31+s15], $0x4000, $0x38;
	[tilespmem:$0x10300] =	vst v63  }
.LBB2_24:
0x282: {  	_ =	swait.ge [sflag:s2], $0x4000  }
0x283: {  	p0 =	seq.s32 s19, $0x0;
	s8 =	simm.s32 $0x0;
	[sflag:s2] =	ssyncset.done $0x0  }
0x284: {  	s12 =	simm.s32 $0x0;
	s6 =	simm.s32 @!p0 $0x3;
	[sflag:s2] =	ssyncadd.s32 $0xFFFFC000  }
0x285: {  	s14 =	sand.u32 $0xC00, s15;
	s8 =	sand.u32 $0x3000, s8;
	_ =	swait.ge @!p0 [sflag:s6], $0x4000  }
0x286: {  	s12 =	sand.u32 $0x380, s12;
	s8 =	sor.u32 s14, s8;
	[sflag:s6] =	ssyncset.done @!p0 $0x0  }
0x287: {  	s23 =	sor.u32 s12, s8;
	[sflag:s6] =	ssyncadd.s32 @!p0 $0xFFFFC000  }
0x288: {  	v0 =	vld [tilespmem:s23+$0x300];
	_ =	sdelay $0x4  }
0x289: {  	v0 =	vmul.f32 $5.000000000e-01, v0  }
0x28a: {  	v1 =	vld [tilespmem:s23+$0x310]  }
0x28b: {  	v0 =	vadd.f32 $5.000000000e-01, v0;
	_ =	sdelay $0x1  }
0x28c: {  	v0 =	vmul.f32 $2.550000000e+02, v0  }
0x28d: {  	s24 =	simm.s32 $0x80;
	s25 =	simm.s32 $0x400  }
0x28e: {  	s31 =	simm.s32 $0x20;
	s8 =	sand.u32 $0xC00, s25;
	s6 =	sand.u32 $0x3000, s24;
	v1 =	vmul.f32 $5.000000000e-01, v1;
	v0 =	vadd.f32 $8.388608000e+06, v0  }
0x28f: {  	s12 =	sand.u32 $0x380, s31;
	s6 =	sor.u32 s8, s6;
	v2 =	vld [tilespmem:s23+$0x320]  }
0x290: {  	s6 =	sor.u32 s12, s6;
	v1 =	vadd.f32 $5.000000000e-01, v1;
	v0 =	vand.u32 $0xFF, v0  }
0x291: {  	v3 =	vld [tilespmem:s6+$0x300]  }
0x292: {  	v1 =	vmul.f32 $2.550000000e+02, v1;
	_ =	sdelay $0x1  }
0x293: {  	v4 =	vld [tilespmem:s23+$0x330];
	v2 =	vmul.f32 $5.000000000e-01, v2;
	v1 =	vadd.f32 $8.388608000e+06, v1  }
0x294: {  	v0 =	vld.idx.msk [tilespmem:v0+s28+$0x0], $0xffff  }
0x295: {  	v5 =	vld [tilespmem:s6+$0x310];
	v3 =	vmul.f32 $5.000000000e-01, v3;
	v2 =	vadd.f32 $5.000000000e-01, v2;
	v1 =	vand.u32 $0xFF, v1;
	_ =	sdelay $0x1  }
0x296: {  	v3 =	vadd.f32 $5.000000000e-01, v3;
	v2 =	vmul.f32 $2.550000000e+02, v2;
	_ =	sdelay $0x1  }
0x297: {  	s17 =	simm.s32 $0x800;
	s14 =	simm.s32 $0x100;
	v2 =	vadd.f32 $8.388608000e+06, v2;
	[tilespmem:s23+$0x8300] =	vst v0;
	v0 =	vmul.f32 $2.550000000e+02, v3;
	v3 =	vmul.f32 $5.000000000e-01, v4;
	v4 =	vld [tilespmem:s23+$0x340]  }
0x298: {  	s20 =	simm.s32 $0x40;
	s8 =	sand.u32 $0x3000, s14;
	s12 =	sand.u32 $0xC00, s17;
	v5 =	vmul.f32 $5.000000000e-01, v5;
	v1 =	vld.idx.msk [tilespmem:v1+s28+$0x0], $0xffff  }
0x299: {  	s21 =	sand.u32 $0x380, s20;
	s8 =	sor.u32 s12, s8;
	v6 =	vld [tilespmem:s6+$0x320];
	v2 =	vand.u32 $0xFF, v2;
	v0 =	vadd.f32 $8.388608000e+06, v0;
	v3 =	vadd.f32 $5.000000000e-01, v3  }
0x29a: {  	s8 =	sor.u32 s21, s8  }
0x29b: {  	v7 =	vld [tilespmem:s8+$0x300];
	v5 =	vadd.f32 $5.000000000e-01, v5;
	v0 =	vand.u32 $0xFF, v0;
	v3 =	vmul.f32 $2.550000000e+02, v3;
	_ =	sdelay $0x1  }
0x29c: {  	[tilespmem:s23+$0x8310] =	vst v1;
	v1 =	vadd.f32 $8.388608000e+06, v3;
	v3 =	vmul.f32 $5.000000000e-01, v4;
	v4 =	vmul.f32 $2.550000000e+02, v5;
	v5 =	vld [tilespmem:s23+$0x350]  }
0x29d: {  	v6 =	vmul.f32 $5.000000000e-01, v6;
	v2 =	vld.idx.msk [tilespmem:v2+s28+$0x0], $0xffff  }
0x29e: {  	v8 =	vld [tilespmem:s6+$0x330];
	v1 =	vand.u32 $0xFF, v1;
	v3 =	vadd.f32 $5.000000000e-01, v3;
	v4 =	vadd.f32 $8.388608000e+06, v4  }
0x29f: {  	v7 =	vmul.f32 $5.000000000e-01, v7;
	v0 =	vld.idx.msk [tilespmem:v0+s28+$0x0], $0xffff  }
0x2a0: {  	v9 =	vld [tilespmem:s8+$0x310];
	v6 =	vadd.f32 $5.000000000e-01, v6;
	v3 =	vmul.f32 $2.550000000e+02, v3;
	v4 =	vand.u32 $0xFF, v4  }
0x2a1: {  	v7 =	vadd.f32 $5.000000000e-01, v7;
	v5 =	vmul.f32 $5.000000000e-01, v5  }
0x2a2: {  	[tilespmem:s23+$0x8320] =	vst v2;
	v2 =	vadd.f32 $8.388608000e+06, v3;
	v3 =	vmul.f32 $2.550000000e+02, v6  }
0x2a3: {  	v7 =	vmul.f32 $2.550000000e+02, v7;
	v1 =	vld.idx.msk [tilespmem:v1+s28+$0x0], $0xffff;
	v5 =	vadd.f32 $5.000000000e-01, v5  }
0x2a4: {  	s25 =	simm.s32 $0xC00;
	s24 =	simm.s32 $0x180;
	v2 =	vand.u32 $0xFF, v2;
	[tilespmem:s6+$0x8300] =	vst v0;
	v0 =	vadd.f32 $8.388608000e+06, v3;
	v3 =	vmul.f32 $5.000000000e-01, v8;
	v8 =	vld [tilespmem:s23+$0x360]  }
0x2a5: {  	s14 =	sand.u32 $0xC00, s25;
	s17 =	simm.s32 $0x60;
	s12 =	sand.u32 $0x3000, s24;
	v9 =	vmul.f32 $5.000000000e-01, v9;
	v7 =	vadd.f32 $8.388608000e+06, v7;
	v4 =	vld.idx.msk [tilespmem:v4+s28+$0x0], $0xffff  }
0x2a6: {  	v10 =	vld [tilespmem:s6+$0x340];
	s31 =	sand.u32 $0x380, s17;
	s12 =	sor.u32 s14, s12;
	v5 =	vmul.f32 $2.550000000e+02, v5;
	v0 =	vand.u32 $0xFF, v0;
	v3 =	vadd.f32 $5.000000000e-01, v3  }
0x2a7: {  	v11 =	vld [tilespmem:s8+$0x320];
	s24 =	sor.u32 s31, s12;
	v7 =	vand.u32 $0xFF, v7  }
0x2a8: {  	v5 =	vadd.f32 $8.388608000e+06, v5;
	[tilespmem:s23+$0x8330] =	vst v1;
	v1 =	vadd.f32 $5.000000000e-01, v9;
	v3 =	vmul.f32 $2.550000000e+02, v3;
	v9 =	vld [tilespmem:s24+$0x300]  }
0x2a9: {  	v2 =	vld.idx.msk [tilespmem:v2+s28+$0x0], $0xffff;
	v8 =	vmul.f32 $5.000000000e-01, v8  }
0x2aa: {  	v6 =	vld [tilespmem:s23+$0x370];
	[tilespmem:s6+$0x8310] =	vst v4;
	v1 =	vmul.f32 $2.550000000e+02, v1;
	v3 =	vadd.f32 $8.388608000e+06, v3;
	v4 =	vand.u32 $0xFF, v5  }
0x2ab: {  	v5 =	vmul.f32 $5.000000000e-01, v10;
	v0 =	vld.idx.msk [tilespmem:v0+s28+$0x0], $0xffff;
	v8 =	vadd.f32 $5.000000000e-01, v8  }
0x2ac: {  	v7 =	vld.idx.msk [tilespmem:v7+s28+$0x0], $0xffff;
	v1 =	vadd.f32 $8.388608000e+06, v1;
	v3 =	vand.u32 $0xFF, v3  }
0x2ad: {  	v11 =	vmul.f32 $5.000000000e-01, v11;
	v10 =	vld [tilespmem:s6+$0x350];
	v5 =	vadd.f32 $5.000000000e-01, v5;
	v8 =	vmul.f32 $2.550000000e+02, v8  }
0x2ae: {  	v12 =	vld [tilespmem:s8+$0x330];
	v9 =	vmul.f32 $5.000000000e-01, v9;
	v1 =	vand.u32 $0xFF, v1;
	[tilespmem:s23+$0x8340] =	vst v2  }
0x2af: {  	v2 =	vadd.f32 $5.000000000e-01, v11;
	v5 =	vmul.f32 $2.550000000e+02, v5;
	v13 =	vld.idx.msk [tilespmem:v4+s28+$0x0], $0xffff;
	v4 =	vadd.f32 $8.388608000e+06, v8  }
0x2b0: {  	v11 =	vmul.f32 $5.000000000e-01, v6;
	v8 =	vadd.f32 $5.000000000e-01, v9;
	v9 =	vld [tilespmem:s24+$0x310];
	[tilespmem:s6+$0x8320] =	vst v0  }
0x2b1: {  	v2 =	vmul.f32 $2.550000000e+02, v2;
	v6 =	vld.idx.msk [tilespmem:v3+s28+$0x0], $0xffff;
	v3 =	vadd.f32 $8.388608000e+06, v5;
	v14 =	vand.u32 $0xFF, v4  }
0x2b2: {  	[tilespmem:s8+$0x8300] =	vst v7;
	v0 =	vld [tilespmem:s6+$0x370];
	v7 =	vadd.f32 $5.000000000e-01, v11;
	v5 =	vmul.f32 $5.000000000e-01, v10  }
0x2b3: {  	v10 =	vmul.f32 $2.550000000e+02, v8;
	v4 =	vld.idx.msk [tilespmem:v1+s28+$0x0], $0xffff;
	v1 =	vadd.f32 $8.388608000e+06, v2;
	v8 =	vand.u32 $0xFF, v3  }
0x2b4: {  	s20 =	sshll.u32 s19, $0xF;
	v15 =	vmul.f32 $2.550000000e+02, v7;
	v2 =	vmul.f32 $5.000000000e-01, v12;
	v5 =	vadd.f32 $5.000000000e-01, v5;
	v3 =	vld [tilespmem:s6+$0x360]  }
0x2b5: {  	s25 =	simm.s32 $0x5;
	s21 =	simm.s32 $0x200;
	s14 =	simm.s32 $0x1000;
	v7 =	vld [tilespmem:s8+$0x340];
	v12 =	vadd.f32 $8.388608000e+06, v10;
	v11 =	vmul.f32 $5.000000000e-01, v9;
	[tilespmem:s23+$0x8350] =	vst v13;
	v9 =	vand.u32 $0xFF, v1  }
0x2b6: {  	s12 =	simm.s32 $0x80;
	s17 =	sand.u32 $0xC00, s14;
	s21 =	sand.u32 $0x3000, s21;
	v10 =	vadd.f32 $5.000000000e-01, v2;
	v5 =	vmul.f32 $2.550000000e+02, v5;
	v2 =	vadd.f32 $8.388608000e+06, v15;
	v1 =	vld.idx.msk [tilespmem:v14+s28+$0x0], $0xffff  }
.LBB2_25:
0x2b7: {  	p1 =	sne.s32 s25, $0x7F;
	s17 =	sor.u32 s17, s21;
	s12 =	sand.u32 $0x380, s12;
	v12 =	vand.u32 $0xFF, v12;
	v11 =	vadd.f32 $5.000000000e-01, v11;
	v13 =	vld [tilespmem:s24+$0x320];
	[tilespmem:s6+$0x8330] =	vst v6  }
0x2b8: {  	s12 =	sor.u32 s12, s17;
	v6 =	vmul.f32 $2.550000000e+02, v10;
	v8 =	vld.idx.msk [tilespmem:v8+s28+$0x0], $0xffff;
	v5 =	vadd.f32 $8.388608000e+06, v5;
	v2 =	vand.u32 $0xFF, v2  }
0x2b9: {  	v10 =	vld [tilespmem:s12+$0x300];
	[tilespmem:s8+$0x8310] =	vst v4;
	v3 =	vmul.f32 $5.000000000e-01, v3  }
0x2ba: {  	v4 =	vmul.f32 $2.550000000e+02, v11;
	v9 =	vld.idx.msk [tilespmem:v9+s28+$0x0], $0xffff;
	v6 =	vadd.f32 $8.388608000e+06, v6;
	v5 =	vand.u32 $0xFF, v5  }
0x2bb: {  	v7 =	vmul.f32 $5.000000000e-01, v7;
	v11 =	vld [tilespmem:s8+$0x350];
	v3 =	vadd.f32 $5.000000000e-01, v3  }
0x2bc: {  	v4 =	vadd.f32 $8.388608000e+06, v4;
	v12 =	vld.idx.msk [tilespmem:v12+s28+$0x0], $0xffff;
	v6 =	vand.u32 $0xFF, v6;
	[tilespmem:s23+$0x8360] =	vst v1  }
0x2bd: {  	v1 =	vmul.f32 $5.000000000e-01, v13;
	v7 =	vadd.f32 $5.000000000e-01, v7;
	v3 =	vmul.f32 $2.550000000e+02, v3;
	v2 =	vld.idx.msk [tilespmem:v2+s28+$0x0], $0xffff  }
0x2be: {  	v4 =	vand.u32 $0xFF, v4;
	v10 =	vmul.f32 $5.000000000e-01, v10;
	v13 =	vld [tilespmem:s24+$0x330];
	[tilespmem:s6+$0x8340] =	vst v8  }
0x2bf: {  	v1 =	vadd.f32 $5.000000000e-01, v1;
	v7 =	vmul.f32 $2.550000000e+02, v7;
	v5 =	vld.idx.msk [tilespmem:v5+s28+$0x0], $0xffff;
	v3 =	vadd.f32 $8.388608000e+06, v3  }
0x2c0: {  	v8 =	vadd.f32 $5.000000000e-01, v10;
	v10 =	vld [tilespmem:s12+$0x310];
	[tilespmem:s8+$0x8320] =	vst v9;
	v9 =	vmul.f32 $5.000000000e-01, v0  }
0x2c1: {  	v1 =	vmul.f32 $2.550000000e+02, v1;
	v7 =	vadd.f32 $8.388608000e+06, v7;
	v6 =	vld.idx.msk [tilespmem:v6+s28+$0x0], $0xffff;
	v14 =	vand.u32 $0xFF, v3  }
.Ltmp16:
0x2c2: {  	v3 =	vmul.f32 $5.000000000e-01, v11;
	[tilespmem:s24+$0x8300] =	vst v12;
	v0 =	vld [tilespmem:s8+$0x370];
	v9 =	vadd.f32 $5.000000000e-01, v9;
	(pc) =	sbr.rel @p1 .LBB2_25-.Ltmp16, $4  }
0x2c3: {  	v11 =	vmul.f32 $2.550000000e+02, v8;
	v1 =	vadd.f32 $8.388608000e+06, v1;
	v8 =	vand.u32 $0xFF, v7;
	v4 =	vld.idx.msk [tilespmem:v4+s28+$0x0], $0xffff;
	[tilespmem:s23+$0x8370] =	vst v2;
	s23 =	smov.u32 s6;
	s6 =	smov.u32 s8;
	s8 =	smov.u32 s24  }
0x2c4: {  	v2 =	vmul.f32 $5.000000000e-01, v13;
	v13 =	vadd.f32 $5.000000000e-01, v3;
	s24 =	smov.u32 s12;
	v3 =	vld [tilespmem:s6+$0x360];
	v15 =	vmul.f32 $2.550000000e+02, v9  }
0x2c5: {  	s21 =	sshll.u32 s25, $0x7;
	s14 =	sadd.s32 $0x400, s14;
	s12 =	sshll.u32 s25, $0x5;
	v12 =	vadd.f32 $8.388608000e+06, v11;
	v9 =	vand.u32 $0xFF, v1;
	v11 =	vmul.f32 $5.000000000e-01, v10;
	v7 =	vld [tilespmem:s8+$0x340];
	[tilespmem:s23+$0x8350] =	vst v5  }
0x2c6: {  	s17 =	sand.u32 $0xC00, s14;
	s21 =	sand.u32 $0x3000, s21;
	s25 =	sadd.s32 $0x1, s25;
	v10 =	vadd.f32 $5.000000000e-01, v2;
	v5 =	vmul.f32 $2.550000000e+02, v13;
	v1 =	vld.idx.msk [tilespmem:v14+s28+$0x0], $0xffff;
	v2 =	vadd.f32 $8.388608000e+06, v15  }
0x2c7: {  	s14 =	sor.u32 s17, s21;
	s12 =	sand.u32 $0x380, s12  }
0x2c8: {  	s14 =	sor.u32 s12, s14  }
0x2c9: {  	v13 =	vld [tilespmem:s14+$0x300];
	_ =	sdelay $0x4  }
0x2ca: {  	v13 =	vmul.f32 $5.000000000e-01, v13  }
0x2cb: {  	v14 =	vld [tilespmem:s14+$0x310]  }
0x2cc: {  	v13 =	vadd.f32 $5.000000000e-01, v13;
	_ =	sdelay $0x1  }
0x2cd: {  	v13 =	vmul.f32 $2.550000000e+02, v13;
	_ =	sdelay $0x1  }
0x2ce: {  	v15 =	vld [tilespmem:s24+$0x320];
	v14 =	vmul.f32 $5.000000000e-01, v14;
	v13 =	vadd.f32 $8.388608000e+06, v13  }
0x2cf: {  	v12 =	vand.u32 $0xFF, v12;
	v11 =	vadd.f32 $5.000000000e-01, v11;
	v16 =	vld [tilespmem:s14+$0x320]  }
0x2d0: {  	v14 =	vadd.f32 $5.000000000e-01, v14;
	v13 =	vand.u32 $0xFF, v13  }
0x2d1: {  	v11 =	vmul.f32 $2.550000000e+02, v11  }
0x2d2: {  	v17 =	vld [tilespmem:s24+$0x330];
	v14 =	vmul.f32 $2.550000000e+02, v14  }
0x2d3: {  	v18 =	vld [tilespmem:s14+$0x330];
	v11 =	vadd.f32 $8.388608000e+06, v11;
	v15 =	vmul.f32 $5.000000000e-01, v15  }
0x2d4: {  	v12 =	vld.idx.msk [tilespmem:v12+s28+$0x0], $0xffff;
	v16 =	vmul.f32 $5.000000000e-01, v16;
	v14 =	vadd.f32 $8.388608000e+06, v14  }
0x2d5: {  	v11 =	vand.u32 $0xFF, v11;
	v15 =	vadd.f32 $5.000000000e-01, v15;
	v13 =	vld.idx.msk [tilespmem:v13+s28+$0x0], $0xffff  }
0x2d6: {  	v16 =	vadd.f32 $5.000000000e-01, v16;
	v14 =	vand.u32 $0xFF, v14  }
0x2d7: {  	v21 =	vld [tilespmem:s24+$0x340];
	v15 =	vmul.f32 $2.550000000e+02, v15  }
0x2d8: {  	v27 =	vld [tilespmem:s8+$0x350];
	v20 =	vmul.f32 $2.550000000e+02, v16  }
0x2d9: {  	v26 =	vld [tilespmem:s14+$0x340];
	v63 =	vmul.f32 $5.000000000e-01, v17;
	[tilespmem:s24+$0x8300] =	vst v12;
	v62 =	vadd.f32 $8.388608000e+06, v15  }
0x2da: {  	v23 =	vmul.f32 $5.000000000e-01, v18;
	v11 =	vld.idx.msk [tilespmem:v11+s28+$0x0], $0xffff;
	v22 =	vadd.f32 $8.388608000e+06, v20;
	[tilespmem:s14+$0x8300] =	vst v13  }
0x2db: {  	[tilespmem:s6+$0x8330] =	vst v6;
	v10 =	vmul.f32 $2.550000000e+02, v10;
	v12 =	vadd.f32 $5.000000000e-01, v63;
	v6 =	vand.u32 $0xFF, v62;
	v14 =	vld.idx.msk [tilespmem:v14+s28+$0x0], $0xffff  }
0x2dc: {  	v30 =	vld [tilespmem:s24+$0x350];
	v15 =	vadd.f32 $5.000000000e-01, v23;
	v25 =	vand.u32 $0xFF, v22  }
0x2dd: {  	v34 =	vld [tilespmem:s8+$0x360];
	[tilespmem:s8+$0x8310] =	vst v4;
	v10 =	vadd.f32 $8.388608000e+06, v10;
	v24 =	vmul.f32 $2.550000000e+02, v12  }
0x2de: {  	v9 =	vld.idx.msk [tilespmem:v9+s28+$0x0], $0xffff;
	v7 =	vmul.f32 $5.000000000e-01, v7;
	v28 =	vmul.f32 $2.550000000e+02, v15  }
0x2df: {  	v32 =	vld [tilespmem:s14+$0x350];
	v10 =	vand.u32 $0xFF, v10;
	v29 =	vmul.f32 $5.000000000e-01, v21;
	v4 =	vadd.f32 $8.388608000e+06, v24;
	[tilespmem:s24+$0x8310] =	vst v11  }
0x2e0: {  	v7 =	vadd.f32 $5.000000000e-01, v7;
	v11 =	vadd.f32 $8.388608000e+06, v28;
	v6 =	vld.idx.msk [tilespmem:v6+s28+$0x0], $0xffff;
	v13 =	vmul.f32 $5.000000000e-01, v26;
	[tilespmem:s14+$0x8310] =	vst v14  }
0x2e1: {  	v0 =	vmul.f32 $5.000000000e-01, v0;
	v31 =	vadd.f32 $5.000000000e-01, v29;
	v4 =	vand.u32 $0xFF, v4;
	v12 =	vld.idx.msk [tilespmem:v25+s28+$0x0], $0xffff  }
0x2e2: {  	v38 =	vld [tilespmem:s24+$0x360];
	v7 =	vmul.f32 $2.550000000e+02, v7;
	v11 =	vand.u32 $0xFF, v11;
	v13 =	vadd.f32 $5.000000000e-01, v13  }
0x2e3: {  	v42 =	vld [tilespmem:s8+$0x370];
	v5 =	vadd.f32 $8.388608000e+06, v5;
	v3 =	vmul.f32 $5.000000000e-01, v3;
	v14 =	vmul.f32 $2.550000000e+02, v31  }
0x2e4: {  	v41 =	vld [tilespmem:s14+$0x360];
	v33 =	vmul.f32 $5.000000000e-01, v27;
	[tilespmem:s8+$0x8320] =	vst v9;
	v7 =	vadd.f32 $8.388608000e+06, v7;
	v13 =	vmul.f32 $2.550000000e+02, v13  }
0x2e5: {  	v37 =	vmul.f32 $5.000000000e-01, v30;
	v9 =	vmul.f32 $5.000000000e-01, v32;
	v10 =	vld.idx.msk [tilespmem:v10+s28+$0x0], $0xffff;
	[tilespmem:s24+$0x8320] =	vst v6;
	v35 =	vadd.f32 $8.388608000e+06, v14  }
0x2e6: {  	v36 =	vadd.f32 $5.000000000e-01, v33;
	v7 =	vand.u32 $0xFF, v7;
	v4 =	vld.idx.msk [tilespmem:v4+s28+$0x0], $0xffff;
	v39 =	vadd.f32 $8.388608000e+06, v13;
	[tilespmem:s14+$0x8320] =	vst v12  }
0x2e7: {  	v40 =	vadd.f32 $5.000000000e-01, v37;
	v9 =	vadd.f32 $5.000000000e-01, v9;
	v6 =	vand.u32 $0xFF, v35;
	v11 =	vld.idx.msk [tilespmem:v11+s28+$0x0], $0xffff  }
0x2e8: {  	v44 =	vld [tilespmem:s24+$0x370];
	v0 =	vadd.f32 $5.000000000e-01, v0;
	v14 =	vmul.f32 $2.550000000e+02, v36;
	v12 =	vand.u32 $0xFF, v39  }
0x2e9: {  	v8 =	vld.idx.msk [tilespmem:v8+s28+$0x0], $0xffff;
	v5 =	vand.u32 $0xFF, v5;
	v9 =	vmul.f32 $2.550000000e+02, v9;
	v13 =	vmul.f32 $2.550000000e+02, v40  }
0x2ea: {  	v48 =	vld [tilespmem:s14+$0x370];
	v3 =	vadd.f32 $5.000000000e-01, v3;
	v43 =	vmul.f32 $5.000000000e-01, v34;
	[tilespmem:s8+$0x8330] =	vst v10;
	v46 =	vadd.f32 $8.388608000e+06, v14  }
0x2eb: {  	v47 =	vmul.f32 $5.000000000e-01, v38;
	v9 =	vadd.f32 $8.388608000e+06, v9;
	v45 =	vld.idx.msk [tilespmem:v7+s28+$0x0], $0xffff;
	[tilespmem:s24+$0x8330] =	vst v4;
	v13 =	vadd.f32 $8.388608000e+06, v13  }
0x2ec: {  	v15 =	vmul.f32 $5.000000000e-01, v41;
	v10 =	vadd.f32 $5.000000000e-01, v43;
	v7 =	vand.u32 $0xFF, v46;
	v6 =	vld.idx.msk [tilespmem:v6+s28+$0x0], $0xffff;
	[tilespmem:s14+$0x8330] =	vst v11  }
0x2ed: {  	v3 =	vmul.f32 $2.550000000e+02, v3;
	v13 =	vand.u32 $0xFF, v13;
	v14 =	vadd.f32 $5.000000000e-01, v47;
	v12 =	vld.idx.msk [tilespmem:v12+s28+$0x0], $0xffff  }
0x2ee: {  	v9 =	vand.u32 $0xFF, v9;
	v15 =	vadd.f32 $5.000000000e-01, v15;
	v10 =	vmul.f32 $2.550000000e+02, v10  }
0x2ef: {  	v52 =	vmul.f32 $5.000000000e-01, v42;
	[tilespmem:s6+$0x8340] =	vst v8;
	v3 =	vadd.f32 $8.388608000e+06, v3;
	v50 =	vmul.f32 $2.550000000e+02, v14  }
0x2f0: {  	v57 =	vmul.f32 $5.000000000e-01, v44;
	v51 =	vld.idx.msk [tilespmem:v5+s28+$0x0], $0xffff;
	v53 =	vmul.f32 $2.550000000e+02, v15;
	v49 =	vadd.f32 $8.388608000e+06, v10;
	[tilespmem:s8+$0x8340] =	vst v45  }
0x2f1: {  	v5 =	vadd.f32 $5.000000000e-01, v52;
	v3 =	vand.u32 $0xFF, v3;
	v56 =	vadd.f32 $8.388608000e+06, v50;
	v54 =	vld.idx.msk [tilespmem:v7+s28+$0x0], $0xffff;
	[tilespmem:s24+$0x8340] =	vst v6  }
0x2f2: {  	v59 =	vadd.f32 $8.388608000e+06, v53;
	v55 =	vand.u32 $0xFF, v49;
	v11 =	vmul.f32 $5.000000000e-01, v48;
	v58 =	vld.idx.msk [tilespmem:v13+s28+$0x0], $0xffff;
	[tilespmem:s14+$0x8340] =	vst v12  }
0x2f3: {  	v0 =	vmul.f32 $2.550000000e+02, v0;
	v10 =	vadd.f32 $5.000000000e-01, v57;
	v8 =	vand.u32 $0xFF, v56;
	v9 =	vld.idx.msk [tilespmem:v9+s28+$0x0], $0xffff  }
0x2f4: {  	v5 =	vmul.f32 $2.550000000e+02, v5;
	v11 =	vadd.f32 $5.000000000e-01, v11;
	v13 =	vand.u32 $0xFF, v59  }
0x2f5: {  	v0 =	vadd.f32 $8.388608000e+06, v0;
	[tilespmem:s6+$0x8350] =	vst v51;
	v60 =	vmul.f32 $2.550000000e+02, v10  }
0x2f6: {  	v2 =	vand.u32 $0xFF, v2;
	v5 =	vadd.f32 $8.388608000e+06, v5;
	v3 =	vld.idx.msk [tilespmem:v3+s28+$0x0], $0xffff;
	[tilespmem:s8+$0x8350] =	vst v54;
	v61 =	vmul.f32 $2.550000000e+02, v11  }
0x2f7: {  	v0 =	vand.u32 $0xFF, v0;
	v4 =	vadd.f32 $8.388608000e+06, v60;
	v7 =	vld.idx.msk [tilespmem:v55+s28+$0x0], $0xffff;
	[tilespmem:s24+$0x8350] =	vst v58  }
0x2f8: {  	v5 =	vand.u32 $0xFF, v5;
	v6 =	vadd.f32 $8.388608000e+06, v61;
	v8 =	vld.idx.msk [tilespmem:v8+s28+$0x0], $0xffff;
	[tilespmem:s14+$0x8350] =	vst v9  }
0x2f9: {  	v4 =	vand.u32 $0xFF, v4;
	v9 =	vld.idx.msk [tilespmem:v13+s28+$0x0], $0xffff  }
0x2fa: {  	[tilespmem:s23+$0x8360] =	vst v1;
	v62 =	vand.u32 $0xFF, v6  }
0x2fb: {  	v2 =	vld.idx.msk [tilespmem:v2+s28+$0x0], $0xffff;
	[tilespmem:s6+$0x8360] =	vst v3  }
0x2fc: {  	v0 =	vld.idx.msk [tilespmem:v0+s28+$0x0], $0xffff;
	[tilespmem:s8+$0x8360] =	vst v7  }
0x2fd: {  	v63 =	vld.idx.msk [tilespmem:v5+s28+$0x0], $0xffff;
	[tilespmem:s24+$0x8360] =	vst v8  }
0x2fe: {  	v4 =	vld.idx.msk [tilespmem:v4+s28+$0x0], $0xffff;
	[tilespmem:s14+$0x8360] =	vst v9  }
0x2ff: {  	v1 =	vld.idx.msk [tilespmem:v62+s28+$0x0], $0xffff  }
0x300: {  	p1 =	sne.s32 s19, $0x7;
	[tilespmem:s23+$0x8370] =	vst v2  }
.Ltmp17:
0x301: {  	[tilespmem:s6+$0x8370] =	vst v0;
	(pc) =	sbr.rel @p1 .LBB2_28-.Ltmp17, $4  }
0x302: {  	s23 =	sadd.s32 s20, s16;
	[tilespmem:s8+$0x8370] =	vst v63  }
0x303: {  	s31 =	sshrl.u32 s23, $0x3;
	[tilespmem:s24+$0x8370] =	vst v4  }
0x304: {  	s6 =	sadd.s32 s3, s31;
	[tilespmem:s14+$0x8370] =	vst v1  }
0x305: {  	[hbm4b:s6+s4] =	stream.linear.scatter [tilespmem:s0], [sflag:$0x3], $0x4000, $0x38;
	[tilespmem:$0x10300] =	vst v63  }
.Ltmp18:
0x306: {  	(pc) =	sbr.rel .LBB2_29-.Ltmp18, $4  }
0x307: {  	_ = 	snop  }
0x308: {  	_ =	swait.ge [sflag:s7], $0x4000  }
0x309: {  	[sflag:s7] =	ssyncset.done $0x0  }
0x30a: {  	[sflag:s7] =	ssyncadd.s32 $0xFFFFC000  }
.LBB2_28:
0x30b: {  	s6 =	rddreg [dreg:$0xf]  }
0x30c: {  	s6 =	sadd.s32 s20, s6  }
0x30d: {  	s6 =	sshrl.u32 s6, $0x3  }
.Ltmp19:
0x30e: {  	s6 =	sadd.s32 s1, s6;
	(pc) =	sbr.rel @p0 .LBB2_30-.Ltmp19, $4  }
0x30f: {  	[tilespmem:s29], [sflag:$0x1] =	stream.linear.gather [hbm4b:s6+s4], $0x4000, $0x38;
	[tilespmem:$0x10300] =	vst v63  }
0x310: {  	_ =	swait.ge [sflag:s7], $0x4000  }
0x311: {  	[sflag:s7] =	ssyncset.done $0x0  }
0x312: {  	[sflag:s7] =	ssyncadd.s32 $0xFFFFC000  }
.LBB2_29:
0x313: {  	_ =	swait.ge [sflag:s9], $0x4000  }
0x314: {  	[sflag:s9] =	ssyncset.done $0x0  }
0x315: {  	[sflag:s9] =	ssyncadd.s32 $0xFFFFC000  }
.LBB2_30:
0x316: {  	s6 =	simm.s32 $0x0;
	s8 =	simm.s32 $0x0  }
0x317: {  	s12 =	simm.s32 $0x0;
	s6 =	sand.u32 $0xC00, s6;
	s8 =	sand.u32 $0x3000, s8  }
0x318: {  	s14 =	sand.u32 $0x380, s12;
	s6 =	sor.u32 s6, s8  }
0x319: {  	s6 =	sor.u32 s14, s6  }
0x31a: {  	v0 =	vld [tilespmem:s6+$0x4300];
	_ =	sdelay $0x4  }
0x31b: {  	v0 =	vmul.f32 $5.000000000e-01, v0  }
0x31c: {  	v1 =	vld [tilespmem:s6+$0x4310]  }
0x31d: {  	v0 =	vadd.f32 $5.000000000e-01, v0;
	_ =	sdelay $0x1  }
0x31e: {  	v0 =	vmul.f32 $2.550000000e+02, v0  }
0x31f: {  	s17 =	simm.s32 $0x80;
	s21 =	simm.s32 $0x400  }
0x320: {  	s12 =	sand.u32 $0xC00, s21;
	s8 =	sand.u32 $0x3000, s17;
	s14 =	simm.s32 $0x20;
	v1 =	vmul.f32 $5.000000000e-01, v1;
	v0 =	vadd.f32 $8.388608000e+06, v0  }
0x321: {  	s8 =	sor.u32 s12, s8;
	s24 =	sand.u32 $0x380, s14;
	v2 =	vld [tilespmem:s6+$0x4320]  }
0x322: {  	s8 =	sor.u32 s24, s8;
	v1 =	vadd.f32 $5.000000000e-01, v1;
	v0 =	vand.u32 $0xFF, v0  }
0x323: {  	v3 =	vld [tilespmem:s8+$0x4300]  }
0x324: {  	v1 =	vmul.f32 $2.550000000e+02, v1;
	_ =	sdelay $0x1  }
0x325: {  	v4 =	vld [tilespmem:s6+$0x4330];
	v2 =	vmul.f32 $5.000000000e-01, v2;
	v1 =	vadd.f32 $8.388608000e+06, v1  }
0x326: {  	v0 =	vld.idx.msk [tilespmem:v0+s28+$0x0], $0xffff  }
0x327: {  	v5 =	vld [tilespmem:s8+$0x4310];
	v3 =	vmul.f32 $5.000000000e-01, v3;
	v2 =	vadd.f32 $5.000000000e-01, v2;
	v1 =	vand.u32 $0xFF, v1;
	_ =	sdelay $0x1  }
0x328: {  	v3 =	vadd.f32 $5.000000000e-01, v3;
	v2 =	vmul.f32 $2.550000000e+02, v2;
	_ =	sdelay $0x1  }
0x329: {  	s25 =	simm.s32 $0x100;
	s21 =	simm.s32 $0x800;
	v2 =	vadd.f32 $8.388608000e+06, v2;
	[tilespmem:s6+$0xC300] =	vst v0;
	v0 =	vmul.f32 $2.550000000e+02, v3;
	v3 =	vmul.f32 $5.000000000e-01, v4;
	v4 =	vld [tilespmem:s6+$0x4340]  }
0x32a: {  	s17 =	simm.s32 $0x40;
	s12 =	sand.u32 $0x3000, s25;
	s14 =	sand.u32 $0xC00, s21;
	v5 =	vmul.f32 $5.000000000e-01, v5;
	v1 =	vld.idx.msk [tilespmem:v1+s28+$0x0], $0xffff  }
0x32b: {  	s12 =	sor.u32 s14, s12;
	s24 =	sand.u32 $0x380, s17;
	v6 =	vld [tilespmem:s8+$0x4320];
	v2 =	vand.u32 $0xFF, v2;
	v0 =	vadd.f32 $8.388608000e+06, v0;
	v3 =	vadd.f32 $5.000000000e-01, v3  }
0x32c: {  	s24 =	sor.u32 s24, s12  }
0x32d: {  	v7 =	vld [tilespmem:s24+$0x4300];
	v5 =	vadd.f32 $5.000000000e-01, v5;
	v0 =	vand.u32 $0xFF, v0;
	v3 =	vmul.f32 $2.550000000e+02, v3;
	_ =	sdelay $0x1  }
0x32e: {  	[tilespmem:s6+$0xC310] =	vst v1;
	v1 =	vadd.f32 $8.388608000e+06, v3;
	v3 =	vmul.f32 $5.000000000e-01, v4;
	v4 =	vmul.f32 $2.550000000e+02, v5;
	v5 =	vld [tilespmem:s6+$0x4350]  }
0x32f: {  	v6 =	vmul.f32 $5.000000000e-01, v6;
	v2 =	vld.idx.msk [tilespmem:v2+s28+$0x0], $0xffff  }
0x330: {  	v8 =	vld [tilespmem:s8+$0x4330];
	v1 =	vand.u32 $0xFF, v1;
	v3 =	vadd.f32 $5.000000000e-01, v3;
	v4 =	vadd.f32 $8.388608000e+06, v4  }
0x331: {  	v7 =	vmul.f32 $5.000000000e-01, v7;
	v0 =	vld.idx.msk [tilespmem:v0+s28+$0x0], $0xffff  }
0x332: {  	v9 =	vld [tilespmem:s24+$0x4310];
	v6 =	vadd.f32 $5.000000000e-01, v6;
	v3 =	vmul.f32 $2.550000000e+02, v3;
	v4 =	vand.u32 $0xFF, v4  }
0x333: {  	v7 =	vadd.f32 $5.000000000e-01, v7;
	v5 =	vmul.f32 $5.000000000e-01, v5  }
0x334: {  	[tilespmem:s6+$0xC320] =	vst v2;
	v2 =	vadd.f32 $8.388608000e+06, v3;
	v3 =	vmul.f32 $2.550000000e+02, v6  }
0x335: {  	v7 =	vmul.f32 $2.550000000e+02, v7;
	v1 =	vld.idx.msk [tilespmem:v1+s28+$0x0], $0xffff;
	v5 =	vadd.f32 $5.000000000e-01, v5  }
0x336: {  	s25 =	simm.s32 $0x180;
	s17 =	simm.s32 $0xC00;
	v2 =	vand.u32 $0xFF, v2;
	[tilespmem:s8+$0xC300] =	vst v0;
	v0 =	vadd.f32 $8.388608000e+06, v3;
	v3 =	vmul.f32 $5.000000000e-01, v8;
	v8 =	vld [tilespmem:s6+$0x4360]  }
0x337: {  	s21 =	simm.s32 $0x60;
	s14 =	sand.u32 $0xC00, s17;
	s12 =	sand.u32 $0x3000, s25;
	v9 =	vmul.f32 $5.000000000e-01, v9;
	v7 =	vadd.f32 $8.388608000e+06, v7;
	v4 =	vld.idx.msk [tilespmem:v4+s28+$0x0], $0xffff  }
0x338: {  	v10 =	vld [tilespmem:s8+$0x4340];
	s25 =	sand.u32 $0x380, s21;
	s12 =	sor.u32 s14, s12;
	v5 =	vmul.f32 $2.550000000e+02, v5;
	v0 =	vand.u32 $0xFF, v0;
	v3 =	vadd.f32 $5.000000000e-01, v3  }
0x339: {  	v11 =	vld [tilespmem:s24+$0x4320];
	s25 =	sor.u32 s25, s12;
	v7 =	vand.u32 $0xFF, v7  }
0x33a: {  	v5 =	vadd.f32 $8.388608000e+06, v5;
	[tilespmem:s6+$0xC330] =	vst v1;
	v1 =	vadd.f32 $5.000000000e-01, v9;
	v3 =	vmul.f32 $2.550000000e+02, v3;
	v9 =	vld [tilespmem:s25+$0x4300]  }
0x33b: {  	v2 =	vld.idx.msk [tilespmem:v2+s28+$0x0], $0xffff;
	v8 =	vmul.f32 $5.000000000e-01, v8  }
0x33c: {  	v6 =	vld [tilespmem:s6+$0x4370];
	[tilespmem:s8+$0xC310] =	vst v4;
	v1 =	vmul.f32 $2.550000000e+02, v1;
	v3 =	vadd.f32 $8.388608000e+06, v3;
	v4 =	vand.u32 $0xFF, v5  }
0x33d: {  	v5 =	vmul.f32 $5.000000000e-01, v10;
	v0 =	vld.idx.msk [tilespmem:v0+s28+$0x0], $0xffff;
	v8 =	vadd.f32 $5.000000000e-01, v8  }
0x33e: {  	v7 =	vld.idx.msk [tilespmem:v7+s28+$0x0], $0xffff;
	v1 =	vadd.f32 $8.388608000e+06, v1;
	v3 =	vand.u32 $0xFF, v3  }
0x33f: {  	v11 =	vmul.f32 $5.000000000e-01, v11;
	v10 =	vld [tilespmem:s8+$0x4350];
	v5 =	vadd.f32 $5.000000000e-01, v5;
	v8 =	vmul.f32 $2.550000000e+02, v8  }
0x340: {  	v12 =	vld [tilespmem:s24+$0x4330];
	v9 =	vmul.f32 $5.000000000e-01, v9;
	v1 =	vand.u32 $0xFF, v1;
	[tilespmem:s6+$0xC340] =	vst v2  }
0x341: {  	v2 =	vadd.f32 $5.000000000e-01, v11;
	v5 =	vmul.f32 $2.550000000e+02, v5;
	v13 =	vld.idx.msk [tilespmem:v4+s28+$0x0], $0xffff;
	v4 =	vadd.f32 $8.388608000e+06, v8  }
0x342: {  	v11 =	vld [tilespmem:s25+$0x4310];
	v8 =	vadd.f32 $5.000000000e-01, v9;
	v9 =	vmul.f32 $5.000000000e-01, v6;
	[tilespmem:s8+$0xC320] =	vst v0  }
0x343: {  	v2 =	vmul.f32 $2.550000000e+02, v2;
	v6 =	vld.idx.msk [tilespmem:v3+s28+$0x0], $0xffff;
	v3 =	vadd.f32 $8.388608000e+06, v5;
	v14 =	vand.u32 $0xFF, v4  }
0x344: {  	[tilespmem:s24+$0xC300] =	vst v7;
	v0 =	vld [tilespmem:s8+$0x4370];
	v5 =	vmul.f32 $5.000000000e-01, v10;
	v7 =	vadd.f32 $5.000000000e-01, v9  }
0x345: {  	v8 =	vmul.f32 $2.550000000e+02, v8;
	v4 =	vld.idx.msk [tilespmem:v1+s28+$0x0], $0xffff;
	v1 =	vadd.f32 $8.388608000e+06, v2;
	v9 =	vand.u32 $0xFF, v3  }
0x346: {  	v2 =	vmul.f32 $5.000000000e-01, v12;
	v5 =	vadd.f32 $5.000000000e-01, v5;
	v3 =	vld [tilespmem:s8+$0x4360];
	v15 =	vmul.f32 $2.550000000e+02, v7  }
0x347: {  	s31 =	simm.s32 $0x5;
	s21 =	simm.s32 $0x200;
	s14 =	simm.s32 $0x1000;
	v12 =	vadd.f32 $8.388608000e+06, v8;
	v11 =	vmul.f32 $5.000000000e-01, v11;
	v7 =	vld [tilespmem:s24+$0x4340];
	[tilespmem:s6+$0xC350] =	vst v13;
	v8 =	vand.u32 $0xFF, v1  }
0x348: {  	s21 =	sand.u32 $0x3000, s21;
	s12 =	simm.s32 $0x80;
	s17 =	sand.u32 $0xC00, s14;
	v10 =	vadd.f32 $5.000000000e-01, v2;
	v5 =	vmul.f32 $2.550000000e+02, v5;
	v2 =	vadd.f32 $8.388608000e+06, v15;
	v1 =	vld.idx.msk [tilespmem:v14+s28+$0x0], $0xffff  }
.LBB2_31:
0x349: {  	p0 =	sne.s32 s31, $0x7F;
	s17 =	sor.u32 s17, s21;
	s12 =	sand.u32 $0x380, s12;
	v12 =	vand.u32 $0xFF, v12;
	v11 =	vadd.f32 $5.000000000e-01, v11;
	v13 =	vld [tilespmem:s25+$0x4320];
	[tilespmem:s8+$0xC330] =	vst v6  }
0x34a: {  	s12 =	sor.u32 s12, s17;
	v6 =	vmul.f32 $2.550000000e+02, v10;
	v9 =	vld.idx.msk [tilespmem:v9+s28+$0x0], $0xffff;
	v5 =	vadd.f32 $8.388608000e+06, v5;
	v2 =	vand.u32 $0xFF, v2  }
0x34b: {  	v10 =	vld [tilespmem:s12+$0x4300];
	[tilespmem:s24+$0xC310] =	vst v4;
	v3 =	vmul.f32 $5.000000000e-01, v3  }
0x34c: {  	v4 =	vmul.f32 $2.550000000e+02, v11;
	v8 =	vld.idx.msk [tilespmem:v8+s28+$0x0], $0xffff;
	v6 =	vadd.f32 $8.388608000e+06, v6;
	v5 =	vand.u32 $0xFF, v5  }
0x34d: {  	v7 =	vmul.f32 $5.000000000e-01, v7;
	v11 =	vld [tilespmem:s24+$0x4350];
	v3 =	vadd.f32 $5.000000000e-01, v3  }
0x34e: {  	v4 =	vadd.f32 $8.388608000e+06, v4;
	v12 =	vld.idx.msk [tilespmem:v12+s28+$0x0], $0xffff;
	v6 =	vand.u32 $0xFF, v6;
	[tilespmem:s6+$0xC360] =	vst v1  }
0x34f: {  	v1 =	vmul.f32 $5.000000000e-01, v13;
	v7 =	vadd.f32 $5.000000000e-01, v7;
	v3 =	vmul.f32 $2.550000000e+02, v3;
	v2 =	vld.idx.msk [tilespmem:v2+s28+$0x0], $0xffff  }
0x350: {  	v4 =	vand.u32 $0xFF, v4;
	v10 =	vmul.f32 $5.000000000e-01, v10;
	v13 =	vld [tilespmem:s25+$0x4330];
	[tilespmem:s8+$0xC340] =	vst v9  }
0x351: {  	v1 =	vadd.f32 $5.000000000e-01, v1;
	v7 =	vmul.f32 $2.550000000e+02, v7;
	v5 =	vld.idx.msk [tilespmem:v5+s28+$0x0], $0xffff;
	v3 =	vadd.f32 $8.388608000e+06, v3  }
0x352: {  	v9 =	vadd.f32 $5.000000000e-01, v10;
	v10 =	vld [tilespmem:s12+$0x4310];
	[tilespmem:s24+$0xC320] =	vst v8;
	v8 =	vmul.f32 $5.000000000e-01, v0  }
0x353: {  	v1 =	vmul.f32 $2.550000000e+02, v1;
	v7 =	vadd.f32 $8.388608000e+06, v7;
	v6 =	vld.idx.msk [tilespmem:v6+s28+$0x0], $0xffff;
	v14 =	vand.u32 $0xFF, v3  }
.Ltmp20:
0x354: {  	v3 =	vmul.f32 $5.000000000e-01, v11;
	[tilespmem:s25+$0xC300] =	vst v12;
	v0 =	vld [tilespmem:s24+$0x4370];
	v8 =	vadd.f32 $5.000000000e-01, v8;
	(pc) =	sbr.rel @p0 .LBB2_31-.Ltmp20, $4  }
0x355: {  	v11 =	vmul.f32 $2.550000000e+02, v9;
	v1 =	vadd.f32 $8.388608000e+06, v1;
	v9 =	vand.u32 $0xFF, v7;
	v4 =	vld.idx.msk [tilespmem:v4+s28+$0x0], $0xffff;
	[tilespmem:s6+$0xC370] =	vst v2;
	s6 =	smov.u32 s8;
	s8 =	smov.u32 s24;
	s24 =	smov.u32 s25  }
0x356: {  	v2 =	vmul.f32 $5.000000000e-01, v13;
	v13 =	vadd.f32 $5.000000000e-01, v3;
	s25 =	smov.u32 s12;
	v3 =	vld [tilespmem:s8+$0x4360];
	v15 =	vmul.f32 $2.550000000e+02, v8  }
0x357: {  	s21 =	sshll.u32 s31, $0x7;
	s14 =	sadd.s32 $0x400, s14;
	s12 =	sshll.u32 s31, $0x5;
	v12 =	vadd.f32 $8.388608000e+06, v11;
	v8 =	vand.u32 $0xFF, v1;
	v11 =	vmul.f32 $5.000000000e-01, v10;
	v7 =	vld [tilespmem:s24+$0x4340];
	[tilespmem:s6+$0xC350] =	vst v5  }
0x358: {  	s17 =	sand.u32 $0xC00, s14;
	s21 =	sand.u32 $0x3000, s21;
	s31 =	sadd.s32 $0x1, s31;
	v10 =	vadd.f32 $5.000000000e-01, v2;
	v5 =	vmul.f32 $2.550000000e+02, v13;
	v1 =	vld.idx.msk [tilespmem:v14+s28+$0x0], $0xffff;
	v2 =	vadd.f32 $8.388608000e+06, v15  }
0x359: {  	s14 =	sor.u32 s17, s21;
	s12 =	sand.u32 $0x380, s12  }
0x35a: {  	s14 =	sor.u32 s12, s14  }
0x35b: {  	v13 =	vld [tilespmem:s14+$0x4300];
	_ =	sdelay $0x4  }
0x35c: {  	v13 =	vmul.f32 $5.000000000e-01, v13  }
0x35d: {  	v14 =	vld [tilespmem:s14+$0x4310]  }
0x35e: {  	v13 =	vadd.f32 $5.000000000e-01, v13;
	_ =	sdelay $0x1  }
0x35f: {  	v13 =	vmul.f32 $2.550000000e+02, v13;
	_ =	sdelay $0x1  }
0x360: {  	v15 =	vld [tilespmem:s25+$0x4320];
	v14 =	vmul.f32 $5.000000000e-01, v14;
	v13 =	vadd.f32 $8.388608000e+06, v13  }
0x361: {  	v12 =	vand.u32 $0xFF, v12;
	v11 =	vadd.f32 $5.000000000e-01, v11;
	v16 =	vld [tilespmem:s14+$0x4320]  }
0x362: {  	v14 =	vadd.f32 $5.000000000e-01, v14;
	v13 =	vand.u32 $0xFF, v13  }
0x363: {  	v11 =	vmul.f32 $2.550000000e+02, v11  }
0x364: {  	v17 =	vld [tilespmem:s25+$0x4330];
	v14 =	vmul.f32 $2.550000000e+02, v14  }
0x365: {  	v18 =	vld [tilespmem:s14+$0x4330];
	v11 =	vadd.f32 $8.388608000e+06, v11;
	v15 =	vmul.f32 $5.000000000e-01, v15  }
0x366: {  	v12 =	vld.idx.msk [tilespmem:v12+s28+$0x0], $0xffff;
	v16 =	vmul.f32 $5.000000000e-01, v16;
	v14 =	vadd.f32 $8.388608000e+06, v14  }
0x367: {  	v11 =	vand.u32 $0xFF, v11;
	v15 =	vadd.f32 $5.000000000e-01, v15;
	v13 =	vld.idx.msk [tilespmem:v13+s28+$0x0], $0xffff  }
0x368: {  	v16 =	vadd.f32 $5.000000000e-01, v16;
	v14 =	vand.u32 $0xFF, v14  }
0x369: {  	v21 =	vld [tilespmem:s25+$0x4340];
	v15 =	vmul.f32 $2.550000000e+02, v15  }
0x36a: {  	v27 =	vld [tilespmem:s24+$0x4350];
	v20 =	vmul.f32 $2.550000000e+02, v16  }
0x36b: {  	v26 =	vld [tilespmem:s14+$0x4340];
	v63 =	vmul.f32 $5.000000000e-01, v17;
	[tilespmem:s25+$0xC300] =	vst v12;
	v62 =	vadd.f32 $8.388608000e+06, v15  }
0x36c: {  	v23 =	vmul.f32 $5.000000000e-01, v18;
	v11 =	vld.idx.msk [tilespmem:v11+s28+$0x0], $0xffff;
	v22 =	vadd.f32 $8.388608000e+06, v20;
	[tilespmem:s14+$0xC300] =	vst v13  }
0x36d: {  	[tilespmem:s8+$0xC330] =	vst v6;
	v10 =	vmul.f32 $2.550000000e+02, v10;
	v12 =	vadd.f32 $5.000000000e-01, v63;
	v6 =	vand.u32 $0xFF, v62;
	v14 =	vld.idx.msk [tilespmem:v14+s28+$0x0], $0xffff  }
0x36e: {  	v30 =	vld [tilespmem:s25+$0x4350];
	v15 =	vadd.f32 $5.000000000e-01, v23;
	v25 =	vand.u32 $0xFF, v22  }
0x36f: {  	v34 =	vld [tilespmem:s24+$0x4360];
	[tilespmem:s24+$0xC310] =	vst v4;
	v10 =	vadd.f32 $8.388608000e+06, v10;
	v24 =	vmul.f32 $2.550000000e+02, v12  }
0x370: {  	v8 =	vld.idx.msk [tilespmem:v8+s28+$0x0], $0xffff;
	v7 =	vmul.f32 $5.000000000e-01, v7;
	v28 =	vmul.f32 $2.550000000e+02, v15  }
0x371: {  	v32 =	vld [tilespmem:s14+$0x4350];
	v10 =	vand.u32 $0xFF, v10;
	v29 =	vmul.f32 $5.000000000e-01, v21;
	v4 =	vadd.f32 $8.388608000e+06, v24;
	[tilespmem:s25+$0xC310] =	vst v11  }
0x372: {  	v7 =	vadd.f32 $5.000000000e-01, v7;
	v11 =	vadd.f32 $8.388608000e+06, v28;
	v6 =	vld.idx.msk [tilespmem:v6+s28+$0x0], $0xffff;
	v13 =	vmul.f32 $5.000000000e-01, v26;
	[tilespmem:s14+$0xC310] =	vst v14  }
0x373: {  	v0 =	vmul.f32 $5.000000000e-01, v0;
	v31 =	vadd.f32 $5.000000000e-01, v29;
	v4 =	vand.u32 $0xFF, v4;
	v12 =	vld.idx.msk [tilespmem:v25+s28+$0x0], $0xffff  }
0x374: {  	v38 =	vld [tilespmem:s25+$0x4360];
	v7 =	vmul.f32 $2.550000000e+02, v7;
	v11 =	vand.u32 $0xFF, v11;
	v13 =	vadd.f32 $5.000000000e-01, v13  }
0x375: {  	v42 =	vld [tilespmem:s24+$0x4370];
	v5 =	vadd.f32 $8.388608000e+06, v5;
	v3 =	vmul.f32 $5.000000000e-01, v3;
	v14 =	vmul.f32 $2.550000000e+02, v31  }
0x376: {  	v41 =	vld [tilespmem:s14+$0x4360];
	v33 =	vmul.f32 $5.000000000e-01, v27;
	[tilespmem:s24+$0xC320] =	vst v8;
	v7 =	vadd.f32 $8.388608000e+06, v7;
	v13 =	vmul.f32 $2.550000000e+02, v13  }
0x377: {  	v37 =	vmul.f32 $5.000000000e-01, v30;
	v8 =	vmul.f32 $5.000000000e-01, v32;
	v10 =	vld.idx.msk [tilespmem:v10+s28+$0x0], $0xffff;
	[tilespmem:s25+$0xC320] =	vst v6;
	v35 =	vadd.f32 $8.388608000e+06, v14  }
0x378: {  	v36 =	vadd.f32 $5.000000000e-01, v33;
	v7 =	vand.u32 $0xFF, v7;
	v4 =	vld.idx.msk [tilespmem:v4+s28+$0x0], $0xffff;
	v39 =	vadd.f32 $8.388608000e+06, v13;
	[tilespmem:s14+$0xC320] =	vst v12  }
0x379: {  	v40 =	vadd.f32 $5.000000000e-01, v37;
	v8 =	vadd.f32 $5.000000000e-01, v8;
	v6 =	vand.u32 $0xFF, v35;
	v11 =	vld.idx.msk [tilespmem:v11+s28+$0x0], $0xffff  }
0x37a: {  	v44 =	vld [tilespmem:s25+$0x4370];
	v0 =	vadd.f32 $5.000000000e-01, v0;
	v14 =	vmul.f32 $2.550000000e+02, v36;
	v12 =	vand.u32 $0xFF, v39  }
0x37b: {  	v9 =	vld.idx.msk [tilespmem:v9+s28+$0x0], $0xffff;
	v5 =	vand.u32 $0xFF, v5;
	v8 =	vmul.f32 $2.550000000e+02, v8;
	v13 =	vmul.f32 $2.550000000e+02, v40  }
0x37c: {  	v48 =	vld [tilespmem:s14+$0x4370];
	v3 =	vadd.f32 $5.000000000e-01, v3;
	v43 =	vmul.f32 $5.000000000e-01, v34;
	[tilespmem:s24+$0xC330] =	vst v10;
	v46 =	vadd.f32 $8.388608000e+06, v14  }
0x37d: {  	v47 =	vmul.f32 $5.000000000e-01, v38;
	v8 =	vadd.f32 $8.388608000e+06, v8;
	v45 =	vld.idx.msk [tilespmem:v7+s28+$0x0], $0xffff;
	[tilespmem:s25+$0xC330] =	vst v4;
	v13 =	vadd.f32 $8.388608000e+06, v13  }
0x37e: {  	v15 =	vmul.f32 $5.000000000e-01, v41;
	v10 =	vadd.f32 $5.000000000e-01, v43;
	v7 =	vand.u32 $0xFF, v46;
	v6 =	vld.idx.msk [tilespmem:v6+s28+$0x0], $0xffff;
	[tilespmem:s14+$0xC330] =	vst v11  }
0x37f: {  	v3 =	vmul.f32 $2.550000000e+02, v3;
	v13 =	vand.u32 $0xFF, v13;
	v14 =	vadd.f32 $5.000000000e-01, v47;
	v12 =	vld.idx.msk [tilespmem:v12+s28+$0x0], $0xffff  }
0x380: {  	v8 =	vand.u32 $0xFF, v8;
	v15 =	vadd.f32 $5.000000000e-01, v15;
	v10 =	vmul.f32 $2.550000000e+02, v10  }
0x381: {  	v52 =	vmul.f32 $5.000000000e-01, v42;
	[tilespmem:s8+$0xC340] =	vst v9;
	v3 =	vadd.f32 $8.388608000e+06, v3;
	v50 =	vmul.f32 $2.550000000e+02, v14  }
0x382: {  	v57 =	vmul.f32 $5.000000000e-01, v44;
	v51 =	vld.idx.msk [tilespmem:v5+s28+$0x0], $0xffff;
	v53 =	vmul.f32 $2.550000000e+02, v15;
	v49 =	vadd.f32 $8.388608000e+06, v10;
	[tilespmem:s24+$0xC340] =	vst v45  }
0x383: {  	v5 =	vadd.f32 $5.000000000e-01, v52;
	v3 =	vand.u32 $0xFF, v3;
	v56 =	vadd.f32 $8.388608000e+06, v50;
	v54 =	vld.idx.msk [tilespmem:v7+s28+$0x0], $0xffff;
	[tilespmem:s25+$0xC340] =	vst v6  }
0x384: {  	v59 =	vadd.f32 $8.388608000e+06, v53;
	v55 =	vand.u32 $0xFF, v49;
	v11 =	vmul.f32 $5.000000000e-01, v48;
	v58 =	vld.idx.msk [tilespmem:v13+s28+$0x0], $0xffff;
	[tilespmem:s14+$0xC340] =	vst v12  }
0x385: {  	v0 =	vmul.f32 $2.550000000e+02, v0;
	v10 =	vadd.f32 $5.000000000e-01, v57;
	v9 =	vand.u32 $0xFF, v56;
	v8 =	vld.idx.msk [tilespmem:v8+s28+$0x0], $0xffff  }
0x386: {  	v5 =	vmul.f32 $2.550000000e+02, v5;
	v11 =	vadd.f32 $5.000000000e-01, v11;
	v13 =	vand.u32 $0xFF, v59  }
0x387: {  	v0 =	vadd.f32 $8.388608000e+06, v0;
	[tilespmem:s8+$0xC350] =	vst v51;
	v60 =	vmul.f32 $2.550000000e+02, v10  }
0x388: {  	v2 =	vand.u32 $0xFF, v2;
	v5 =	vadd.f32 $8.388608000e+06, v5;
	v3 =	vld.idx.msk [tilespmem:v3+s28+$0x0], $0xffff;
	[tilespmem:s24+$0xC350] =	vst v54;
	v61 =	vmul.f32 $2.550000000e+02, v11  }
0x389: {  	v0 =	vand.u32 $0xFF, v0;
	v4 =	vadd.f32 $8.388608000e+06, v60;
	v7 =	vld.idx.msk [tilespmem:v55+s28+$0x0], $0xffff;
	[tilespmem:s25+$0xC350] =	vst v58  }
0x38a: {  	v5 =	vand.u32 $0xFF, v5;
	v6 =	vadd.f32 $8.388608000e+06, v61;
	v9 =	vld.idx.msk [tilespmem:v9+s28+$0x0], $0xffff;
	[tilespmem:s14+$0xC350] =	vst v8  }
0x38b: {  	v4 =	vand.u32 $0xFF, v4;
	v8 =	vld.idx.msk [tilespmem:v13+s28+$0x0], $0xffff  }
0x38c: {  	[tilespmem:s6+$0xC360] =	vst v1;
	v62 =	vand.u32 $0xFF, v6  }
0x38d: {  	v2 =	vld.idx.msk [tilespmem:v2+s28+$0x0], $0xffff;
	[tilespmem:s8+$0xC360] =	vst v3  }
0x38e: {  	v0 =	vld.idx.msk [tilespmem:v0+s28+$0x0], $0xffff;
	[tilespmem:s24+$0xC360] =	vst v7  }
0x38f: {  	v63 =	vld.idx.msk [tilespmem:v5+s28+$0x0], $0xffff;
	[tilespmem:s25+$0xC360] =	vst v9  }
0x390: {  	v4 =	vld.idx.msk [tilespmem:v4+s28+$0x0], $0xffff;
	[tilespmem:s14+$0xC360] =	vst v8  }
0x391: {  	v1 =	vld.idx.msk [tilespmem:v62+s28+$0x0], $0xffff  }
0x392: {  	p0 =	seq.s32 s19, $0x7;
	[tilespmem:s6+$0xC370] =	vst v2  }
.Ltmp21:
0x393: {  	[tilespmem:s8+$0xC370] =	vst v0;
	(pc) =	sbr.rel @p0 .LBB2_34-.Ltmp21, $4  }
0x394: {  	s31 =	sadd.s32 $0x4000, s23;
	[tilespmem:s24+$0xC370] =	vst v63  }
0x395: {  	s6 =	sshrl.u32 s31, $0x3;
	[tilespmem:s25+$0xC370] =	vst v4  }
0x396: {  	s6 =	sadd.s32 s3, s6;
	[tilespmem:s14+$0xC370] =	vst v1  }
0x397: {  	[hbm4b:s6+s4] =	stream.linear.scatter [tilespmem:s10], [sflag:$0x4], $0x4000, $0x38;
	[tilespmem:$0x10300] =	vst v63  }
.Ltmp22:
0x398: {  	(pc) =	sbr.rel .LBB2_24-.Ltmp22, $4  }
0x399: {  	s6 =	sadd.s32 s20, s22  }
0x39a: {  	s6 =	sshrl.u32 s6, $0x3  }
0x39b: {  	s19 =	sadd.s32 $0x1, s19;
	s6 =	sadd.s32 s1, s6  }
0x39c: {  	[tilespmem:s30], [sflag:$0x2] =	stream.linear.gather [hbm4b:s6+s4], $0x4000, $0x38;
	[tilespmem:$0x10300] =	vst v63  }
.LBB2_35:
0x39d: {  	_ =	sfence.sel $0x180000  }
0x39e: {  	[bflag:$0x0] =	sbarrier.arrive $0xFFFF  }
0x39f: {  	_ =	strace $0x90000047  }
0x3a0: {  	s0 =	stileid.u32;
	[bflag:$0x2] =	sbarrier.arrive $0xFFFF  }
0x3a1: {  	p0 =	sne.s32 s0, $0x0;
	s0 =	rddreg [dreg:$0x3]  }
0x3a2: {  	s0 =	sadd.s32 @!p0 $0x100000, s0  }
0x3a3: {  	[sflag:s0] =	ssyncadd.tile.s32 @!p0 $0x1;
	_ =	shalt  }
.Lfunc_end2:
_tile_overlayer_lowered:
.L_overlay_start_2:
0x3a4: {  	(tag) =	ssettag $0x2  }
0x3a5: {  	s0 =	rddreg [dreg:$0x0];
	s2 =	stileid.u32  }
0x3a6: {  	s1 =	rddreg [dreg:$0x1];
	p0 =	sne.s32 s2, $0x0  }
0x3a7: {  	s3 =	rddreg [dreg:$0x2];
	[bflag:$0x3] =	sbarrier.arrive $0xFFFF;
	s2 =	simm.s32 @!p0 $0x1C05  }
0x3a8: {  	[timem:s3], [sflag:s2] =	dma.local @!p0 [hbm:s0], s1  }
0x3a9: {  	s0 =	simm.s32 @!p0 $0x5  }
0x3aa: {  	_ =	swait.ge @!p0 [sflag:s0], s1  }
0x3ab: {  	s1 =	ssub.s32 @!p0 $0x0, s1;
	[sflag:s0] =	ssyncset.done @!p0 $0x0  }
0x3ac: {  	[sflag:s0] =	ssyncadd.s32 @!p0 s1  }
0x3ad: {  	[bflag:$0x3] =	sbarrier.arrive $0xFFFF  }
0x3ae: {  	_ =	shalt  }

</sc_bundles>
